<compile_context>
chip_gen: v7x
topology: tpu7x:2x2x1
jax: 0.10.2.dev20260603
libtpu: 0.0.44.dev20260713+nightly
codegen_flags: <defaults>
</compile_context>

<pallas_src>
import functools

import jax
import jax.numpy as jnp
from jax import lax
from jax.experimental import pallas as pl
from jax.experimental.pallas import tpu as pltpu
from jax.experimental.pallas import tpu_sc as plsc

N_NODES = 10000
N_EDGES = 320000
D = 128

NC = 2
NS = 16
NW = NC * NS
SLABS = 1
E_SLAB = N_EDGES // SLABS
CHUNK = 40
N_PAD = 10240
ROWS_PER_TILE = N_PAD // NS
ZCHUNK = 64

BE = 16000
BN = 5000


def _mm_bias_body(a_ref, w_ref, b_ref, o_ref):
    o_ref[...] = (
        jnp.dot(a_ref[...].astype(jnp.bfloat16), w_ref[...],
                preferred_element_type=jnp.float32)
        + b_ref[...]
    )


def _edge_proj(edge_attr, lin_Wt, lin_b):
    e = edge_attr.shape[0]
    return pl.pallas_call(
        _mm_bias_body,
        grid=(e // BE,),
        in_specs=[
            pl.BlockSpec((BE, D), lambda i: (i, 0)),
            pl.BlockSpec((D, D), lambda i: (0, 0)),
            pl.BlockSpec((1, D), lambda i: (0, 0)),
        ],
        out_specs=pl.BlockSpec((BE, D), lambda i: (i, 0)),
        out_shape=jax.ShapeDtypeStruct((e, D), jnp.float32),
    )(edge_attr, lin_Wt.astype(jnp.bfloat16), lin_b.reshape(1, D))


def _combine(x, parts, nn_Wt, nn_b):
    n = len(parts)

    def body(*refs):
        x_ref, prefs, (w_ref, b_ref, o_ref) = (
            refs[0], refs[1:1 + 2 * n], refs[1 + 2 * n:])
        h = x_ref[...]
        for p_ref in prefs:
            h = h + p_ref[0]
        o_ref[...] = (
            jnp.dot(h, w_ref[...], preferred_element_type=jnp.float32)
            + b_ref[...]
        )

    node_spec = pl.BlockSpec((BN, D), lambda i: (i, 0))
    part_specs = []
    for _ in range(n):
        part_specs.append(pl.BlockSpec((1, BN, D), lambda i: (0, i, 0)))
        part_specs.append(pl.BlockSpec((1, BN, D), lambda i: (1, i, 0)))
    part_args = []
    for p in parts:
        part_args.extend([p, p])
    return pl.pallas_call(
        body,
        grid=(N_NODES // BN,),
        in_specs=[node_spec] + part_specs + [
            pl.BlockSpec((D, D), lambda i: (0, 0)),
            pl.BlockSpec((1, D), lambda i: (0, 0)),
        ],
        out_specs=node_spec,
        out_shape=jax.ShapeDtypeStruct((N_NODES, D), jnp.float32),
    )(x, *part_args, nn_Wt, nn_b.reshape(1, D))


def _run_if(cond):
    def deco(f):
        if cond:
            f()
    return deco


_sc_mesh = plsc.VectorSubcoreMesh(core_axis_name="c", subcore_axis_name="s")


def _make_sc_aggregate(e_per_w):
    n_chunks = e_per_w // CHUNK

    @functools.partial(
        pl.kernel,
        out_type=jax.ShapeDtypeStruct((NC * N_PAD, D), jnp.float32),
        mesh=_sc_mesh,
        scratch_types=[pltpu.VMEM((CHUNK,), jnp.int32)] * 8
        + [pltpu.VMEM((CHUNK, D), jnp.float32)] * 4
        + [
            pltpu.VMEM((ZCHUNK, D), jnp.float32),
            pltpu.VMEM_SHARED((N_PAD, D), jnp.float32),
        ] + [pltpu.SemaphoreType.DMA] * 13,
    )
    def _sc_aggregate(src_hbm, dst_hbm, x_hbm, eproj_hbm, out_hbm,
                      s0, s1, s2, s3, d0, d1, d2, d3,
                      er0, er1, er2, er3, zbuf_v, acc_sh,
                      *sems):
        cid = lax.axis_index("c")
        sid = lax.axis_index("s")
        wid = sid * NC + cid
        srcb = (s0, s1, s2, s3)
        dstb = (d0, d1, d2, d3)
        erb = (er0, er1, er2, er3)
        isems = sems[0:4]
        epsems = sems[4:8]
        gasems = sems[8:12]
        scsem = sems[12]

        zero = jnp.zeros((16,), jnp.float32)

        def zrow(r, carry):
            for g in range(D // 16):
                zbuf_v[r, pl.ds(g * 16, 16)] = zero
            return carry

        lax.fori_loop(0, ZCHUNK, zrow, 0)
        for z in range(ROWS_PER_TILE // ZCHUNK):
            ro = sid * ROWS_PER_TILE + z * ZCHUNK
            pltpu.sync_copy(zbuf_v, acc_sh.at[pl.ds(ro, ZCHUNK)])
        plsc.subcore_barrier()

        def ebase(c):
            return pl.multiple_of(wid * e_per_w + c * CHUNK, 8)

        def issue_idx(c, q):
            pltpu.async_copy(src_hbm.at[pl.ds(ebase(c), CHUNK)], srcb[q],
                             isems[q])
            pltpu.async_copy(dst_hbm.at[pl.ds(ebase(c), CHUNK)], dstb[q],
                             isems[q])

        def wait_idx(c, q):
            pltpu.make_async_copy(src_hbm.at[pl.ds(ebase(c), CHUNK)],
                                  srcb[q], isems[q]).wait()
            pltpu.make_async_copy(dst_hbm.at[pl.ds(ebase(c), CHUNK)],
                                  dstb[q], isems[q]).wait()

        def issue_eproj(c, q):
            pltpu.async_copy(eproj_hbm.at[pl.ds(ebase(c), CHUNK)], erb[q],
                             epsems[q])

        def issue_ga(c, q):
            pltpu.make_async_copy(eproj_hbm.at[pl.ds(ebase(c), CHUNK)],
                                  erb[q], epsems[q]).wait()
            wait_idx(c, q)
            pltpu.async_copy(x_hbm.at[srcb[q]], erb[q], gasems[q], add=True)

        def process(c, p, traced):
            def when(cond):
                if traced:
                    return pl.when(cond)
                return _run_if(bool(cond))

            @when(c + 2 < n_chunks)
            def _():
                issue_idx(c + 2, (p + 2) % 4)
                issue_eproj(c + 2, (p + 2) % 4)

            @when(c + 1 < n_chunks)
            def _():
                issue_ga(c + 1, (p + 1) % 4)

            pltpu.make_async_copy(x_hbm.at[srcb[p]], erb[p],
                                  gasems[p]).wait()
            er = erb[p]

            @plsc.parallel_loop(0, CHUNK, step=1, unroll=8)
            def row_body(r):
                for g in range(D // 16):
                    sl = pl.ds(g * 16, 16)
                    er[r, sl] = jnp.maximum(er[r, sl], 0.0)

            @when(c >= 1)
            def _():
                pq = (p + 3) % 4
                pltpu.make_async_copy(erb[pq], acc_sh.at[dstb[pq]],
                                      scsem).wait()

            pltpu.async_copy(er, acc_sh.at[dstb[p]], scsem, add=True)

        issue_idx(0, 0)
        issue_idx(1, 1)
        issue_eproj(0, 0)
        issue_eproj(1, 1)
        issue_ga(0, 0)

        def quad_body(k, carry):
            for b4 in range(4):
                process(4 * k + b4, b4, traced=True)
            return carry

        lax.fori_loop(0, n_chunks // 4, quad_body, 0)
        for c in range(4 * (n_chunks // 4), n_chunks):
            process(c, c % 4, traced=False)
        lastq = (n_chunks - 1) % 4
        pltpu.make_async_copy(erb[lastq], acc_sh.at[dstb[lastq]],
                              scsem).wait()
        plsc.subcore_barrier()

        for z in range(ROWS_PER_TILE // ZCHUNK):
            ro = sid * ROWS_PER_TILE + z * ZCHUNK
            pltpu.sync_copy(acc_sh.at[pl.ds(ro, ZCHUNK)], zbuf_v)
            pltpu.sync_copy(
                zbuf_v, out_hbm.at[pl.ds(cid * N_PAD + ro, ZCHUNK)])

    return _sc_aggregate


_sc_slab = _make_sc_aggregate(E_SLAB // NW)


def kernel(x, edge_index, edge_attr, lin_W, lin_b, nn_W, nn_b):
    src = edge_index[0].astype(jnp.int32)
    dst = edge_index[1].astype(jnp.int32)
    e_proj = _edge_proj(edge_attr, lin_W.T, lin_b)
    p = _sc_slab(src, dst, x, e_proj)
    return _combine(x, [p.reshape(NC, N_PAD, D)], nn_W.T, nn_b)

# --- scband reference (transcript-rebuilt; emitter-appended) ---
"""Pipeline reference for scband-edge-aggregator-24627342475644 (READ-ONLY COPY).

The authoritative reference and input builder live on the scoring server;
editing this copy changes nothing except your own understanding.
"""

import jax, jax.numpy as jnp
import numpy as np

N_NODES = 10000
N_EDGES = 320000
D = 128  # edge_dim == node feature dim (GINEConv infers in_channels from nn's first layer in_features)
NODE_DIM = 128
EPS = 0.0  # GINEConv default eps, train_eps=False


def setup_inputs(seed: int = 0) -> dict:
    key = jax.random.key(seed)
    k1, k2, k3, k4, k5, k6, k7 = jax.random.split(key, 7)
    x = jax.random.normal(k1, (N_NODES, D), dtype=jnp.float32)
    edge_index = jax.random.randint(k2, (2, N_EDGES), 0, N_NODES, dtype=jnp.int64)
    edge_attr = jax.random.normal(k3, (N_EDGES, D), dtype=jnp.float32)
    # GINEConv internal edge projection: Linear(edge_dim -> in_channels) = Linear(128 -> 128)
    lin_W = jax.random.normal(k4, (D, D), dtype=jnp.float32) * (1.0 / np.sqrt(D))
    lin_b = jax.random.normal(k5, (D,), dtype=jnp.float32) * 0.01
    # The user-provided nn: Linear(edge_dim -> node_dim) = Linear(128 -> 128)
    nn_W = jax.random.normal(k6, (NODE_DIM, D), dtype=jnp.float32) * (1.0 / np.sqrt(D))
    nn_b = jax.random.normal(k7, (NODE_DIM,), dtype=jnp.float32) * 0.01
    return {"x": x, "edge_index": edge_index, "edge_attr": edge_attr,
            "lin_W": lin_W, "lin_b": lin_b, "nn_W": nn_W, "nn_b": nn_b}


def reference(x, edge_index, edge_attr, lin_W, lin_b, nn_W, nn_b):
    # GINEConv (PyG): out = nn((1+eps)*x + sum_{j->i} ReLU(x_j + lin(e_ji)))
    src = edge_index[0]  # source nodes (x_j)
    dst = edge_index[1]  # destination nodes (aggregation targets)
    e_proj = edge_attr @ lin_W.T + lin_b                      # [E, D]
    msg = jax.nn.relu(x[src] + e_proj)                        # gather + elementwise
    agg = jax.ops.segment_sum(msg, dst, num_segments=N_NODES)  # scatter-add
    h = (1.0 + EPS) * x + agg
    out = h @ nn_W.T + nn_b
    return out

if __name__ == "__main__":
    import jax
    _d = setup_inputs()
    print(jax.jit(kernel)(*tuple(_d.values())))

</pallas_src>

<mosaic_0001>
#map = affine_map<(d0, d1) -> (0)>
#map1 = affine_map<(d0, d1) -> (0, 0)>
module attributes {stable_mosaic.version = 14 : i64} {
  func.func @_sc_aggregate(%arg0: i32, %arg1: i32, %arg2: memref<320000xi32, #tpu.memory_space<hbm>>, %arg3: memref<320000xi32, #tpu.memory_space<hbm>>, %arg4: memref<10000x128xf32, #tpu.memory_space<hbm>>, %arg5: memref<320000x128xf32, #tpu.memory_space<hbm>>, %arg6: memref<20480x128xf32, #tpu.memory_space<hbm>>, %arg7: memref<40xi32, #tpu.memory_space<vmem>>, %arg8: memref<40xi32, #tpu.memory_space<vmem>>, %arg9: memref<40xi32, #tpu.memory_space<vmem>>, %arg10: memref<40xi32, #tpu.memory_space<vmem>>, %arg11: memref<40xi32, #tpu.memory_space<vmem>>, %arg12: memref<40xi32, #tpu.memory_space<vmem>>, %arg13: memref<40xi32, #tpu.memory_space<vmem>>, %arg14: memref<40xi32, #tpu.memory_space<vmem>>, %arg15: memref<40x128xf32, #tpu.memory_space<vmem>>, %arg16: memref<40x128xf32, #tpu.memory_space<vmem>>, %arg17: memref<40x128xf32, #tpu.memory_space<vmem>>, %arg18: memref<40x128xf32, #tpu.memory_space<vmem>>, %arg19: memref<64x128xf32, #tpu.memory_space<vmem>>, %arg20: memref<10240x128xf32, #tpu.memory_space<vmem_shared>>, %arg21: memref<!tpu.dma_semaphore, #tpu.memory_space<semaphore_mem>>, %arg22: memref<!tpu.dma_semaphore, #tpu.memory_space<semaphore_mem>>, %arg23: memref<!tpu.dma_semaphore, #tpu.memory_space<semaphore_mem>>, %arg24: memref<!tpu.dma_semaphore, #tpu.memory_space<semaphore_mem>>, %arg25: memref<!tpu.dma_semaphore, #tpu.memory_space<semaphore_mem>>, %arg26: memref<!tpu.dma_semaphore, #tpu.memory_space<semaphore_mem>>, %arg27: memref<!tpu.dma_semaphore, #tpu.memory_space<semaphore_mem>>, %arg28: memref<!tpu.dma_semaphore, #tpu.memory_space<semaphore_mem>>, %arg29: memref<!tpu.dma_semaphore, #tpu.memory_space<semaphore_mem>>, %arg30: memref<!tpu.dma_semaphore, #tpu.memory_space<semaphore_mem>>, %arg31: memref<!tpu.dma_semaphore, #tpu.memory_space<semaphore_mem>>, %arg32: memref<!tpu.dma_semaphore, #tpu.memory_space<semaphore_mem>>, %arg33: memref<!tpu.dma_semaphore, #tpu.memory_space<semaphore_mem>>) attributes {dimension_semantics = [#tpu.dimension_semantics<core_parallel>, #tpu.dimension_semantics<subcore_parallel>], iteration_bounds = array<i64: 2, 16>, scalar_prefetch = 0 : i64, scratch_operands = 27 : i64, tpu.core_type = #tpu.core_type<sc_vector_subcore>, window_params = [{transform_indices = #map}, {transform_indices = #map}, {transform_indices = #map1}, {transform_indices = #map1}, {transform_indices = #map1}]} {
    %mul3A = arith.constant 2 : i32
    %mul3A_0 = arith.muli %arg1, %mul3A : i32
    %add3A = arith.addi %mul3A_0, %arg0 : i32
    %broadcast_in_dim3A = arith.constant 0.000000e+00 : f32
    %broadcast_in_dim3A_1 = vector.broadcast %broadcast_in_dim3A : f32 to vector<16xf32>
    %scan3A = arith.constant 0 : i32
    %scan3A_2 = arith.constant 0 : i32
    %scan3A_3 = arith.constant 64 : i32
    %scan3A_4 = arith.addi %scan3A_2, %scan3A_3 : i32
    %scan3A_5 = arith.constant 1 : i32
    scf.for %scan3A_245 = %scan3A_2 to %scan3A_4 step %scan3A_5  : i32 {
      %swap3A = arith.index_cast %scan3A_245 : i32 to index
      %swap3A_246 = arith.constant 0 : index
      %swap3A_247 = tpu.vector_load %arg19[%swap3A, %swap3A_246] {strides = array<i32>} : memref<64x128xf32, #tpu.memory_space<vmem>>, vector<1x16xf32>,
      %swap3A_248 = vector.shape_cast %swap3A_247 : vector<1x16xf32> to vector<16xf32>
      %swap3A_249 = vector.shape_cast %broadcast_in_dim3A_1 : vector<16xf32> to vector<1x16xf32>
      tpu.vector_store %arg19[%swap3A, %swap3A_246], %swap3A_249 {strides = array<i32>} : memref<64x128xf32, #tpu.memory_space<vmem>>, vector<1x16xf32>,
      %swap3A_250 = arith.index_cast %scan3A_245 : i32 to index
      %swap3A_251 = arith.constant 16 : index
      %swap3A_252 = tpu.vector_load %arg19[%swap3A_250, %swap3A_251] {strides = array<i32>} : memref<64x128xf32, #tpu.memory_space<vmem>>, vector<1x16xf32>,
      %swap3A_253 = vector.shape_cast %swap3A_252 : vector<1x16xf32> to vector<16xf32>
      %swap3A_254 = vector.shape_cast %broadcast_in_dim3A_1 : vector<16xf32> to vector<1x16xf32>
      tpu.vector_store %arg19[%swap3A_250, %swap3A_251], %swap3A_254 {strides = array<i32>} : memref<64x128xf32, #tpu.memory_space<vmem>>, vector<1x16xf32>,
      %swap3A_255 = arith.index_cast %scan3A_245 : i32 to index
      %swap3A_256 = arith.constant 32 : index
      %swap3A_257 = tpu.vector_load %arg19[%swap3A_255, %swap3A_256] {strides = array<i32>} : memref<64x128xf32, #tpu.memory_space<vmem>>, vector<1x16xf32>,
      %swap3A_258 = vector.shape_cast %swap3A_257 : vector<1x16xf32> to vector<16xf32>
      %swap3A_259 = vector.shape_cast %broadcast_in_dim3A_1 : vector<16xf32> to vector<1x16xf32>
      tpu.vector_store %arg19[%swap3A_255, %swap3A_256], %swap3A_259 {strides = array<i32>} : memref<64x128xf32, #tpu.memory_space<vmem>>, vector<1x16xf32>,
      %swap3A_260 = arith.index_cast %scan3A_245 : i32 to index
      %swap3A_261 = arith.constant 48 : index
      %swap3A_262 = tpu.vector_load %arg19[%swap3A_260, %swap3A_261] {strides = array<i32>} : memref<64x128xf32, #tpu.memory_space<vmem>>, vector<1x16xf32>,
      %swap3A_263 = vector.shape_cast %swap3A_262 : vector<1x16xf32> to vector<16xf32>
      %swap3A_264 = vector.shape_cast %broadcast_in_dim3A_1 : vector<16xf32> to vector<1x16xf32>
      tpu.vector_store %arg19[%swap3A_260, %swap3A_261], %swap3A_264 {strides = array<i32>} : memref<64x128xf32, #tpu.memory_space<vmem>>, vector<1x16xf32>,
      %swap3A_265 = arith.index_cast %scan3A_245 : i32 to index
      %swap3A_266 = arith.constant 64 : index
      %swap3A_267 = tpu.vector_load %arg19[%swap3A_265, %swap3A_266] {strides = array<i32>} : memref<64x128xf32, #tpu.memory_space<vmem>>, vector<1x16xf32>,
      %swap3A_268 = vector.shape_cast %swap3A_267 : vector<1x16xf32> to vector<16xf32>
      %swap3A_269 = vector.shape_cast %broadcast_in_dim3A_1 : vector<16xf32> to vector<1x16xf32>
      tpu.vector_store %arg19[%swap3A_265, %swap3A_266], %swap3A_269 {strides = array<i32>} : memref<64x128xf32, #tpu.memory_space<vmem>>, vector<1x16xf32>,
      %swap3A_270 = arith.index_cast %scan3A_245 : i32 to index
      %swap3A_271 = arith.constant 80 : index
      %swap3A_272 = tpu.vector_load %arg19[%swap3A_270, %swap3A_271] {strides = array<i32>} : memref<64x128xf32, #tpu.memory_space<vmem>>, vector<1x16xf32>,
      %swap3A_273 = vector.shape_cast %swap3A_272 : vector<1x16xf32> to vector<16xf32>
      %swap3A_274 = vector.shape_cast %broadcast_in_dim3A_1 : vector<16xf32> to vector<1x16xf32>
      tpu.vector_store %arg19[%swap3A_270, %swap3A_271], %swap3A_274 {strides = array<i32>} : memref<64x128xf32, #tpu.memory_space<vmem>>, vector<1x16xf32>,
      %swap3A_275 = arith.index_cast %scan3A_245 : i32 to index
      %swap3A_276 = arith.constant 96 : index
      %swap3A_277 = tpu.vector_load %arg19[%swap3A_275, %swap3A_276] {strides = array<i32>} : memref<64x128xf32, #tpu.memory_space<vmem>>, vector<1x16xf32>,
      %swap3A_278 = vector.shape_cast %swap3A_277 : vector<1x16xf32> to vector<16xf32>
      %swap3A_279 = vector.shape_cast %broadcast_in_dim3A_1 : vector<16xf32> to vector<1x16xf32>
      tpu.vector_store %arg19[%swap3A_275, %swap3A_276], %swap3A_279 {strides = array<i32>} : memref<64x128xf32, #tpu.memory_space<vmem>>, vector<1x16xf32>,
      %swap3A_280 = arith.index_cast %scan3A_245 : i32 to index
      %swap3A_281 = arith.constant 112 : index
      %swap3A_282 = tpu.vector_load %arg19[%swap3A_280, %swap3A_281] {strides = array<i32>} : memref<64x128xf32, #tpu.memory_space<vmem>>, vector<1x16xf32>,
      %swap3A_283 = vector.shape_cast %swap3A_282 : vector<1x16xf32> to vector<16xf32>
      %swap3A_284 = vector.shape_cast %broadcast_in_dim3A_1 : vector<16xf32> to vector<1x16xf32>
      tpu.vector_store %arg19[%swap3A_280, %swap3A_281], %swap3A_284 {strides = array<i32>} : memref<64x128xf32, #tpu.memory_space<vmem>>, vector<1x16xf32>,
    }
    %scan3A_6 = arith.constant 64 : i32
    %mul3A_7 = arith.constant 640 : i32
    %mul3A_8 = arith.muli %arg1, %mul3A_7 : i32
    %add3A_9 = arith.constant 0 : i32
    %add3A_10 = arith.addi %mul3A_8, %add3A_9 : i32
    "tpu.region"() ({
      %run_scoped3A = tpu.sem_alloc : memref<!tpu.dma_semaphore, #tpu.memory_space<semaphore_mem>>
      %dma_start3A_245 = arith.constant 0 : i32
      %dma_start3A_246 = tpu.memref_slice %arg20[%add3A_10, %dma_start3A_245] : memref<10240x128xf32, #tpu.memory_space<vmem_shared>> -> memref<64x128xf32, #tpu.memory_space<vmem_shared>>
      %dma_start3A_247 = arith.constant 0 : i32
      %dma_start3A_248 = tpu.memref_slice %arg20[%add3A_10, %dma_start3A_247] : memref<10240x128xf32, #tpu.memory_space<vmem_shared>> -> memref<64x128xf32, #tpu.memory_space<vmem_shared>>
      tpu.enqueue_dma source(%arg19 : memref<64x128xf32, #tpu.memory_space<vmem>>) target(%dma_start3A_248 : memref<64x128xf32, #tpu.memory_space<vmem_shared>>) target_semaphore(%run_scoped3A : memref<!tpu.dma_semaphore, #tpu.memory_space<semaphore_mem>>)
      %dma_wait3A_249 = arith.constant 0 : i32
      %dma_wait3A_250 = tpu.memref_slice %arg20[%add3A_10, %dma_wait3A_249] : memref<10240x128xf32, #tpu.memory_space<vmem_shared>> -> memref<64x128xf32, #tpu.memory_space<vmem_shared>>
      %dma_wait3A_251 = arith.constant 0 : i32
      %dma_wait3A_252 = tpu.memref_slice %arg20[%add3A_10, %dma_wait3A_251] : memref<10240x128xf32, #tpu.memory_space<vmem_shared>> -> memref<64x128xf32, #tpu.memory_space<vmem_shared>>
      tpu.wait_dma2 semaphore(%run_scoped3A : memref<!tpu.dma_semaphore, #tpu.memory_space<semaphore_mem>>) src(%arg19 : memref<64x128xf32, #tpu.memory_space<vmem>>) dst(%dma_wait3A_252 : memref<64x128xf32, #tpu.memory_space<vmem_shared>>)
      tpu.yield
    }) : () -> ()
    %mul3A_11 = arith.constant 640 : i32
    %mul3A_12 = arith.muli %arg1, %mul3A_11 : i32
    %add3A_13 = arith.constant 64 : i32
    %add3A_14 = arith.addi %mul3A_12, %add3A_13 : i32
    "tpu.region"() ({
      %run_scoped3A = tpu.sem_alloc : memref<!tpu.dma_semaphore, #tpu.memory_space<semaphore_mem>>
      %dma_start3A_245 = arith.constant 0 : i32
      %dma_start3A_246 = tpu.memref_slice %arg20[%add3A_14, %dma_start3A_245] : memref<10240x128xf32, #tpu.memory_space<vmem_shared>> -> memref<64x128xf32, #tpu.memory_space<vmem_shared>>
      %dma_start3A_247 = arith.constant 0 : i32
      %dma_start3A_248 = tpu.memref_slice %arg20[%add3A_14, %dma_start3A_247] : memref<10240x128xf32, #tpu.memory_space<vmem_shared>> -> memref<64x128xf32, #tpu.memory_space<vmem_shared>>
      tpu.enqueue_dma source(%arg19 : memref<64x128xf32, #tpu.memory_space<vmem>>) target(%dma_start3A_248 : memref<64x128xf32, #tpu.memory_space<vmem_shared>>) target_semaphore(%run_scoped3A : memref<!tpu.dma_semaphore, #tpu.memory_space<semaphore_mem>>)
      %dma_wait3A_249 = arith.constant 0 : i32
      %dma_wait3A_250 = tpu.memref_slice %arg20[%add3A_14, %dma_wait3A_249] : memref<10240x128xf32, #tpu.memory_space<vmem_shared>> -> memref<64x128xf32, #tpu.memory_space<vmem_shared>>
      %dma_wait3A_251 = arith.constant 0 : i32
      %dma_wait3A_252 = tpu.memref_slice %arg20[%add3A_14, %dma_wait3A_251] : memref<10240x128xf32, #tpu.memory_space<vmem_shared>> -> memref<64x128xf32, #tpu.memory_space<vmem_shared>>
      tpu.wait_dma2 semaphore(%run_scoped3A : memref<!tpu.dma_semaphore, #tpu.memory_space<semaphore_mem>>) src(%arg19 : memref<64x128xf32, #tpu.memory_space<vmem>>) dst(%dma_wait3A_252 : memref<64x128xf32, #tpu.memory_space<vmem_shared>>)
      tpu.yield
    }) : () -> ()
    %mul3A_15 = arith.constant 640 : i32
    %mul3A_16 = arith.muli %arg1, %mul3A_15 : i32
    %add3A_17 = arith.constant 128 : i32
    %add3A_18 = arith.addi %mul3A_16, %add3A_17 : i32
    "tpu.region"() ({
      %run_scoped3A = tpu.sem_alloc : memref<!tpu.dma_semaphore, #tpu.memory_space<semaphore_mem>>
      %dma_start3A_245 = arith.constant 0 : i32
      %dma_start3A_246 = tpu.memref_slice %arg20[%add3A_18, %dma_start3A_245] : memref<10240x128xf32, #tpu.memory_space<vmem_shared>> -> memref<64x128xf32, #tpu.memory_space<vmem_shared>>
      %dma_start3A_247 = arith.constant 0 : i32
      %dma_start3A_248 = tpu.memref_slice %arg20[%add3A_18, %dma_start3A_247] : memref<10240x128xf32, #tpu.memory_space<vmem_shared>> -> memref<64x128xf32, #tpu.memory_space<vmem_shared>>
      tpu.enqueue_dma source(%arg19 : memref<64x128xf32, #tpu.memory_space<vmem>>) target(%dma_start3A_248 : memref<64x128xf32, #tpu.memory_space<vmem_shared>>) target_semaphore(%run_scoped3A : memref<!tpu.dma_semaphore, #tpu.memory_space<semaphore_mem>>)
      %dma_wait3A_249 = arith.constant 0 : i32
      %dma_wait3A_250 = tpu.memref_slice %arg20[%add3A_18, %dma_wait3A_249] : memref<10240x128xf32, #tpu.memory_space<vmem_shared>> -> memref<64x128xf32, #tpu.memory_space<vmem_shared>>
      %dma_wait3A_251 = arith.constant 0 : i32
      %dma_wait3A_252 = tpu.memref_slice %arg20[%add3A_18, %dma_wait3A_251] : memref<10240x128xf32, #tpu.memory_space<vmem_shared>> -> memref<64x128xf32, #tpu.memory_space<vmem_shared>>
      tpu.wait_dma2 semaphore(%run_scoped3A : memref<!tpu.dma_semaphore, #tpu.memory_space<semaphore_mem>>) src(%arg19 : memref<64x128xf32, #tpu.memory_space<vmem>>) dst(%dma_wait3A_252 : memref<64x128xf32, #tpu.memory_space<vmem_shared>>)
      tpu.yield
    }) : () -> ()
    %mul3A_19 = arith.constant 640 : i32
    %mul3A_20 = arith.muli %arg1, %mul3A_19 : i32
    %add3A_21 = arith.constant 192 : i32
    %add3A_22 = arith.addi %mul3A_20, %add3A_21 : i32
    "tpu.region"() ({
      %run_scoped3A = tpu.sem_alloc : memref<!tpu.dma_semaphore, #tpu.memory_space<semaphore_mem>>
      %dma_start3A_245 = arith.constant 0 : i32
      %dma_start3A_246 = tpu.memref_slice %arg20[%add3A_22, %dma_start3A_245] : memref<10240x128xf32, #tpu.memory_space<vmem_shared>> -> memref<64x128xf32, #tpu.memory_space<vmem_shared>>
      %dma_start3A_247 = arith.constant 0 : i32
      %dma_start3A_248 = tpu.memref_slice %arg20[%add3A_22, %dma_start3A_247] : memref<10240x128xf32, #tpu.memory_space<vmem_shared>> -> memref<64x128xf32, #tpu.memory_space<vmem_shared>>
      tpu.enqueue_dma source(%arg19 : memref<64x128xf32, #tpu.memory_space<vmem>>) target(%dma_start3A_248 : memref<64x128xf32, #tpu.memory_space<vmem_shared>>) target_semaphore(%run_scoped3A : memref<!tpu.dma_semaphore, #tpu.memory_space<semaphore_mem>>)
      %dma_wait3A_249 = arith.constant 0 : i32
      %dma_wait3A_250 = tpu.memref_slice %arg20[%add3A_22, %dma_wait3A_249] : memref<10240x128xf32, #tpu.memory_space<vmem_shared>> -> memref<64x128xf32, #tpu.memory_space<vmem_shared>>
      %dma_wait3A_251 = arith.constant 0 : i32
      %dma_wait3A_252 = tpu.memref_slice %arg20[%add3A_22, %dma_wait3A_251] : memref<10240x128xf32, #tpu.memory_space<vmem_shared>> -> memref<64x128xf32, #tpu.memory_space<vmem_shared>>
      tpu.wait_dma2 semaphore(%run_scoped3A : memref<!tpu.dma_semaphore, #tpu.memory_space<semaphore_mem>>) src(%arg19 : memref<64x128xf32, #tpu.memory_space<vmem>>) dst(%dma_wait3A_252 : memref<64x128xf32, #tpu.memory_space<vmem_shared>>)
      tpu.yield
    }) : () -> ()
    %mul3A_23 = arith.constant 640 : i32
    %mul3A_24 = arith.muli %arg1, %mul3A_23 : i32
    %add3A_25 = arith.constant 256 : i32
    %add3A_26 = arith.addi %mul3A_24, %add3A_25 : i32
    "tpu.region"() ({
      %run_scoped3A = tpu.sem_alloc : memref<!tpu.dma_semaphore, #tpu.memory_space<semaphore_mem>>
      %dma_start3A_245 = arith.constant 0 : i32
      %dma_start3A_246 = tpu.memref_slice %arg20[%add3A_26, %dma_start3A_245] : memref<10240x128xf32, #tpu.memory_space<vmem_shared>> -> memref<64x128xf32, #tpu.memory_space<vmem_shared>>
      %dma_start3A_247 = arith.constant 0 : i32
      %dma_start3A_248 = tpu.memref_slice %arg20[%add3A_26, %dma_start3A_247] : memref<10240x128xf32, #tpu.memory_space<vmem_shared>> -> memref<64x128xf32, #tpu.memory_space<vmem_shared>>
      tpu.enqueue_dma source(%arg19 : memref<64x128xf32, #tpu.memory_space<vmem>>) target(%dma_start3A_248 : memref<64x128xf32, #tpu.memory_space<vmem_shared>>) target_semaphore(%run_scoped3A : memref<!tpu.dma_semaphore, #tpu.memory_space<semaphore_mem>>)
      %dma_wait3A_249 = arith.constant 0 : i32
      %dma_wait3A_250 = tpu.memref_slice %arg20[%add3A_26, %dma_wait3A_249] : memref<10240x128xf32, #tpu.memory_space<vmem_shared>> -> memref<64x128xf32, #tpu.memory_space<vmem_shared>>
      %dma_wait3A_251 = arith.constant 0 : i32
      %dma_wait3A_252 = tpu.memref_slice %arg20[%add3A_26, %dma_wait3A_251] : memref<10240x128xf32, #tpu.memory_space<vmem_shared>> -> memref<64x128xf32, #tpu.memory_space<vmem_shared>>
      tpu.wait_dma2 semaphore(%run_scoped3A : memref<!tpu.dma_semaphore, #tpu.memory_space<semaphore_mem>>) src(%arg19 : memref<64x128xf32, #tpu.memory_space<vmem>>) dst(%dma_wait3A_252 : memref<64x128xf32, #tpu.memory_space<vmem_shared>>)
      tpu.yield
    }) : () -> ()
    %mul3A_27 = arith.constant 640 : i32
    %mul3A_28 = arith.muli %arg1, %mul3A_27 : i32
    %add3A_29 = arith.constant 320 : i32
    %add3A_30 = arith.addi %mul3A_28, %add3A_29 : i32
    "tpu.region"() ({
      %run_scoped3A = tpu.sem_alloc : memref<!tpu.dma_semaphore, #tpu.memory_space<semaphore_mem>>
      %dma_start3A_245 = arith.constant 0 : i32
      %dma_start3A_246 = tpu.memref_slice %arg20[%add3A_30, %dma_start3A_245] : memref<10240x128xf32, #tpu.memory_space<vmem_shared>> -> memref<64x128xf32, #tpu.memory_space<vmem_shared>>
      %dma_start3A_247 = arith.constant 0 : i32
      %dma_start3A_248 = tpu.memref_slice %arg20[%add3A_30, %dma_start3A_247] : memref<10240x128xf32, #tpu.memory_space<vmem_shared>> -> memref<64x128xf32, #tpu.memory_space<vmem_shared>>
      tpu.enqueue_dma source(%arg19 : memref<64x128xf32, #tpu.memory_space<vmem>>) target(%dma_start3A_248 : memref<64x128xf32, #tpu.memory_space<vmem_shared>>) target_semaphore(%run_scoped3A : memref<!tpu.dma_semaphore, #tpu.memory_space<semaphore_mem>>)
      %dma_wait3A_249 = arith.constant 0 : i32
      %dma_wait3A_250 = tpu.memref_slice %arg20[%add3A_30, %dma_wait3A_249] : memref<10240x128xf32, #tpu.memory_space<vmem_shared>> -> memref<64x128xf32, #tpu.memory_space<vmem_shared>>
      %dma_wait3A_251 = arith.constant 0 : i32
      %dma_wait3A_252 = tpu.memref_slice %arg20[%add3A_30, %dma_wait3A_251] : memref<10240x128xf32, #tpu.memory_space<vmem_shared>> -> memref<64x128xf32, #tpu.memory_space<vmem_shared>>
      tpu.wait_dma2 semaphore(%run_scoped3A : memref<!tpu.dma_semaphore, #tpu.memory_space<semaphore_mem>>) src(%arg19 : memref<64x128xf32, #tpu.memory_space<vmem>>) dst(%dma_wait3A_252 : memref<64x128xf32, #tpu.memory_space<vmem_shared>>)
      tpu.yield
    }) : () -> ()
    %mul3A_31 = arith.constant 640 : i32
    %mul3A_32 = arith.muli %arg1, %mul3A_31 : i32
    %add3A_33 = arith.constant 384 : i32
    %add3A_34 = arith.addi %mul3A_32, %add3A_33 : i32
    "tpu.region"() ({
      %run_scoped3A = tpu.sem_alloc : memref<!tpu.dma_semaphore, #tpu.memory_space<semaphore_mem>>
      %dma_start3A_245 = arith.constant 0 : i32
      %dma_start3A_246 = tpu.memref_slice %arg20[%add3A_34, %dma_start3A_245] : memref<10240x128xf32, #tpu.memory_space<vmem_shared>> -> memref<64x128xf32, #tpu.memory_space<vmem_shared>>
      %dma_start3A_247 = arith.constant 0 : i32
      %dma_start3A_248 = tpu.memref_slice %arg20[%add3A_34, %dma_start3A_247] : memref<10240x128xf32, #tpu.memory_space<vmem_shared>> -> memref<64x128xf32, #tpu.memory_space<vmem_shared>>
      tpu.enqueue_dma source(%arg19 : memref<64x128xf32, #tpu.memory_space<vmem>>) target(%dma_start3A_248 : memref<64x128xf32, #tpu.memory_space<vmem_shared>>) target_semaphore(%run_scoped3A : memref<!tpu.dma_semaphore, #tpu.memory_space<semaphore_mem>>)
      %dma_wait3A_249 = arith.constant 0 : i32
      %dma_wait3A_250 = tpu.memref_slice %arg20[%add3A_34, %dma_wait3A_249] : memref<10240x128xf32, #tpu.memory_space<vmem_shared>> -> memref<64x128xf32, #tpu.memory_space<vmem_shared>>
      %dma_wait3A_251 = arith.constant 0 : i32
      %dma_wait3A_252 = tpu.memref_slice %arg20[%add3A_34, %dma_wait3A_251] : memref<10240x128xf32, #tpu.memory_space<vmem_shared>> -> memref<64x128xf32, #tpu.memory_space<vmem_shared>>
      tpu.wait_dma2 semaphore(%run_scoped3A : memref<!tpu.dma_semaphore, #tpu.memory_space<semaphore_mem>>) src(%arg19 : memref<64x128xf32, #tpu.memory_space<vmem>>) dst(%dma_wait3A_252 : memref<64x128xf32, #tpu.memory_space<vmem_shared>>)
      tpu.yield
    }) : () -> ()
    %mul3A_35 = arith.constant 640 : i32
    %mul3A_36 = arith.muli %arg1, %mul3A_35 : i32
    %add3A_37 = arith.constant 448 : i32
    %add3A_38 = arith.addi %mul3A_36, %add3A_37 : i32
    "tpu.region"() ({
      %run_scoped3A = tpu.sem_alloc : memref<!tpu.dma_semaphore, #tpu.memory_space<semaphore_mem>>
      %dma_start3A_245 = arith.constant 0 : i32
      %dma_start3A_246 = tpu.memref_slice %arg20[%add3A_38, %dma_start3A_245] : memref<10240x128xf32, #tpu.memory_space<vmem_shared>> -> memref<64x128xf32, #tpu.memory_space<vmem_shared>>
      %dma_start3A_247 = arith.constant 0 : i32
      %dma_start3A_248 = tpu.memref_slice %arg20[%add3A_38, %dma_start3A_247] : memref<10240x128xf32, #tpu.memory_space<vmem_shared>> -> memref<64x128xf32, #tpu.memory_space<vmem_shared>>
      tpu.enqueue_dma source(%arg19 : memref<64x128xf32, #tpu.memory_space<vmem>>) target(%dma_start3A_248 : memref<64x128xf32, #tpu.memory_space<vmem_shared>>) target_semaphore(%run_scoped3A : memref<!tpu.dma_semaphore, #tpu.memory_space<semaphore_mem>>)
      %dma_wait3A_249 = arith.constant 0 : i32
      %dma_wait3A_250 = tpu.memref_slice %arg20[%add3A_38, %dma_wait3A_249] : memref<10240x128xf32, #tpu.memory_space<vmem_shared>> -> memref<64x128xf32, #tpu.memory_space<vmem_shared>>
      %dma_wait3A_251 = arith.constant 0 : i32
      %dma_wait3A_252 = tpu.memref_slice %arg20[%add3A_38, %dma_wait3A_251] : memref<10240x128xf32, #tpu.memory_space<vmem_shared>> -> memref<64x128xf32, #tpu.memory_space<vmem_shared>>
      tpu.wait_dma2 semaphore(%run_scoped3A : memref<!tpu.dma_semaphore, #tpu.memory_space<semaphore_mem>>) src(%arg19 : memref<64x128xf32, #tpu.memory_space<vmem>>) dst(%dma_wait3A_252 : memref<64x128xf32, #tpu.memory_space<vmem_shared>>)
      tpu.yield
    }) : () -> ()
    %mul3A_39 = arith.constant 640 : i32
    %mul3A_40 = arith.muli %arg1, %mul3A_39 : i32
    %add3A_41 = arith.constant 512 : i32
    %add3A_42 = arith.addi %mul3A_40, %add3A_41 : i32
    "tpu.region"() ({
      %run_scoped3A = tpu.sem_alloc : memref<!tpu.dma_semaphore, #tpu.memory_space<semaphore_mem>>
      %dma_start3A_245 = arith.constant 0 : i32
      %dma_start3A_246 = tpu.memref_slice %arg20[%add3A_42, %dma_start3A_245] : memref<10240x128xf32, #tpu.memory_space<vmem_shared>> -> memref<64x128xf32, #tpu.memory_space<vmem_shared>>
      %dma_start3A_247 = arith.constant 0 : i32
      %dma_start3A_248 = tpu.memref_slice %arg20[%add3A_42, %dma_start3A_247] : memref<10240x128xf32, #tpu.memory_space<vmem_shared>> -> memref<64x128xf32, #tpu.memory_space<vmem_shared>>
      tpu.enqueue_dma source(%arg19 : memref<64x128xf32, #tpu.memory_space<vmem>>) target(%dma_start3A_248 : memref<64x128xf32, #tpu.memory_space<vmem_shared>>) target_semaphore(%run_scoped3A : memref<!tpu.dma_semaphore, #tpu.memory_space<semaphore_mem>>)
      %dma_wait3A_249 = arith.constant 0 : i32
      %dma_wait3A_250 = tpu.memref_slice %arg20[%add3A_42, %dma_wait3A_249] : memref<10240x128xf32, #tpu.memory_space<vmem_shared>> -> memref<64x128xf32, #tpu.memory_space<vmem_shared>>
      %dma_wait3A_251 = arith.constant 0 : i32
      %dma_wait3A_252 = tpu.memref_slice %arg20[%add3A_42, %dma_wait3A_251] : memref<10240x128xf32, #tpu.memory_space<vmem_shared>> -> memref<64x128xf32, #tpu.memory_space<vmem_shared>>
      tpu.wait_dma2 semaphore(%run_scoped3A : memref<!tpu.dma_semaphore, #tpu.memory_space<semaphore_mem>>) src(%arg19 : memref<64x128xf32, #tpu.memory_space<vmem>>) dst(%dma_wait3A_252 : memref<64x128xf32, #tpu.memory_space<vmem_shared>>)
      tpu.yield
    }) : () -> ()
    %mul3A_43 = arith.constant 640 : i32
    %mul3A_44 = arith.muli %arg1, %mul3A_43 : i32
    %add3A_45 = arith.constant 576 : i32
    %add3A_46 = arith.addi %mul3A_44, %add3A_45 : i32
    "tpu.region"() ({
      %run_scoped3A = tpu.sem_alloc : memref<!tpu.dma_semaphore, #tpu.memory_space<semaphore_mem>>
      %dma_start3A_245 = arith.constant 0 : i32
      %dma_start3A_246 = tpu.memref_slice %arg20[%add3A_46, %dma_start3A_245] : memref<10240x128xf32, #tpu.memory_space<vmem_shared>> -> memref<64x128xf32, #tpu.memory_space<vmem_shared>>
      %dma_start3A_247 = arith.constant 0 : i32
      %dma_start3A_248 = tpu.memref_slice %arg20[%add3A_46, %dma_start3A_247] : memref<10240x128xf32, #tpu.memory_space<vmem_shared>> -> memref<64x128xf32, #tpu.memory_space<vmem_shared>>
      tpu.enqueue_dma source(%arg19 : memref<64x128xf32, #tpu.memory_space<vmem>>) target(%dma_start3A_248 : memref<64x128xf32, #tpu.memory_space<vmem_shared>>) target_semaphore(%run_scoped3A : memref<!tpu.dma_semaphore, #tpu.memory_space<semaphore_mem>>)
      %dma_wait3A_249 = arith.constant 0 : i32
      %dma_wait3A_250 = tpu.memref_slice %arg20[%add3A_46, %dma_wait3A_249] : memref<10240x128xf32, #tpu.memory_space<vmem_shared>> -> memref<64x128xf32, #tpu.memory_space<vmem_shared>>
      %dma_wait3A_251 = arith.constant 0 : i32
      %dma_wait3A_252 = tpu.memref_slice %arg20[%add3A_46, %dma_wait3A_251] : memref<10240x128xf32, #tpu.memory_space<vmem_shared>> -> memref<64x128xf32, #tpu.memory_space<vmem_shared>>
      tpu.wait_dma2 semaphore(%run_scoped3A : memref<!tpu.dma_semaphore, #tpu.memory_space<semaphore_mem>>) src(%arg19 : memref<64x128xf32, #tpu.memory_space<vmem>>) dst(%dma_wait3A_252 : memref<64x128xf32, #tpu.memory_space<vmem_shared>>)
      tpu.yield
    }) : () -> ()
    %barrier3A = arith.constant 0 : index
    tpu.barrier barrier_id(%barrier3A)
    %mul3A_47 = arith.constant 10000 : i32
    %mul3A_48 = arith.muli %add3A, %mul3A_47 : i32
    %add3A_49 = arith.constant 0 : i32
    %add3A_50 = arith.addi %mul3A_48, %add3A_49 : i32
    %multiple_of3A = tpu.assume_multiple %add3A_50, 8 : i32
    %dma_start3A = tpu.memref_slice %arg2[%multiple_of3A] : memref<320000xi32, #tpu.memory_space<hbm>> -> memref<40xi32, #tpu.memory_space<hbm>>
    %dma_start3A_51 = tpu.memref_slice %arg2[%multiple_of3A] : memref<320000xi32, #tpu.memory_space<hbm>> -> memref<40xi32, #tpu.memory_space<hbm>>
    tpu.enqueue_dma source(%dma_start3A_51 : memref<40xi32, #tpu.memory_space<hbm>>) target(%arg7 : memref<40xi32, #tpu.memory_space<vmem>>) target_semaphore(%arg21 : memref<!tpu.dma_semaphore, #tpu.memory_space<semaphore_mem>>)
    %mul3A_52 = arith.constant 10000 : i32
    %mul3A_53 = arith.muli %add3A, %mul3A_52 : i32
    %add3A_54 = arith.constant 0 : i32
    %add3A_55 = arith.addi %mul3A_53, %add3A_54 : i32
    %multiple_of3A_56 = tpu.assume_multiple %add3A_55, 8 : i32
    %dma_start3A_57 = tpu.memref_slice %arg3[%multiple_of3A_56] : memref<320000xi32, #tpu.memory_space<hbm>> -> memref<40xi32, #tpu.memory_space<hbm>>
    %dma_start3A_58 = tpu.memref_slice %arg3[%multiple_of3A_56] : memref<320000xi32, #tpu.memory_space<hbm>> -> memref<40xi32, #tpu.memory_space<hbm>>
    tpu.enqueue_dma source(%dma_start3A_58 : memref<40xi32, #tpu.memory_space<hbm>>) target(%arg11 : memref<40xi32, #tpu.memory_space<vmem>>) target_semaphore(%arg21 : memref<!tpu.dma_semaphore, #tpu.memory_space<semaphore_mem>>)
    %mul3A_59 = arith.constant 10000 : i32
    %mul3A_60 = arith.muli %add3A, %mul3A_59 : i32
    %add3A_61 = arith.constant 40 : i32
    %add3A_62 = arith.addi %mul3A_60, %add3A_61 : i32
    %multiple_of3A_63 = tpu.assume_multiple %add3A_62, 8 : i32
    %dma_start3A_64 = tpu.memref_slice %arg2[%multiple_of3A_63] : memref<320000xi32, #tpu.memory_space<hbm>> -> memref<40xi32, #tpu.memory_space<hbm>>
    %dma_start3A_65 = tpu.memref_slice %arg2[%multiple_of3A_63] : memref<320000xi32, #tpu.memory_space<hbm>> -> memref<40xi32, #tpu.memory_space<hbm>>
    tpu.enqueue_dma source(%dma_start3A_65 : memref<40xi32, #tpu.memory_space<hbm>>) target(%arg8 : memref<40xi32, #tpu.memory_space<vmem>>) target_semaphore(%arg22 : memref<!tpu.dma_semaphore, #tpu.memory_space<semaphore_mem>>)
    %mul3A_66 = arith.constant 10000 : i32
    %mul3A_67 = arith.muli %add3A, %mul3A_66 : i32
    %add3A_68 = arith.constant 40 : i32
    %add3A_69 = arith.addi %mul3A_67, %add3A_68 : i32
    %multiple_of3A_70 = tpu.assume_multiple %add3A_69, 8 : i32
    %dma_start3A_71 = tpu.memref_slice %arg3[%multiple_of3A_70] : memref<320000xi32, #tpu.memory_space<hbm>> -> memref<40xi32, #tpu.memory_space<hbm>>
    %dma_start3A_72 = tpu.memref_slice %arg3[%multiple_of3A_70] : memref<320000xi32, #tpu.memory_space<hbm>> -> memref<40xi32, #tpu.memory_space<hbm>>
    tpu.enqueue_dma source(%dma_start3A_72 : memref<40xi32, #tpu.memory_space<hbm>>) target(%arg12 : memref<40xi32, #tpu.memory_space<vmem>>) target_semaphore(%arg22 : memref<!tpu.dma_semaphore, #tpu.memory_space<semaphore_mem>>)
    %mul3A_73 = arith.constant 10000 : i32
    %mul3A_74 = arith.muli %add3A, %mul3A_73 : i32
    %add3A_75 = arith.constant 0 : i32
    %add3A_76 = arith.addi %mul3A_74, %add3A_75 : i32
    %multiple_of3A_77 = tpu.assume_multiple %add3A_76, 8 : i32
    %dma_start3A_78 = arith.constant 0 : i32
    %dma_start3A_79 = tpu.memref_slice %arg5[%multiple_of3A_77, %dma_start3A_78] : memref<320000x128xf32, #tpu.memory_space<hbm>> -> memref<40x128xf32, #tpu.memory_space<hbm>>
    %dma_start3A_80 = arith.constant 0 : i32
    %dma_start3A_81 = tpu.memref_slice %arg5[%multiple_of3A_77, %dma_start3A_80] : memref<320000x128xf32, #tpu.memory_space<hbm>> -> memref<40x128xf32, #tpu.memory_space<hbm>>
    tpu.enqueue_dma source(%dma_start3A_81 : memref<40x128xf32, #tpu.memory_space<hbm>>) target(%arg15 : memref<40x128xf32, #tpu.memory_space<vmem>>) target_semaphore(%arg25 : memref<!tpu.dma_semaphore, #tpu.memory_space<semaphore_mem>>)
    %mul3A_82 = arith.constant 10000 : i32
    %mul3A_83 = arith.muli %add3A, %mul3A_82 : i32
    %add3A_84 = arith.constant 40 : i32
    %add3A_85 = arith.addi %mul3A_83, %add3A_84 : i32
    %multiple_of3A_86 = tpu.assume_multiple %add3A_85, 8 : i32
    %dma_start3A_87 = arith.constant 0 : i32
    %dma_start3A_88 = tpu.memref_slice %arg5[%multiple_of3A_86, %dma_start3A_87] : memref<320000x128xf32, #tpu.memory_space<hbm>> -> memref<40x128xf32, #tpu.memory_space<hbm>>
    %dma_start3A_89 = arith.constant 0 : i32
    %dma_start3A_90 = tpu.memref_slice %arg5[%multiple_of3A_86, %dma_start3A_89] : memref<320000x128xf32, #tpu.memory_space<hbm>> -> memref<40x128xf32, #tpu.memory_space<hbm>>
    tpu.enqueue_dma source(%dma_start3A_90 : memref<40x128xf32, #tpu.memory_space<hbm>>) target(%arg16 : memref<40x128xf32, #tpu.memory_space<vmem>>) target_semaphore(%arg26 : memref<!tpu.dma_semaphore, #tpu.memory_space<semaphore_mem>>)
    %mul3A_91 = arith.constant 10000 : i32
    %mul3A_92 = arith.muli %add3A, %mul3A_91 : i32
    %add3A_93 = arith.constant 0 : i32
    %add3A_94 = arith.addi %mul3A_92, %add3A_93 : i32
    %multiple_of3A_95 = tpu.assume_multiple %add3A_94, 8 : i32
    %dma_wait3A = arith.constant 0 : i32
    %dma_wait3A_96 = tpu.memref_slice %arg5[%multiple_of3A_95, %dma_wait3A] : memref<320000x128xf32, #tpu.memory_space<hbm>> -> memref<40x128xf32, #tpu.memory_space<hbm>>
    %dma_wait3A_97 = arith.constant 0 : i32
    %dma_wait3A_98 = tpu.memref_slice %arg5[%multiple_of3A_95, %dma_wait3A_97] : memref<320000x128xf32, #tpu.memory_space<hbm>> -> memref<40x128xf32, #tpu.memory_space<hbm>>
    tpu.wait_dma2 semaphore(%arg25 : memref<!tpu.dma_semaphore, #tpu.memory_space<semaphore_mem>>) src(%dma_wait3A_98 : memref<40x128xf32, #tpu.memory_space<hbm>>) dst(%arg15 : memref<40x128xf32, #tpu.memory_space<vmem>>)
    %mul3A_99 = arith.constant 10000 : i32
    %mul3A_100 = arith.muli %add3A, %mul3A_99 : i32
    %add3A_101 = arith.constant 0 : i32
    %add3A_102 = arith.addi %mul3A_100, %add3A_101 : i32
    %multiple_of3A_103 = tpu.assume_multiple %add3A_102, 8 : i32
    %dma_wait3A_104 = tpu.memref_slice %arg2[%multiple_of3A_103] : memref<320000xi32, #tpu.memory_space<hbm>> -> memref<40xi32, #tpu.memory_space<hbm>>
    %dma_wait3A_105 = tpu.memref_slice %arg2[%multiple_of3A_103] : memref<320000xi32, #tpu.memory_space<hbm>> -> memref<40xi32, #tpu.memory_space<hbm>>
    tpu.wait_dma2 semaphore(%arg21 : memref<!tpu.dma_semaphore, #tpu.memory_space<semaphore_mem>>) src(%dma_wait3A_105 : memref<40xi32, #tpu.memory_space<hbm>>) dst(%arg7 : memref<40xi32, #tpu.memory_space<vmem>>)
    %mul3A_106 = arith.constant 10000 : i32
    %mul3A_107 = arith.muli %add3A, %mul3A_106 : i32
    %add3A_108 = arith.constant 0 : i32
    %add3A_109 = arith.addi %mul3A_107, %add3A_108 : i32
    %multiple_of3A_110 = tpu.assume_multiple %add3A_109, 8 : i32
    %dma_wait3A_111 = tpu.memref_slice %arg3[%multiple_of3A_110] : memref<320000xi32, #tpu.memory_space<hbm>> -> memref<40xi32, #tpu.memory_space<hbm>>
    %dma_wait3A_112 = tpu.memref_slice %arg3[%multiple_of3A_110] : memref<320000xi32, #tpu.memory_space<hbm>> -> memref<40xi32, #tpu.memory_space<hbm>>
    tpu.wait_dma2 semaphore(%arg21 : memref<!tpu.dma_semaphore, #tpu.memory_space<semaphore_mem>>) src(%dma_wait3A_112 : memref<40xi32, #tpu.memory_space<hbm>>) dst(%arg11 : memref<40xi32, #tpu.memory_space<vmem>>)
    %dma_start3A_113 = arith.constant 0 : i32
    %dma_start3A_114 = arith.constant 0 : i32
    %dma_start3A_115 = tpu.memref_slice %arg4[%dma_start3A_113, %dma_start3A_114] : memref<10000x128xf32, #tpu.memory_space<hbm>> -> memref<10000x128xf32, #tpu.memory_space<hbm>>
    tpu.enqueue_indirect_dma source(%dma_start3A_115 : memref<10000x128xf32, #tpu.memory_space<hbm>>) target(%arg15 : memref<40x128xf32, #tpu.memory_space<vmem>>) offsets(%arg7 : memref<40xi32, #tpu.memory_space<vmem>>) semaphore(%arg29 : memref<!tpu.dma_semaphore, #tpu.memory_space<semaphore_mem>>) {add = true}
    %scan3A_116 = arith.constant 0 : i32
    %scan3A_117 = arith.constant 0 : i32
    %scan3A_118 = arith.constant 62 : i32
    %scan3A_119 = arith.addi %scan3A_117, %scan3A_118 : i32
    %scan3A_120 = arith.constant 1 : i32
    scf.for %scan3A_245 = %scan3A_117 to %scan3A_119 step %scan3A_120  : i32 {
      %mul3A_246 = arith.constant 4 : i32
      %mul3A_247 = arith.muli %mul3A_246, %scan3A_245 : i32
      %add3A_248 = arith.constant 0 : i32
      %add3A_249 = arith.addi %mul3A_247, %add3A_248 : i32
      %add3A_250 = arith.constant 2 : i32
      %add3A_251 = arith.addi %add3A_249, %add3A_250 : i32
      %lt3A = arith.constant 250 : i32
      %lt3A_252 = arith.cmpi slt, %add3A_251, %lt3A : i32
      %convert_element_type3A = arith.extui %lt3A_252 : i1 to i32
      %cond3A = arith.constant 0 : i32
      %cond3A_253 = arith.cmpi ne, %convert_element_type3A, %cond3A : i32
      scf.if %cond3A_253 {
        %add3A_370 = arith.constant 2 : i32
        %add3A_371 = arith.addi %add3A_249, %add3A_370 : i32
        %mul3A_372 = arith.constant 10000 : i32
        %mul3A_373 = arith.muli %add3A, %mul3A_372 : i32
        %mul3A_374 = arith.constant 40 : i32
        %mul3A_375 = arith.muli %add3A_371, %mul3A_374 : i32
        %add3A_376 = arith.addi %mul3A_373, %mul3A_375 : i32
        %multiple_of3A_377 = tpu.assume_multiple %add3A_376, 8 : i32
        %dma_start3A_378 = tpu.memref_slice %arg2[%multiple_of3A_377] : memref<320000xi32, #tpu.memory_space<hbm>> -> memref<40xi32, #tpu.memory_space<hbm>>
        %dma_start3A_379 = tpu.memref_slice %arg2[%multiple_of3A_377] : memref<320000xi32, #tpu.memory_space<hbm>> -> memref<40xi32, #tpu.memory_space<hbm>>
        tpu.enqueue_dma source(%dma_start3A_379 : memref<40xi32, #tpu.memory_space<hbm>>) target(%arg9 : memref<40xi32, #tpu.memory_space<vmem>>) target_semaphore(%arg23 : memref<!tpu.dma_semaphore, #tpu.memory_space<semaphore_mem>>)
        %mul3A_380 = arith.constant 10000 : i32
        %mul3A_381 = arith.muli %add3A, %mul3A_380 : i32
        %mul3A_382 = arith.constant 40 : i32
        %mul3A_383 = arith.muli %add3A_371, %mul3A_382 : i32
        %add3A_384 = arith.addi %mul3A_381, %mul3A_383 : i32
        %multiple_of3A_385 = tpu.assume_multiple %add3A_384, 8 : i32
        %dma_start3A_386 = tpu.memref_slice %arg3[%multiple_of3A_385] : memref<320000xi32, #tpu.memory_space<hbm>> -> memref<40xi32, #tpu.memory_space<hbm>>
        %dma_start3A_387 = tpu.memref_slice %arg3[%multiple_of3A_385] : memref<320000xi32, #tpu.memory_space<hbm>> -> memref<40xi32, #tpu.memory_space<hbm>>
        tpu.enqueue_dma source(%dma_start3A_387 : memref<40xi32, #tpu.memory_space<hbm>>) target(%arg13 : memref<40xi32, #tpu.memory_space<vmem>>) target_semaphore(%arg23 : memref<!tpu.dma_semaphore, #tpu.memory_space<semaphore_mem>>)
        %add3A_388 = arith.constant 2 : i32
        %add3A_389 = arith.addi %add3A_249, %add3A_388 : i32
        %mul3A_390 = arith.constant 10000 : i32
        %mul3A_391 = arith.muli %add3A, %mul3A_390 : i32
        %mul3A_392 = arith.constant 40 : i32
        %mul3A_393 = arith.muli %add3A_389, %mul3A_392 : i32
        %add3A_394 = arith.addi %mul3A_391, %mul3A_393 : i32
        %multiple_of3A_395 = tpu.assume_multiple %add3A_394, 8 : i32
        %dma_start3A_396 = arith.constant 0 : i32
        %dma_start3A_397 = tpu.memref_slice %arg5[%multiple_of3A_395, %dma_start3A_396] : memref<320000x128xf32, #tpu.memory_space<hbm>> -> memref<40x128xf32, #tpu.memory_space<hbm>>
        %dma_start3A_398 = arith.constant 0 : i32
        %dma_start3A_399 = tpu.memref_slice %arg5[%multiple_of3A_395, %dma_start3A_398] : memref<320000x128xf32, #tpu.memory_space<hbm>> -> memref<40x128xf32, #tpu.memory_space<hbm>>
        tpu.enqueue_dma source(%dma_start3A_399 : memref<40x128xf32, #tpu.memory_space<hbm>>) target(%arg17 : memref<40x128xf32, #tpu.memory_space<vmem>>) target_semaphore(%arg27 : memref<!tpu.dma_semaphore, #tpu.memory_space<semaphore_mem>>)
      } else {
      }
      %add3A_254 = arith.constant 1 : i32
      %add3A_255 = arith.addi %add3A_249, %add3A_254 : i32
      %lt3A_256 = arith.constant 250 : i32
      %lt3A_257 = arith.cmpi slt, %add3A_255, %lt3A_256 : i32
      %convert_element_type3A_258 = arith.extui %lt3A_257 : i1 to i32
      %cond3A_259 = arith.constant 0 : i32
      %cond3A_260 = arith.cmpi ne, %convert_element_type3A_258, %cond3A_259 : i32
      scf.if %cond3A_260 {
        %add3A_370 = arith.constant 1 : i32
        %add3A_371 = arith.addi %add3A_249, %add3A_370 : i32
        %mul3A_372 = arith.constant 10000 : i32
        %mul3A_373 = arith.muli %add3A, %mul3A_372 : i32
        %mul3A_374 = arith.constant 40 : i32
        %mul3A_375 = arith.muli %add3A_371, %mul3A_374 : i32
        %add3A_376 = arith.addi %mul3A_373, %mul3A_375 : i32
        %multiple_of3A_377 = tpu.assume_multiple %add3A_376, 8 : i32
        %dma_wait3A_378 = arith.constant 0 : i32
        %dma_wait3A_379 = tpu.memref_slice %arg5[%multiple_of3A_377, %dma_wait3A_378] : memref<320000x128xf32, #tpu.memory_space<hbm>> -> memref<40x128xf32, #tpu.memory_space<hbm>>
        %dma_wait3A_380 = arith.constant 0 : i32
        %dma_wait3A_381 = tpu.memref_slice %arg5[%multiple_of3A_377, %dma_wait3A_380] : memref<320000x128xf32, #tpu.memory_space<hbm>> -> memref<40x128xf32, #tpu.memory_space<hbm>>
        tpu.wait_dma2 semaphore(%arg26 : memref<!tpu.dma_semaphore, #tpu.memory_space<semaphore_mem>>) src(%dma_wait3A_381 : memref<40x128xf32, #tpu.memory_space<hbm>>) dst(%arg16 : memref<40x128xf32, #tpu.memory_space<vmem>>)
        %mul3A_382 = arith.constant 10000 : i32
        %mul3A_383 = arith.muli %add3A, %mul3A_382 : i32
        %mul3A_384 = arith.constant 40 : i32
        %mul3A_385 = arith.muli %add3A_371, %mul3A_384 : i32
        %add3A_386 = arith.addi %mul3A_383, %mul3A_385 : i32
        %multiple_of3A_387 = tpu.assume_multiple %add3A_386, 8 : i32
        %dma_wait3A_388 = tpu.memref_slice %arg2[%multiple_of3A_387] : memref<320000xi32, #tpu.memory_space<hbm>> -> memref<40xi32, #tpu.memory_space<hbm>>
        %dma_wait3A_389 = tpu.memref_slice %arg2[%multiple_of3A_387] : memref<320000xi32, #tpu.memory_space<hbm>> -> memref<40xi32, #tpu.memory_space<hbm>>
        tpu.wait_dma2 semaphore(%arg22 : memref<!tpu.dma_semaphore, #tpu.memory_space<semaphore_mem>>) src(%dma_wait3A_389 : memref<40xi32, #tpu.memory_space<hbm>>) dst(%arg8 : memref<40xi32, #tpu.memory_space<vmem>>)
        %mul3A_390 = arith.constant 10000 : i32
        %mul3A_391 = arith.muli %add3A, %mul3A_390 : i32
        %mul3A_392 = arith.constant 40 : i32
        %mul3A_393 = arith.muli %add3A_371, %mul3A_392 : i32
        %add3A_394 = arith.addi %mul3A_391, %mul3A_393 : i32
        %multiple_of3A_395 = tpu.assume_multiple %add3A_394, 8 : i32
        %dma_wait3A_396 = tpu.memref_slice %arg3[%multiple_of3A_395] : memref<320000xi32, #tpu.memory_space<hbm>> -> memref<40xi32, #tpu.memory_space<hbm>>
        %dma_wait3A_397 = tpu.memref_slice %arg3[%multiple_of3A_395] : memref<320000xi32, #tpu.memory_space<hbm>> -> memref<40xi32, #tpu.memory_space<hbm>>
        tpu.wait_dma2 semaphore(%arg22 : memref<!tpu.dma_semaphore, #tpu.memory_space<semaphore_mem>>) src(%dma_wait3A_397 : memref<40xi32, #tpu.memory_space<hbm>>) dst(%arg12 : memref<40xi32, #tpu.memory_space<vmem>>)
        %dma_start3A_398 = arith.constant 0 : i32
        %dma_start3A_399 = arith.constant 0 : i32
        %dma_start3A_400 = tpu.memref_slice %arg4[%dma_start3A_398, %dma_start3A_399] : memref<10000x128xf32, #tpu.memory_space<hbm>> -> memref<10000x128xf32, #tpu.memory_space<hbm>>
        tpu.enqueue_indirect_dma source(%dma_start3A_400 : memref<10000x128xf32, #tpu.memory_space<hbm>>) target(%arg16 : memref<40x128xf32, #tpu.memory_space<vmem>>) offsets(%arg8 : memref<40xi32, #tpu.memory_space<vmem>>) semaphore(%arg30 : memref<!tpu.dma_semaphore, #tpu.memory_space<semaphore_mem>>) {add = true}
      } else {
      }
      %dma_wait3A_261 = arith.constant 0 : i32
      %dma_wait3A_262 = arith.constant 0 : i32
      %dma_wait3A_263 = tpu.memref_slice %arg4[%dma_wait3A_261, %dma_wait3A_262] : memref<10000x128xf32, #tpu.memory_space<hbm>> -> memref<10000x128xf32, #tpu.memory_space<hbm>>
      tpu.wait_indirect_dma semaphore(%arg29 : memref<!tpu.dma_semaphore, #tpu.memory_space<semaphore_mem>>) src(%dma_wait3A_263 : memref<10000x128xf32, #tpu.memory_space<hbm>>) dst(%arg15 : memref<40x128xf32, #tpu.memory_space<vmem>>)
      %parallel_loop3A_264 = arith.constant 0 : i32
      %parallel_loop3A_265 = arith.constant 40 : i32
      %parallel_loop3A_266 = arith.constant 1 : i32
      scf.for %parallel_loop3A_370 = %parallel_loop3A_264 to %parallel_loop3A_265 step %parallel_loop3A_266  : i32 {
        %parallel_loop3A_371 = arith.index_cast %parallel_loop3A_370 : i32 to index
        %parallel_loop3A_372 = arith.constant 0 : index
        %parallel_loop3A_373 = tpu.vector_load %arg15[%parallel_loop3A_371, %parallel_loop3A_372] {strides = array<i32>} : memref<40x128xf32, #tpu.memory_space<vmem>>, vector<1x16xf32>,
        %parallel_loop3A_374 = vector.shape_cast %parallel_loop3A_373 : vector<1x16xf32> to vector<16xf32>
        %parallel_loop3A_375 = arith.constant 0.000000e+00 : f32
        %parallel_loop3A_376 = vector.broadcast %parallel_loop3A_375 : f32 to vector<16xf32>
        %parallel_loop3A_377 = arith.maximumf %parallel_loop3A_374, %parallel_loop3A_376 : vector<16xf32>
        %parallel_loop3A_378 = arith.index_cast %parallel_loop3A_370 : i32 to index
        %parallel_loop3A_379 = arith.constant 0 : index
        %parallel_loop3A_380 = tpu.vector_load %arg15[%parallel_loop3A_378, %parallel_loop3A_379] {strides = array<i32>} : memref<40x128xf32, #tpu.memory_space<vmem>>, vector<1x16xf32>,
        %parallel_loop3A_381 = vector.shape_cast %parallel_loop3A_380 : vector<1x16xf32> to vector<16xf32>
        %parallel_loop3A_382 = vector.shape_cast %parallel_loop3A_377 : vector<16xf32> to vector<1x16xf32>
        tpu.vector_store %arg15[%parallel_loop3A_378, %parallel_loop3A_379], %parallel_loop3A_382 {strides = array<i32>} : memref<40x128xf32, #tpu.memory_space<vmem>>, vector<1x16xf32>,
        %parallel_loop3A_383 = arith.index_cast %parallel_loop3A_370 : i32 to index
        %parallel_loop3A_384 = arith.constant 16 : index
        %parallel_loop3A_385 = tpu.vector_load %arg15[%parallel_loop3A_383, %parallel_loop3A_384] {strides = array<i32>} : memref<40x128xf32, #tpu.memory_space<vmem>>, vector<1x16xf32>,
        %parallel_loop3A_386 = vector.shape_cast %parallel_loop3A_385 : vector<1x16xf32> to vector<16xf32>
        %parallel_loop3A_387 = arith.constant 0.000000e+00 : f32
        %parallel_loop3A_388 = vector.broadcast %parallel_loop3A_387 : f32 to vector<16xf32>
        %parallel_loop3A_389 = arith.maximumf %parallel_loop3A_386, %parallel_loop3A_388 : vector<16xf32>
        %parallel_loop3A_390 = arith.index_cast %parallel_loop3A_370 : i32 to index
        %parallel_loop3A_391 = arith.constant 16 : index
        %parallel_loop3A_392 = tpu.vector_load %arg15[%parallel_loop3A_390, %parallel_loop3A_391] {strides = array<i32>} : memref<40x128xf32, #tpu.memory_space<vmem>>, vector<1x16xf32>,
        %parallel_loop3A_393 = vector.shape_cast %parallel_loop3A_392 : vector<1x16xf32> to vector<16xf32>
        %parallel_loop3A_394 = vector.shape_cast %parallel_loop3A_389 : vector<16xf32> to vector<1x16xf32>
        tpu.vector_store %arg15[%parallel_loop3A_390, %parallel_loop3A_391], %parallel_loop3A_394 {strides = array<i32>} : memref<40x128xf32, #tpu.memory_space<vmem>>, vector<1x16xf32>,
        %parallel_loop3A_395 = arith.index_cast %parallel_loop3A_370 : i32 to index
        %parallel_loop3A_396 = arith.constant 32 : index
        %parallel_loop3A_397 = tpu.vector_load %arg15[%parallel_loop3A_395, %parallel_loop3A_396] {strides = array<i32>} : memref<40x128xf32, #tpu.memory_space<vmem>>, vector<1x16xf32>,
        %parallel_loop3A_398 = vector.shape_cast %parallel_loop3A_397 : vector<1x16xf32> to vector<16xf32>
        %parallel_loop3A_399 = arith.constant 0.000000e+00 : f32
        %parallel_loop3A_400 = vector.broadcast %parallel_loop3A_399 : f32 to vector<16xf32>
        %parallel_loop3A_401 = arith.maximumf %parallel_loop3A_398, %parallel_loop3A_400 : vector<16xf32>
        %parallel_loop3A_402 = arith.index_cast %parallel_loop3A_370 : i32 to index
        %parallel_loop3A_403 = arith.constant 32 : index
        %parallel_loop3A_404 = tpu.vector_load %arg15[%parallel_loop3A_402, %parallel_loop3A_403] {strides = array<i32>} : memref<40x128xf32, #tpu.memory_space<vmem>>, vector<1x16xf32>,
        %parallel_loop3A_405 = vector.shape_cast %parallel_loop3A_404 : vector<1x16xf32> to vector<16xf32>
        %parallel_loop3A_406 = vector.shape_cast %parallel_loop3A_401 : vector<16xf32> to vector<1x16xf32>
        tpu.vector_store %arg15[%parallel_loop3A_402, %parallel_loop3A_403], %parallel_loop3A_406 {strides = array<i32>} : memref<40x128xf32, #tpu.memory_space<vmem>>, vector<1x16xf32>,
        %parallel_loop3A_407 = arith.index_cast %parallel_loop3A_370 : i32 to index
        %parallel_loop3A_408 = arith.constant 48 : index
        %parallel_loop3A_409 = tpu.vector_load %arg15[%parallel_loop3A_407, %parallel_loop3A_408] {strides = array<i32>} : memref<40x128xf32, #tpu.memory_space<vmem>>, vector<1x16xf32>,
        %parallel_loop3A_410 = vector.shape_cast %parallel_loop3A_409 : vector<1x16xf32> to vector<16xf32>
        %parallel_loop3A_411 = arith.constant 0.000000e+00 : f32
        %parallel_loop3A_412 = vector.broadcast %parallel_loop3A_411 : f32 to vector<16xf32>
        %parallel_loop3A_413 = arith.maximumf %parallel_loop3A_410, %parallel_loop3A_412 : vector<16xf32>
        %parallel_loop3A_414 = arith.index_cast %parallel_loop3A_370 : i32 to index
        %parallel_loop3A_415 = arith.constant 48 : index
        %parallel_loop3A_416 = tpu.vector_load %arg15[%parallel_loop3A_414, %parallel_loop3A_415] {strides = array<i32>} : memref<40x128xf32, #tpu.memory_space<vmem>>, vector<1x16xf32>,
        %parallel_loop3A_417 = vector.shape_cast %parallel_loop3A_416 : vector<1x16xf32> to vector<16xf32>
        %parallel_loop3A_418 = vector.shape_cast %parallel_loop3A_413 : vector<16xf32> to vector<1x16xf32>
        tpu.vector_store %arg15[%parallel_loop3A_414, %parallel_loop3A_415], %parallel_loop3A_418 {strides = array<i32>} : memref<40x128xf32, #tpu.memory_space<vmem>>, vector<1x16xf32>,
        %parallel_loop3A_419 = arith.index_cast %parallel_loop3A_370 : i32 to index
        %parallel_loop3A_420 = arith.constant 64 : index
        %parallel_loop3A_421 = tpu.vector_load %arg15[%parallel_loop3A_419, %parallel_loop3A_420] {strides = array<i32>} : memref<40x128xf32, #tpu.memory_space<vmem>>, vector<1x16xf32>,
        %parallel_loop3A_422 = vector.shape_cast %parallel_loop3A_421 : vector<1x16xf32> to vector<16xf32>
        %parallel_loop3A_423 = arith.constant 0.000000e+00 : f32
        %parallel_loop3A_424 = vector.broadcast %parallel_loop3A_423 : f32 to vector<16xf32>
        %parallel_loop3A_425 = arith.maximumf %parallel_loop3A_422, %parallel_loop3A_424 : vector<16xf32>
        %parallel_loop3A_426 = arith.index_cast %parallel_loop3A_370 : i32 to index
        %parallel_loop3A_427 = arith.constant 64 : index
        %parallel_loop3A_428 = tpu.vector_load %arg15[%parallel_loop3A_426, %parallel_loop3A_427] {strides = array<i32>} : memref<40x128xf32, #tpu.memory_space<vmem>>, vector<1x16xf32>,
        %parallel_loop3A_429 = vector.shape_cast %parallel_loop3A_428 : vector<1x16xf32> to vector<16xf32>
        %parallel_loop3A_430 = vector.shape_cast %parallel_loop3A_425 : vector<16xf32> to vector<1x16xf32>
        tpu.vector_store %arg15[%parallel_loop3A_426, %parallel_loop3A_427], %parallel_loop3A_430 {strides = array<i32>} : memref<40x128xf32, #tpu.memory_space<vmem>>, vector<1x16xf32>,
        %parallel_loop3A_431 = arith.index_cast %parallel_loop3A_370 : i32 to index
        %parallel_loop3A_432 = arith.constant 80 : index
        %parallel_loop3A_433 = tpu.vector_load %arg15[%parallel_loop3A_431, %parallel_loop3A_432] {strides = array<i32>} : memref<40x128xf32, #tpu.memory_space<vmem>>, vector<1x16xf32>,
        %parallel_loop3A_434 = vector.shape_cast %parallel_loop3A_433 : vector<1x16xf32> to vector<16xf32>
        %parallel_loop3A_435 = arith.constant 0.000000e+00 : f32
        %parallel_loop3A_436 = vector.broadcast %parallel_loop3A_435 : f32 to vector<16xf32>
        %parallel_loop3A_437 = arith.maximumf %parallel_loop3A_434, %parallel_loop3A_436 : vector<16xf32>
        %parallel_loop3A_438 = arith.index_cast %parallel_loop3A_370 : i32 to index
        %parallel_loop3A_439 = arith.constant 80 : index
        %parallel_loop3A_440 = tpu.vector_load %arg15[%parallel_loop3A_438, %parallel_loop3A_439] {strides = array<i32>} : memref<40x128xf32, #tpu.memory_space<vmem>>, vector<1x16xf32>,
        %parallel_loop3A_441 = vector.shape_cast %parallel_loop3A_440 : vector<1x16xf32> to vector<16xf32>
        %parallel_loop3A_442 = vector.shape_cast %parallel_loop3A_437 : vector<16xf32> to vector<1x16xf32>
        tpu.vector_store %arg15[%parallel_loop3A_438, %parallel_loop3A_439], %parallel_loop3A_442 {strides = array<i32>} : memref<40x128xf32, #tpu.memory_space<vmem>>, vector<1x16xf32>,
        %parallel_loop3A_443 = arith.index_cast %parallel_loop3A_370 : i32 to index
        %parallel_loop3A_444 = arith.constant 96 : index
        %parallel_loop3A_445 = tpu.vector_load %arg15[%parallel_loop3A_443, %parallel_loop3A_444] {strides = array<i32>} : memref<40x128xf32, #tpu.memory_space<vmem>>, vector<1x16xf32>,
        %parallel_loop3A_446 = vector.shape_cast %parallel_loop3A_445 : vector<1x16xf32> to vector<16xf32>
        %parallel_loop3A_447 = arith.constant 0.000000e+00 : f32
        %parallel_loop3A_448 = vector.broadcast %parallel_loop3A_447 : f32 to vector<16xf32>
        %parallel_loop3A_449 = arith.maximumf %parallel_loop3A_446, %parallel_loop3A_448 : vector<16xf32>
        %parallel_loop3A_450 = arith.index_cast %parallel_loop3A_370 : i32 to index
        %parallel_loop3A_451 = arith.constant 96 : index
        %parallel_loop3A_452 = tpu.vector_load %arg15[%parallel_loop3A_450, %parallel_loop3A_451] {strides = array<i32>} : memref<40x128xf32, #tpu.memory_space<vmem>>, vector<1x16xf32>,
        %parallel_loop3A_453 = vector.shape_cast %parallel_loop3A_452 : vector<1x16xf32> to vector<16xf32>
        %parallel_loop3A_454 = vector.shape_cast %parallel_loop3A_449 : vector<16xf32> to vector<1x16xf32>
        tpu.vector_store %arg15[%parallel_loop3A_450, %parallel_loop3A_451], %parallel_loop3A_454 {strides = array<i32>} : memref<40x128xf32, #tpu.memory_space<vmem>>, vector<1x16xf32>,
        %parallel_loop3A_455 = arith.index_cast %parallel_loop3A_370 : i32 to index
        %parallel_loop3A_456 = arith.constant 112 : index
        %parallel_loop3A_457 = tpu.vector_load %arg15[%parallel_loop3A_455, %parallel_loop3A_456] {strides = array<i32>} : memref<40x128xf32, #tpu.memory_space<vmem>>, vector<1x16xf32>,
        %parallel_loop3A_458 = vector.shape_cast %parallel_loop3A_457 : vector<1x16xf32> to vector<16xf32>
        %parallel_loop3A_459 = arith.constant 0.000000e+00 : f32
        %parallel_loop3A_460 = vector.broadcast %parallel_loop3A_459 : f32 to vector<16xf32>
        %parallel_loop3A_461 = arith.maximumf %parallel_loop3A_458, %parallel_loop3A_460 : vector<16xf32>
        %parallel_loop3A_462 = arith.index_cast %parallel_loop3A_370 : i32 to index
        %parallel_loop3A_463 = arith.constant 112 : index
        %parallel_loop3A_464 = tpu.vector_load %arg15[%parallel_loop3A_462, %parallel_loop3A_463] {strides = array<i32>} : memref<40x128xf32, #tpu.memory_space<vmem>>, vector<1x16xf32>,
        %parallel_loop3A_465 = vector.shape_cast %parallel_loop3A_464 : vector<1x16xf32> to vector<16xf32>
        %parallel_loop3A_466 = vector.shape_cast %parallel_loop3A_461 : vector<16xf32> to vector<1x16xf32>
        tpu.vector_store %arg15[%parallel_loop3A_462, %parallel_loop3A_463], %parallel_loop3A_466 {strides = array<i32>} : memref<40x128xf32, #tpu.memory_space<vmem>>, vector<1x16xf32>,
      } {sc.loop_unroll_factor = 8 : i64, sc.parallel_access}
      %ge3A = arith.constant 1 : i32
      %ge3A_267 = arith.cmpi sge, %add3A_249, %ge3A : i32
      %convert_element_type3A_268 = arith.extui %ge3A_267 : i1 to i32
      %cond3A_269 = arith.constant 0 : i32
      %cond3A_270 = arith.cmpi ne, %convert_element_type3A_268, %cond3A_269 : i32
      scf.if %cond3A_270 {
        %dma_wait3A_370 = arith.constant 0 : i32
        %dma_wait3A_371 = arith.constant 0 : i32
        %dma_wait3A_372 = tpu.memref_slice %arg20[%dma_wait3A_370, %dma_wait3A_371] : memref<10240x128xf32, #tpu.memory_space<vmem_shared>> -> memref<10240x128xf32, #tpu.memory_space<vmem_shared>>
        tpu.wait_indirect_dma semaphore(%arg33 : memref<!tpu.dma_semaphore, #tpu.memory_space<semaphore_mem>>) src(%arg18 : memref<40x128xf32, #tpu.memory_space<vmem>>) dst(%dma_wait3A_372 : memref<10240x128xf32, #tpu.memory_space<vmem_shared>>)
      } else {
      }
      %dma_start3A_271 = arith.constant 0 : i32
      %dma_start3A_272 = arith.constant 0 : i32
      %dma_start3A_273 = tpu.memref_slice %arg20[%dma_start3A_271, %dma_start3A_272] : memref<10240x128xf32, #tpu.memory_space<vmem_shared>> -> memref<10240x128xf32, #tpu.memory_space<vmem_shared>>
      tpu.enqueue_indirect_dma source(%arg15 : memref<40x128xf32, #tpu.memory_space<vmem>>) target(%dma_start3A_273 : memref<10240x128xf32, #tpu.memory_space<vmem_shared>>) offsets(%arg11 : memref<40xi32, #tpu.memory_space<vmem>>) semaphore(%arg33 : memref<!tpu.dma_semaphore, #tpu.memory_space<semaphore_mem>>) {add = true}
      %mul3A_274 = arith.constant 4 : i32
      %mul3A_275 = arith.muli %mul3A_274, %scan3A_245 : i32
      %add3A_276 = arith.constant 1 : i32
      %add3A_277 = arith.addi %mul3A_275, %add3A_276 : i32
      %add3A_278 = arith.constant 2 : i32
      %add3A_279 = arith.addi %add3A_277, %add3A_278 : i32
      %lt3A_280 = arith.constant 250 : i32
      %lt3A_281 = arith.cmpi slt, %add3A_279, %lt3A_280 : i32
      %convert_element_type3A_282 = arith.extui %lt3A_281 : i1 to i32
      %cond3A_283 = arith.constant 0 : i32
      %cond3A_284 = arith.cmpi ne, %convert_element_type3A_282, %cond3A_283 : i32
      scf.if %cond3A_284 {
        %add3A_370 = arith.constant 2 : i32
        %add3A_371 = arith.addi %add3A_277, %add3A_370 : i32
        %mul3A_372 = arith.constant 10000 : i32
        %mul3A_373 = arith.muli %add3A, %mul3A_372 : i32
        %mul3A_374 = arith.constant 40 : i32
        %mul3A_375 = arith.muli %add3A_371, %mul3A_374 : i32
        %add3A_376 = arith.addi %mul3A_373, %mul3A_375 : i32
        %multiple_of3A_377 = tpu.assume_multiple %add3A_376, 8 : i32
        %dma_start3A_378 = tpu.memref_slice %arg2[%multiple_of3A_377] : memref<320000xi32, #tpu.memory_space<hbm>> -> memref<40xi32, #tpu.memory_space<hbm>>
        %dma_start3A_379 = tpu.memref_slice %arg2[%multiple_of3A_377] : memref<320000xi32, #tpu.memory_space<hbm>> -> memref<40xi32, #tpu.memory_space<hbm>>
        tpu.enqueue_dma source(%dma_start3A_379 : memref<40xi32, #tpu.memory_space<hbm>>) target(%arg10 : memref<40xi32, #tpu.memory_space<vmem>>) target_semaphore(%arg24 : memref<!tpu.dma_semaphore, #tpu.memory_space<semaphore_mem>>)
        %mul3A_380 = arith.constant 10000 : i32
        %mul3A_381 = arith.muli %add3A, %mul3A_380 : i32
        %mul3A_382 = arith.constant 40 : i32
        %mul3A_383 = arith.muli %add3A_371, %mul3A_382 : i32
        %add3A_384 = arith.addi %mul3A_381, %mul3A_383 : i32
        %multiple_of3A_385 = tpu.assume_multiple %add3A_384, 8 : i32
        %dma_start3A_386 = tpu.memref_slice %arg3[%multiple_of3A_385] : memref<320000xi32, #tpu.memory_space<hbm>> -> memref<40xi32, #tpu.memory_space<hbm>>
        %dma_start3A_387 = tpu.memref_slice %arg3[%multiple_of3A_385] : memref<320000xi32, #tpu.memory_space<hbm>> -> memref<40xi32, #tpu.memory_space<hbm>>
        tpu.enqueue_dma source(%dma_start3A_387 : memref<40xi32, #tpu.memory_space<hbm>>) target(%arg14 : memref<40xi32, #tpu.memory_space<vmem>>) target_semaphore(%arg24 : memref<!tpu.dma_semaphore, #tpu.memory_space<semaphore_mem>>)
        %add3A_388 = arith.constant 2 : i32
        %add3A_389 = arith.addi %add3A_277, %add3A_388 : i32
        %mul3A_390 = arith.constant 10000 : i32
        %mul3A_391 = arith.muli %add3A, %mul3A_390 : i32
        %mul3A_392 = arith.constant 40 : i32
        %mul3A_393 = arith.muli %add3A_389, %mul3A_392 : i32
        %add3A_394 = arith.addi %mul3A_391, %mul3A_393 : i32
        %multiple_of3A_395 = tpu.assume_multiple %add3A_394, 8 : i32
        %dma_start3A_396 = arith.constant 0 : i32
        %dma_start3A_397 = tpu.memref_slice %arg5[%multiple_of3A_395, %dma_start3A_396] : memref<320000x128xf32, #tpu.memory_space<hbm>> -> memref<40x128xf32, #tpu.memory_space<hbm>>
        %dma_start3A_398 = arith.constant 0 : i32
        %dma_start3A_399 = tpu.memref_slice %arg5[%multiple_of3A_395, %dma_start3A_398] : memref<320000x128xf32, #tpu.memory_space<hbm>> -> memref<40x128xf32, #tpu.memory_space<hbm>>
        tpu.enqueue_dma source(%dma_start3A_399 : memref<40x128xf32, #tpu.memory_space<hbm>>) target(%arg18 : memref<40x128xf32, #tpu.memory_space<vmem>>) target_semaphore(%arg28 : memref<!tpu.dma_semaphore, #tpu.memory_space<semaphore_mem>>)
      } else {
      }
      %add3A_285 = arith.constant 1 : i32
      %add3A_286 = arith.addi %add3A_277, %add3A_285 : i32
      %lt3A_287 = arith.constant 250 : i32
      %lt3A_288 = arith.cmpi slt, %add3A_286, %lt3A_287 : i32
      %convert_element_type3A_289 = arith.extui %lt3A_288 : i1 to i32
      %cond3A_290 = arith.constant 0 : i32
      %cond3A_291 = arith.cmpi ne, %convert_element_type3A_289, %cond3A_290 : i32
      scf.if %cond3A_291 {
        %add3A_370 = arith.constant 1 : i32
        %add3A_371 = arith.addi %add3A_277, %add3A_370 : i32
        %mul3A_372 = arith.constant 10000 : i32
        %mul3A_373 = arith.muli %add3A, %mul3A_372 : i32
        %mul3A_374 = arith.constant 40 : i32
        %mul3A_375 = arith.muli %add3A_371, %mul3A_374 : i32
        %add3A_376 = arith.addi %mul3A_373, %mul3A_375 : i32
        %multiple_of3A_377 = tpu.assume_multiple %add3A_376, 8 : i32
        %dma_wait3A_378 = arith.constant 0 : i32
        %dma_wait3A_379 = tpu.memref_slice %arg5[%multiple_of3A_377, %dma_wait3A_378] : memref<320000x128xf32, #tpu.memory_space<hbm>> -> memref<40x128xf32, #tpu.memory_space<hbm>>
        %dma_wait3A_380 = arith.constant 0 : i32
        %dma_wait3A_381 = tpu.memref_slice %arg5[%multiple_of3A_377, %dma_wait3A_380] : memref<320000x128xf32, #tpu.memory_space<hbm>> -> memref<40x128xf32, #tpu.memory_space<hbm>>
        tpu.wait_dma2 semaphore(%arg27 : memref<!tpu.dma_semaphore, #tpu.memory_space<semaphore_mem>>) src(%dma_wait3A_381 : memref<40x128xf32, #tpu.memory_space<hbm>>) dst(%arg17 : memref<40x128xf32, #tpu.memory_space<vmem>>)
        %mul3A_382 = arith.constant 10000 : i32
        %mul3A_383 = arith.muli %add3A, %mul3A_382 : i32
        %mul3A_384 = arith.constant 40 : i32
        %mul3A_385 = arith.muli %add3A_371, %mul3A_384 : i32
        %add3A_386 = arith.addi %mul3A_383, %mul3A_385 : i32
        %multiple_of3A_387 = tpu.assume_multiple %add3A_386, 8 : i32
        %dma_wait3A_388 = tpu.memref_slice %arg2[%multiple_of3A_387] : memref<320000xi32, #tpu.memory_space<hbm>> -> memref<40xi32, #tpu.memory_space<hbm>>
        %dma_wait3A_389 = tpu.memref_slice %arg2[%multiple_of3A_387] : memref<320000xi32, #tpu.memory_space<hbm>> -> memref<40xi32, #tpu.memory_space<hbm>>
        tpu.wait_dma2 semaphore(%arg23 : memref<!tpu.dma_semaphore, #tpu.memory_space<semaphore_mem>>) src(%dma_wait3A_389 : memref<40xi32, #tpu.memory_space<hbm>>) dst(%arg9 : memref<40xi32, #tpu.memory_space<vmem>>)
        %mul3A_390 = arith.constant 10000 : i32
        %mul3A_391 = arith.muli %add3A, %mul3A_390 : i32
        %mul3A_392 = arith.constant 40 : i32
        %mul3A_393 = arith.muli %add3A_371, %mul3A_392 : i32
        %add3A_394 = arith.addi %mul3A_391, %mul3A_393 : i32
        %multiple_of3A_395 = tpu.assume_multiple %add3A_394, 8 : i32
        %dma_wait3A_396 = tpu.memref_slice %arg3[%multiple_of3A_395] : memref<320000xi32, #tpu.memory_space<hbm>> -> memref<40xi32, #tpu.memory_space<hbm>>
        %dma_wait3A_397 = tpu.memref_slice %arg3[%multiple_of3A_395] : memref<320000xi32, #tpu.memory_space<hbm>> -> memref<40xi32, #tpu.memory_space<hbm>>
        tpu.wait_dma2 semaphore(%arg23 : memref<!tpu.dma_semaphore, #tpu.memory_space<semaphore_mem>>) src(%dma_wait3A_397 : memref<40xi32, #tpu.memory_space<hbm>>) dst(%arg13 : memref<40xi32, #tpu.memory_space<vmem>>)
        %dma_start3A_398 = arith.constant 0 : i32
        %dma_start3A_399 = arith.constant 0 : i32
        %dma_start3A_400 = tpu.memref_slice %arg4[%dma_start3A_398, %dma_start3A_399] : memref<10000x128xf32, #tpu.memory_space<hbm>> -> memref<10000x128xf32, #tpu.memory_space<hbm>>
        tpu.enqueue_indirect_dma source(%dma_start3A_400 : memref<10000x128xf32, #tpu.memory_space<hbm>>) target(%arg17 : memref<40x128xf32, #tpu.memory_space<vmem>>) offsets(%arg9 : memref<40xi32, #tpu.memory_space<vmem>>) semaphore(%arg31 : memref<!tpu.dma_semaphore, #tpu.memory_space<semaphore_mem>>) {add = true}
      } else {
      }
      %dma_wait3A_292 = arith.constant 0 : i32
      %dma_wait3A_293 = arith.constant 0 : i32
      %dma_wait3A_294 = tpu.memref_slice %arg4[%dma_wait3A_292, %dma_wait3A_293] : memref<10000x128xf32, #tpu.memory_space<hbm>> -> memref<10000x128xf32, #tpu.memory_space<hbm>>
      tpu.wait_indirect_dma semaphore(%arg30 : memref<!tpu.dma_semaphore, #tpu.memory_space<semaphore_mem>>) src(%dma_wait3A_294 : memref<10000x128xf32, #tpu.memory_space<hbm>>) dst(%arg16 : memref<40x128xf32, #tpu.memory_space<vmem>>)
      %parallel_loop3A_295 = arith.constant 0 : i32
      %parallel_loop3A_296 = arith.constant 40 : i32
      %parallel_loop3A_297 = arith.constant 1 : i32
      scf.for %parallel_loop3A_370 = %parallel_loop3A_295 to %parallel_loop3A_296 step %parallel_loop3A_297  : i32 {
        %parallel_loop3A_371 = arith.index_cast %parallel_loop3A_370 : i32 to index
        %parallel_loop3A_372 = arith.constant 0 : index
        %parallel_loop3A_373 = tpu.vector_load %arg16[%parallel_loop3A_371, %parallel_loop3A_372] {strides = array<i32>} : memref<40x128xf32, #tpu.memory_space<vmem>>, vector<1x16xf32>,
        %parallel_loop3A_374 = vector.shape_cast %parallel_loop3A_373 : vector<1x16xf32> to vector<16xf32>
        %parallel_loop3A_375 = arith.constant 0.000000e+00 : f32
        %parallel_loop3A_376 = vector.broadcast %parallel_loop3A_375 : f32 to vector<16xf32>
        %parallel_loop3A_377 = arith.maximumf %parallel_loop3A_374, %parallel_loop3A_376 : vector<16xf32>
        %parallel_loop3A_378 = arith.index_cast %parallel_loop3A_370 : i32 to index
        %parallel_loop3A_379 = arith.constant 0 : index
        %parallel_loop3A_380 = tpu.vector_load %arg16[%parallel_loop3A_378, %parallel_loop3A_379] {strides = array<i32>} : memref<40x128xf32, #tpu.memory_space<vmem>>, vector<1x16xf32>,
        %parallel_loop3A_381 = vector.shape_cast %parallel_loop3A_380 : vector<1x16xf32> to vector<16xf32>
        %parallel_loop3A_382 = vector.shape_cast %parallel_loop3A_377 : vector<16xf32> to vector<1x16xf32>
        tpu.vector_store %arg16[%parallel_loop3A_378, %parallel_loop3A_379], %parallel_loop3A_382 {strides = array<i32>} : memref<40x128xf32, #tpu.memory_space<vmem>>, vector<1x16xf32>,
        %parallel_loop3A_383 = arith.index_cast %parallel_loop3A_370 : i32 to index
        %parallel_loop3A_384 = arith.constant 16 : index
        %parallel_loop3A_385 = tpu.vector_load %arg16[%parallel_loop3A_383, %parallel_loop3A_384] {strides = array<i32>} : memref<40x128xf32, #tpu.memory_space<vmem>>, vector<1x16xf32>,
        %parallel_loop3A_386 = vector.shape_cast %parallel_loop3A_385 : vector<1x16xf32> to vector<16xf32>
        %parallel_loop3A_387 = arith.constant 0.000000e+00 : f32
        %parallel_loop3A_388 = vector.broadcast %parallel_loop3A_387 : f32 to vector<16xf32>
        %parallel_loop3A_389 = arith.maximumf %parallel_loop3A_386, %parallel_loop3A_388 : vector<16xf32>
        %parallel_loop3A_390 = arith.index_cast %parallel_loop3A_370 : i32 to index
        %parallel_loop3A_391 = arith.constant 16 : index
        %parallel_loop3A_392 = tpu.vector_load %arg16[%parallel_loop3A_390, %parallel_loop3A_391] {strides = array<i32>} : memref<40x128xf32, #tpu.memory_space<vmem>>, vector<1x16xf32>,
        %parallel_loop3A_393 = vector.shape_cast %parallel_loop3A_392 : vector<1x16xf32> to vector<16xf32>
        %parallel_loop3A_394 = vector.shape_cast %parallel_loop3A_389 : vector<16xf32> to vector<1x16xf32>
        tpu.vector_store %arg16[%parallel_loop3A_390, %parallel_loop3A_391], %parallel_loop3A_394 {strides = array<i32>} : memref<40x128xf32, #tpu.memory_space<vmem>>, vector<1x16xf32>,
        %parallel_loop3A_395 = arith.index_cast %parallel_loop3A_370 : i32 to index
        %parallel_loop3A_396 = arith.constant 32 : index
        %parallel_loop3A_397 = tpu.vector_load %arg16[%parallel_loop3A_395, %parallel_loop3A_396] {strides = array<i32>} : memref<40x128xf32, #tpu.memory_space<vmem>>, vector<1x16xf32>,
        %parallel_loop3A_398 = vector.shape_cast %parallel_loop3A_397 : vector<1x16xf32> to vector<16xf32>
        %parallel_loop3A_399 = arith.constant 0.000000e+00 : f32
        %parallel_loop3A_400 = vector.broadcast %parallel_loop3A_399 : f32 to vector<16xf32>
        %parallel_loop3A_401 = arith.maximumf %parallel_loop3A_398, %parallel_loop3A_400 : vector<16xf32>
        %parallel_loop3A_402 = arith.index_cast %parallel_loop3A_370 : i32 to index
        %parallel_loop3A_403 = arith.constant 32 : index
        %parallel_loop3A_404 = tpu.vector_load %arg16[%parallel_loop3A_402, %parallel_loop3A_403] {strides = array<i32>} : memref<40x128xf32, #tpu.memory_space<vmem>>, vector<1x16xf32>,
        %parallel_loop3A_405 = vector.shape_cast %parallel_loop3A_404 : vector<1x16xf32> to vector<16xf32>
        %parallel_loop3A_406 = vector.shape_cast %parallel_loop3A_401 : vector<16xf32> to vector<1x16xf32>
        tpu.vector_store %arg16[%parallel_loop3A_402, %parallel_loop3A_403], %parallel_loop3A_406 {strides = array<i32>} : memref<40x128xf32, #tpu.memory_space<vmem>>, vector<1x16xf32>,
        %parallel_loop3A_407 = arith.index_cast %parallel_loop3A_370 : i32 to index
        %parallel_loop3A_408 = arith.constant 48 : index
        %parallel_loop3A_409 = tpu.vector_load %arg16[%parallel_loop3A_407, %parallel_loop3A_408] {strides = array<i32>} : memref<40x128xf32, #tpu.memory_space<vmem>>, vector<1x16xf32>,
        %parallel_loop3A_410 = vector.shape_cast %parallel_loop3A_409 : vector<1x16xf32> to vector<16xf32>
        %parallel_loop3A_411 = arith.constant 0.000000e+00 : f32
        %parallel_loop3A_412 = vector.broadcast %parallel_loop3A_411 : f32 to vector<16xf32>
        %parallel_loop3A_413 = arith.maximumf %parallel_loop3A_410, %parallel_loop3A_412 : vector<16xf32>
        %parallel_loop3A_414 = arith.index_cast %parallel_loop3A_370 : i32 to index
        %parallel_loop3A_415 = arith.constant 48 : index
        %parallel_loop3A_416 = tpu.vector_load %arg16[%parallel_loop3A_414, %parallel_loop3A_415] {strides = array<i32>} : memref<40x128xf32, #tpu.memory_space<vmem>>, vector<1x16xf32>,
        %parallel_loop3A_417 = vector.shape_cast %parallel_loop3A_416 : vector<1x16xf32> to vector<16xf32>
        %parallel_loop3A_418 = vector.shape_cast %parallel_loop3A_413 : vector<16xf32> to vector<1x16xf32>
        tpu.vector_store %arg16[%parallel_loop3A_414, %parallel_loop3A_415], %parallel_loop3A_418 {strides = array<i32>} : memref<40x128xf32, #tpu.memory_space<vmem>>, vector<1x16xf32>,
        %parallel_loop3A_419 = arith.index_cast %parallel_loop3A_370 : i32 to index
        %parallel_loop3A_420 = arith.constant 64 : index
        %parallel_loop3A_421 = tpu.vector_load %arg16[%parallel_loop3A_419, %parallel_loop3A_420] {strides = array<i32>} : memref<40x128xf32, #tpu.memory_space<vmem>>, vector<1x16xf32>,
        %parallel_loop3A_422 = vector.shape_cast %parallel_loop3A_421 : vector<1x16xf32> to vector<16xf32>
        %parallel_loop3A_423 = arith.constant 0.000000e+00 : f32
        %parallel_loop3A_424 = vector.broadcast %parallel_loop3A_423 : f32 to vector<16xf32>
        %parallel_loop3A_425 = arith.maximumf %parallel_loop3A_422, %parallel_loop3A_424 : vector<16xf32>
        %parallel_loop3A_426 = arith.index_cast %parallel_loop3A_370 : i32 to index
        %parallel_loop3A_427 = arith.constant 64 : index
        %parallel_loop3A_428 = tpu.vector_load %arg16[%parallel_loop3A_426, %parallel_loop3A_427] {strides = array<i32>} : memref<40x128xf32, #tpu.memory_space<vmem>>, vector<1x16xf32>,
        %parallel_loop3A_429 = vector.shape_cast %parallel_loop3A_428 : vector<1x16xf32> to vector<16xf32>
        %parallel_loop3A_430 = vector.shape_cast %parallel_loop3A_425 : vector<16xf32> to vector<1x16xf32>
        tpu.vector_store %arg16[%parallel_loop3A_426, %parallel_loop3A_427], %parallel_loop3A_430 {strides = array<i32>} : memref<40x128xf32, #tpu.memory_space<vmem>>, vector<1x16xf32>,
        %parallel_loop3A_431 = arith.index_cast %parallel_loop3A_370 : i32 to index
        %parallel_loop3A_432 = arith.constant 80 : index
        %parallel_loop3A_433 = tpu.vector_load %arg16[%parallel_loop3A_431, %parallel_loop3A_432] {strides = array<i32>} : memref<40x128xf32, #tpu.memory_space<vmem>>, vector<1x16xf32>,
        %parallel_loop3A_434 = vector.shape_cast %parallel_loop3A_433 : vector<1x16xf32> to vector<16xf32>
        %parallel_loop3A_435 = arith.constant 0.000000e+00 : f32
        %parallel_loop3A_436 = vector.broadcast %parallel_loop3A_435 : f32 to vector<16xf32>
        %parallel_loop3A_437 = arith.maximumf %parallel_loop3A_434, %parallel_loop3A_436 : vector<16xf32>
        %parallel_loop3A_438 = arith.index_cast %parallel_loop3A_370 : i32 to index
        %parallel_loop3A_439 = arith.constant 80 : index
        %parallel_loop3A_440 = tpu.vector_load %arg16[%parallel_loop3A_438, %parallel_loop3A_439] {strides = array<i32>} : memref<40x128xf32, #tpu.memory_space<vmem>>, vector<1x16xf32>,
        %parallel_loop3A_441 = vector.shape_cast %parallel_loop3A_440 : vector<1x16xf32> to vector<16xf32>
        %parallel_loop3A_442 = vector.shape_cast %parallel_loop3A_437 : vector<16xf32> to vector<1x16xf32>
        tpu.vector_store %arg16[%parallel_loop3A_438, %parallel_loop3A_439], %parallel_loop3A_442 {strides = array<i32>} : memref<40x128xf32, #tpu.memory_space<vmem>>, vector<1x16xf32>,
        %parallel_loop3A_443 = arith.index_cast %parallel_loop3A_370 : i32 to index
        %parallel_loop3A_444 = arith.constant 96 : index
        %parallel_loop3A_445 = tpu.vector_load %arg16[%parallel_loop3A_443, %parallel_loop3A_444] {strides = array<i32>} : memref<40x128xf32, #tpu.memory_space<vmem>>, vector<1x16xf32>,
        %parallel_loop3A_446 = vector.shape_cast %parallel_loop3A_445 : vector<1x16xf32> to vector<16xf32>
        %parallel_loop3A_447 = arith.constant 0.000000e+00 : f32
        %parallel_loop3A_448 = vector.broadcast %parallel_loop3A_447 : f32 to vector<16xf32>
        %parallel_loop3A_449 = arith.maximumf %parallel_loop3A_446, %parallel_loop3A_448 : vector<16xf32>
        %parallel_loop3A_450 = arith.index_cast %parallel_loop3A_370 : i32 to index
        %parallel_loop3A_451 = arith.constant 96 : index
        %parallel_loop3A_452 = tpu.vector_load %arg16[%parallel_loop3A_450, %parallel_loop3A_451] {strides = array<i32>} : memref<40x128xf32, #tpu.memory_space<vmem>>, vector<1x16xf32>,
        %parallel_loop3A_453 = vector.shape_cast %parallel_loop3A_452 : vector<1x16xf32> to vector<16xf32>
        %parallel_loop3A_454 = vector.shape_cast %parallel_loop3A_449 : vector<16xf32> to vector<1x16xf32>
        tpu.vector_store %arg16[%parallel_loop3A_450, %parallel_loop3A_451], %parallel_loop3A_454 {strides = array<i32>} : memref<40x128xf32, #tpu.memory_space<vmem>>, vector<1x16xf32>,
        %parallel_loop3A_455 = arith.index_cast %parallel_loop3A_370 : i32 to index
        %parallel_loop3A_456 = arith.constant 112 : index
        %parallel_loop3A_457 = tpu.vector_load %arg16[%parallel_loop3A_455, %parallel_loop3A_456] {strides = array<i32>} : memref<40x128xf32, #tpu.memory_space<vmem>>, vector<1x16xf32>,
        %parallel_loop3A_458 = vector.shape_cast %parallel_loop3A_457 : vector<1x16xf32> to vector<16xf32>
        %parallel_loop3A_459 = arith.constant 0.000000e+00 : f32
        %parallel_loop3A_460 = vector.broadcast %parallel_loop3A_459 : f32 to vector<16xf32>
        %parallel_loop3A_461 = arith.maximumf %parallel_loop3A_458, %parallel_loop3A_460 : vector<16xf32>
        %parallel_loop3A_462 = arith.index_cast %parallel_loop3A_370 : i32 to index
        %parallel_loop3A_463 = arith.constant 112 : index
        %parallel_loop3A_464 = tpu.vector_load %arg16[%parallel_loop3A_462, %parallel_loop3A_463] {strides = array<i32>} : memref<40x128xf32, #tpu.memory_space<vmem>>, vector<1x16xf32>,
        %parallel_loop3A_465 = vector.shape_cast %parallel_loop3A_464 : vector<1x16xf32> to vector<16xf32>
        %parallel_loop3A_466 = vector.shape_cast %parallel_loop3A_461 : vector<16xf32> to vector<1x16xf32>
        tpu.vector_store %arg16[%parallel_loop3A_462, %parallel_loop3A_463], %parallel_loop3A_466 {strides = array<i32>} : memref<40x128xf32, #tpu.memory_space<vmem>>, vector<1x16xf32>,
      } {sc.loop_unroll_factor = 8 : i64, sc.parallel_access}
      %ge3A_298 = arith.constant 1 : i32
      %ge3A_299 = arith.cmpi sge, %add3A_277, %ge3A_298 : i32
      %convert_element_type3A_300 = arith.extui %ge3A_299 : i1 to i32
      %cond3A_301 = arith.constant 0 : i32
      %cond3A_302 = arith.cmpi ne, %convert_element_type3A_300, %cond3A_301 : i32
      scf.if %cond3A_302 {
        %dma_wait3A_370 = arith.constant 0 : i32
        %dma_wait3A_371 = arith.constant 0 : i32
        %dma_wait3A_372 = tpu.memref_slice %arg20[%dma_wait3A_370, %dma_wait3A_371] : memref<10240x128xf32, #tpu.memory_space<vmem_shared>> -> memref<10240x128xf32, #tpu.memory_space<vmem_shared>>
        tpu.wait_indirect_dma semaphore(%arg33 : memref<!tpu.dma_semaphore, #tpu.memory_space<semaphore_mem>>) src(%arg15 : memref<40x128xf32, #tpu.memory_space<vmem>>) dst(%dma_wait3A_372 : memref<10240x128xf32, #tpu.memory_space<vmem_shared>>)
      } else {
      }
      %dma_start3A_303 = arith.constant 0 : i32
      %dma_start3A_304 = arith.constant 0 : i32
      %dma_start3A_305 = tpu.memref_slice %arg20[%dma_start3A_303, %dma_start3A_304] : memref<10240x128xf32, #tpu.memory_space<vmem_shared>> -> memref<10240x128xf32, #tpu.memory_space<vmem_shared>>
      tpu.enqueue_indirect_dma source(%arg16 : memref<40x128xf32, #tpu.memory_space<vmem>>) target(%dma_start3A_305 : memref<10240x128xf32, #tpu.memory_space<vmem_shared>>) offsets(%arg12 : memref<40xi32, #tpu.memory_space<vmem>>) semaphore(%arg33 : memref<!tpu.dma_semaphore, #tpu.memory_space<semaphore_mem>>) {add = true}
      %mul3A_306 = arith.constant 4 : i32
      %mul3A_307 = arith.muli %mul3A_306, %scan3A_245 : i32
      %add3A_308 = arith.constant 2 : i32
      %add3A_309 = arith.addi %mul3A_307, %add3A_308 : i32
      %add3A_310 = arith.constant 2 : i32
      %add3A_311 = arith.addi %add3A_309, %add3A_310 : i32
      %lt3A_312 = arith.constant 250 : i32
      %lt3A_313 = arith.cmpi slt, %add3A_311, %lt3A_312 : i32
      %convert_element_type3A_314 = arith.extui %lt3A_313 : i1 to i32
      %cond3A_315 = arith.constant 0 : i32
      %cond3A_316 = arith.cmpi ne, %convert_element_type3A_314, %cond3A_315 : i32
      scf.if %cond3A_316 {
        %add3A_370 = arith.constant 2 : i32
        %add3A_371 = arith.addi %add3A_309, %add3A_370 : i32
        %mul3A_372 = arith.constant 10000 : i32
        %mul3A_373 = arith.muli %add3A, %mul3A_372 : i32
        %mul3A_374 = arith.constant 40 : i32
        %mul3A_375 = arith.muli %add3A_371, %mul3A_374 : i32
        %add3A_376 = arith.addi %mul3A_373, %mul3A_375 : i32
        %multiple_of3A_377 = tpu.assume_multiple %add3A_376, 8 : i32
        %dma_start3A_378 = tpu.memref_slice %arg2[%multiple_of3A_377] : memref<320000xi32, #tpu.memory_space<hbm>> -> memref<40xi32, #tpu.memory_space<hbm>>
        %dma_start3A_379 = tpu.memref_slice %arg2[%multiple_of3A_377] : memref<320000xi32, #tpu.memory_space<hbm>> -> memref<40xi32, #tpu.memory_space<hbm>>
        tpu.enqueue_dma source(%dma_start3A_379 : memref<40xi32, #tpu.memory_space<hbm>>) target(%arg7 : memref<40xi32, #tpu.memory_space<vmem>>) target_semaphore(%arg21 : memref<!tpu.dma_semaphore, #tpu.memory_space<semaphore_mem>>)
        %mul3A_380 = arith.constant 10000 : i32
        %mul3A_381 = arith.muli %add3A, %mul3A_380 : i32
        %mul3A_382 = arith.constant 40 : i32
        %mul3A_383 = arith.muli %add3A_371, %mul3A_382 : i32
        %add3A_384 = arith.addi %mul3A_381, %mul3A_383 : i32
        %multiple_of3A_385 = tpu.assume_multiple %add3A_384, 8 : i32
        %dma_start3A_386 = tpu.memref_slice %arg3[%multiple_of3A_385] : memref<320000xi32, #tpu.memory_space<hbm>> -> memref<40xi32, #tpu.memory_space<hbm>>
        %dma_start3A_387 = tpu.memref_slice %arg3[%multiple_of3A_385] : memref<320000xi32, #tpu.memory_space<hbm>> -> memref<40xi32, #tpu.memory_space<hbm>>
        tpu.enqueue_dma source(%dma_start3A_387 : memref<40xi32, #tpu.memory_space<hbm>>) target(%arg11 : memref<40xi32, #tpu.memory_space<vmem>>) target_semaphore(%arg21 : memref<!tpu.dma_semaphore, #tpu.memory_space<semaphore_mem>>)
        %add3A_388 = arith.constant 2 : i32
        %add3A_389 = arith.addi %add3A_309, %add3A_388 : i32
        %mul3A_390 = arith.constant 10000 : i32
        %mul3A_391 = arith.muli %add3A, %mul3A_390 : i32
        %mul3A_392 = arith.constant 40 : i32
        %mul3A_393 = arith.muli %add3A_389, %mul3A_392 : i32
        %add3A_394 = arith.addi %mul3A_391, %mul3A_393 : i32
        %multiple_of3A_395 = tpu.assume_multiple %add3A_394, 8 : i32
        %dma_start3A_396 = arith.constant 0 : i32
        %dma_start3A_397 = tpu.memref_slice %arg5[%multiple_of3A_395, %dma_start3A_396] : memref<320000x128xf32, #tpu.memory_space<hbm>> -> memref<40x128xf32, #tpu.memory_space<hbm>>
        %dma_start3A_398 = arith.constant 0 : i32
        %dma_start3A_399 = tpu.memref_slice %arg5[%multiple_of3A_395, %dma_start3A_398] : memref<320000x128xf32, #tpu.memory_space<hbm>> -> memref<40x128xf32, #tpu.memory_space<hbm>>
        tpu.enqueue_dma source(%dma_start3A_399 : memref<40x128xf32, #tpu.memory_space<hbm>>) target(%arg15 : memref<40x128xf32, #tpu.memory_space<vmem>>) target_semaphore(%arg25 : memref<!tpu.dma_semaphore, #tpu.memory_space<semaphore_mem>>)
      } else {
      }
      %add3A_317 = arith.constant 1 : i32
      %add3A_318 = arith.addi %add3A_309, %add3A_317 : i32
      %lt3A_319 = arith.constant 250 : i32
      %lt3A_320 = arith.cmpi slt, %add3A_318, %lt3A_319 : i32
      %convert_element_type3A_321 = arith.extui %lt3A_320 : i1 to i32
      %cond3A_322 = arith.constant 0 : i32
      %cond3A_323 = arith.cmpi ne, %convert_element_type3A_321, %cond3A_322 : i32
      scf.if %cond3A_323 {
        %add3A_370 = arith.constant 1 : i32
        %add3A_371 = arith.addi %add3A_309, %add3A_370 : i32
        %mul3A_372 = arith.constant 10000 : i32
        %mul3A_373 = arith.muli %add3A, %mul3A_372 : i32
        %mul3A_374 = arith.constant 40 : i32
        %mul3A_375 = arith.muli %add3A_371, %mul3A_374 : i32
        %add3A_376 = arith.addi %mul3A_373, %mul3A_375 : i32
        %multiple_of3A_377 = tpu.assume_multiple %add3A_376, 8 : i32
        %dma_wait3A_378 = arith.constant 0 : i32
        %dma_wait3A_379 = tpu.memref_slice %arg5[%multiple_of3A_377, %dma_wait3A_378] : memref<320000x128xf32, #tpu.memory_space<hbm>> -> memref<40x128xf32, #tpu.memory_space<hbm>>
        %dma_wait3A_380 = arith.constant 0 : i32
        %dma_wait3A_381 = tpu.memref_slice %arg5[%multiple_of3A_377, %dma_wait3A_380] : memref<320000x128xf32, #tpu.memory_space<hbm>> -> memref<40x128xf32, #tpu.memory_space<hbm>>
        tpu.wait_dma2 semaphore(%arg28 : memref<!tpu.dma_semaphore, #tpu.memory_space<semaphore_mem>>) src(%dma_wait3A_381 : memref<40x128xf32, #tpu.memory_space<hbm>>) dst(%arg18 : memref<40x128xf32, #tpu.memory_space<vmem>>)
        %mul3A_382 = arith.constant 10000 : i32
        %mul3A_383 = arith.muli %add3A, %mul3A_382 : i32
        %mul3A_384 = arith.constant 40 : i32
        %mul3A_385 = arith.muli %add3A_371, %mul3A_384 : i32
        %add3A_386 = arith.addi %mul3A_383, %mul3A_385 : i32
        %multiple_of3A_387 = tpu.assume_multiple %add3A_386, 8 : i32
        %dma_wait3A_388 = tpu.memref_slice %arg2[%multiple_of3A_387] : memref<320000xi32, #tpu.memory_space<hbm>> -> memref<40xi32, #tpu.memory_space<hbm>>
        %dma_wait3A_389 = tpu.memref_slice %arg2[%multiple_of3A_387] : memref<320000xi32, #tpu.memory_space<hbm>> -> memref<40xi32, #tpu.memory_space<hbm>>
        tpu.wait_dma2 semaphore(%arg24 : memref<!tpu.dma_semaphore, #tpu.memory_space<semaphore_mem>>) src(%dma_wait3A_389 : memref<40xi32, #tpu.memory_space<hbm>>) dst(%arg10 : memref<40xi32, #tpu.memory_space<vmem>>)
        %mul3A_390 = arith.constant 10000 : i32
        %mul3A_391 = arith.muli %add3A, %mul3A_390 : i32
        %mul3A_392 = arith.constant 40 : i32
        %mul3A_393 = arith.muli %add3A_371, %mul3A_392 : i32
        %add3A_394 = arith.addi %mul3A_391, %mul3A_393 : i32
        %multiple_of3A_395 = tpu.assume_multiple %add3A_394, 8 : i32
        %dma_wait3A_396 = tpu.memref_slice %arg3[%multiple_of3A_395] : memref<320000xi32, #tpu.memory_space<hbm>> -> memref<40xi32, #tpu.memory_space<hbm>>
        %dma_wait3A_397 = tpu.memref_slice %arg3[%multiple_of3A_395] : memref<320000xi32, #tpu.memory_space<hbm>> -> memref<40xi32, #tpu.memory_space<hbm>>
        tpu.wait_dma2 semaphore(%arg24 : memref<!tpu.dma_semaphore, #tpu.memory_space<semaphore_mem>>) src(%dma_wait3A_397 : memref<40xi32, #tpu.memory_space<hbm>>) dst(%arg14 : memref<40xi32, #tpu.memory_space<vmem>>)
        %dma_start3A_398 = arith.constant 0 : i32
        %dma_start3A_399 = arith.constant 0 : i32
        %dma_start3A_400 = tpu.memref_slice %arg4[%dma_start3A_398, %dma_start3A_399] : memref<10000x128xf32, #tpu.memory_space<hbm>> -> memref<10000x128xf32, #tpu.memory_space<hbm>>
        tpu.enqueue_indirect_dma source(%dma_start3A_400 : memref<10000x128xf32, #tpu.memory_space<hbm>>) target(%arg18 : memref<40x128xf32, #tpu.memory_space<vmem>>) offsets(%arg10 : memref<40xi32, #tpu.memory_space<vmem>>) semaphore(%arg32 : memref<!tpu.dma_semaphore, #tpu.memory_space<semaphore_mem>>) {add = true}
      } else {
      }
      %dma_wait3A_324 = arith.constant 0 : i32
      %dma_wait3A_325 = arith.constant 0 : i32
      %dma_wait3A_326 = tpu.memref_slice %arg4[%dma_wait3A_324, %dma_wait3A_325] : memref<10000x128xf32, #tpu.memory_space<hbm>> -> memref<10000x128xf32, #tpu.memory_space<hbm>>
      tpu.wait_indirect_dma semaphore(%arg31 : memref<!tpu.dma_semaphore, #tpu.memory_space<semaphore_mem>>) src(%dma_wait3A_326 : memref<10000x128xf32, #tpu.memory_space<hbm>>) dst(%arg17 : memref<40x128xf32, #tpu.memory_space<vmem>>)
      %parallel_loop3A_327 = arith.constant 0 : i32
      %parallel_loop3A_328 = arith.constant 40 : i32
      %parallel_loop3A_329 = arith.constant 1 : i32
      scf.for %parallel_loop3A_370 = %parallel_loop3A_327 to %parallel_loop3A_328 step %parallel_loop3A_329  : i32 {
        %parallel_loop3A_371 = arith.index_cast %parallel_loop3A_370 : i32 to index
        %parallel_loop3A_372 = arith.constant 0 : index
        %parallel_loop3A_373 = tpu.vector_load %arg17[%parallel_loop3A_371, %parallel_loop3A_372] {strides = array<i32>} : memref<40x128xf32, #tpu.memory_space<vmem>>, vector<1x16xf32>,
        %parallel_loop3A_374 = vector.shape_cast %parallel_loop3A_373 : vector<1x16xf32> to vector<16xf32>
        %parallel_loop3A_375 = arith.constant 0.000000e+00 : f32
        %parallel_loop3A_376 = vector.broadcast %parallel_loop3A_375 : f32 to vector<16xf32>
        %parallel_loop3A_377 = arith.maximumf %parallel_loop3A_374, %parallel_loop3A_376 : vector<16xf32>
        %parallel_loop3A_378 = arith.index_cast %parallel_loop3A_370 : i32 to index
        %parallel_loop3A_379 = arith.constant 0 : index
        %parallel_loop3A_380 = tpu.vector_load %arg17[%parallel_loop3A_378, %parallel_loop3A_379] {strides = array<i32>} : memref<40x128xf32, #tpu.memory_space<vmem>>, vector<1x16xf32>,
        %parallel_loop3A_381 = vector.shape_cast %parallel_loop3A_380 : vector<1x16xf32> to vector<16xf32>
        %parallel_loop3A_382 = vector.shape_cast %parallel_loop3A_377 : vector<16xf32> to vector<1x16xf32>
        tpu.vector_store %arg17[%parallel_loop3A_378, %parallel_loop3A_379], %parallel_loop3A_382 {strides = array<i32>} : memref<40x128xf32, #tpu.memory_space<vmem>>, vector<1x16xf32>,
        %parallel_loop3A_383 = arith.index_cast %parallel_loop3A_370 : i32 to index
        %parallel_loop3A_384 = arith.constant 16 : index
        %parallel_loop3A_385 = tpu.vector_load %arg17[%parallel_loop3A_383, %parallel_loop3A_384] {strides = array<i32>} : memref<40x128xf32, #tpu.memory_space<vmem>>, vector<1x16xf32>,
        %parallel_loop3A_386 = vector.shape_cast %parallel_loop3A_385 : vector<1x16xf32> to vector<16xf32>
        %parallel_loop3A_387 = arith.constant 0.000000e+00 : f32
        %parallel_loop3A_388 = vector.broadcast %parallel_loop3A_387 : f32 to vector<16xf32>
        %parallel_loop3A_389 = arith.maximumf %parallel_loop3A_386, %parallel_loop3A_388 : vector<16xf32>
        %parallel_loop3A_390 = arith.index_cast %parallel_loop3A_370 : i32 to index
        %parallel_loop3A_391 = arith.constant 16 : index
        %parallel_loop3A_392 = tpu.vector_load %arg17[%parallel_loop3A_390, %parallel_loop3A_391] {strides = array<i32>} : memref<40x128xf32, #tpu.memory_space<vmem>>, vector<1x16xf32>,
        %parallel_loop3A_393 = vector.shape_cast %parallel_loop3A_392 : vector<1x16xf32> to vector<16xf32>
        %parallel_loop3A_394 = vector.shape_cast %parallel_loop3A_389 : vector<16xf32> to vector<1x16xf32>
        tpu.vector_store %arg17[%parallel_loop3A_390, %parallel_loop3A_391], %parallel_loop3A_394 {strides = array<i32>} : memref<40x128xf32, #tpu.memory_space<vmem>>, vector<1x16xf32>,
        %parallel_loop3A_395 = arith.index_cast %parallel_loop3A_370 : i32 to index
        %parallel_loop3A_396 = arith.constant 32 : index
        %parallel_loop3A_397 = tpu.vector_load %arg17[%parallel_loop3A_395, %parallel_loop3A_396] {strides = array<i32>} : memref<40x128xf32, #tpu.memory_space<vmem>>, vector<1x16xf32>,
        %parallel_loop3A_398 = vector.shape_cast %parallel_loop3A_397 : vector<1x16xf32> to vector<16xf32>
        %parallel_loop3A_399 = arith.constant 0.000000e+00 : f32
        %parallel_loop3A_400 = vector.broadcast %parallel_loop3A_399 : f32 to vector<16xf32>
        %parallel_loop3A_401 = arith.maximumf %parallel_loop3A_398, %parallel_loop3A_400 : vector<16xf32>
        %parallel_loop3A_402 = arith.index_cast %parallel_loop3A_370 : i32 to index
        %parallel_loop3A_403 = arith.constant 32 : index
        %parallel_loop3A_404 = tpu.vector_load %arg17[%parallel_loop3A_402, %parallel_loop3A_403] {strides = array<i32>} : memref<40x128xf32, #tpu.memory_space<vmem>>, vector<1x16xf32>,
        %parallel_loop3A_405 = vector.shape_cast %parallel_loop3A_404 : vector<1x16xf32> to vector<16xf32>
        %parallel_loop3A_406 = vector.shape_cast %parallel_loop3A_401 : vector<16xf32> to vector<1x16xf32>
        tpu.vector_store %arg17[%parallel_loop3A_402, %parallel_loop3A_403], %parallel_loop3A_406 {strides = array<i32>} : memref<40x128xf32, #tpu.memory_space<vmem>>, vector<1x16xf32>,
        %parallel_loop3A_407 = arith.index_cast %parallel_loop3A_370 : i32 to index
        %parallel_loop3A_408 = arith.constant 48 : index
        %parallel_loop3A_409 = tpu.vector_load %arg17[%parallel_loop3A_407, %parallel_loop3A_408] {strides = array<i32>} : memref<40x128xf32, #tpu.memory_space<vmem>>, vector<1x16xf32>,
        %parallel_loop3A_410 = vector.shape_cast %parallel_loop3A_409 : vector<1x16xf32> to vector<16xf32>
        %parallel_loop3A_411 = arith.constant 0.000000e+00 : f32
        %parallel_loop3A_412 = vector.broadcast %parallel_loop3A_411 : f32 to vector<16xf32>
        %parallel_loop3A_413 = arith.maximumf %parallel_loop3A_410, %parallel_loop3A_412 : vector<16xf32>
        %parallel_loop3A_414 = arith.index_cast %parallel_loop3A_370 : i32 to index
        %parallel_loop3A_415 = arith.constant 48 : index
        %parallel_loop3A_416 = tpu.vector_load %arg17[%parallel_loop3A_414, %parallel_loop3A_415] {strides = array<i32>} : memref<40x128xf32, #tpu.memory_space<vmem>>, vector<1x16xf32>,
        %parallel_loop3A_417 = vector.shape_cast %parallel_loop3A_416 : vector<1x16xf32> to vector<16xf32>
        %parallel_loop3A_418 = vector.shape_cast %parallel_loop3A_413 : vector<16xf32> to vector<1x16xf32>
        tpu.vector_store %arg17[%parallel_loop3A_414, %parallel_loop3A_415], %parallel_loop3A_418 {strides = array<i32>} : memref<40x128xf32, #tpu.memory_space<vmem>>, vector<1x16xf32>,
        %parallel_loop3A_419 = arith.index_cast %parallel_loop3A_370 : i32 to index
        %parallel_loop3A_420 = arith.constant 64 : index
        %parallel_loop3A_421 = tpu.vector_load %arg17[%parallel_loop3A_419, %parallel_loop3A_420] {strides = array<i32>} : memref<40x128xf32, #tpu.memory_space<vmem>>, vector<1x16xf32>,
        %parallel_loop3A_422 = vector.shape_cast %parallel_loop3A_421 : vector<1x16xf32> to vector<16xf32>
        %parallel_loop3A_423 = arith.constant 0.000000e+00 : f32
        %parallel_loop3A_424 = vector.broadcast %parallel_loop3A_423 : f32 to vector<16xf32>
        %parallel_loop3A_425 = arith.maximumf %parallel_loop3A_422, %parallel_loop3A_424 : vector<16xf32>
        %parallel_loop3A_426 = arith.index_cast %parallel_loop3A_370 : i32 to index
        %parallel_loop3A_427 = arith.constant 64 : index
        %parallel_loop3A_428 = tpu.vector_load %arg17[%parallel_loop3A_426, %parallel_loop3A_427] {strides = array<i32>} : memref<40x128xf32, #tpu.memory_space<vmem>>, vector<1x16xf32>,
        %parallel_loop3A_429 = vector.shape_cast %parallel_loop3A_428 : vector<1x16xf32> to vector<16xf32>
        %parallel_loop3A_430 = vector.shape_cast %parallel_loop3A_425 : vector<16xf32> to vector<1x16xf32>
        tpu.vector_store %arg17[%parallel_loop3A_426, %parallel_loop3A_427], %parallel_loop3A_430 {strides = array<i32>} : memref<40x128xf32, #tpu.memory_space<vmem>>, vector<1x16xf32>,
        %parallel_loop3A_431 = arith.index_cast %parallel_loop3A_370 : i32 to index
        %parallel_loop3A_432 = arith.constant 80 : index
        %parallel_loop3A_433 = tpu.vector_load %arg17[%parallel_loop3A_431, %parallel_loop3A_432] {strides = array<i32>} : memref<40x128xf32, #tpu.memory_space<vmem>>, vector<1x16xf32>,
        %parallel_loop3A_434 = vector.shape_cast %parallel_loop3A_433 : vector<1x16xf32> to vector<16xf32>
        %parallel_loop3A_435 = arith.constant 0.000000e+00 : f32
        %parallel_loop3A_436 = vector.broadcast %parallel_loop3A_435 : f32 to vector<16xf32>
        %parallel_loop3A_437 = arith.maximumf %parallel_loop3A_434, %parallel_loop3A_436 : vector<16xf32>
        %parallel_loop3A_438 = arith.index_cast %parallel_loop3A_370 : i32 to index
        %parallel_loop3A_439 = arith.constant 80 : index
        %parallel_loop3A_440 = tpu.vector_load %arg17[%parallel_loop3A_438, %parallel_loop3A_439] {strides = array<i32>} : memref<40x128xf32, #tpu.memory_space<vmem>>, vector<1x16xf32>,
        %parallel_loop3A_441 = vector.shape_cast %parallel_loop3A_440 : vector<1x16xf32> to vector<16xf32>
        %parallel_loop3A_442 = vector.shape_cast %parallel_loop3A_437 : vector<16xf32> to vector<1x16xf32>
        tpu.vector_store %arg17[%parallel_loop3A_438, %parallel_loop3A_439], %parallel_loop3A_442 {strides = array<i32>} : memref<40x128xf32, #tpu.memory_space<vmem>>, vector<1x16xf32>,
        %parallel_loop3A_443 = arith.index_cast %parallel_loop3A_370 : i32 to index
        %parallel_loop3A_444 = arith.constant 96 : index
        %parallel_loop3A_445 = tpu.vector_load %arg17[%parallel_loop3A_443, %parallel_loop3A_444] {strides = array<i32>} : memref<40x128xf32, #tpu.memory_space<vmem>>, vector<1x16xf32>,
        %parallel_loop3A_446 = vector.shape_cast %parallel_loop3A_445 : vector<1x16xf32> to vector<16xf32>
        %parallel_loop3A_447 = arith.constant 0.000000e+00 : f32
        %parallel_loop3A_448 = vector.broadcast %parallel_loop3A_447 : f32 to vector<16xf32>
        %parallel_loop3A_449 = arith.maximumf %parallel_loop3A_446, %parallel_loop3A_448 : vector<16xf32>
        %parallel_loop3A_450 = arith.index_cast %parallel_loop3A_370 : i32 to index
        %parallel_loop3A_451 = arith.constant 96 : index
        %parallel_loop3A_452 = tpu.vector_load %arg17[%parallel_loop3A_450, %parallel_loop3A_451] {strides = array<i32>} : memref<40x128xf32, #tpu.memory_space<vmem>>, vector<1x16xf32>,
        %parallel_loop3A_453 = vector.shape_cast %parallel_loop3A_452 : vector<1x16xf32> to vector<16xf32>
        %parallel_loop3A_454 = vector.shape_cast %parallel_loop3A_449 : vector<16xf32> to vector<1x16xf32>
        tpu.vector_store %arg17[%parallel_loop3A_450, %parallel_loop3A_451], %parallel_loop3A_454 {strides = array<i32>} : memref<40x128xf32, #tpu.memory_space<vmem>>, vector<1x16xf32>,
        %parallel_loop3A_455 = arith.index_cast %parallel_loop3A_370 : i32 to index
        %parallel_loop3A_456 = arith.constant 112 : index
        %parallel_loop3A_457 = tpu.vector_load %arg17[%parallel_loop3A_455, %parallel_loop3A_456] {strides = array<i32>} : memref<40x128xf32, #tpu.memory_space<vmem>>, vector<1x16xf32>,
        %parallel_loop3A_458 = vector.shape_cast %parallel_loop3A_457 : vector<1x16xf32> to vector<16xf32>
        %parallel_loop3A_459 = arith.constant 0.000000e+00 : f32
        %parallel_loop3A_460 = vector.broadcast %parallel_loop3A_459 : f32 to vector<16xf32>
        %parallel_loop3A_461 = arith.maximumf %parallel_loop3A_458, %parallel_loop3A_460 : vector<16xf32>
        %parallel_loop3A_462 = arith.index_cast %parallel_loop3A_370 : i32 to index
        %parallel_loop3A_463 = arith.constant 112 : index
        %parallel_loop3A_464 = tpu.vector_load %arg17[%parallel_loop3A_462, %parallel_loop3A_463] {strides = array<i32>} : memref<40x128xf32, #tpu.memory_space<vmem>>, vector<1x16xf32>,
        %parallel_loop3A_465 = vector.shape_cast %parallel_loop3A_464 : vector<1x16xf32> to vector<16xf32>
        %parallel_loop3A_466 = vector.shape_cast %parallel_loop3A_461 : vector<16xf32> to vector<1x16xf32>
        tpu.vector_store %arg17[%parallel_loop3A_462, %parallel_loop3A_463], %parallel_loop3A_466 {strides = array<i32>} : memref<40x128xf32, #tpu.memory_space<vmem>>, vector<1x16xf32>,
      } {sc.loop_unroll_factor = 8 : i64, sc.parallel_access}
      %ge3A_330 = arith.constant 1 : i32
      %ge3A_331 = arith.cmpi sge, %add3A_309, %ge3A_330 : i32
      %convert_element_type3A_332 = arith.extui %ge3A_331 : i1 to i32
      %cond3A_333 = arith.constant 0 : i32
      %cond3A_334 = arith.cmpi ne, %convert_element_type3A_332, %cond3A_333 : i32
      scf.if %cond3A_334 {
        %dma_wait3A_370 = arith.constant 0 : i32
        %dma_wait3A_371 = arith.constant 0 : i32
        %dma_wait3A_372 = tpu.memref_slice %arg20[%dma_wait3A_370, %dma_wait3A_371] : memref<10240x128xf32, #tpu.memory_space<vmem_shared>> -> memref<10240x128xf32, #tpu.memory_space<vmem_shared>>
        tpu.wait_indirect_dma semaphore(%arg33 : memref<!tpu.dma_semaphore, #tpu.memory_space<semaphore_mem>>) src(%arg16 : memref<40x128xf32, #tpu.memory_space<vmem>>) dst(%dma_wait3A_372 : memref<10240x128xf32, #tpu.memory_space<vmem_shared>>)
      } else {
      }
      %dma_start3A_335 = arith.constant 0 : i32
      %dma_start3A_336 = arith.constant 0 : i32
      %dma_start3A_337 = tpu.memref_slice %arg20[%dma_start3A_335, %dma_start3A_336] : memref<10240x128xf32, #tpu.memory_space<vmem_shared>> -> memref<10240x128xf32, #tpu.memory_space<vmem_shared>>
      tpu.enqueue_indirect_dma source(%arg17 : memref<40x128xf32, #tpu.memory_space<vmem>>) target(%dma_start3A_337 : memref<10240x128xf32, #tpu.memory_space<vmem_shared>>) offsets(%arg13 : memref<40xi32, #tpu.memory_space<vmem>>) semaphore(%arg33 : memref<!tpu.dma_semaphore, #tpu.memory_space<semaphore_mem>>) {add = true}
      %mul3A_338 = arith.constant 4 : i32
      %mul3A_339 = arith.muli %mul3A_338, %scan3A_245 : i32
      %add3A_340 = arith.constant 3 : i32
      %add3A_341 = arith.addi %mul3A_339, %add3A_340 : i32
      %add3A_342 = arith.constant 2 : i32
      %add3A_343 = arith.addi %add3A_341, %add3A_342 : i32
      %lt3A_344 = arith.constant 250 : i32
      %lt3A_345 = arith.cmpi slt, %add3A_343, %lt3A_344 : i32
      %convert_element_type3A_346 = arith.extui %lt3A_345 : i1 to i32
      %cond3A_347 = arith.constant 0 : i32
      %cond3A_348 = arith.cmpi ne, %convert_element_type3A_346, %cond3A_347 : i32
      scf.if %cond3A_348 {
        %add3A_370 = arith.constant 2 : i32
        %add3A_371 = arith.addi %add3A_341, %add3A_370 : i32
        %mul3A_372 = arith.constant 10000 : i32
        %mul3A_373 = arith.muli %add3A, %mul3A_372 : i32
        %mul3A_374 = arith.constant 40 : i32
        %mul3A_375 = arith.muli %add3A_371, %mul3A_374 : i32
        %add3A_376 = arith.addi %mul3A_373, %mul3A_375 : i32
        %multiple_of3A_377 = tpu.assume_multiple %add3A_376, 8 : i32
        %dma_start3A_378 = tpu.memref_slice %arg2[%multiple_of3A_377] : memref<320000xi32, #tpu.memory_space<hbm>> -> memref<40xi32, #tpu.memory_space<hbm>>
        %dma_start3A_379 = tpu.memref_slice %arg2[%multiple_of3A_377] : memref<320000xi32, #tpu.memory_space<hbm>> -> memref<40xi32, #tpu.memory_space<hbm>>
        tpu.enqueue_dma source(%dma_start3A_379 : memref<40xi32, #tpu.memory_space<hbm>>) target(%arg8 : memref<40xi32, #tpu.memory_space<vmem>>) target_semaphore(%arg22 : memref<!tpu.dma_semaphore, #tpu.memory_space<semaphore_mem>>)
        %mul3A_380 = arith.constant 10000 : i32
        %mul3A_381 = arith.muli %add3A, %mul3A_380 : i32
        %mul3A_382 = arith.constant 40 : i32
        %mul3A_383 = arith.muli %add3A_371, %mul3A_382 : i32
        %add3A_384 = arith.addi %mul3A_381, %mul3A_383 : i32
        %multiple_of3A_385 = tpu.assume_multiple %add3A_384, 8 : i32
        %dma_start3A_386 = tpu.memref_slice %arg3[%multiple_of3A_385] : memref<320000xi32, #tpu.memory_space<hbm>> -> memref<40xi32, #tpu.memory_space<hbm>>
        %dma_start3A_387 = tpu.memref_slice %arg3[%multiple_of3A_385] : memref<320000xi32, #tpu.memory_space<hbm>> -> memref<40xi32, #tpu.memory_space<hbm>>
        tpu.enqueue_dma source(%dma_start3A_387 : memref<40xi32, #tpu.memory_space<hbm>>) target(%arg12 : memref<40xi32, #tpu.memory_space<vmem>>) target_semaphore(%arg22 : memref<!tpu.dma_semaphore, #tpu.memory_space<semaphore_mem>>)
        %add3A_388 = arith.constant 2 : i32
        %add3A_389 = arith.addi %add3A_341, %add3A_388 : i32
        %mul3A_390 = arith.constant 10000 : i32
        %mul3A_391 = arith.muli %add3A, %mul3A_390 : i32
        %mul3A_392 = arith.constant 40 : i32
        %mul3A_393 = arith.muli %add3A_389, %mul3A_392 : i32
        %add3A_394 = arith.addi %mul3A_391, %mul3A_393 : i32
        %multiple_of3A_395 = tpu.assume_multiple %add3A_394, 8 : i32
        %dma_start3A_396 = arith.constant 0 : i32
        %dma_start3A_397 = tpu.memref_slice %arg5[%multiple_of3A_395, %dma_start3A_396] : memref<320000x128xf32, #tpu.memory_space<hbm>> -> memref<40x128xf32, #tpu.memory_space<hbm>>
        %dma_start3A_398 = arith.constant 0 : i32
        %dma_start3A_399 = tpu.memref_slice %arg5[%multiple_of3A_395, %dma_start3A_398] : memref<320000x128xf32, #tpu.memory_space<hbm>> -> memref<40x128xf32, #tpu.memory_space<hbm>>
        tpu.enqueue_dma source(%dma_start3A_399 : memref<40x128xf32, #tpu.memory_space<hbm>>) target(%arg16 : memref<40x128xf32, #tpu.memory_space<vmem>>) target_semaphore(%arg26 : memref<!tpu.dma_semaphore, #tpu.memory_space<semaphore_mem>>)
      } else {
      }
      %add3A_349 = arith.constant 1 : i32
      %add3A_350 = arith.addi %add3A_341, %add3A_349 : i32
      %lt3A_351 = arith.constant 250 : i32
      %lt3A_352 = arith.cmpi slt, %add3A_350, %lt3A_351 : i32
      %convert_element_type3A_353 = arith.extui %lt3A_352 : i1 to i32
      %cond3A_354 = arith.constant 0 : i32
      %cond3A_355 = arith.cmpi ne, %convert_element_type3A_353, %cond3A_354 : i32
      scf.if %cond3A_355 {
        %add3A_370 = arith.constant 1 : i32
        %add3A_371 = arith.addi %add3A_341, %add3A_370 : i32
        %mul3A_372 = arith.constant 10000 : i32
        %mul3A_373 = arith.muli %add3A, %mul3A_372 : i32
        %mul3A_374 = arith.constant 40 : i32
        %mul3A_375 = arith.muli %add3A_371, %mul3A_374 : i32
        %add3A_376 = arith.addi %mul3A_373, %mul3A_375 : i32
        %multiple_of3A_377 = tpu.assume_multiple %add3A_376, 8 : i32
        %dma_wait3A_378 = arith.constant 0 : i32
        %dma_wait3A_379 = tpu.memref_slice %arg5[%multiple_of3A_377, %dma_wait3A_378] : memref<320000x128xf32, #tpu.memory_space<hbm>> -> memref<40x128xf32, #tpu.memory_space<hbm>>
        %dma_wait3A_380 = arith.constant 0 : i32
        %dma_wait3A_381 = tpu.memref_slice %arg5[%multiple_of3A_377, %dma_wait3A_380] : memref<320000x128xf32, #tpu.memory_space<hbm>> -> memref<40x128xf32, #tpu.memory_space<hbm>>
        tpu.wait_dma2 semaphore(%arg25 : memref<!tpu.dma_semaphore, #tpu.memory_space<semaphore_mem>>) src(%dma_wait3A_381 : memref<40x128xf32, #tpu.memory_space<hbm>>) dst(%arg15 : memref<40x128xf32, #tpu.memory_space<vmem>>)
        %mul3A_382 = arith.constant 10000 : i32
        %mul3A_383 = arith.muli %add3A, %mul3A_382 : i32
        %mul3A_384 = arith.constant 40 : i32
        %mul3A_385 = arith.muli %add3A_371, %mul3A_384 : i32
        %add3A_386 = arith.addi %mul3A_383, %mul3A_385 : i32
        %multiple_of3A_387 = tpu.assume_multiple %add3A_386, 8 : i32
        %dma_wait3A_388 = tpu.memref_slice %arg2[%multiple_of3A_387] : memref<320000xi32, #tpu.memory_space<hbm>> -> memref<40xi32, #tpu.memory_space<hbm>>
        %dma_wait3A_389 = tpu.memref_slice %arg2[%multiple_of3A_387] : memref<320000xi32, #tpu.memory_space<hbm>> -> memref<40xi32, #tpu.memory_space<hbm>>
        tpu.wait_dma2 semaphore(%arg21 : memref<!tpu.dma_semaphore, #tpu.memory_space<semaphore_mem>>) src(%dma_wait3A_389 : memref<40xi32, #tpu.memory_space<hbm>>) dst(%arg7 : memref<40xi32, #tpu.memory_space<vmem>>)
        %mul3A_390 = arith.constant 10000 : i32
        %mul3A_391 = arith.muli %add3A, %mul3A_390 : i32
        %mul3A_392 = arith.constant 40 : i32
        %mul3A_393 = arith.muli %add3A_371, %mul3A_392 : i32
        %add3A_394 = arith.addi %mul3A_391, %mul3A_393 : i32
        %multiple_of3A_395 = tpu.assume_multiple %add3A_394, 8 : i32
        %dma_wait3A_396 = tpu.memref_slice %arg3[%multiple_of3A_395] : memref<320000xi32, #tpu.memory_space<hbm>> -> memref<40xi32, #tpu.memory_space<hbm>>
        %dma_wait3A_397 = tpu.memref_slice %arg3[%multiple_of3A_395] : memref<320000xi32, #tpu.memory_space<hbm>> -> memref<40xi32, #tpu.memory_space<hbm>>
        tpu.wait_dma2 semaphore(%arg21 : memref<!tpu.dma_semaphore, #tpu.memory_space<semaphore_mem>>) src(%dma_wait3A_397 : memref<40xi32, #tpu.memory_space<hbm>>) dst(%arg11 : memref<40xi32, #tpu.memory_space<vmem>>)
        %dma_start3A_398 = arith.constant 0 : i32
        %dma_start3A_399 = arith.constant 0 : i32
        %dma_start3A_400 = tpu.memref_slice %arg4[%dma_start3A_398, %dma_start3A_399] : memref<10000x128xf32, #tpu.memory_space<hbm>> -> memref<10000x128xf32, #tpu.memory_space<hbm>>
        tpu.enqueue_indirect_dma source(%dma_start3A_400 : memref<10000x128xf32, #tpu.memory_space<hbm>>) target(%arg15 : memref<40x128xf32, #tpu.memory_space<vmem>>) offsets(%arg7 : memref<40xi32, #tpu.memory_space<vmem>>) semaphore(%arg29 : memref<!tpu.dma_semaphore, #tpu.memory_space<semaphore_mem>>) {add = true}
      } else {
      }
      %dma_wait3A_356 = arith.constant 0 : i32
      %dma_wait3A_357 = arith.constant 0 : i32
      %dma_wait3A_358 = tpu.memref_slice %arg4[%dma_wait3A_356, %dma_wait3A_357] : memref<10000x128xf32, #tpu.memory_space<hbm>> -> memref<10000x128xf32, #tpu.memory_space<hbm>>
      tpu.wait_indirect_dma semaphore(%arg32 : memref<!tpu.dma_semaphore, #tpu.memory_space<semaphore_mem>>) src(%dma_wait3A_358 : memref<10000x128xf32, #tpu.memory_space<hbm>>) dst(%arg18 : memref<40x128xf32, #tpu.memory_space<vmem>>)
      %parallel_loop3A_359 = arith.constant 0 : i32
      %parallel_loop3A_360 = arith.constant 40 : i32
      %parallel_loop3A_361 = arith.constant 1 : i32
      scf.for %parallel_loop3A_370 = %parallel_loop3A_359 to %parallel_loop3A_360 step %parallel_loop3A_361  : i32 {
        %parallel_loop3A_371 = arith.index_cast %parallel_loop3A_370 : i32 to index
        %parallel_loop3A_372 = arith.constant 0 : index
        %parallel_loop3A_373 = tpu.vector_load %arg18[%parallel_loop3A_371, %parallel_loop3A_372] {strides = array<i32>} : memref<40x128xf32, #tpu.memory_space<vmem>>, vector<1x16xf32>,
        %parallel_loop3A_374 = vector.shape_cast %parallel_loop3A_373 : vector<1x16xf32> to vector<16xf32>
        %parallel_loop3A_375 = arith.constant 0.000000e+00 : f32
        %parallel_loop3A_376 = vector.broadcast %parallel_loop3A_375 : f32 to vector<16xf32>
        %parallel_loop3A_377 = arith.maximumf %parallel_loop3A_374, %parallel_loop3A_376 : vector<16xf32>
        %parallel_loop3A_378 = arith.index_cast %parallel_loop3A_370 : i32 to index
        %parallel_loop3A_379 = arith.constant 0 : index
        %parallel_loop3A_380 = tpu.vector_load %arg18[%parallel_loop3A_378, %parallel_loop3A_379] {strides = array<i32>} : memref<40x128xf32, #tpu.memory_space<vmem>>, vector<1x16xf32>,
        %parallel_loop3A_381 = vector.shape_cast %parallel_loop3A_380 : vector<1x16xf32> to vector<16xf32>
        %parallel_loop3A_382 = vector.shape_cast %parallel_loop3A_377 : vector<16xf32> to vector<1x16xf32>
        tpu.vector_store %arg18[%parallel_loop3A_378, %parallel_loop3A_379], %parallel_loop3A_382 {strides = array<i32>} : memref<40x128xf32, #tpu.memory_space<vmem>>, vector<1x16xf32>,
        %parallel_loop3A_383 = arith.index_cast %parallel_loop3A_370 : i32 to index
        %parallel_loop3A_384 = arith.constant 16 : index
        %parallel_loop3A_385 = tpu.vector_load %arg18[%parallel_loop3A_383, %parallel_loop3A_384] {strides = array<i32>} : memref<40x128xf32, #tpu.memory_space<vmem>>, vector<1x16xf32>,
        %parallel_loop3A_386 = vector.shape_cast %parallel_loop3A_385 : vector<1x16xf32> to vector<16xf32>
        %parallel_loop3A_387 = arith.constant 0.000000e+00 : f32
        %parallel_loop3A_388 = vector.broadcast %parallel_loop3A_387 : f32 to vector<16xf32>
        %parallel_loop3A_389 = arith.maximumf %parallel_loop3A_386, %parallel_loop3A_388 : vector<16xf32>
        %parallel_loop3A_390 = arith.index_cast %parallel_loop3A_370 : i32 to index
        %parallel_loop3A_391 = arith.constant 16 : index
        %parallel_loop3A_392 = tpu.vector_load %arg18[%parallel_loop3A_390, %parallel_loop3A_391] {strides = array<i32>} : memref<40x128xf32, #tpu.memory_space<vmem>>, vector<1x16xf32>,
        %parallel_loop3A_393 = vector.shape_cast %parallel_loop3A_392 : vector<1x16xf32> to vector<16xf32>
        %parallel_loop3A_394 = vector.shape_cast %parallel_loop3A_389 : vector<16xf32> to vector<1x16xf32>
        tpu.vector_store %arg18[%parallel_loop3A_390, %parallel_loop3A_391], %parallel_loop3A_394 {strides = array<i32>} : memref<40x128xf32, #tpu.memory_space<vmem>>, vector<1x16xf32>,
        %parallel_loop3A_395 = arith.index_cast %parallel_loop3A_370 : i32 to index
        %parallel_loop3A_396 = arith.constant 32 : index
        %parallel_loop3A_397 = tpu.vector_load %arg18[%parallel_loop3A_395, %parallel_loop3A_396] {strides = array<i32>} : memref<40x128xf32, #tpu.memory_space<vmem>>, vector<1x16xf32>,
        %parallel_loop3A_398 = vector.shape_cast %parallel_loop3A_397 : vector<1x16xf32> to vector<16xf32>
        %parallel_loop3A_399 = arith.constant 0.000000e+00 : f32
        %parallel_loop3A_400 = vector.broadcast %parallel_loop3A_399 : f32 to vector<16xf32>
        %parallel_loop3A_401 = arith.maximumf %parallel_loop3A_398, %parallel_loop3A_400 : vector<16xf32>
        %parallel_loop3A_402 = arith.index_cast %parallel_loop3A_370 : i32 to index
        %parallel_loop3A_403 = arith.constant 32 : index
        %parallel_loop3A_404 = tpu.vector_load %arg18[%parallel_loop3A_402, %parallel_loop3A_403] {strides = array<i32>} : memref<40x128xf32, #tpu.memory_space<vmem>>, vector<1x16xf32>,
        %parallel_loop3A_405 = vector.shape_cast %parallel_loop3A_404 : vector<1x16xf32> to vector<16xf32>
        %parallel_loop3A_406 = vector.shape_cast %parallel_loop3A_401 : vector<16xf32> to vector<1x16xf32>
        tpu.vector_store %arg18[%parallel_loop3A_402, %parallel_loop3A_403], %parallel_loop3A_406 {strides = array<i32>} : memref<40x128xf32, #tpu.memory_space<vmem>>, vector<1x16xf32>,
        %parallel_loop3A_407 = arith.index_cast %parallel_loop3A_370 : i32 to index
        %parallel_loop3A_408 = arith.constant 48 : index
        %parallel_loop3A_409 = tpu.vector_load %arg18[%parallel_loop3A_407, %parallel_loop3A_408] {strides = array<i32>} : memref<40x128xf32, #tpu.memory_space<vmem>>, vector<1x16xf32>,
        %parallel_loop3A_410 = vector.shape_cast %parallel_loop3A_409 : vector<1x16xf32> to vector<16xf32>
        %parallel_loop3A_411 = arith.constant 0.000000e+00 : f32
        %parallel_loop3A_412 = vector.broadcast %parallel_loop3A_411 : f32 to vector<16xf32>
        %parallel_loop3A_413 = arith.maximumf %parallel_loop3A_410, %parallel_loop3A_412 : vector<16xf32>
        %parallel_loop3A_414 = arith.index_cast %parallel_loop3A_370 : i32 to index
        %parallel_loop3A_415 = arith.constant 48 : index
        %parallel_loop3A_416 = tpu.vector_load %arg18[%parallel_loop3A_414, %parallel_loop3A_415] {strides = array<i32>} : memref<40x128xf32, #tpu.memory_space<vmem>>, vector<1x16xf32>,
        %parallel_loop3A_417 = vector.shape_cast %parallel_loop3A_416 : vector<1x16xf32> to vector<16xf32>
        %parallel_loop3A_418 = vector.shape_cast %parallel_loop3A_413 : vector<16xf32> to vector<1x16xf32>
        tpu.vector_store %arg18[%parallel_loop3A_414, %parallel_loop3A_415], %parallel_loop3A_418 {strides = array<i32>} : memref<40x128xf32, #tpu.memory_space<vmem>>, vector<1x16xf32>,
        %parallel_loop3A_419 = arith.index_cast %parallel_loop3A_370 : i32 to index
        %parallel_loop3A_420 = arith.constant 64 : index
        %parallel_loop3A_421 = tpu.vector_load %arg18[%parallel_loop3A_419, %parallel_loop3A_420] {strides = array<i32>} : memref<40x128xf32, #tpu.memory_space<vmem>>, vector<1x16xf32>,
        %parallel_loop3A_422 = vector.shape_cast %parallel_loop3A_421 : vector<1x16xf32> to vector<16xf32>
        %parallel_loop3A_423 = arith.constant 0.000000e+00 : f32
        %parallel_loop3A_424 = vector.broadcast %parallel_loop3A_423 : f32 to vector<16xf32>
        %parallel_loop3A_425 = arith.maximumf %parallel_loop3A_422, %parallel_loop3A_424 : vector<16xf32>
        %parallel_loop3A_426 = arith.index_cast %parallel_loop3A_370 : i32 to index
        %parallel_loop3A_427 = arith.constant 64 : index
        %parallel_loop3A_428 = tpu.vector_load %arg18[%parallel_loop3A_426, %parallel_loop3A_427] {strides = array<i32>} : memref<40x128xf32, #tpu.memory_space<vmem>>, vector<1x16xf32>,
        %parallel_loop3A_429 = vector.shape_cast %parallel_loop3A_428 : vector<1x16xf32> to vector<16xf32>
        %parallel_loop3A_430 = vector.shape_cast %parallel_loop3A_425 : vector<16xf32> to vector<1x16xf32>
        tpu.vector_store %arg18[%parallel_loop3A_426, %parallel_loop3A_427], %parallel_loop3A_430 {strides = array<i32>} : memref<40x128xf32, #tpu.memory_space<vmem>>, vector<1x16xf32>,
        %parallel_loop3A_431 = arith.index_cast %parallel_loop3A_370 : i32 to index
        %parallel_loop3A_432 = arith.constant 80 : index
        %parallel_loop3A_433 = tpu.vector_load %arg18[%parallel_loop3A_431, %parallel_loop3A_432] {strides = array<i32>} : memref<40x128xf32, #tpu.memory_space<vmem>>, vector<1x16xf32>,
        %parallel_loop3A_434 = vector.shape_cast %parallel_loop3A_433 : vector<1x16xf32> to vector<16xf32>
        %parallel_loop3A_435 = arith.constant 0.000000e+00 : f32
        %parallel_loop3A_436 = vector.broadcast %parallel_loop3A_435 : f32 to vector<16xf32>
        %parallel_loop3A_437 = arith.maximumf %parallel_loop3A_434, %parallel_loop3A_436 : vector<16xf32>
        %parallel_loop3A_438 = arith.index_cast %parallel_loop3A_370 : i32 to index
        %parallel_loop3A_439 = arith.constant 80 : index
        %parallel_loop3A_440 = tpu.vector_load %arg18[%parallel_loop3A_438, %parallel_loop3A_439] {strides = array<i32>} : memref<40x128xf32, #tpu.memory_space<vmem>>, vector<1x16xf32>,
        %parallel_loop3A_441 = vector.shape_cast %parallel_loop3A_440 : vector<1x16xf32> to vector<16xf32>
        %parallel_loop3A_442 = vector.shape_cast %parallel_loop3A_437 : vector<16xf32> to vector<1x16xf32>
        tpu.vector_store %arg18[%parallel_loop3A_438, %parallel_loop3A_439], %parallel_loop3A_442 {strides = array<i32>} : memref<40x128xf32, #tpu.memory_space<vmem>>, vector<1x16xf32>,
        %parallel_loop3A_443 = arith.index_cast %parallel_loop3A_370 : i32 to index
        %parallel_loop3A_444 = arith.constant 96 : index
        %parallel_loop3A_445 = tpu.vector_load %arg18[%parallel_loop3A_443, %parallel_loop3A_444] {strides = array<i32>} : memref<40x128xf32, #tpu.memory_space<vmem>>, vector<1x16xf32>,
        %parallel_loop3A_446 = vector.shape_cast %parallel_loop3A_445 : vector<1x16xf32> to vector<16xf32>
        %parallel_loop3A_447 = arith.constant 0.000000e+00 : f32
        %parallel_loop3A_448 = vector.broadcast %parallel_loop3A_447 : f32 to vector<16xf32>
        %parallel_loop3A_449 = arith.maximumf %parallel_loop3A_446, %parallel_loop3A_448 : vector<16xf32>
        %parallel_loop3A_450 = arith.index_cast %parallel_loop3A_370 : i32 to index
        %parallel_loop3A_451 = arith.constant 96 : index
        %parallel_loop3A_452 = tpu.vector_load %arg18[%parallel_loop3A_450, %parallel_loop3A_451] {strides = array<i32>} : memref<40x128xf32, #tpu.memory_space<vmem>>, vector<1x16xf32>,
        %parallel_loop3A_453 = vector.shape_cast %parallel_loop3A_452 : vector<1x16xf32> to vector<16xf32>
        %parallel_loop3A_454 = vector.shape_cast %parallel_loop3A_449 : vector<16xf32> to vector<1x16xf32>
        tpu.vector_store %arg18[%parallel_loop3A_450, %parallel_loop3A_451], %parallel_loop3A_454 {strides = array<i32>} : memref<40x128xf32, #tpu.memory_space<vmem>>, vector<1x16xf32>,
        %parallel_loop3A_455 = arith.index_cast %parallel_loop3A_370 : i32 to index
        %parallel_loop3A_456 = arith.constant 112 : index
        %parallel_loop3A_457 = tpu.vector_load %arg18[%parallel_loop3A_455, %parallel_loop3A_456] {strides = array<i32>} : memref<40x128xf32, #tpu.memory_space<vmem>>, vector<1x16xf32>,
        %parallel_loop3A_458 = vector.shape_cast %parallel_loop3A_457 : vector<1x16xf32> to vector<16xf32>
        %parallel_loop3A_459 = arith.constant 0.000000e+00 : f32
        %parallel_loop3A_460 = vector.broadcast %parallel_loop3A_459 : f32 to vector<16xf32>
        %parallel_loop3A_461 = arith.maximumf %parallel_loop3A_458, %parallel_loop3A_460 : vector<16xf32>
        %parallel_loop3A_462 = arith.index_cast %parallel_loop3A_370 : i32 to index
        %parallel_loop3A_463 = arith.constant 112 : index
        %parallel_loop3A_464 = tpu.vector_load %arg18[%parallel_loop3A_462, %parallel_loop3A_463] {strides = array<i32>} : memref<40x128xf32, #tpu.memory_space<vmem>>, vector<1x16xf32>,
        %parallel_loop3A_465 = vector.shape_cast %parallel_loop3A_464 : vector<1x16xf32> to vector<16xf32>
        %parallel_loop3A_466 = vector.shape_cast %parallel_loop3A_461 : vector<16xf32> to vector<1x16xf32>
        tpu.vector_store %arg18[%parallel_loop3A_462, %parallel_loop3A_463], %parallel_loop3A_466 {strides = array<i32>} : memref<40x128xf32, #tpu.memory_space<vmem>>, vector<1x16xf32>,
      } {sc.loop_unroll_factor = 8 : i64, sc.parallel_access}
      %ge3A_362 = arith.constant 1 : i32
      %ge3A_363 = arith.cmpi sge, %add3A_341, %ge3A_362 : i32
      %convert_element_type3A_364 = arith.extui %ge3A_363 : i1 to i32
      %cond3A_365 = arith.constant 0 : i32
      %cond3A_366 = arith.cmpi ne, %convert_element_type3A_364, %cond3A_365 : i32
      scf.if %cond3A_366 {
        %dma_wait3A_370 = arith.constant 0 : i32
        %dma_wait3A_371 = arith.constant 0 : i32
        %dma_wait3A_372 = tpu.memref_slice %arg20[%dma_wait3A_370, %dma_wait3A_371] : memref<10240x128xf32, #tpu.memory_space<vmem_shared>> -> memref<10240x128xf32, #tpu.memory_space<vmem_shared>>
        tpu.wait_indirect_dma semaphore(%arg33 : memref<!tpu.dma_semaphore, #tpu.memory_space<semaphore_mem>>) src(%arg17 : memref<40x128xf32, #tpu.memory_space<vmem>>) dst(%dma_wait3A_372 : memref<10240x128xf32, #tpu.memory_space<vmem_shared>>)
      } else {
      }
      %dma_start3A_367 = arith.constant 0 : i32
      %dma_start3A_368 = arith.constant 0 : i32
      %dma_start3A_369 = tpu.memref_slice %arg20[%dma_start3A_367, %dma_start3A_368] : memref<10240x128xf32, #tpu.memory_space<vmem_shared>> -> memref<10240x128xf32, #tpu.memory_space<vmem_shared>>
      tpu.enqueue_indirect_dma source(%arg18 : memref<40x128xf32, #tpu.memory_space<vmem>>) target(%dma_start3A_369 : memref<10240x128xf32, #tpu.memory_space<vmem_shared>>) offsets(%arg14 : memref<40xi32, #tpu.memory_space<vmem>>) semaphore(%arg33 : memref<!tpu.dma_semaphore, #tpu.memory_space<semaphore_mem>>) {add = true}
    }
    %scan3A_121 = arith.constant 62 : i32
    %mul3A_122 = arith.constant 10000 : i32
    %mul3A_123 = arith.muli %add3A, %mul3A_122 : i32
    %add3A_124 = arith.constant 9960 : i32
    %add3A_125 = arith.addi %mul3A_123, %add3A_124 : i32
    %multiple_of3A_126 = tpu.assume_multiple %add3A_125, 8 : i32
    %dma_wait3A_127 = arith.constant 0 : i32
    %dma_wait3A_128 = tpu.memref_slice %arg5[%multiple_of3A_126, %dma_wait3A_127] : memref<320000x128xf32, #tpu.memory_space<hbm>> -> memref<40x128xf32, #tpu.memory_space<hbm>>
    %dma_wait3A_129 = arith.constant 0 : i32
    %dma_wait3A_130 = tpu.memref_slice %arg5[%multiple_of3A_126, %dma_wait3A_129] : memref<320000x128xf32, #tpu.memory_space<hbm>> -> memref<40x128xf32, #tpu.memory_space<hbm>>
    tpu.wait_dma2 semaphore(%arg26 : memref<!tpu.dma_semaphore, #tpu.memory_space<semaphore_mem>>) src(%dma_wait3A_130 : memref<40x128xf32, #tpu.memory_space<hbm>>) dst(%arg16 : memref<40x128xf32, #tpu.memory_space<vmem>>)
    %mul3A_131 = arith.constant 10000 : i32
    %mul3A_132 = arith.muli %add3A, %mul3A_131 : i32
    %add3A_133 = arith.constant 9960 : i32
    %add3A_134 = arith.addi %mul3A_132, %add3A_133 : i32
    %multiple_of3A_135 = tpu.assume_multiple %add3A_134, 8 : i32
    %dma_wait3A_136 = tpu.memref_slice %arg2[%multiple_of3A_135] : memref<320000xi32, #tpu.memory_space<hbm>> -> memref<40xi32, #tpu.memory_space<hbm>>
    %dma_wait3A_137 = tpu.memref_slice %arg2[%multiple_of3A_135] : memref<320000xi32, #tpu.memory_space<hbm>> -> memref<40xi32, #tpu.memory_space<hbm>>
    tpu.wait_dma2 semaphore(%arg22 : memref<!tpu.dma_semaphore, #tpu.memory_space<semaphore_mem>>) src(%dma_wait3A_137 : memref<40xi32, #tpu.memory_space<hbm>>) dst(%arg8 : memref<40xi32, #tpu.memory_space<vmem>>)
    %mul3A_138 = arith.constant 10000 : i32
    %mul3A_139 = arith.muli %add3A, %mul3A_138 : i32
    %add3A_140 = arith.constant 9960 : i32
    %add3A_141 = arith.addi %mul3A_139, %add3A_140 : i32
    %multiple_of3A_142 = tpu.assume_multiple %add3A_141, 8 : i32
    %dma_wait3A_143 = tpu.memref_slice %arg3[%multiple_of3A_142] : memref<320000xi32, #tpu.memory_space<hbm>> -> memref<40xi32, #tpu.memory_space<hbm>>
    %dma_wait3A_144 = tpu.memref_slice %arg3[%multiple_of3A_142] : memref<320000xi32, #tpu.memory_space<hbm>> -> memref<40xi32, #tpu.memory_space<hbm>>
    tpu.wait_dma2 semaphore(%arg22 : memref<!tpu.dma_semaphore, #tpu.memory_space<semaphore_mem>>) src(%dma_wait3A_144 : memref<40xi32, #tpu.memory_space<hbm>>) dst(%arg12 : memref<40xi32, #tpu.memory_space<vmem>>)
    %dma_start3A_145 = arith.constant 0 : i32
    %dma_start3A_146 = arith.constant 0 : i32
    %dma_start3A_147 = tpu.memref_slice %arg4[%dma_start3A_145, %dma_start3A_146] : memref<10000x128xf32, #tpu.memory_space<hbm>> -> memref<10000x128xf32, #tpu.memory_space<hbm>>
    tpu.enqueue_indirect_dma source(%dma_start3A_147 : memref<10000x128xf32, #tpu.memory_space<hbm>>) target(%arg16 : memref<40x128xf32, #tpu.memory_space<vmem>>) offsets(%arg8 : memref<40xi32, #tpu.memory_space<vmem>>) semaphore(%arg30 : memref<!tpu.dma_semaphore, #tpu.memory_space<semaphore_mem>>) {add = true}
    %dma_wait3A_148 = arith.constant 0 : i32
    %dma_wait3A_149 = arith.constant 0 : i32
    %dma_wait3A_150 = tpu.memref_slice %arg4[%dma_wait3A_148, %dma_wait3A_149] : memref<10000x128xf32, #tpu.memory_space<hbm>> -> memref<10000x128xf32, #tpu.memory_space<hbm>>
    tpu.wait_indirect_dma semaphore(%arg29 : memref<!tpu.dma_semaphore, #tpu.memory_space<semaphore_mem>>) src(%dma_wait3A_150 : memref<10000x128xf32, #tpu.memory_space<hbm>>) dst(%arg15 : memref<40x128xf32, #tpu.memory_space<vmem>>)
    %parallel_loop3A = arith.constant 0 : i32
    %parallel_loop3A_151 = arith.constant 40 : i32
    %parallel_loop3A_152 = arith.constant 1 : i32
    scf.for %parallel_loop3A_245 = %parallel_loop3A to %parallel_loop3A_151 step %parallel_loop3A_152  : i32 {
      %parallel_loop3A_246 = arith.index_cast %parallel_loop3A_245 : i32 to index
      %parallel_loop3A_247 = arith.constant 0 : index
      %parallel_loop3A_248 = tpu.vector_load %arg15[%parallel_loop3A_246, %parallel_loop3A_247] {strides = array<i32>} : memref<40x128xf32, #tpu.memory_space<vmem>>, vector<1x16xf32>,
      %parallel_loop3A_249 = vector.shape_cast %parallel_loop3A_248 : vector<1x16xf32> to vector<16xf32>
      %parallel_loop3A_250 = arith.constant 0.000000e+00 : f32
      %parallel_loop3A_251 = vector.broadcast %parallel_loop3A_250 : f32 to vector<16xf32>
      %parallel_loop3A_252 = arith.maximumf %parallel_loop3A_249, %parallel_loop3A_251 : vector<16xf32>
      %parallel_loop3A_253 = arith.index_cast %parallel_loop3A_245 : i32 to index
      %parallel_loop3A_254 = arith.constant 0 : index
      %parallel_loop3A_255 = tpu.vector_load %arg15[%parallel_loop3A_253, %parallel_loop3A_254] {strides = array<i32>} : memref<40x128xf32, #tpu.memory_space<vmem>>, vector<1x16xf32>,
      %parallel_loop3A_256 = vector.shape_cast %parallel_loop3A_255 : vector<1x16xf32> to vector<16xf32>
      %parallel_loop3A_257 = vector.shape_cast %parallel_loop3A_252 : vector<16xf32> to vector<1x16xf32>
      tpu.vector_store %arg15[%parallel_loop3A_253, %parallel_loop3A_254], %parallel_loop3A_257 {strides = array<i32>} : memref<40x128xf32, #tpu.memory_space<vmem>>, vector<1x16xf32>,
      %parallel_loop3A_258 = arith.index_cast %parallel_loop3A_245 : i32 to index
      %parallel_loop3A_259 = arith.constant 16 : index
      %parallel_loop3A_260 = tpu.vector_load %arg15[%parallel_loop3A_258, %parallel_loop3A_259] {strides = array<i32>} : memref<40x128xf32, #tpu.memory_space<vmem>>, vector<1x16xf32>,
      %parallel_loop3A_261 = vector.shape_cast %parallel_loop3A_260 : vector<1x16xf32> to vector<16xf32>
      %parallel_loop3A_262 = arith.constant 0.000000e+00 : f32
      %parallel_loop3A_263 = vector.broadcast %parallel_loop3A_262 : f32 to vector<16xf32>
      %parallel_loop3A_264 = arith.maximumf %parallel_loop3A_261, %parallel_loop3A_263 : vector<16xf32>
      %parallel_loop3A_265 = arith.index_cast %parallel_loop3A_245 : i32 to index
      %parallel_loop3A_266 = arith.constant 16 : index
      %parallel_loop3A_267 = tpu.vector_load %arg15[%parallel_loop3A_265, %parallel_loop3A_266] {strides = array<i32>} : memref<40x128xf32, #tpu.memory_space<vmem>>, vector<1x16xf32>,
      %parallel_loop3A_268 = vector.shape_cast %parallel_loop3A_267 : vector<1x16xf32> to vector<16xf32>
      %parallel_loop3A_269 = vector.shape_cast %parallel_loop3A_264 : vector<16xf32> to vector<1x16xf32>
      tpu.vector_store %arg15[%parallel_loop3A_265, %parallel_loop3A_266], %parallel_loop3A_269 {strides = array<i32>} : memref<40x128xf32, #tpu.memory_space<vmem>>, vector<1x16xf32>,
      %parallel_loop3A_270 = arith.index_cast %parallel_loop3A_245 : i32 to index
      %parallel_loop3A_271 = arith.constant 32 : index
      %parallel_loop3A_272 = tpu.vector_load %arg15[%parallel_loop3A_270, %parallel_loop3A_271] {strides = array<i32>} : memref<40x128xf32, #tpu.memory_space<vmem>>, vector<1x16xf32>,
      %parallel_loop3A_273 = vector.shape_cast %parallel_loop3A_272 : vector<1x16xf32> to vector<16xf32>
      %parallel_loop3A_274 = arith.constant 0.000000e+00 : f32
      %parallel_loop3A_275 = vector.broadcast %parallel_loop3A_274 : f32 to vector<16xf32>
      %parallel_loop3A_276 = arith.maximumf %parallel_loop3A_273, %parallel_loop3A_275 : vector<16xf32>
      %parallel_loop3A_277 = arith.index_cast %parallel_loop3A_245 : i32 to index
      %parallel_loop3A_278 = arith.constant 32 : index
      %parallel_loop3A_279 = tpu.vector_load %arg15[%parallel_loop3A_277, %parallel_loop3A_278] {strides = array<i32>} : memref<40x128xf32, #tpu.memory_space<vmem>>, vector<1x16xf32>,
      %parallel_loop3A_280 = vector.shape_cast %parallel_loop3A_279 : vector<1x16xf32> to vector<16xf32>
      %parallel_loop3A_281 = vector.shape_cast %parallel_loop3A_276 : vector<16xf32> to vector<1x16xf32>
      tpu.vector_store %arg15[%parallel_loop3A_277, %parallel_loop3A_278], %parallel_loop3A_281 {strides = array<i32>} : memref<40x128xf32, #tpu.memory_space<vmem>>, vector<1x16xf32>,
      %parallel_loop3A_282 = arith.index_cast %parallel_loop3A_245 : i32 to index
      %parallel_loop3A_283 = arith.constant 48 : index
      %parallel_loop3A_284 = tpu.vector_load %arg15[%parallel_loop3A_282, %parallel_loop3A_283] {strides = array<i32>} : memref<40x128xf32, #tpu.memory_space<vmem>>, vector<1x16xf32>,
      %parallel_loop3A_285 = vector.shape_cast %parallel_loop3A_284 : vector<1x16xf32> to vector<16xf32>
      %parallel_loop3A_286 = arith.constant 0.000000e+00 : f32
      %parallel_loop3A_287 = vector.broadcast %parallel_loop3A_286 : f32 to vector<16xf32>
      %parallel_loop3A_288 = arith.maximumf %parallel_loop3A_285, %parallel_loop3A_287 : vector<16xf32>
      %parallel_loop3A_289 = arith.index_cast %parallel_loop3A_245 : i32 to index
      %parallel_loop3A_290 = arith.constant 48 : index
      %parallel_loop3A_291 = tpu.vector_load %arg15[%parallel_loop3A_289, %parallel_loop3A_290] {strides = array<i32>} : memref<40x128xf32, #tpu.memory_space<vmem>>, vector<1x16xf32>,
      %parallel_loop3A_292 = vector.shape_cast %parallel_loop3A_291 : vector<1x16xf32> to vector<16xf32>
      %parallel_loop3A_293 = vector.shape_cast %parallel_loop3A_288 : vector<16xf32> to vector<1x16xf32>
      tpu.vector_store %arg15[%parallel_loop3A_289, %parallel_loop3A_290], %parallel_loop3A_293 {strides = array<i32>} : memref<40x128xf32, #tpu.memory_space<vmem>>, vector<1x16xf32>,
      %parallel_loop3A_294 = arith.index_cast %parallel_loop3A_245 : i32 to index
      %parallel_loop3A_295 = arith.constant 64 : index
      %parallel_loop3A_296 = tpu.vector_load %arg15[%parallel_loop3A_294, %parallel_loop3A_295] {strides = array<i32>} : memref<40x128xf32, #tpu.memory_space<vmem>>, vector<1x16xf32>,
      %parallel_loop3A_297 = vector.shape_cast %parallel_loop3A_296 : vector<1x16xf32> to vector<16xf32>
      %parallel_loop3A_298 = arith.constant 0.000000e+00 : f32
      %parallel_loop3A_299 = vector.broadcast %parallel_loop3A_298 : f32 to vector<16xf32>
      %parallel_loop3A_300 = arith.maximumf %parallel_loop3A_297, %parallel_loop3A_299 : vector<16xf32>
      %parallel_loop3A_301 = arith.index_cast %parallel_loop3A_245 : i32 to index
      %parallel_loop3A_302 = arith.constant 64 : index
      %parallel_loop3A_303 = tpu.vector_load %arg15[%parallel_loop3A_301, %parallel_loop3A_302] {strides = array<i32>} : memref<40x128xf32, #tpu.memory_space<vmem>>, vector<1x16xf32>,
      %parallel_loop3A_304 = vector.shape_cast %parallel_loop3A_303 : vector<1x16xf32> to vector<16xf32>
      %parallel_loop3A_305 = vector.shape_cast %parallel_loop3A_300 : vector<16xf32> to vector<1x16xf32>
      tpu.vector_store %arg15[%parallel_loop3A_301, %parallel_loop3A_302], %parallel_loop3A_305 {strides = array<i32>} : memref<40x128xf32, #tpu.memory_space<vmem>>, vector<1x16xf32>,
      %parallel_loop3A_306 = arith.index_cast %parallel_loop3A_245 : i32 to index
      %parallel_loop3A_307 = arith.constant 80 : index
      %parallel_loop3A_308 = tpu.vector_load %arg15[%parallel_loop3A_306, %parallel_loop3A_307] {strides = array<i32>} : memref<40x128xf32, #tpu.memory_space<vmem>>, vector<1x16xf32>,
      %parallel_loop3A_309 = vector.shape_cast %parallel_loop3A_308 : vector<1x16xf32> to vector<16xf32>
      %parallel_loop3A_310 = arith.constant 0.000000e+00 : f32
      %parallel_loop3A_311 = vector.broadcast %parallel_loop3A_310 : f32 to vector<16xf32>
      %parallel_loop3A_312 = arith.maximumf %parallel_loop3A_309, %parallel_loop3A_311 : vector<16xf32>
      %parallel_loop3A_313 = arith.index_cast %parallel_loop3A_245 : i32 to index
      %parallel_loop3A_314 = arith.constant 80 : index
      %parallel_loop3A_315 = tpu.vector_load %arg15[%parallel_loop3A_313, %parallel_loop3A_314] {strides = array<i32>} : memref<40x128xf32, #tpu.memory_space<vmem>>, vector<1x16xf32>,
      %parallel_loop3A_316 = vector.shape_cast %parallel_loop3A_315 : vector<1x16xf32> to vector<16xf32>
      %parallel_loop3A_317 = vector.shape_cast %parallel_loop3A_312 : vector<16xf32> to vector<1x16xf32>
      tpu.vector_store %arg15[%parallel_loop3A_313, %parallel_loop3A_314], %parallel_loop3A_317 {strides = array<i32>} : memref<40x128xf32, #tpu.memory_space<vmem>>, vector<1x16xf32>,
      %parallel_loop3A_318 = arith.index_cast %parallel_loop3A_245 : i32 to index
      %parallel_loop3A_319 = arith.constant 96 : index
      %parallel_loop3A_320 = tpu.vector_load %arg15[%parallel_loop3A_318, %parallel_loop3A_319] {strides = array<i32>} : memref<40x128xf32, #tpu.memory_space<vmem>>, vector<1x16xf32>,
      %parallel_loop3A_321 = vector.shape_cast %parallel_loop3A_320 : vector<1x16xf32> to vector<16xf32>
      %parallel_loop3A_322 = arith.constant 0.000000e+00 : f32
      %parallel_loop3A_323 = vector.broadcast %parallel_loop3A_322 : f32 to vector<16xf32>
      %parallel_loop3A_324 = arith.maximumf %parallel_loop3A_321, %parallel_loop3A_323 : vector<16xf32>
      %parallel_loop3A_325 = arith.index_cast %parallel_loop3A_245 : i32 to index
      %parallel_loop3A_326 = arith.constant 96 : index
      %parallel_loop3A_327 = tpu.vector_load %arg15[%parallel_loop3A_325, %parallel_loop3A_326] {strides = array<i32>} : memref<40x128xf32, #tpu.memory_space<vmem>>, vector<1x16xf32>,
      %parallel_loop3A_328 = vector.shape_cast %parallel_loop3A_327 : vector<1x16xf32> to vector<16xf32>
      %parallel_loop3A_329 = vector.shape_cast %parallel_loop3A_324 : vector<16xf32> to vector<1x16xf32>
      tpu.vector_store %arg15[%parallel_loop3A_325, %parallel_loop3A_326], %parallel_loop3A_329 {strides = array<i32>} : memref<40x128xf32, #tpu.memory_space<vmem>>, vector<1x16xf32>,
      %parallel_loop3A_330 = arith.index_cast %parallel_loop3A_245 : i32 to index
      %parallel_loop3A_331 = arith.constant 112 : index
      %parallel_loop3A_332 = tpu.vector_load %arg15[%parallel_loop3A_330, %parallel_loop3A_331] {strides = array<i32>} : memref<40x128xf32, #tpu.memory_space<vmem>>, vector<1x16xf32>,
      %parallel_loop3A_333 = vector.shape_cast %parallel_loop3A_332 : vector<1x16xf32> to vector<16xf32>
      %parallel_loop3A_334 = arith.constant 0.000000e+00 : f32
      %parallel_loop3A_335 = vector.broadcast %parallel_loop3A_334 : f32 to vector<16xf32>
      %parallel_loop3A_336 = arith.maximumf %parallel_loop3A_333, %parallel_loop3A_335 : vector<16xf32>
      %parallel_loop3A_337 = arith.index_cast %parallel_loop3A_245 : i32 to index
      %parallel_loop3A_338 = arith.constant 112 : index
      %parallel_loop3A_339 = tpu.vector_load %arg15[%parallel_loop3A_337, %parallel_loop3A_338] {strides = array<i32>} : memref<40x128xf32, #tpu.memory_space<vmem>>, vector<1x16xf32>,
      %parallel_loop3A_340 = vector.shape_cast %parallel_loop3A_339 : vector<1x16xf32> to vector<16xf32>
      %parallel_loop3A_341 = vector.shape_cast %parallel_loop3A_336 : vector<16xf32> to vector<1x16xf32>
      tpu.vector_store %arg15[%parallel_loop3A_337, %parallel_loop3A_338], %parallel_loop3A_341 {strides = array<i32>} : memref<40x128xf32, #tpu.memory_space<vmem>>, vector<1x16xf32>,
    } {sc.loop_unroll_factor = 8 : i64, sc.parallel_access}
    %dma_wait3A_153 = arith.constant 0 : i32
    %dma_wait3A_154 = arith.constant 0 : i32
    %dma_wait3A_155 = tpu.memref_slice %arg20[%dma_wait3A_153, %dma_wait3A_154] : memref<10240x128xf32, #tpu.memory_space<vmem_shared>> -> memref<10240x128xf32, #tpu.memory_space<vmem_shared>>
    tpu.wait_indirect_dma semaphore(%arg33 : memref<!tpu.dma_semaphore, #tpu.memory_space<semaphore_mem>>) src(%arg18 : memref<40x128xf32, #tpu.memory_space<vmem>>) dst(%dma_wait3A_155 : memref<10240x128xf32, #tpu.memory_space<vmem_shared>>)
    %dma_start3A_156 = arith.constant 0 : i32
    %dma_start3A_157 = arith.constant 0 : i32
    %dma_start3A_158 = tpu.memref_slice %arg20[%dma_start3A_156, %dma_start3A_157] : memref<10240x128xf32, #tpu.memory_space<vmem_shared>> -> memref<10240x128xf32, #tpu.memory_space<vmem_shared>>
    tpu.enqueue_indirect_dma source(%arg15 : memref<40x128xf32, #tpu.memory_space<vmem>>) target(%dma_start3A_158 : memref<10240x128xf32, #tpu.memory_space<vmem_shared>>) offsets(%arg11 : memref<40xi32, #tpu.memory_space<vmem>>) semaphore(%arg33 : memref<!tpu.dma_semaphore, #tpu.memory_space<semaphore_mem>>) {add = true}
    %dma_wait3A_159 = arith.constant 0 : i32
    %dma_wait3A_160 = arith.constant 0 : i32
    %dma_wait3A_161 = tpu.memref_slice %arg4[%dma_wait3A_159, %dma_wait3A_160] : memref<10000x128xf32, #tpu.memory_space<hbm>> -> memref<10000x128xf32, #tpu.memory_space<hbm>>
    tpu.wait_indirect_dma semaphore(%arg30 : memref<!tpu.dma_semaphore, #tpu.memory_space<semaphore_mem>>) src(%dma_wait3A_161 : memref<10000x128xf32, #tpu.memory_space<hbm>>) dst(%arg16 : memref<40x128xf32, #tpu.memory_space<vmem>>)
    %parallel_loop3A_162 = arith.constant 0 : i32
    %parallel_loop3A_163 = arith.constant 40 : i32
    %parallel_loop3A_164 = arith.constant 1 : i32
    scf.for %parallel_loop3A_245 = %parallel_loop3A_162 to %parallel_loop3A_163 step %parallel_loop3A_164  : i32 {
      %parallel_loop3A_246 = arith.index_cast %parallel_loop3A_245 : i32 to index
      %parallel_loop3A_247 = arith.constant 0 : index
      %parallel_loop3A_248 = tpu.vector_load %arg16[%parallel_loop3A_246, %parallel_loop3A_247] {strides = array<i32>} : memref<40x128xf32, #tpu.memory_space<vmem>>, vector<1x16xf32>,
      %parallel_loop3A_249 = vector.shape_cast %parallel_loop3A_248 : vector<1x16xf32> to vector<16xf32>
      %parallel_loop3A_250 = arith.constant 0.000000e+00 : f32
      %parallel_loop3A_251 = vector.broadcast %parallel_loop3A_250 : f32 to vector<16xf32>
      %parallel_loop3A_252 = arith.maximumf %parallel_loop3A_249, %parallel_loop3A_251 : vector<16xf32>
      %parallel_loop3A_253 = arith.index_cast %parallel_loop3A_245 : i32 to index
      %parallel_loop3A_254 = arith.constant 0 : index
      %parallel_loop3A_255 = tpu.vector_load %arg16[%parallel_loop3A_253, %parallel_loop3A_254] {strides = array<i32>} : memref<40x128xf32, #tpu.memory_space<vmem>>, vector<1x16xf32>,
      %parallel_loop3A_256 = vector.shape_cast %parallel_loop3A_255 : vector<1x16xf32> to vector<16xf32>
      %parallel_loop3A_257 = vector.shape_cast %parallel_loop3A_252 : vector<16xf32> to vector<1x16xf32>
      tpu.vector_store %arg16[%parallel_loop3A_253, %parallel_loop3A_254], %parallel_loop3A_257 {strides = array<i32>} : memref<40x128xf32, #tpu.memory_space<vmem>>, vector<1x16xf32>,
      %parallel_loop3A_258 = arith.index_cast %parallel_loop3A_245 : i32 to index
      %parallel_loop3A_259 = arith.constant 16 : index
      %parallel_loop3A_260 = tpu.vector_load %arg16[%parallel_loop3A_258, %parallel_loop3A_259] {strides = array<i32>} : memref<40x128xf32, #tpu.memory_space<vmem>>, vector<1x16xf32>,
      %parallel_loop3A_261 = vector.shape_cast %parallel_loop3A_260 : vector<1x16xf32> to vector<16xf32>
      %parallel_loop3A_262 = arith.constant 0.000000e+00 : f32
      %parallel_loop3A_263 = vector.broadcast %parallel_loop3A_262 : f32 to vector<16xf32>
      %parallel_loop3A_264 = arith.maximumf %parallel_loop3A_261, %parallel_loop3A_263 : vector<16xf32>
      %parallel_loop3A_265 = arith.index_cast %parallel_loop3A_245 : i32 to index
      %parallel_loop3A_266 = arith.constant 16 : index
      %parallel_loop3A_267 = tpu.vector_load %arg16[%parallel_loop3A_265, %parallel_loop3A_266] {strides = array<i32>} : memref<40x128xf32, #tpu.memory_space<vmem>>, vector<1x16xf32>,
      %parallel_loop3A_268 = vector.shape_cast %parallel_loop3A_267 : vector<1x16xf32> to vector<16xf32>
      %parallel_loop3A_269 = vector.shape_cast %parallel_loop3A_264 : vector<16xf32> to vector<1x16xf32>
      tpu.vector_store %arg16[%parallel_loop3A_265, %parallel_loop3A_266], %parallel_loop3A_269 {strides = array<i32>} : memref<40x128xf32, #tpu.memory_space<vmem>>, vector<1x16xf32>,
      %parallel_loop3A_270 = arith.index_cast %parallel_loop3A_245 : i32 to index
      %parallel_loop3A_271 = arith.constant 32 : index
      %parallel_loop3A_272 = tpu.vector_load %arg16[%parallel_loop3A_270, %parallel_loop3A_271] {strides = array<i32>} : memref<40x128xf32, #tpu.memory_space<vmem>>, vector<1x16xf32>,
      %parallel_loop3A_273 = vector.shape_cast %parallel_loop3A_272 : vector<1x16xf32> to vector<16xf32>
      %parallel_loop3A_274 = arith.constant 0.000000e+00 : f32
      %parallel_loop3A_275 = vector.broadcast %parallel_loop3A_274 : f32 to vector<16xf32>
      %parallel_loop3A_276 = arith.maximumf %parallel_loop3A_273, %parallel_loop3A_275 : vector<16xf32>
      %parallel_loop3A_277 = arith.index_cast %parallel_loop3A_245 : i32 to index
      %parallel_loop3A_278 = arith.constant 32 : index
      %parallel_loop3A_279 = tpu.vector_load %arg16[%parallel_loop3A_277, %parallel_loop3A_278] {strides = array<i32>} : memref<40x128xf32, #tpu.memory_space<vmem>>, vector<1x16xf32>,
      %parallel_loop3A_280 = vector.shape_cast %parallel_loop3A_279 : vector<1x16xf32> to vector<16xf32>
      %parallel_loop3A_281 = vector.shape_cast %parallel_loop3A_276 : vector<16xf32> to vector<1x16xf32>
      tpu.vector_store %arg16[%parallel_loop3A_277, %parallel_loop3A_278], %parallel_loop3A_281 {strides = array<i32>} : memref<40x128xf32, #tpu.memory_space<vmem>>, vector<1x16xf32>,
      %parallel_loop3A_282 = arith.index_cast %parallel_loop3A_245 : i32 to index
      %parallel_loop3A_283 = arith.constant 48 : index
      %parallel_loop3A_284 = tpu.vector_load %arg16[%parallel_loop3A_282, %parallel_loop3A_283] {strides = array<i32>} : memref<40x128xf32, #tpu.memory_space<vmem>>, vector<1x16xf32>,
      %parallel_loop3A_285 = vector.shape_cast %parallel_loop3A_284 : vector<1x16xf32> to vector<16xf32>
      %parallel_loop3A_286 = arith.constant 0.000000e+00 : f32
      %parallel_loop3A_287 = vector.broadcast %parallel_loop3A_286 : f32 to vector<16xf32>
      %parallel_loop3A_288 = arith.maximumf %parallel_loop3A_285, %parallel_loop3A_287 : vector<16xf32>
      %parallel_loop3A_289 = arith.index_cast %parallel_loop3A_245 : i32 to index
      %parallel_loop3A_290 = arith.constant 48 : index
      %parallel_loop3A_291 = tpu.vector_load %arg16[%parallel_loop3A_289, %parallel_loop3A_290] {strides = array<i32>} : memref<40x128xf32, #tpu.memory_space<vmem>>, vector<1x16xf32>,
      %parallel_loop3A_292 = vector.shape_cast %parallel_loop3A_291 : vector<1x16xf32> to vector<16xf32>
      %parallel_loop3A_293 = vector.shape_cast %parallel_loop3A_288 : vector<16xf32> to vector<1x16xf32>
      tpu.vector_store %arg16[%parallel_loop3A_289, %parallel_loop3A_290], %parallel_loop3A_293 {strides = array<i32>} : memref<40x128xf32, #tpu.memory_space<vmem>>, vector<1x16xf32>,
      %parallel_loop3A_294 = arith.index_cast %parallel_loop3A_245 : i32 to index
      %parallel_loop3A_295 = arith.constant 64 : index
      %parallel_loop3A_296 = tpu.vector_load %arg16[%parallel_loop3A_294, %parallel_loop3A_295] {strides = array<i32>} : memref<40x128xf32, #tpu.memory_space<vmem>>, vector<1x16xf32>,
      %parallel_loop3A_297 = vector.shape_cast %parallel_loop3A_296 : vector<1x16xf32> to vector<16xf32>
      %parallel_loop3A_298 = arith.constant 0.000000e+00 : f32
      %parallel_loop3A_299 = vector.broadcast %parallel_loop3A_298 : f32 to vector<16xf32>
      %parallel_loop3A_300 = arith.maximumf %parallel_loop3A_297, %parallel_loop3A_299 : vector<16xf32>
      %parallel_loop3A_301 = arith.index_cast %parallel_loop3A_245 : i32 to index
      %parallel_loop3A_302 = arith.constant 64 : index
      %parallel_loop3A_303 = tpu.vector_load %arg16[%parallel_loop3A_301, %parallel_loop3A_302] {strides = array<i32>} : memref<40x128xf32, #tpu.memory_space<vmem>>, vector<1x16xf32>,
      %parallel_loop3A_304 = vector.shape_cast %parallel_loop3A_303 : vector<1x16xf32> to vector<16xf32>
      %parallel_loop3A_305 = vector.shape_cast %parallel_loop3A_300 : vector<16xf32> to vector<1x16xf32>
      tpu.vector_store %arg16[%parallel_loop3A_301, %parallel_loop3A_302], %parallel_loop3A_305 {strides = array<i32>} : memref<40x128xf32, #tpu.memory_space<vmem>>, vector<1x16xf32>,
      %parallel_loop3A_306 = arith.index_cast %parallel_loop3A_245 : i32 to index
      %parallel_loop3A_307 = arith.constant 80 : index
      %parallel_loop3A_308 = tpu.vector_load %arg16[%parallel_loop3A_306, %parallel_loop3A_307] {strides = array<i32>} : memref<40x128xf32, #tpu.memory_space<vmem>>, vector<1x16xf32>,
      %parallel_loop3A_309 = vector.shape_cast %parallel_loop3A_308 : vector<1x16xf32> to vector<16xf32>
      %parallel_loop3A_310 = arith.constant 0.000000e+00 : f32
      %parallel_loop3A_311 = vector.broadcast %parallel_loop3A_310 : f32 to vector<16xf32>
      %parallel_loop3A_312 = arith.maximumf %parallel_loop3A_309, %parallel_loop3A_311 : vector<16xf32>
      %parallel_loop3A_313 = arith.index_cast %parallel_loop3A_245 : i32 to index
      %parallel_loop3A_314 = arith.constant 80 : index
      %parallel_loop3A_315 = tpu.vector_load %arg16[%parallel_loop3A_313, %parallel_loop3A_314] {strides = array<i32>} : memref<40x128xf32, #tpu.memory_space<vmem>>, vector<1x16xf32>,
      %parallel_loop3A_316 = vector.shape_cast %parallel_loop3A_315 : vector<1x16xf32> to vector<16xf32>
      %parallel_loop3A_317 = vector.shape_cast %parallel_loop3A_312 : vector<16xf32> to vector<1x16xf32>
      tpu.vector_store %arg16[%parallel_loop3A_313, %parallel_loop3A_314], %parallel_loop3A_317 {strides = array<i32>} : memref<40x128xf32, #tpu.memory_space<vmem>>, vector<1x16xf32>,
      %parallel_loop3A_318 = arith.index_cast %parallel_loop3A_245 : i32 to index
      %parallel_loop3A_319 = arith.constant 96 : index
      %parallel_loop3A_320 = tpu.vector_load %arg16[%parallel_loop3A_318, %parallel_loop3A_319] {strides = array<i32>} : memref<40x128xf32, #tpu.memory_space<vmem>>, vector<1x16xf32>,
      %parallel_loop3A_321 = vector.shape_cast %parallel_loop3A_320 : vector<1x16xf32> to vector<16xf32>
      %parallel_loop3A_322 = arith.constant 0.000000e+00 : f32
      %parallel_loop3A_323 = vector.broadcast %parallel_loop3A_322 : f32 to vector<16xf32>
      %parallel_loop3A_324 = arith.maximumf %parallel_loop3A_321, %parallel_loop3A_323 : vector<16xf32>
      %parallel_loop3A_325 = arith.index_cast %parallel_loop3A_245 : i32 to index
      %parallel_loop3A_326 = arith.constant 96 : index
      %parallel_loop3A_327 = tpu.vector_load %arg16[%parallel_loop3A_325, %parallel_loop3A_326] {strides = array<i32>} : memref<40x128xf32, #tpu.memory_space<vmem>>, vector<1x16xf32>,
      %parallel_loop3A_328 = vector.shape_cast %parallel_loop3A_327 : vector<1x16xf32> to vector<16xf32>
      %parallel_loop3A_329 = vector.shape_cast %parallel_loop3A_324 : vector<16xf32> to vector<1x16xf32>
      tpu.vector_store %arg16[%parallel_loop3A_325, %parallel_loop3A_326], %parallel_loop3A_329 {strides = array<i32>} : memref<40x128xf32, #tpu.memory_space<vmem>>, vector<1x16xf32>,
      %parallel_loop3A_330 = arith.index_cast %parallel_loop3A_245 : i32 to index
      %parallel_loop3A_331 = arith.constant 112 : index
      %parallel_loop3A_332 = tpu.vector_load %arg16[%parallel_loop3A_330, %parallel_loop3A_331] {strides = array<i32>} : memref<40x128xf32, #tpu.memory_space<vmem>>, vector<1x16xf32>,
      %parallel_loop3A_333 = vector.shape_cast %parallel_loop3A_332 : vector<1x16xf32> to vector<16xf32>
      %parallel_loop3A_334 = arith.constant 0.000000e+00 : f32
      %parallel_loop3A_335 = vector.broadcast %parallel_loop3A_334 : f32 to vector<16xf32>
      %parallel_loop3A_336 = arith.maximumf %parallel_loop3A_333, %parallel_loop3A_335 : vector<16xf32>
      %parallel_loop3A_337 = arith.index_cast %parallel_loop3A_245 : i32 to index
      %parallel_loop3A_338 = arith.constant 112 : index
      %parallel_loop3A_339 = tpu.vector_load %arg16[%parallel_loop3A_337, %parallel_loop3A_338] {strides = array<i32>} : memref<40x128xf32, #tpu.memory_space<vmem>>, vector<1x16xf32>,
      %parallel_loop3A_340 = vector.shape_cast %parallel_loop3A_339 : vector<1x16xf32> to vector<16xf32>
      %parallel_loop3A_341 = vector.shape_cast %parallel_loop3A_336 : vector<16xf32> to vector<1x16xf32>
      tpu.vector_store %arg16[%parallel_loop3A_337, %parallel_loop3A_338], %parallel_loop3A_341 {strides = array<i32>} : memref<40x128xf32, #tpu.memory_space<vmem>>, vector<1x16xf32>,
    } {sc.loop_unroll_factor = 8 : i64, sc.parallel_access}
    %dma_wait3A_165 = arith.constant 0 : i32
    %dma_wait3A_166 = arith.constant 0 : i32
    %dma_wait3A_167 = tpu.memref_slice %arg20[%dma_wait3A_165, %dma_wait3A_166] : memref<10240x128xf32, #tpu.memory_space<vmem_shared>> -> memref<10240x128xf32, #tpu.memory_space<vmem_shared>>
    tpu.wait_indirect_dma semaphore(%arg33 : memref<!tpu.dma_semaphore, #tpu.memory_space<semaphore_mem>>) src(%arg15 : memref<40x128xf32, #tpu.memory_space<vmem>>) dst(%dma_wait3A_167 : memref<10240x128xf32, #tpu.memory_space<vmem_shared>>)
    %dma_start3A_168 = arith.constant 0 : i32
    %dma_start3A_169 = arith.constant 0 : i32
    %dma_start3A_170 = tpu.memref_slice %arg20[%dma_start3A_168, %dma_start3A_169] : memref<10240x128xf32, #tpu.memory_space<vmem_shared>> -> memref<10240x128xf32, #tpu.memory_space<vmem_shared>>
    tpu.enqueue_indirect_dma source(%arg16 : memref<40x128xf32, #tpu.memory_space<vmem>>) target(%dma_start3A_170 : memref<10240x128xf32, #tpu.memory_space<vmem_shared>>) offsets(%arg12 : memref<40xi32, #tpu.memory_space<vmem>>) semaphore(%arg33 : memref<!tpu.dma_semaphore, #tpu.memory_space<semaphore_mem>>) {add = true}
    %dma_wait3A_171 = arith.constant 0 : i32
    %dma_wait3A_172 = arith.constant 0 : i32
    %dma_wait3A_173 = tpu.memref_slice %arg20[%dma_wait3A_171, %dma_wait3A_172] : memref<10240x128xf32, #tpu.memory_space<vmem_shared>> -> memref<10240x128xf32, #tpu.memory_space<vmem_shared>>
    tpu.wait_indirect_dma semaphore(%arg33 : memref<!tpu.dma_semaphore, #tpu.memory_space<semaphore_mem>>) src(%arg16 : memref<40x128xf32, #tpu.memory_space<vmem>>) dst(%dma_wait3A_173 : memref<10240x128xf32, #tpu.memory_space<vmem_shared>>)
    %barrier3A_174 = arith.constant 0 : index
    tpu.barrier barrier_id(%barrier3A_174)
    %mul3A_175 = arith.constant 640 : i32
    %mul3A_176 = arith.muli %arg1, %mul3A_175 : i32
    %add3A_177 = arith.constant 0 : i32
    %add3A_178 = arith.addi %mul3A_176, %add3A_177 : i32
    "tpu.region"() ({
      %run_scoped3A = tpu.sem_alloc : memref<!tpu.dma_semaphore, #tpu.memory_space<semaphore_mem>>
      %dma_start3A_245 = arith.constant 0 : i32
      %dma_start3A_246 = tpu.memref_slice %arg20[%add3A_178, %dma_start3A_245] : memref<10240x128xf32, #tpu.memory_space<vmem_shared>> -> memref<64x128xf32, #tpu.memory_space<vmem_shared>>
      %dma_start3A_247 = arith.constant 0 : i32
      %dma_start3A_248 = tpu.memref_slice %arg20[%add3A_178, %dma_start3A_247] : memref<10240x128xf32, #tpu.memory_space<vmem_shared>> -> memref<64x128xf32, #tpu.memory_space<vmem_shared>>
      tpu.enqueue_dma source(%dma_start3A_248 : memref<64x128xf32, #tpu.memory_space<vmem_shared>>) target(%arg19 : memref<64x128xf32, #tpu.memory_space<vmem>>) target_semaphore(%run_scoped3A : memref<!tpu.dma_semaphore, #tpu.memory_space<semaphore_mem>>)
      %dma_wait3A_249 = arith.constant 0 : i32
      %dma_wait3A_250 = tpu.memref_slice %arg20[%add3A_178, %dma_wait3A_249] : memref<10240x128xf32, #tpu.memory_space<vmem_shared>> -> memref<64x128xf32, #tpu.memory_space<vmem_shared>>
      %dma_wait3A_251 = arith.constant 0 : i32
      %dma_wait3A_252 = tpu.memref_slice %arg20[%add3A_178, %dma_wait3A_251] : memref<10240x128xf32, #tpu.memory_space<vmem_shared>> -> memref<64x128xf32, #tpu.memory_space<vmem_shared>>
      tpu.wait_dma2 semaphore(%run_scoped3A : memref<!tpu.dma_semaphore, #tpu.memory_space<semaphore_mem>>) src(%dma_wait3A_252 : memref<64x128xf32, #tpu.memory_space<vmem_shared>>) dst(%arg19 : memref<64x128xf32, #tpu.memory_space<vmem>>)
      tpu.yield
    }) : () -> ()
    %mul3A_179 = arith.constant 10240 : i32
    %mul3A_180 = arith.muli %arg0, %mul3A_179 : i32
    %add3A_181 = arith.addi %mul3A_180, %add3A_178 : i32
    "tpu.region"() ({
      %run_scoped3A = tpu.sem_alloc : memref<!tpu.dma_semaphore, #tpu.memory_space<semaphore_mem>>
      %dma_start3A_245 = arith.constant 0 : i32
      %dma_start3A_246 = tpu.memref_slice %arg6[%add3A_181, %dma_start3A_245] : memref<20480x128xf32, #tpu.memory_space<hbm>> -> memref<64x128xf32, #tpu.memory_space<hbm>>
      %dma_start3A_247 = arith.constant 0 : i32
      %dma_start3A_248 = tpu.memref_slice %arg6[%add3A_181, %dma_start3A_247] : memref<20480x128xf32, #tpu.memory_space<hbm>> -> memref<64x128xf32, #tpu.memory_space<hbm>>
      tpu.enqueue_dma source(%arg19 : memref<64x128xf32, #tpu.memory_space<vmem>>) target(%dma_start3A_248 : memref<64x128xf32, #tpu.memory_space<hbm>>) target_semaphore(%run_scoped3A : memref<!tpu.dma_semaphore, #tpu.memory_space<semaphore_mem>>)
      %dma_wait3A_249 = arith.constant 0 : i32
      %dma_wait3A_250 = tpu.memref_slice %arg6[%add3A_181, %dma_wait3A_249] : memref<20480x128xf32, #tpu.memory_space<hbm>> -> memref<64x128xf32, #tpu.memory_space<hbm>>
      %dma_wait3A_251 = arith.constant 0 : i32
      %dma_wait3A_252 = tpu.memref_slice %arg6[%add3A_181, %dma_wait3A_251] : memref<20480x128xf32, #tpu.memory_space<hbm>> -> memref<64x128xf32, #tpu.memory_space<hbm>>
      tpu.wait_dma2 semaphore(%run_scoped3A : memref<!tpu.dma_semaphore, #tpu.memory_space<semaphore_mem>>) src(%arg19 : memref<64x128xf32, #tpu.memory_space<vmem>>) dst(%dma_wait3A_252 : memref<64x128xf32, #tpu.memory_space<hbm>>)
      tpu.yield
    }) : () -> ()
    %mul3A_182 = arith.constant 640 : i32
    %mul3A_183 = arith.muli %arg1, %mul3A_182 : i32
    %add3A_184 = arith.constant 64 : i32
    %add3A_185 = arith.addi %mul3A_183, %add3A_184 : i32
    "tpu.region"() ({
      %run_scoped3A = tpu.sem_alloc : memref<!tpu.dma_semaphore, #tpu.memory_space<semaphore_mem>>
      %dma_start3A_245 = arith.constant 0 : i32
      %dma_start3A_246 = tpu.memref_slice %arg20[%add3A_185, %dma_start3A_245] : memref<10240x128xf32, #tpu.memory_space<vmem_shared>> -> memref<64x128xf32, #tpu.memory_space<vmem_shared>>
      %dma_start3A_247 = arith.constant 0 : i32
      %dma_start3A_248 = tpu.memref_slice %arg20[%add3A_185, %dma_start3A_247] : memref<10240x128xf32, #tpu.memory_space<vmem_shared>> -> memref<64x128xf32, #tpu.memory_space<vmem_shared>>
      tpu.enqueue_dma source(%dma_start3A_248 : memref<64x128xf32, #tpu.memory_space<vmem_shared>>) target(%arg19 : memref<64x128xf32, #tpu.memory_space<vmem>>) target_semaphore(%run_scoped3A : memref<!tpu.dma_semaphore, #tpu.memory_space<semaphore_mem>>)
      %dma_wait3A_249 = arith.constant 0 : i32
      %dma_wait3A_250 = tpu.memref_slice %arg20[%add3A_185, %dma_wait3A_249] : memref<10240x128xf32, #tpu.memory_space<vmem_shared>> -> memref<64x128xf32, #tpu.memory_space<vmem_shared>>
      %dma_wait3A_251 = arith.constant 0 : i32
      %dma_wait3A_252 = tpu.memref_slice %arg20[%add3A_185, %dma_wait3A_251] : memref<10240x128xf32, #tpu.memory_space<vmem_shared>> -> memref<64x128xf32, #tpu.memory_space<vmem_shared>>
      tpu.wait_dma2 semaphore(%run_scoped3A : memref<!tpu.dma_semaphore, #tpu.memory_space<semaphore_mem>>) src(%dma_wait3A_252 : memref<64x128xf32, #tpu.memory_space<vmem_shared>>) dst(%arg19 : memref<64x128xf32, #tpu.memory_space<vmem>>)
      tpu.yield
    }) : () -> ()
    %mul3A_186 = arith.constant 10240 : i32
    %mul3A_187 = arith.muli %arg0, %mul3A_186 : i32
    %add3A_188 = arith.addi %mul3A_187, %add3A_185 : i32
    "tpu.region"() ({
      %run_scoped3A = tpu.sem_alloc : memref<!tpu.dma_semaphore, #tpu.memory_space<semaphore_mem>>
      %dma_start3A_245 = arith.constant 0 : i32
      %dma_start3A_246 = tpu.memref_slice %arg6[%add3A_188, %dma_start3A_245] : memref<20480x128xf32, #tpu.memory_space<hbm>> -> memref<64x128xf32, #tpu.memory_space<hbm>>
      %dma_start3A_247 = arith.constant 0 : i32
      %dma_start3A_248 = tpu.memref_slice %arg6[%add3A_188, %dma_start3A_247] : memref<20480x128xf32, #tpu.memory_space<hbm>> -> memref<64x128xf32, #tpu.memory_space<hbm>>
      tpu.enqueue_dma source(%arg19 : memref<64x128xf32, #tpu.memory_space<vmem>>) target(%dma_start3A_248 : memref<64x128xf32, #tpu.memory_space<hbm>>) target_semaphore(%run_scoped3A : memref<!tpu.dma_semaphore, #tpu.memory_space<semaphore_mem>>)
      %dma_wait3A_249 = arith.constant 0 : i32
      %dma_wait3A_250 = tpu.memref_slice %arg6[%add3A_188, %dma_wait3A_249] : memref<20480x128xf32, #tpu.memory_space<hbm>> -> memref<64x128xf32, #tpu.memory_space<hbm>>
      %dma_wait3A_251 = arith.constant 0 : i32
      %dma_wait3A_252 = tpu.memref_slice %arg6[%add3A_188, %dma_wait3A_251] : memref<20480x128xf32, #tpu.memory_space<hbm>> -> memref<64x128xf32, #tpu.memory_space<hbm>>
      tpu.wait_dma2 semaphore(%run_scoped3A : memref<!tpu.dma_semaphore, #tpu.memory_space<semaphore_mem>>) src(%arg19 : memref<64x128xf32, #tpu.memory_space<vmem>>) dst(%dma_wait3A_252 : memref<64x128xf32, #tpu.memory_space<hbm>>)
      tpu.yield
    }) : () -> ()
    %mul3A_189 = arith.constant 640 : i32
    %mul3A_190 = arith.muli %arg1, %mul3A_189 : i32
    %add3A_191 = arith.constant 128 : i32
    %add3A_192 = arith.addi %mul3A_190, %add3A_191 : i32
    "tpu.region"() ({
      %run_scoped3A = tpu.sem_alloc : memref<!tpu.dma_semaphore, #tpu.memory_space<semaphore_mem>>
      %dma_start3A_245 = arith.constant 0 : i32
      %dma_start3A_246 = tpu.memref_slice %arg20[%add3A_192, %dma_start3A_245] : memref<10240x128xf32, #tpu.memory_space<vmem_shared>> -> memref<64x128xf32, #tpu.memory_space<vmem_shared>>
      %dma_start3A_247 = arith.constant 0 : i32
      %dma_start3A_248 = tpu.memref_slice %arg20[%add3A_192, %dma_start3A_247] : memref<10240x128xf32, #tpu.memory_space<vmem_shared>> -> memref<64x128xf32, #tpu.memory_space<vmem_shared>>
      tpu.enqueue_dma source(%dma_start3A_248 : memref<64x128xf32, #tpu.memory_space<vmem_shared>>) target(%arg19 : memref<64x128xf32, #tpu.memory_space<vmem>>) target_semaphore(%run_scoped3A : memref<!tpu.dma_semaphore, #tpu.memory_space<semaphore_mem>>)
      %dma_wait3A_249 = arith.constant 0 : i32
      %dma_wait3A_250 = tpu.memref_slice %arg20[%add3A_192, %dma_wait3A_249] : memref<10240x128xf32, #tpu.memory_space<vmem_shared>> -> memref<64x128xf32, #tpu.memory_space<vmem_shared>>
      %dma_wait3A_251 = arith.constant 0 : i32
      %dma_wait3A_252 = tpu.memref_slice %arg20[%add3A_192, %dma_wait3A_251] : memref<10240x128xf32, #tpu.memory_space<vmem_shared>> -> memref<64x128xf32, #tpu.memory_space<vmem_shared>>
      tpu.wait_dma2 semaphore(%run_scoped3A : memref<!tpu.dma_semaphore, #tpu.memory_space<semaphore_mem>>) src(%dma_wait3A_252 : memref<64x128xf32, #tpu.memory_space<vmem_shared>>) dst(%arg19 : memref<64x128xf32, #tpu.memory_space<vmem>>)
      tpu.yield
    }) : () -> ()
    %mul3A_193 = arith.constant 10240 : i32
    %mul3A_194 = arith.muli %arg0, %mul3A_193 : i32
    %add3A_195 = arith.addi %mul3A_194, %add3A_192 : i32
    "tpu.region"() ({
      %run_scoped3A = tpu.sem_alloc : memref<!tpu.dma_semaphore, #tpu.memory_space<semaphore_mem>>
      %dma_start3A_245 = arith.constant 0 : i32
      %dma_start3A_246 = tpu.memref_slice %arg6[%add3A_195, %dma_start3A_245] : memref<20480x128xf32, #tpu.memory_space<hbm>> -> memref<64x128xf32, #tpu.memory_space<hbm>>
      %dma_start3A_247 = arith.constant 0 : i32
      %dma_start3A_248 = tpu.memref_slice %arg6[%add3A_195, %dma_start3A_247] : memref<20480x128xf32, #tpu.memory_space<hbm>> -> memref<64x128xf32, #tpu.memory_space<hbm>>
      tpu.enqueue_dma source(%arg19 : memref<64x128xf32, #tpu.memory_space<vmem>>) target(%dma_start3A_248 : memref<64x128xf32, #tpu.memory_space<hbm>>) target_semaphore(%run_scoped3A : memref<!tpu.dma_semaphore, #tpu.memory_space<semaphore_mem>>)
      %dma_wait3A_249 = arith.constant 0 : i32
      %dma_wait3A_250 = tpu.memref_slice %arg6[%add3A_195, %dma_wait3A_249] : memref<20480x128xf32, #tpu.memory_space<hbm>> -> memref<64x128xf32, #tpu.memory_space<hbm>>
      %dma_wait3A_251 = arith.constant 0 : i32
      %dma_wait3A_252 = tpu.memref_slice %arg6[%add3A_195, %dma_wait3A_251] : memref<20480x128xf32, #tpu.memory_space<hbm>> -> memref<64x128xf32, #tpu.memory_space<hbm>>
      tpu.wait_dma2 semaphore(%run_scoped3A : memref<!tpu.dma_semaphore, #tpu.memory_space<semaphore_mem>>) src(%arg19 : memref<64x128xf32, #tpu.memory_space<vmem>>) dst(%dma_wait3A_252 : memref<64x128xf32, #tpu.memory_space<hbm>>)
      tpu.yield
    }) : () -> ()
    %mul3A_196 = arith.constant 640 : i32
    %mul3A_197 = arith.muli %arg1, %mul3A_196 : i32
    %add3A_198 = arith.constant 192 : i32
    %add3A_199 = arith.addi %mul3A_197, %add3A_198 : i32
    "tpu.region"() ({
      %run_scoped3A = tpu.sem_alloc : memref<!tpu.dma_semaphore, #tpu.memory_space<semaphore_mem>>
      %dma_start3A_245 = arith.constant 0 : i32
      %dma_start3A_246 = tpu.memref_slice %arg20[%add3A_199, %dma_start3A_245] : memref<10240x128xf32, #tpu.memory_space<vmem_shared>> -> memref<64x128xf32, #tpu.memory_space<vmem_shared>>
      %dma_start3A_247 = arith.constant 0 : i32
      %dma_start3A_248 = tpu.memref_slice %arg20[%add3A_199, %dma_start3A_247] : memref<10240x128xf32, #tpu.memory_space<vmem_shared>> -> memref<64x128xf32, #tpu.memory_space<vmem_shared>>
      tpu.enqueue_dma source(%dma_start3A_248 : memref<64x128xf32, #tpu.memory_space<vmem_shared>>) target(%arg19 : memref<64x128xf32, #tpu.memory_space<vmem>>) target_semaphore(%run_scoped3A : memref<!tpu.dma_semaphore, #tpu.memory_space<semaphore_mem>>)
      %dma_wait3A_249 = arith.constant 0 : i32
      %dma_wait3A_250 = tpu.memref_slice %arg20[%add3A_199, %dma_wait3A_249] : memref<10240x128xf32, #tpu.memory_space<vmem_shared>> -> memref<64x128xf32, #tpu.memory_space<vmem_shared>>
      %dma_wait3A_251 = arith.constant 0 : i32
      %dma_wait3A_252 = tpu.memref_slice %arg20[%add3A_199, %dma_wait3A_251] : memref<10240x128xf32, #tpu.memory_space<vmem_shared>> -> memref<64x128xf32, #tpu.memory_space<vmem_shared>>
      tpu.wait_dma2 semaphore(%run_scoped3A : memref<!tpu.dma_semaphore, #tpu.memory_space<semaphore_mem>>) src(%dma_wait3A_252 : memref<64x128xf32, #tpu.memory_space<vmem_shared>>) dst(%arg19 : memref<64x128xf32, #tpu.memory_space<vmem>>)
      tpu.yield
    }) : () -> ()
    %mul3A_200 = arith.constant 10240 : i32
    %mul3A_201 = arith.muli %arg0, %mul3A_200 : i32
    %add3A_202 = arith.addi %mul3A_201, %add3A_199 : i32
    "tpu.region"() ({
      %run_scoped3A = tpu.sem_alloc : memref<!tpu.dma_semaphore, #tpu.memory_space<semaphore_mem>>
      %dma_start3A_245 = arith.constant 0 : i32
      %dma_start3A_246 = tpu.memref_slice %arg6[%add3A_202, %dma_start3A_245] : memref<20480x128xf32, #tpu.memory_space<hbm>> -> memref<64x128xf32, #tpu.memory_space<hbm>>
      %dma_start3A_247 = arith.constant 0 : i32
      %dma_start3A_248 = tpu.memref_slice %arg6[%add3A_202, %dma_start3A_247] : memref<20480x128xf32, #tpu.memory_space<hbm>> -> memref<64x128xf32, #tpu.memory_space<hbm>>
      tpu.enqueue_dma source(%arg19 : memref<64x128xf32, #tpu.memory_space<vmem>>) target(%dma_start3A_248 : memref<64x128xf32, #tpu.memory_space<hbm>>) target_semaphore(%run_scoped3A : memref<!tpu.dma_semaphore, #tpu.memory_space<semaphore_mem>>)
      %dma_wait3A_249 = arith.constant 0 : i32
      %dma_wait3A_250 = tpu.memref_slice %arg6[%add3A_202, %dma_wait3A_249] : memref<20480x128xf32, #tpu.memory_space<hbm>> -> memref<64x128xf32, #tpu.memory_space<hbm>>
      %dma_wait3A_251 = arith.constant 0 : i32
      %dma_wait3A_252 = tpu.memref_slice %arg6[%add3A_202, %dma_wait3A_251] : memref<20480x128xf32, #tpu.memory_space<hbm>> -> memref<64x128xf32, #tpu.memory_space<hbm>>
      tpu.wait_dma2 semaphore(%run_scoped3A : memref<!tpu.dma_semaphore, #tpu.memory_space<semaphore_mem>>) src(%arg19 : memref<64x128xf32, #tpu.memory_space<vmem>>) dst(%dma_wait3A_252 : memref<64x128xf32, #tpu.memory_space<hbm>>)
      tpu.yield
    }) : () -> ()
    %mul3A_203 = arith.constant 640 : i32
    %mul3A_204 = arith.muli %arg1, %mul3A_203 : i32
    %add3A_205 = arith.constant 256 : i32
    %add3A_206 = arith.addi %mul3A_204, %add3A_205 : i32
    "tpu.region"() ({
      %run_scoped3A = tpu.sem_alloc : memref<!tpu.dma_semaphore, #tpu.memory_space<semaphore_mem>>
      %dma_start3A_245 = arith.constant 0 : i32
      %dma_start3A_246 = tpu.memref_slice %arg20[%add3A_206, %dma_start3A_245] : memref<10240x128xf32, #tpu.memory_space<vmem_shared>> -> memref<64x128xf32, #tpu.memory_space<vmem_shared>>
      %dma_start3A_247 = arith.constant 0 : i32
      %dma_start3A_248 = tpu.memref_slice %arg20[%add3A_206, %dma_start3A_247] : memref<10240x128xf32, #tpu.memory_space<vmem_shared>> -> memref<64x128xf32, #tpu.memory_space<vmem_shared>>
      tpu.enqueue_dma source(%dma_start3A_248 : memref<64x128xf32, #tpu.memory_space<vmem_shared>>) target(%arg19 : memref<64x128xf32, #tpu.memory_space<vmem>>) target_semaphore(%run_scoped3A : memref<!tpu.dma_semaphore, #tpu.memory_space<semaphore_mem>>)
      %dma_wait3A_249 = arith.constant 0 : i32
      %dma_wait3A_250 = tpu.memref_slice %arg20[%add3A_206, %dma_wait3A_249] : memref<10240x128xf32, #tpu.memory_space<vmem_shared>> -> memref<64x128xf32, #tpu.memory_space<vmem_shared>>
      %dma_wait3A_251 = arith.constant 0 : i32
      %dma_wait3A_252 = tpu.memref_slice %arg20[%add3A_206, %dma_wait3A_251] : memref<10240x128xf32, #tpu.memory_space<vmem_shared>> -> memref<64x128xf32, #tpu.memory_space<vmem_shared>>
      tpu.wait_dma2 semaphore(%run_scoped3A : memref<!tpu.dma_semaphore, #tpu.memory_space<semaphore_mem>>) src(%dma_wait3A_252 : memref<64x128xf32, #tpu.memory_space<vmem_shared>>) dst(%arg19 : memref<64x128xf32, #tpu.memory_space<vmem>>)
      tpu.yield
    }) : () -> ()
    %mul3A_207 = arith.constant 10240 : i32
    %mul3A_208 = arith.muli %arg0, %mul3A_207 : i32
    %add3A_209 = arith.addi %mul3A_208, %add3A_206 : i32
    "tpu.region"() ({
      %run_scoped3A = tpu.sem_alloc : memref<!tpu.dma_semaphore, #tpu.memory_space<semaphore_mem>>
      %dma_start3A_245 = arith.constant 0 : i32
      %dma_start3A_246 = tpu.memref_slice %arg6[%add3A_209, %dma_start3A_245] : memref<20480x128xf32, #tpu.memory_space<hbm>> -> memref<64x128xf32, #tpu.memory_space<hbm>>
      %dma_start3A_247 = arith.constant 0 : i32
      %dma_start3A_248 = tpu.memref_slice %arg6[%add3A_209, %dma_start3A_247] : memref<20480x128xf32, #tpu.memory_space<hbm>> -> memref<64x128xf32, #tpu.memory_space<hbm>>
      tpu.enqueue_dma source(%arg19 : memref<64x128xf32, #tpu.memory_space<vmem>>) target(%dma_start3A_248 : memref<64x128xf32, #tpu.memory_space<hbm>>) target_semaphore(%run_scoped3A : memref<!tpu.dma_semaphore, #tpu.memory_space<semaphore_mem>>)
      %dma_wait3A_249 = arith.constant 0 : i32
      %dma_wait3A_250 = tpu.memref_slice %arg6[%add3A_209, %dma_wait3A_249] : memref<20480x128xf32, #tpu.memory_space<hbm>> -> memref<64x128xf32, #tpu.memory_space<hbm>>
      %dma_wait3A_251 = arith.constant 0 : i32
      %dma_wait3A_252 = tpu.memref_slice %arg6[%add3A_209, %dma_wait3A_251] : memref<20480x128xf32, #tpu.memory_space<hbm>> -> memref<64x128xf32, #tpu.memory_space<hbm>>
      tpu.wait_dma2 semaphore(%run_scoped3A : memref<!tpu.dma_semaphore, #tpu.memory_space<semaphore_mem>>) src(%arg19 : memref<64x128xf32, #tpu.memory_space<vmem>>) dst(%dma_wait3A_252 : memref<64x128xf32, #tpu.memory_space<hbm>>)
      tpu.yield
    }) : () -> ()
    %mul3A_210 = arith.constant 640 : i32
    %mul3A_211 = arith.muli %arg1, %mul3A_210 : i32
    %add3A_212 = arith.constant 320 : i32
    %add3A_213 = arith.addi %mul3A_211, %add3A_212 : i32
    "tpu.region"() ({
      %run_scoped3A = tpu.sem_alloc : memref<!tpu.dma_semaphore, #tpu.memory_space<semaphore_mem>>
      %dma_start3A_245 = arith.constant 0 : i32
      %dma_start3A_246 = tpu.memref_slice %arg20[%add3A_213, %dma_start3A_245] : memref<10240x128xf32, #tpu.memory_space<vmem_shared>> -> memref<64x128xf32, #tpu.memory_space<vmem_shared>>
      %dma_start3A_247 = arith.constant 0 : i32
      %dma_start3A_248 = tpu.memref_slice %arg20[%add3A_213, %dma_start3A_247] : memref<10240x128xf32, #tpu.memory_space<vmem_shared>> -> memref<64x128xf32, #tpu.memory_space<vmem_shared>>
      tpu.enqueue_dma source(%dma_start3A_248 : memref<64x128xf32, #tpu.memory_space<vmem_shared>>) target(%arg19 : memref<64x128xf32, #tpu.memory_space<vmem>>) target_semaphore(%run_scoped3A : memref<!tpu.dma_semaphore, #tpu.memory_space<semaphore_mem>>)
      %dma_wait3A_249 = arith.constant 0 : i32
      %dma_wait3A_250 = tpu.memref_slice %arg20[%add3A_213, %dma_wait3A_249] : memref<10240x128xf32, #tpu.memory_space<vmem_shared>> -> memref<64x128xf32, #tpu.memory_space<vmem_shared>>
      %dma_wait3A_251 = arith.constant 0 : i32
      %dma_wait3A_252 = tpu.memref_slice %arg20[%add3A_213, %dma_wait3A_251] : memref<10240x128xf32, #tpu.memory_space<vmem_shared>> -> memref<64x128xf32, #tpu.memory_space<vmem_shared>>
      tpu.wait_dma2 semaphore(%run_scoped3A : memref<!tpu.dma_semaphore, #tpu.memory_space<semaphore_mem>>) src(%dma_wait3A_252 : memref<64x128xf32, #tpu.memory_space<vmem_shared>>) dst(%arg19 : memref<64x128xf32, #tpu.memory_space<vmem>>)
      tpu.yield
    }) : () -> ()
    %mul3A_214 = arith.constant 10240 : i32
    %mul3A_215 = arith.muli %arg0, %mul3A_214 : i32
    %add3A_216 = arith.addi %mul3A_215, %add3A_213 : i32
    "tpu.region"() ({
      %run_scoped3A = tpu.sem_alloc : memref<!tpu.dma_semaphore, #tpu.memory_space<semaphore_mem>>
      %dma_start3A_245 = arith.constant 0 : i32
      %dma_start3A_246 = tpu.memref_slice %arg6[%add3A_216, %dma_start3A_245] : memref<20480x128xf32, #tpu.memory_space<hbm>> -> memref<64x128xf32, #tpu.memory_space<hbm>>
      %dma_start3A_247 = arith.constant 0 : i32
      %dma_start3A_248 = tpu.memref_slice %arg6[%add3A_216, %dma_start3A_247] : memref<20480x128xf32, #tpu.memory_space<hbm>> -> memref<64x128xf32, #tpu.memory_space<hbm>>
      tpu.enqueue_dma source(%arg19 : memref<64x128xf32, #tpu.memory_space<vmem>>) target(%dma_start3A_248 : memref<64x128xf32, #tpu.memory_space<hbm>>) target_semaphore(%run_scoped3A : memref<!tpu.dma_semaphore, #tpu.memory_space<semaphore_mem>>)
      %dma_wait3A_249 = arith.constant 0 : i32
      %dma_wait3A_250 = tpu.memref_slice %arg6[%add3A_216, %dma_wait3A_249] : memref<20480x128xf32, #tpu.memory_space<hbm>> -> memref<64x128xf32, #tpu.memory_space<hbm>>
      %dma_wait3A_251 = arith.constant 0 : i32
      %dma_wait3A_252 = tpu.memref_slice %arg6[%add3A_216, %dma_wait3A_251] : memref<20480x128xf32, #tpu.memory_space<hbm>> -> memref<64x128xf32, #tpu.memory_space<hbm>>
      tpu.wait_dma2 semaphore(%run_scoped3A : memref<!tpu.dma_semaphore, #tpu.memory_space<semaphore_mem>>) src(%arg19 : memref<64x128xf32, #tpu.memory_space<vmem>>) dst(%dma_wait3A_252 : memref<64x128xf32, #tpu.memory_space<hbm>>)
      tpu.yield
    }) : () -> ()
    %mul3A_217 = arith.constant 640 : i32
    %mul3A_218 = arith.muli %arg1, %mul3A_217 : i32
    %add3A_219 = arith.constant 384 : i32
    %add3A_220 = arith.addi %mul3A_218, %add3A_219 : i32
    "tpu.region"() ({
      %run_scoped3A = tpu.sem_alloc : memref<!tpu.dma_semaphore, #tpu.memory_space<semaphore_mem>>
      %dma_start3A_245 = arith.constant 0 : i32
      %dma_start3A_246 = tpu.memref_slice %arg20[%add3A_220, %dma_start3A_245] : memref<10240x128xf32, #tpu.memory_space<vmem_shared>> -> memref<64x128xf32, #tpu.memory_space<vmem_shared>>
      %dma_start3A_247 = arith.constant 0 : i32
      %dma_start3A_248 = tpu.memref_slice %arg20[%add3A_220, %dma_start3A_247] : memref<10240x128xf32, #tpu.memory_space<vmem_shared>> -> memref<64x128xf32, #tpu.memory_space<vmem_shared>>
      tpu.enqueue_dma source(%dma_start3A_248 : memref<64x128xf32, #tpu.memory_space<vmem_shared>>) target(%arg19 : memref<64x128xf32, #tpu.memory_space<vmem>>) target_semaphore(%run_scoped3A : memref<!tpu.dma_semaphore, #tpu.memory_space<semaphore_mem>>)
      %dma_wait3A_249 = arith.constant 0 : i32
      %dma_wait3A_250 = tpu.memref_slice %arg20[%add3A_220, %dma_wait3A_249] : memref<10240x128xf32, #tpu.memory_space<vmem_shared>> -> memref<64x128xf32, #tpu.memory_space<vmem_shared>>
      %dma_wait3A_251 = arith.constant 0 : i32
      %dma_wait3A_252 = tpu.memref_slice %arg20[%add3A_220, %dma_wait3A_251] : memref<10240x128xf32, #tpu.memory_space<vmem_shared>> -> memref<64x128xf32, #tpu.memory_space<vmem_shared>>
      tpu.wait_dma2 semaphore(%run_scoped3A : memref<!tpu.dma_semaphore, #tpu.memory_space<semaphore_mem>>) src(%dma_wait3A_252 : memref<64x128xf32, #tpu.memory_space<vmem_shared>>) dst(%arg19 : memref<64x128xf32, #tpu.memory_space<vmem>>)
      tpu.yield
    }) : () -> ()
    %mul3A_221 = arith.constant 10240 : i32
    %mul3A_222 = arith.muli %arg0, %mul3A_221 : i32
    %add3A_223 = arith.addi %mul3A_222, %add3A_220 : i32
    "tpu.region"() ({
      %run_scoped3A = tpu.sem_alloc : memref<!tpu.dma_semaphore, #tpu.memory_space<semaphore_mem>>
      %dma_start3A_245 = arith.constant 0 : i32
      %dma_start3A_246 = tpu.memref_slice %arg6[%add3A_223, %dma_start3A_245] : memref<20480x128xf32, #tpu.memory_space<hbm>> -> memref<64x128xf32, #tpu.memory_space<hbm>>
      %dma_start3A_247 = arith.constant 0 : i32
      %dma_start3A_248 = tpu.memref_slice %arg6[%add3A_223, %dma_start3A_247] : memref<20480x128xf32, #tpu.memory_space<hbm>> -> memref<64x128xf32, #tpu.memory_space<hbm>>
      tpu.enqueue_dma source(%arg19 : memref<64x128xf32, #tpu.memory_space<vmem>>) target(%dma_start3A_248 : memref<64x128xf32, #tpu.memory_space<hbm>>) target_semaphore(%run_scoped3A : memref<!tpu.dma_semaphore, #tpu.memory_space<semaphore_mem>>)
      %dma_wait3A_249 = arith.constant 0 : i32
      %dma_wait3A_250 = tpu.memref_slice %arg6[%add3A_223, %dma_wait3A_249] : memref<20480x128xf32, #tpu.memory_space<hbm>> -> memref<64x128xf32, #tpu.memory_space<hbm>>
      %dma_wait3A_251 = arith.constant 0 : i32
      %dma_wait3A_252 = tpu.memref_slice %arg6[%add3A_223, %dma_wait3A_251] : memref<20480x128xf32, #tpu.memory_space<hbm>> -> memref<64x128xf32, #tpu.memory_space<hbm>>
      tpu.wait_dma2 semaphore(%run_scoped3A : memref<!tpu.dma_semaphore, #tpu.memory_space<semaphore_mem>>) src(%arg19 : memref<64x128xf32, #tpu.memory_space<vmem>>) dst(%dma_wait3A_252 : memref<64x128xf32, #tpu.memory_space<hbm>>)
      tpu.yield
    }) : () -> ()
    %mul3A_224 = arith.constant 640 : i32
    %mul3A_225 = arith.muli %arg1, %mul3A_224 : i32
    %add3A_226 = arith.constant 448 : i32
    %add3A_227 = arith.addi %mul3A_225, %add3A_226 : i32
    "tpu.region"() ({
      %run_scoped3A = tpu.sem_alloc : memref<!tpu.dma_semaphore, #tpu.memory_space<semaphore_mem>>
      %dma_start3A_245 = arith.constant 0 : i32
      %dma_start3A_246 = tpu.memref_slice %arg20[%add3A_227, %dma_start3A_245] : memref<10240x128xf32, #tpu.memory_space<vmem_shared>> -> memref<64x128xf32, #tpu.memory_space<vmem_shared>>
      %dma_start3A_247 = arith.constant 0 : i32
      %dma_start3A_248 = tpu.memref_slice %arg20[%add3A_227, %dma_start3A_247] : memref<10240x128xf32, #tpu.memory_space<vmem_shared>> -> memref<64x128xf32, #tpu.memory_space<vmem_shared>>
      tpu.enqueue_dma source(%dma_start3A_248 : memref<64x128xf32, #tpu.memory_space<vmem_shared>>) target(%arg19 : memref<64x128xf32, #tpu.memory_space<vmem>>) target_semaphore(%run_scoped3A : memref<!tpu.dma_semaphore, #tpu.memory_space<semaphore_mem>>)
      %dma_wait3A_249 = arith.constant 0 : i32
      %dma_wait3A_250 = tpu.memref_slice %arg20[%add3A_227, %dma_wait3A_249] : memref<10240x128xf32, #tpu.memory_space<vmem_shared>> -> memref<64x128xf32, #tpu.memory_space<vmem_shared>>
      %dma_wait3A_251 = arith.constant 0 : i32
      %dma_wait3A_252 = tpu.memref_slice %arg20[%add3A_227, %dma_wait3A_251] : memref<10240x128xf32, #tpu.memory_space<vmem_shared>> -> memref<64x128xf32, #tpu.memory_space<vmem_shared>>
      tpu.wait_dma2 semaphore(%run_scoped3A : memref<!tpu.dma_semaphore, #tpu.memory_space<semaphore_mem>>) src(%dma_wait3A_252 : memref<64x128xf32, #tpu.memory_space<vmem_shared>>) dst(%arg19 : memref<64x128xf32, #tpu.memory_space<vmem>>)
      tpu.yield
    }) : () -> ()
    %mul3A_228 = arith.constant 10240 : i32
    %mul3A_229 = arith.muli %arg0, %mul3A_228 : i32
    %add3A_230 = arith.addi %mul3A_229, %add3A_227 : i32
    "tpu.region"() ({
      %run_scoped3A = tpu.sem_alloc : memref<!tpu.dma_semaphore, #tpu.memory_space<semaphore_mem>>
      %dma_start3A_245 = arith.constant 0 : i32
      %dma_start3A_246 = tpu.memref_slice %arg6[%add3A_230, %dma_start3A_245] : memref<20480x128xf32, #tpu.memory_space<hbm>> -> memref<64x128xf32, #tpu.memory_space<hbm>>
      %dma_start3A_247 = arith.constant 0 : i32
      %dma_start3A_248 = tpu.memref_slice %arg6[%add3A_230, %dma_start3A_247] : memref<20480x128xf32, #tpu.memory_space<hbm>> -> memref<64x128xf32, #tpu.memory_space<hbm>>
      tpu.enqueue_dma source(%arg19 : memref<64x128xf32, #tpu.memory_space<vmem>>) target(%dma_start3A_248 : memref<64x128xf32, #tpu.memory_space<hbm>>) target_semaphore(%run_scoped3A : memref<!tpu.dma_semaphore, #tpu.memory_space<semaphore_mem>>)
      %dma_wait3A_249 = arith.constant 0 : i32
      %dma_wait3A_250 = tpu.memref_slice %arg6[%add3A_230, %dma_wait3A_249] : memref<20480x128xf32, #tpu.memory_space<hbm>> -> memref<64x128xf32, #tpu.memory_space<hbm>>
      %dma_wait3A_251 = arith.constant 0 : i32
      %dma_wait3A_252 = tpu.memref_slice %arg6[%add3A_230, %dma_wait3A_251] : memref<20480x128xf32, #tpu.memory_space<hbm>> -> memref<64x128xf32, #tpu.memory_space<hbm>>
      tpu.wait_dma2 semaphore(%run_scoped3A : memref<!tpu.dma_semaphore, #tpu.memory_space<semaphore_mem>>) src(%arg19 : memref<64x128xf32, #tpu.memory_space<vmem>>) dst(%dma_wait3A_252 : memref<64x128xf32, #tpu.memory_space<hbm>>)
      tpu.yield
    }) : () -> ()
    %mul3A_231 = arith.constant 640 : i32
    %mul3A_232 = arith.muli %arg1, %mul3A_231 : i32
    %add3A_233 = arith.constant 512 : i32
    %add3A_234 = arith.addi %mul3A_232, %add3A_233 : i32
    "tpu.region"() ({
      %run_scoped3A = tpu.sem_alloc : memref<!tpu.dma_semaphore, #tpu.memory_space<semaphore_mem>>
      %dma_start3A_245 = arith.constant 0 : i32
      %dma_start3A_246 = tpu.memref_slice %arg20[%add3A_234, %dma_start3A_245] : memref<10240x128xf32, #tpu.memory_space<vmem_shared>> -> memref<64x128xf32, #tpu.memory_space<vmem_shared>>
      %dma_start3A_247 = arith.constant 0 : i32
      %dma_start3A_248 = tpu.memref_slice %arg20[%add3A_234, %dma_start3A_247] : memref<10240x128xf32, #tpu.memory_space<vmem_shared>> -> memref<64x128xf32, #tpu.memory_space<vmem_shared>>
      tpu.enqueue_dma source(%dma_start3A_248 : memref<64x128xf32, #tpu.memory_space<vmem_shared>>) target(%arg19 : memref<64x128xf32, #tpu.memory_space<vmem>>) target_semaphore(%run_scoped3A : memref<!tpu.dma_semaphore, #tpu.memory_space<semaphore_mem>>)
      %dma_wait3A_249 = arith.constant 0 : i32
      %dma_wait3A_250 = tpu.memref_slice %arg20[%add3A_234, %dma_wait3A_249] : memref<10240x128xf32, #tpu.memory_space<vmem_shared>> -> memref<64x128xf32, #tpu.memory_space<vmem_shared>>
      %dma_wait3A_251 = arith.constant 0 : i32
      %dma_wait3A_252 = tpu.memref_slice %arg20[%add3A_234, %dma_wait3A_251] : memref<10240x128xf32, #tpu.memory_space<vmem_shared>> -> memref<64x128xf32, #tpu.memory_space<vmem_shared>>
      tpu.wait_dma2 semaphore(%run_scoped3A : memref<!tpu.dma_semaphore, #tpu.memory_space<semaphore_mem>>) src(%dma_wait3A_252 : memref<64x128xf32, #tpu.memory_space<vmem_shared>>) dst(%arg19 : memref<64x128xf32, #tpu.memory_space<vmem>>)
      tpu.yield
    }) : () -> ()
    %mul3A_235 = arith.constant 10240 : i32
    %mul3A_236 = arith.muli %arg0, %mul3A_235 : i32
    %add3A_237 = arith.addi %mul3A_236, %add3A_234 : i32
    "tpu.region"() ({
      %run_scoped3A = tpu.sem_alloc : memref<!tpu.dma_semaphore, #tpu.memory_space<semaphore_mem>>
      %dma_start3A_245 = arith.constant 0 : i32
      %dma_start3A_246 = tpu.memref_slice %arg6[%add3A_237, %dma_start3A_245] : memref<20480x128xf32, #tpu.memory_space<hbm>> -> memref<64x128xf32, #tpu.memory_space<hbm>>
      %dma_start3A_247 = arith.constant 0 : i32
      %dma_start3A_248 = tpu.memref_slice %arg6[%add3A_237, %dma_start3A_247] : memref<20480x128xf32, #tpu.memory_space<hbm>> -> memref<64x128xf32, #tpu.memory_space<hbm>>
      tpu.enqueue_dma source(%arg19 : memref<64x128xf32, #tpu.memory_space<vmem>>) target(%dma_start3A_248 : memref<64x128xf32, #tpu.memory_space<hbm>>) target_semaphore(%run_scoped3A : memref<!tpu.dma_semaphore, #tpu.memory_space<semaphore_mem>>)
      %dma_wait3A_249 = arith.constant 0 : i32
      %dma_wait3A_250 = tpu.memref_slice %arg6[%add3A_237, %dma_wait3A_249] : memref<20480x128xf32, #tpu.memory_space<hbm>> -> memref<64x128xf32, #tpu.memory_space<hbm>>
      %dma_wait3A_251 = arith.constant 0 : i32
      %dma_wait3A_252 = tpu.memref_slice %arg6[%add3A_237, %dma_wait3A_251] : memref<20480x128xf32, #tpu.memory_space<hbm>> -> memref<64x128xf32, #tpu.memory_space<hbm>>
      tpu.wait_dma2 semaphore(%run_scoped3A : memref<!tpu.dma_semaphore, #tpu.memory_space<semaphore_mem>>) src(%arg19 : memref<64x128xf32, #tpu.memory_space<vmem>>) dst(%dma_wait3A_252 : memref<64x128xf32, #tpu.memory_space<hbm>>)
      tpu.yield
    }) : () -> ()
    %mul3A_238 = arith.constant 640 : i32
    %mul3A_239 = arith.muli %arg1, %mul3A_238 : i32
    %add3A_240 = arith.constant 576 : i32
    %add3A_241 = arith.addi %mul3A_239, %add3A_240 : i32
    "tpu.region"() ({
      %run_scoped3A = tpu.sem_alloc : memref<!tpu.dma_semaphore, #tpu.memory_space<semaphore_mem>>
      %dma_start3A_245 = arith.constant 0 : i32
      %dma_start3A_246 = tpu.memref_slice %arg20[%add3A_241, %dma_start3A_245] : memref<10240x128xf32, #tpu.memory_space<vmem_shared>> -> memref<64x128xf32, #tpu.memory_space<vmem_shared>>
      %dma_start3A_247 = arith.constant 0 : i32
      %dma_start3A_248 = tpu.memref_slice %arg20[%add3A_241, %dma_start3A_247] : memref<10240x128xf32, #tpu.memory_space<vmem_shared>> -> memref<64x128xf32, #tpu.memory_space<vmem_shared>>
      tpu.enqueue_dma source(%dma_start3A_248 : memref<64x128xf32, #tpu.memory_space<vmem_shared>>) target(%arg19 : memref<64x128xf32, #tpu.memory_space<vmem>>) target_semaphore(%run_scoped3A : memref<!tpu.dma_semaphore, #tpu.memory_space<semaphore_mem>>)
      %dma_wait3A_249 = arith.constant 0 : i32
      %dma_wait3A_250 = tpu.memref_slice %arg20[%add3A_241, %dma_wait3A_249] : memref<10240x128xf32, #tpu.memory_space<vmem_shared>> -> memref<64x128xf32, #tpu.memory_space<vmem_shared>>
      %dma_wait3A_251 = arith.constant 0 : i32
      %dma_wait3A_252 = tpu.memref_slice %arg20[%add3A_241, %dma_wait3A_251] : memref<10240x128xf32, #tpu.memory_space<vmem_shared>> -> memref<64x128xf32, #tpu.memory_space<vmem_shared>>
      tpu.wait_dma2 semaphore(%run_scoped3A : memref<!tpu.dma_semaphore, #tpu.memory_space<semaphore_mem>>) src(%dma_wait3A_252 : memref<64x128xf32, #tpu.memory_space<vmem_shared>>) dst(%arg19 : memref<64x128xf32, #tpu.memory_space<vmem>>)
      tpu.yield
    }) : () -> ()
    %mul3A_242 = arith.constant 10240 : i32
    %mul3A_243 = arith.muli %arg0, %mul3A_242 : i32
    %add3A_244 = arith.addi %mul3A_243, %add3A_241 : i32
    "tpu.region"() ({
      %run_scoped3A = tpu.sem_alloc : memref<!tpu.dma_semaphore, #tpu.memory_space<semaphore_mem>>
      %dma_start3A_245 = arith.constant 0 : i32
      %dma_start3A_246 = tpu.memref_slice %arg6[%add3A_244, %dma_start3A_245] : memref<20480x128xf32, #tpu.memory_space<hbm>> -> memref<64x128xf32, #tpu.memory_space<hbm>>
      %dma_start3A_247 = arith.constant 0 : i32
      %dma_start3A_248 = tpu.memref_slice %arg6[%add3A_244, %dma_start3A_247] : memref<20480x128xf32, #tpu.memory_space<hbm>> -> memref<64x128xf32, #tpu.memory_space<hbm>>
      tpu.enqueue_dma source(%arg19 : memref<64x128xf32, #tpu.memory_space<vmem>>) target(%dma_start3A_248 : memref<64x128xf32, #tpu.memory_space<hbm>>) target_semaphore(%run_scoped3A : memref<!tpu.dma_semaphore, #tpu.memory_space<semaphore_mem>>)
      %dma_wait3A_249 = arith.constant 0 : i32
      %dma_wait3A_250 = tpu.memref_slice %arg6[%add3A_244, %dma_wait3A_249] : memref<20480x128xf32, #tpu.memory_space<hbm>> -> memref<64x128xf32, #tpu.memory_space<hbm>>
      %dma_wait3A_251 = arith.constant 0 : i32
      %dma_wait3A_252 = tpu.memref_slice %arg6[%add3A_244, %dma_wait3A_251] : memref<20480x128xf32, #tpu.memory_space<hbm>> -> memref<64x128xf32, #tpu.memory_space<hbm>>
      tpu.wait_dma2 semaphore(%run_scoped3A : memref<!tpu.dma_semaphore, #tpu.memory_space<semaphore_mem>>) src(%arg19 : memref<64x128xf32, #tpu.memory_space<vmem>>) dst(%dma_wait3A_252 : memref<64x128xf32, #tpu.memory_space<hbm>>)
      tpu.yield
    }) : () -> ()
    return
  }
}

module attributes {stable_mosaic.version = 14 : i64} {
  func.func @_mm_bias_body(%arg0: i32, %arg1: memref<16000x128xf32, #tpu.memory_space<vmem>>, %arg2: memref<128x128xbf16, #tpu.memory_space<vmem>>, %arg3: memref<1x128xf32, #tpu.memory_space<vmem>>, %arg4: memref<16000x128xf32, #tpu.memory_space<vmem>>) attributes {dimension_semantics = [#tpu.dimension_semantics<arbitrary>], iteration_bounds = array<i64: 20>, scalar_prefetch = 0 : i64, scratch_operands = 0 : i64, tpu.core_type = #tpu.core_type<tc>, window_params = [{transform_indices = @transform_0, window_bounds = array<i64: 16000, 128>}, {pipeline_mode = #tpu.pipeline_mode<synchronous>, transform_indices = @transform_1, window_bounds = array<i64: 128, 128>}, {pipeline_mode = #tpu.pipeline_mode<synchronous>, transform_indices = @transform_2, window_bounds = array<i64: 1, 128>}, {transform_indices = @transform_3, window_bounds = array<i64: 16000, 128>}]} {
    %get3A = arith.constant 0 : index
    %get3A_0 = arith.constant 0 : index
    %get3A_1 = vector.load %arg1[%get3A, %get3A_0] : memref<16000x128xf32, #tpu.memory_space<vmem>>, vector<16000x128xf32>
    %convert_element_type3A = arith.truncf %get3A_1 : vector<16000x128xf32> to vector<16000x128xbf16>
    %get3A_2 = arith.constant 0 : index
    %get3A_3 = arith.constant 0 : index
    %get3A_4 = vector.load %arg2[%get3A_2, %get3A_3] : memref<128x128xbf16, #tpu.memory_space<vmem>>, vector<128x128xbf16>
    %dot_general3A = arith.constant dense<0.000000e+00> : vector<16000x128xf32>
    %dot_general3A_5 = tpu.matmul %convert_element_type3A, %get3A_4, %dot_general3A {dimension_numbers = #tpu.dot_dimension_numbers<[1], [0], [0], [1], [0, 0, 1, 1], [], []>, transpose_lhs_hint = false} : vector<16000x128xbf16>, vector<128x128xbf16>, vector<16000x128xf32> -> vector<16000x128xf32>
    %get3A_6 = arith.constant 0 : index
    %get3A_7 = arith.constant 0 : index
    %get3A_8 = vector.load %arg3[%get3A_6, %get3A_7] : memref<1x128xf32, #tpu.memory_space<vmem>>, vector<1x128xf32>
    %add3A = vector.broadcast %get3A_8 : vector<1x128xf32> to vector<16000x128xf32>
    %add3A_9 = arith.addf %dot_general3A_5, %add3A : vector<16000x128xf32>
    %swap3A = arith.constant 0 : index
    %swap3A_10 = arith.constant 0 : index
    %swap3A_11 = vector.load %arg4[%swap3A, %swap3A_10] : memref<16000x128xf32, #tpu.memory_space<vmem>>, vector<16000x128xf32>
    tpu.vector_store %arg4[%swap3A, %swap3A_10], %add3A_9 {strides = array<i32>} : memref<16000x128xf32, #tpu.memory_space<vmem>>, vector<16000x128xf32>,
    return
  }
  func.func @transform_0(%arg0: i32) -> (i32, i32) {
    %c0_i32 = arith.constant 0 : i32
    %c0_i32_0 = arith.constant 0 : i32
    return %arg0, %c0_i32 : i32, i32
  }
  func.func @transform_1(%arg0: i32) -> (i32, i32) {
    %c0_i32 = arith.constant 0 : i32
    %c0_i32_0 = arith.constant 0 : i32
    %c0_i32_1 = arith.constant 0 : i32
    return %c0_i32, %c0_i32_0 : i32, i32
  }
  func.func @transform_2(%arg0: i32) -> (i32, i32) {
    %c0_i32 = arith.constant 0 : i32
    %c0_i32_0 = arith.constant 0 : i32
    %c0_i32_1 = arith.constant 0 : i32
    return %c0_i32, %c0_i32_0 : i32, i32
  }
  func.func @transform_3(%arg0: i32) -> (i32, i32) {
    %c0_i32 = arith.constant 0 : i32
    %c0_i32_0 = arith.constant 0 : i32
    return %arg0, %c0_i32 : i32, i32
  }
}

module attributes {stable_mosaic.version = 14 : i64} {
  func.func @body(%arg0: i32, %arg1: memref<5000x128xf32, #tpu.memory_space<vmem>>, %arg2: memref<1x5000x128xf32, #tpu.memory_space<vmem>>, %arg3: memref<1x5000x128xf32, #tpu.memory_space<vmem>>, %arg4: memref<128x128xf32, #tpu.memory_space<vmem>>, %arg5: memref<1x128xf32, #tpu.memory_space<vmem>>, %arg6: memref<5000x128xf32, #tpu.memory_space<vmem>>) attributes {dimension_semantics = [#tpu.dimension_semantics<arbitrary>], iteration_bounds = array<i64: 2>, scalar_prefetch = 0 : i64, scratch_operands = 0 : i64, tpu.core_type = #tpu.core_type<tc>, window_params = [{transform_indices = @transform_0, window_bounds = array<i64: 5000, 128>}, {transform_indices = @transform_1, window_bounds = array<i64: 1, 5000, 128>}, {transform_indices = @transform_2, window_bounds = array<i64: 1, 5000, 128>}, {pipeline_mode = #tpu.pipeline_mode<synchronous>, transform_indices = @transform_3, window_bounds = array<i64: 128, 128>}, {pipeline_mode = #tpu.pipeline_mode<synchronous>, transform_indices = @transform_4, window_bounds = array<i64: 1, 128>}, {transform_indices = @transform_5, window_bounds = array<i64: 5000, 128>}]} {
    %get3A = arith.constant 0 : index
    %get3A_0 = arith.constant 0 : index
    %get3A_1 = vector.load %arg1[%get3A, %get3A_0] : memref<5000x128xf32, #tpu.memory_space<vmem>>, vector<5000x128xf32>
    %get3A_2 = arith.constant 0 : index
    %get3A_3 = arith.constant 0 : index
    %get3A_4 = arith.constant 0 : index
    %get3A_5 = vector.load %arg2[%get3A_2, %get3A_3, %get3A_4] : memref<1x5000x128xf32, #tpu.memory_space<vmem>>, vector<1x5000x128xf32>
    %get3A_6 = vector.shape_cast %get3A_5 : vector<1x5000x128xf32> to vector<5000x128xf32>
    %add3A = arith.addf %get3A_1, %get3A_6 : vector<5000x128xf32>
    %get3A_7 = arith.constant 0 : index
    %get3A_8 = arith.constant 0 : index
    %get3A_9 = arith.constant 0 : index
    %get3A_10 = vector.load %arg3[%get3A_7, %get3A_8, %get3A_9] : memref<1x5000x128xf32, #tpu.memory_space<vmem>>, vector<1x5000x128xf32>
    %get3A_11 = vector.shape_cast %get3A_10 : vector<1x5000x128xf32> to vector<5000x128xf32>
    %add3A_12 = arith.addf %add3A, %get3A_11 : vector<5000x128xf32>
    %get3A_13 = arith.constant 0 : index
    %get3A_14 = arith.constant 0 : index
    %get3A_15 = vector.load %arg4[%get3A_13, %get3A_14] : memref<128x128xf32, #tpu.memory_space<vmem>>, vector<128x128xf32>
    %dot_general3A = arith.constant dense<0.000000e+00> : vector<5000x128xf32>
    %dot_general3A_16 = tpu.matmul %add3A_12, %get3A_15, %dot_general3A {dimension_numbers = #tpu.dot_dimension_numbers<[1], [0], [0], [1], [0, 0, 1, 1], [], []>, transpose_lhs_hint = false} : vector<5000x128xf32>, vector<128x128xf32>, vector<5000x128xf32> -> vector<5000x128xf32>
    %get3A_17 = arith.constant 0 : index
    %get3A_18 = arith.constant 0 : index
    %get3A_19 = vector.load %arg5[%get3A_17, %get3A_18] : memref<1x128xf32, #tpu.memory_space<vmem>>, vector<1x128xf32>
    %add3A_20 = vector.broadcast %get3A_19 : vector<1x128xf32> to vector<5000x128xf32>
    %add3A_21 = arith.addf %dot_general3A_16, %add3A_20 : vector<5000x128xf32>
    %swap3A = arith.constant 0 : index
    %swap3A_22 = arith.constant 0 : index
    %swap3A_23 = vector.load %arg6[%swap3A, %swap3A_22] : memref<5000x128xf32, #tpu.memory_space<vmem>>, vector<5000x128xf32>
    tpu.vector_store %arg6[%swap3A, %swap3A_22], %add3A_21 {strides = array<i32>} : memref<5000x128xf32, #tpu.memory_space<vmem>>, vector<5000x128xf32>,
    return
  }
  func.func @transform_0(%arg0: i32) -> (i32, i32) {
    %c0_i32 = arith.constant 0 : i32
    %c0_i32_0 = arith.constant 0 : i32
    return %arg0, %c0_i32 : i32, i32
  }
  func.func @transform_1(%arg0: i32) -> (i32, i32, i32) {
    %c0_i32 = arith.constant 0 : i32
    %c0_i32_0 = arith.constant 0 : i32
    %c0_i32_1 = arith.constant 0 : i32
    return %c0_i32, %arg0, %c0_i32_0 : i32, i32, i32
  }
  func.func @transform_2(%arg0: i32) -> (i32, i32, i32) {
    %c1_i32 = arith.constant 1 : i32
    %c0_i32 = arith.constant 0 : i32
    %c0_i32_0 = arith.constant 0 : i32
    return %c1_i32, %arg0, %c0_i32 : i32, i32, i32
  }
  func.func @transform_3(%arg0: i32) -> (i32, i32) {
    %c0_i32 = arith.constant 0 : i32
    %c0_i32_0 = arith.constant 0 : i32
    %c0_i32_1 = arith.constant 0 : i32
    return %c0_i32, %c0_i32_0 : i32, i32
  }
  func.func @transform_4(%arg0: i32) -> (i32, i32) {
    %c0_i32 = arith.constant 0 : i32
    %c0_i32_0 = arith.constant 0 : i32
    %c0_i32_1 = arith.constant 0 : i32
    return %c0_i32, %c0_i32_0 : i32, i32
  }
  func.func @transform_5(%arg0: i32) -> (i32, i32) {
    %c0_i32 = arith.constant 0 : i32
    %c0_i32_0 = arith.constant 0 : i32
    return %arg0, %c0_i32 : i32, i32
  }
}

</mosaic_0001>

<sc_bundles>
// kernel: kernel.5.cloned.1.call-start
scs
__scs_entry_jumppad:
0x0: {  	(pc) =	sbr.rel $0x88, $3  }
0x1: {  	(tag) =	ssettag $0x0;
	lr =	simm.s32 $0x1  }
0x2: {  	[smem:$0x3F9A] =	sst lr;
	_ =	strace $0xD0000000  }
0x3: {  	_ = 	snop  }
0x4: {  	_ = 	snop  }
0x5: {  	_ = 	snop  }
0x6: {  	_ = 	snop  }
0x7: {  	_ = 	snop  }
__scs_overlays_trampoline_lowered:
0x8: {  	[smem:$0x3FA9] =	sst s0  }
0x9: {  	[smem:$0x3FAA] =	sst s1  }
0xa: {  	[smem:$0x3FAB] =	sst s2  }
0xb: {  	[smem:$0x3FAC] =	sst s3  }
0xc: {  	[smem:$0x3FAD] =	sst s4  }
0xd: {  	[smem:$0x3FAE] =	sst s5  }
0xe: {  	[smem:$0x3FAF] =	sst s6  }
0xf: {  	[smem:$0x3FB0] =	sst s7  }
0x10: {  	[smem:$0x3FB1] =	sst s8  }
0x11: {  	[smem:$0x3FB2] =	sst s9;
	s0 =	simm.s32 @!p0 $0x0  }
0x12: {  	s1 =	sld [smem:$0x3F98];
	s0 =	simm.s32 @p0 $0x1  }
0x13: {  	[smem:$0x3FB3] =	sst s0;
	s0 =	simm.s32 @!p1 $0x0  }
0x14: {  	s2 =	sld [smem:$0x3F97];
	s0 =	simm.s32 @p1 $0x1  }
0x15: {  	[smem:$0x3FB4] =	sst s0;
	s0 =	simm.s32 @!p2 $0x0  }
0x16: {  	s3 =	sld [smem:$0x3FDB];
	s0 =	simm.s32 @p2 $0x1  }
0x17: {  	s4 =	simm.s32 $0x1BF5;
	[smem:$0x3FB6] =	sst s0  }
0x18: {  	s0 =	sld [smem:$0x3F99];
	_ =	swait.ge [sflag:s4], $0x0  }
0x19: {  	s7 =	sld [smem:$0x3F9A]  }
0x1a: {  	s8 =	sadd.s32 $0xFFFFE003, lr  }
0x1b: {  	s9 =	sadd.s32 $0xFFFFFEF7, lr;
	s5 =	simm.s32 $0xFFFFFFFF;
	p2 =	slt.u32 s8, $0xFFFFF086  }
0x1c: {  	p1 =	slt.u32 s9, $0xF7A;
	s5 =	simm.s32 @!p2 $0x0  }
0x1d: {  	s5 =	simm.s32 @p1 $0x1;
	p0 =	seq.s32 s7, s2  }
0x1e: {  	s7 =	smul.u32 @!p0 $0xF7A, s2;
	p2 =	seq.s32 @!p0 s5, $0x0  }
0x1f: {  	s9 =	smul.u32 $0xF7A, s1;
	s8 =	simm.s32 @!p0 $0x1BF5;
	p2 =	por !p2, p0  }
0x20: {  	[sflag:s8] =	ssyncset.s32 @!p0 $0xFFFFF086;
	s6 =	sadd.s32 @!p0 s3, s7;
	s7 =	simm.s32 @!p0 $0x108  }
0x21: {  	s3 =	sadd.s32 s3, s9;
	s6 =	sadd.s32 @!p0 $0x88, s6;
	s7 =	simm.s32 @p2 $0x1082  }
0x22: {  	[simem:s7], [sflag:s8] =	dma.local @!p0 [hbm:s6], $0xF7A  }
0x23: {  	s9 =	sor.u32 $0xD0000000, s2;
	s6 =	simm.s32 $0x108;
	_ =	swait.ge @!p0 [sflag:s8], $0x0  }
0x24: {  	s3 =	sadd.s32 $0x88, s3;
	s6 =	simm.s32 @!p1 $0x1082;
	[sflag:s4] =	ssyncset.s32 $0xFFFFF086  }
0x25: {  	[simem:s6], [sflag:s4] =	dma.local [hbm:s3], $0xF7A  }
0x26: {  	[smem:$0x3F9A] =	sst s1;
	(tag) =	ssettag s2;
	_ =	strace s9  }
0x27: {  	s1 =	sld [smem:$0x3FAA]  }
0x28: {  	s2 =	sld [smem:$0x3FAB]  }
0x29: {  	s4 =	sld [smem:$0x3FAD]  }
0x2a: {  	p0 =	seq.s32 s5, $0x0;
	s5 =	sld [smem:$0x3FAE]  }
0x2b: {  	s6 =	sld [smem:$0x3FAF]  }
0x2c: {  	s7 =	sld [smem:$0x3FB0]  }
0x2d: {  	s3 =	simm.s32 $0x108;
	s8 =	sld [smem:$0x3FB1]  }
0x2e: {  	s3 =	simm.s32 @!p0 $0x1082;
	s9 =	sld [smem:$0x3FB2]  }
0x2f: {  	lr =	sadd.s32 s0, s3;
	s0 =	sld [smem:$0x3FA9]  }
0x30: {  	s3 =	sld [smem:$0x3FAC]  }
0x31: {  	[smem:$0x3FB5] =	sst s10  }
0x32: {  	s10 =	sld [smem:$0x3FB3];
	_ =	sdelay $0x3  }
0x33: {  	p0 =	seq.s32 s10, $0x1;
	s10 =	sld [smem:$0x3FB5];
	_ =	sdelay $0x3  }
0x34: {  	[smem:$0x3FB5] =	sst s10  }
0x35: {  	s10 =	sld [smem:$0x3FB4];
	_ =	sdelay $0x3  }
0x36: {  	p1 =	seq.s32 s10, $0x1;
	s10 =	sld [smem:$0x3FB5];
	_ =	sdelay $0x3  }
0x37: {  	[smem:$0x3FB5] =	sst s10  }
0x38: {  	s10 =	sld [smem:$0x3FB6]  }
0x39: {  	_ = 	snop;
	(pc) =	sbr.ind lr, $3  }
0x3a: {  	_ = 	snop  }
0x3b: {  	_ = 	snop  }
0x3c: {  	p2 =	seq.s32 s10, $0x1;
	s10 =	sld [smem:$0x3FB5]  }
0x3d: {  	_ =	shalt  }
0x3e: {  	_ =	shalt  }
0x3f: {  	_ =	shalt  }
0x40: {  	_ =	shalt  }
0x41: {  	_ =	shalt  }
0x42: {  	_ =	shalt  }
0x43: {  	_ =	shalt  }
0x44: {  	_ =	shalt  }
0x45: {  	_ =	shalt  }
0x46: {  	_ =	shalt  }
0x47: {  	_ =	shalt  }
0x48: {  	_ =	shalt  }
0x49: {  	_ =	shalt  }
0x4a: {  	_ =	shalt  }
0x4b: {  	_ =	shalt  }
0x4c: {  	_ =	shalt  }
0x4d: {  	_ =	shalt  }
0x4e: {  	_ =	shalt  }
0x4f: {  	_ =	shalt  }
0x50: {  	_ =	shalt  }
0x51: {  	_ =	shalt  }
0x52: {  	_ =	shalt  }
0x53: {  	_ =	shalt  }
0x54: {  	_ =	shalt  }
0x55: {  	_ =	shalt  }
0x56: {  	_ =	shalt  }
0x57: {  	_ =	shalt  }
0x58: {  	_ =	shalt  }
0x59: {  	_ =	shalt  }
0x5a: {  	_ =	shalt  }
0x5b: {  	_ =	shalt  }
0x5c: {  	_ =	shalt  }
0x5d: {  	_ =	shalt  }
0x5e: {  	_ =	shalt  }
0x5f: {  	_ =	shalt  }
0x60: {  	_ =	shalt  }
0x61: {  	_ =	shalt  }
0x62: {  	_ =	shalt  }
0x63: {  	_ =	shalt  }
0x64: {  	_ =	shalt  }
0x65: {  	_ =	shalt  }
0x66: {  	_ =	shalt  }
0x67: {  	_ =	shalt  }
0x68: {  	_ =	shalt  }
0x69: {  	_ =	shalt  }
0x6a: {  	_ =	shalt  }
0x6b: {  	_ =	shalt  }
0x6c: {  	_ =	shalt  }
0x6d: {  	_ =	shalt  }
0x6e: {  	_ =	shalt  }
0x6f: {  	_ =	shalt  }
0x70: {  	_ =	shalt  }
0x71: {  	_ =	shalt  }
0x72: {  	_ =	shalt  }
0x73: {  	_ =	shalt  }
0x74: {  	_ =	shalt  }
0x75: {  	_ =	shalt  }
0x76: {  	_ =	shalt  }
0x77: {  	_ =	shalt  }
0x78: {  	_ =	shalt  }
0x79: {  	_ =	shalt  }
0x7a: {  	_ =	shalt  }
0x7b: {  	_ =	shalt  }
0x7c: {  	_ =	shalt  }
0x7d: {  	_ =	shalt  }
0x7e: {  	_ =	shalt  }
0x7f: {  	_ =	shalt  }
0x80: {  	_ =	shalt  }
0x81: {  	_ =	shalt  }
0x82: {  	_ =	shalt  }
0x83: {  	_ =	shalt  }
0x84: {  	_ =	shalt  }
0x85: {  	_ =	shalt  }
0x86: {  	_ =	shalt  }
0x87: {  	_ =	shalt  }
.Lfunc_end0:
.L_simem_size_0:
called_computation_lowered:
.L_overlay_start_0:
0x88: {  	s2 =	sld [smem:$0x3FD9]  }
0x89: {  	s3 =	sld [smem:$0x3FFE];
	_ =	sdelay $0x1  }
0x8a: {  	s1 =	srdreg.scid  }
0x8b: {  	s0 =	sand.u32 $0x1, s1  }
0x8c: {  	s17 =	sshll.u32 s0, $0xA;
	s2 =	sadd.s32 s3, s2  }
0x8d: {  	s2 =	sadd.s32 s2, s17  }
0x8e: {  	[smem:$0x3FC1] =	sst s2  }
0x8f: {  	_ = 	snop  }
0x90: {  	s2 =	sld [smem:$0x3FC9]  }
0x91: {  	s18 =	sld [smem:$0x3FD0];
	(tm) =	ssettm $0x1  }
0x92: {  	s4 =	sld [smem:$0x3FFB];
	_ =	sdelay $0x3  }
0x93: {  	_ =	strace s4  }
0x94: {  	s4 =	sld [smem:$0x3FFC];
	_ =	sdelay $0x3  }
0x95: {  	_ =	strace s4  }
0x96: {  	s4 =	sld [smem:$0x3FFD];
	_ =	sdelay $0x3  }
0x97: {  	_ =	strace s4  }
0x98: {  	_ =	strace $0x8FFFFFFF  }
0x99: {  	s19 =	sld [smem:$0x3FDB];
	_ =	sdelay $0x1  }
0x9a: {  	s5 =	simm.s32 $_scs_section_size  }
0x9b: {  	s6 =	simm.s32 $_size__tile_overlayer_lowered;
	s7 =	simm.s32 $_tile_overlayer_lowered  }
0x9c: {  	s22 =	simm.s32 $0x1BFF;
	s21 =	sshll.u32 s7, $0x1;
	s4 =	sadd.s32 s5, s19  }
0x9d: {  	s8 =	simm.s32 $0x0;
	s20 =	sshll.u32 s6, $0x1;
	s6 =	sadd.s32 s21, s4  }
0x9e: {  	[timem:s8], [sflag:s22] =	dma.local [hbm:s6], s20  }
0x9f: {  	_ =	swait.ge [sflag:s22], s20  }
0xa0: {  	s5 =	ssub.s32 $0x0, s20;
	[sflag:s22] =	ssyncset.done $0x0  }
0xa1: {  	[sflag:s22] =	ssyncadd.s32 s5;
	_ =	sdelay $0x1  }
0xa2: {  	s23 =	simm.s32 $0x1B8B  }
0xa3: {  	_ =	swait.ge [sflag:s23], $0x1  }
0xa4: {  	[sflag:s23] =	ssyncset.done $0x0  }
0xa5: {  	s25 =	simm.s32 $0x1B8E;
	s24 =	sld [smem:$0x3FFE];
	[sflag:s23] =	ssyncadd.s32 $0xFFFFFFFF  }
0xa6: {  	s26 =	simm.s32 $execute0_lowered;
	[smem:$0x3FD2] =	sst s25  }
0xa7: {  	s6 =	sshll.u32 s26, $0x1;
	_ =	strace $0x80000046;
	[dreg:$0x1] =	wrdreg $0xFFFFFFFF  }
0xa8: {  	s28 =	simm.s32 $_size_execute0_lowered;
	s4 =	sadd.s32 s4, s6;
	[dreg:$0x0] =	wrdreg $0x0  }
0xa9: {  	s6 =	sshll.u32 s28, $0x1;
	[dreg:$0x2] =	wrdreg s4  }
0xaa: {  	[dreg:$0x3] =	wrdreg s6  }
0xab: {  	[dreg:$0x4] =	wrdreg $0xC0  }
0xac: {  	_ =	task [dreg:s8], $0x5FFFF  }
0xad: {  	[dreg:$0x1] =	wrdreg $0xFFFFFFFF  }
0xae: {  	[dreg:$0x0] =	wrdreg $0x60  }
0xaf: {  	[dreg:$0x2] =	wrdreg s24  }
0xb0: {  	[dreg:$0x3] =	wrdreg s18  }
0xb1: {  	[dreg:$0x4] =	wrdreg s2  }
0xb2: {  	[dreg:$0x5] =	wrdreg $0x74000  }
0xb3: {  	[dreg:$0x6] =	wrdreg $0x9  }
0xb4: {  	_ =	task.clear_ibuf [dreg:s8], $0x7FFFF;
	_ =	strace $0x90000046  }
0xb5: {  	s29 =	simm.s32 $0x9;
	_ =	strace $0x80000048  }
0xb6: {  	_ =	swait.ge [sflag:s29], $0x1  }
0xb7: {  	[sflag:s29] =	ssyncadd.s32 $0xFFFFFFFF  }
0xb8: {  	_ =	strace $0x90000048  }
0xb9: {  	_ =	sfence  }
0xba: {  	s30 =	sld [smem:$0x0];
	_ =	sdelay $0x2  }
0xbb: {  	s31 =	sshll.u32 s1, $0xD;
	s1 =	sshrl.u32 s1, $0x2  }
0xbc: {  	s3 =	sand.u32 $0x4000, s31;
	s1 =	sadd.s32 s1, s30  }
0xbd: {  	s0 =	sor.u32 s3, s0;
	s1 =	sshll.u32 s1, $0x11  }
0xbe: {  	s0 =	sor.u32 s1, s0  }
0xbf: {  	s0 =	sadd.s32 $0x8F2B, s0  }
0xc0: {  	[sflag:s0] =	ssyncadd.remote.s32 $0x1  }
0xc1: {  	_ =	sfence.sel $0xFFFF  }
0xc2: {  	[dreg:$0x0] =	wrdreg $0xFFFFFFFF;
	(pc) =	sbr.abs _section_cstart, $3  }
0xc3: {  	[dreg:$0x1] =	wrdreg $0xFFFFFFFF  }
0xc4: {  	_ =	task.clear_ibuf [dreg:s8], $0x2FFFF;
	_ =	strace $0x9FFFFFFF  }
0xc5: {  	(tm) =	ssettm $0x7FFFFFFF  }
tec
execute0_lowered:
.L_overlay_start_1:
0x0: {  	(tag) =	ssettag $0x1  }
0x1: {  	s5 =	rddreg [dreg:$0x0]  }
0x2: {  	s0 =	rddreg [dreg:$0x1]  }
0x3: {  	s1 =	srdreg.scid;
	s2 =	rddreg [dreg:$0x2]  }
0x4: {  	s3 =	simm.s32 $0x0;
	s20 =	stileid.u32;
	s30 =	simm.s32 $0x80  }
0x5: {  	s31 =	simm.s32 $0x400;
	s28 =	simm.s32 $0x7;
	s29 =	simm.s32 $0x3  }
0x6: {  	s6 =	sand.u32 $0x1, s1;
	[smem:$0x7FF] =	sst s3;
	s7 =	smul.u32 $0x280, s20  }
0x7: {  	s8 =	sadd.s32 $0x4EC600, s5;
	s19 =	sshll.u32 s20, $0x1;
	s1 =	ssub.s32 $0x2, s6  }
0x8: {  	s20 =	smul.u32 $0x50000, s20;
	s4 =	sshrl.u32 s1, $0x1;
	s9 =	sor.u32 $0x40, s7  }
0x9: {  	s10 =	sadd.s32 $0x80, s7;
	s11 =	sadd.s32 $0xC0, s7;
	s12 =	sadd.s32 $0x100, s7  }
0xa: {  	s1 =	ssub.s32 s1, s4;
	s4 =	sor.u32 s6, s19;
	s6 =	smul.u32 $0x2800, s6  }
0xb: {  	s14 =	sadd.s32 $0x140, s7;
	s15 =	sadd.s32 $0x180, s7;
	s18 =	sadd.s32 $0x1C0, s7  }
0xc: {  	s19 =	sadd.s32 $0x200, s7;
	s1 =	smax.u32 s1, $0x1;
	s13 =	sadd.s32 s7, s6  }
0xd: {  	s16 =	sadd.s32 s6, s9;
	s7 =	sadd.s32 $0x240, s7;
	s22 =	sadd.s32 s6, s10  }
0xe: {  	s23 =	sadd.s32 s6, s11;
	s17 =	sadd.s32 s6, s12;
	s11 =	sshll.u32 s11, $0x7  }
0xf: {  	s12 =	sshll.u32 s12, $0x7;
	s13 =	sshll.u32 s13, $0x4;
	s16 =	sshll.u32 s16, $0x4  }
0x10: {  	s24 =	sshll.u32 s23, $0x4;
	s25 =	sshll.u32 s17, $0x4;
	s13 =	sadd.s32 s8, s13  }
0x11: {  	s17 =	sadd.s32 s6, s15;
	s21 =	sadd.s32 s8, s16;
	[dreg:$0x5] =	wrdreg s13  }
0x12: {  	s26 =	sadd.s32 s8, s25;
	s16 =	sadd.s32 s6, s14;
	[dreg:$0x6] =	wrdreg s21  }
0x13: {  	s25 =	sadd.s32 s6, s19;
	s13 =	sshll.u32 s22, $0x4;
	[dreg:$0x9] =	wrdreg s26  }
0x14: {  	s21 =	sadd.s32 s6, s18;
	s22 =	sshll.u32 s17, $0x4;
	s26 =	sshll.u32 s25, $0x4  }
0x15: {  	s6 =	sadd.s32 s6, s7;
	s17 =	sadd.s32 $0xA600, s5;
	s13 =	sadd.s32 s8, s13  }
0x16: {  	s23 =	sshll.u32 s21, $0x4;
	[dreg:$0x7] =	wrdreg s13;
	s13 =	sadd.s32 s8, s24  }
0x17: {  	s6 =	sshll.u32 s6, $0x4;
	s24 =	sadd.s32 s8, s23;
	[dreg:$0x8] =	wrdreg s13  }
0x18: {  	s25 =	sshll.u32 s18, $0x7;
	s6 =	sadd.s32 s8, s6;
	[dreg:$0xc] =	wrdreg s24  }
0x19: {  	s13 =	sshll.u32 s16, $0x4;
	s16 =	sadd.s32 s8, s26;
	[dreg:$0xe] =	wrdreg s6  }
0x1a: {  	s26 =	smul.u32 $0x2710, s4;
	s13 =	sadd.s32 s8, s13;
	[dreg:$0xd] =	wrdreg s16  }
0x1b: {  	s4 =	smul.u32 $0x27100, s4;
	[dreg:$0xa] =	wrdreg s13;
	s13 =	sadd.s32 s8, s22  }
0x1c: {  	s6 =	sshrl.u32 s20, $0x2;
	s20 =	sshll.u32 s14, $0x7;
	[dreg:$0xb] =	wrdreg s13  }
0x1d: {  	s16 =	sadd.s32 $0x800, s5;
	s4 =	sadd.s32 s17, s4;
	s13 =	rddreg [dreg:$0x3]  }
0x1e: {  	s8 =	sshll.u32 s9, $0x7;
	_ =	strace $0x80000047;
	[dreg:$0x1e] =	wrdreg s4  }
0x1f: {  	s9 =	sshll.u32 s10, $0x7;
	s22 =	sshll.u32 s15, $0x7;
	[smem:$0x7FA] =	sst s1  }
0x20: {  	s23 =	sadd.s32 s6, s13;
	s10 =	sadd.s32 s9, s13;
	[dreg:$0x16] =	wrdreg s26  }
0x21: {  	s24 =	sadd.s32 s8, s13;
	s5 =	sadd.s32 s11, s13;
	[dreg:$0x11] =	wrdreg s10  }
0x22: {  	s21 =	sadd.s32 s20, s13;
	s18 =	sadd.s32 s25, s13;
	[dreg:$0x12] =	wrdreg s5  }
0x23: {  	s6 =	sshll.u32 s19, $0x7;
	s25 =	sadd.s32 $0xA0, s26;
	[dreg:$0x14] =	wrdreg s21  }
0x24: {  	s9 =	sshll.u32 s7, $0x7;
	s11 =	sadd.s32 $0x28, s26;
	[smem:$0x7FC] =	sst s25  }
0x25: {  	s1 =	simm.s32 $0x5;
	s7 =	simm.s32 $0x4;
	[dreg:$0xf] =	wrdreg s23  }
0x26: {  	s8 =	simm.s32 $0xB;
	s5 =	sadd.s32 s12, s13;
	[dreg:$0x10] =	wrdreg s24  }
0x27: {  	s10 =	sadd.s32 s9, s13;
	s12 =	sshrl.u32 s26, $0x3;
	[dreg:$0x17] =	wrdreg s18  }
0x28: {  	s14 =	sshrl.u32 s11, $0x3;
	s21 =	sshll.u32 s11, $0x4;
	[dreg:$0x13] =	wrdreg s5  }
0x29: {  	s11 =	simm.s32 $0x1800;
	s5 =	sadd.s32 s22, s13;
	[dreg:$0x19] =	wrdreg s10  }
0x2a: {  	s25 =	simm.s32 $0x8;
	s15 =	sadd.s32 s16, s12;
	[dreg:$0x15] =	wrdreg s5  }
0x2b: {  	s9 =	simm.s32 $0xC;
	s19 =	sadd.s32 s16, s14;
	[dreg:$0x1a] =	wrdreg s15  }
0x2c: {  	s20 =	sadd.s32 s0, s14;
	s4 =	sadd.s32 s17, s21;
	[dreg:$0x1c] =	wrdreg s19  }
0x2d: {  	s22 =	sadd.s32 $0x50, s26;
	s26 =	sadd.s32 $0xC8, s26;
	[dreg:$0x1d] =	wrdreg s20  }
0x2e: {  	s21 =	simm.s32 $0x2;
	s10 =	simm.s32 $0xA;
	[dreg:$0x1f] =	wrdreg s4  }
0x2f: {  	s14 =	simm.s32 $0xD;
	s5 =	sadd.s32 s6, s13;
	[smem:$0x7FB] =	sst s22  }
0x30: {  	s6 =	sadd.s32 s0, s12;
	[smem:$0x7FD] =	sst s26;
	s12 =	simm.s32 $0xE  }
0x31: {  	s4 =	simm.s32 $0x1;
	s19 =	simm.s32 $0x2C00;
	s20 =	simm.s32 $0x6  }
0x32: {  	s22 =	simm.s32 $0x9;
	s26 =	simm.s32 $0x4000;
	[dreg:$0x18] =	wrdreg s5  }
0x33: {  	v0 =	vimm.f32 $0.0e+00;
	s15 =	simm.s32 $0x0;
	[dreg:$0x1b] =	wrdreg s6;
	s5 =	simm.s32 $0x28  }
.LBB2_1:
0x34: {  	[smem:$0x7F9] =	sst s15;
	s6 =	simm.s32 $0x0;
	s15 =	simm.s32 $0x200  }
.LBB2_2:
0x35: {  	p0 =	sne.s32 s15, $0x7E00;
	[tilespmem:s6+$0x5470] =	vst v0  }
0x36: {  	[tilespmem:s6+$0x5400] =	vst v0  }
0x37: {  	[tilespmem:s6+$0x5410] =	vst v0  }
.Ltmp0:
0x38: {  	[tilespmem:s6+$0x5420] =	vst v0;
	(pc) =	sbr.rel @p0 .LBB2_2-.Ltmp0, $4  }
0x39: {  	[tilespmem:s6+$0x5430] =	vst v0  }
0x3a: {  	[tilespmem:s6+$0x5440] =	vst v0  }
0x3b: {  	[tilespmem:s6+$0x5450] =	vst v0  }
0x3c: {  	[tilespmem:s6+$0x5460] =	vst v0;
	s6 =	sshra.s32 s15, $0x2;
	s15 =	sadd.s32 $0x200, s15  }
0x3d: {  	[tilespmem:s6+$0x5470] =	vst v0  }
0x3e: {  	[tilespmem:s6+$0x5400] =	vst v0  }
0x3f: {  	[tilespmem:s6+$0x5410] =	vst v0  }
0x40: {  	[tilespmem:s6+$0x5420] =	vst v0  }
0x41: {  	[tilespmem:s6+$0x5430] =	vst v0  }
0x42: {  	[tilespmem:s6+$0x5440] =	vst v0  }
0x43: {  	[tilespmem:s6+$0x5450] =	vst v0  }
0x44: {  	[tilespmem:s6+$0x5460] =	vst v0;
	s15 =	simm.s32 $0x5400  }
0x45: {  	[spmem:s23] =	stream.linear.scatter [tilespmem:s15], [sflag:$0xE], $0x2000, $0x38;
	[tilespmem:$0x1B400] =	vst v63  }
0x46: {  	_ =	swait.ge [sflag:s12], $0x2000  }
0x47: {  	[sflag:s12] =	ssyncset.done $0x0  }
0x48: {  	[sflag:s12] =	ssyncadd.s32 $0xFFFFE000  }
0x49: {  	[spmem:s24] =	stream.linear.scatter [tilespmem:s15], [sflag:$0xE], $0x2000, $0x38;
	[tilespmem:$0x1B400] =	vst v63  }
0x4a: {  	_ =	swait.ge [sflag:s12], $0x2000  }
0x4b: {  	[sflag:s12] =	ssyncset.done $0x0  }
0x4c: {  	s24 =	rddreg [dreg:$0x11];
	[sflag:s12] =	ssyncadd.s32 $0xFFFFE000  }
0x4d: {  	[spmem:s24] =	stream.linear.scatter [tilespmem:s15], [sflag:$0xE], $0x2000, $0x38;
	[tilespmem:$0x1B400] =	vst v63  }
0x4e: {  	_ =	swait.ge [sflag:s12], $0x2000  }
0x4f: {  	[sflag:s12] =	ssyncset.done $0x0  }
0x50: {  	s23 =	rddreg [dreg:$0x12];
	[sflag:s12] =	ssyncadd.s32 $0xFFFFE000  }
0x51: {  	[spmem:s23] =	stream.linear.scatter [tilespmem:s15], [sflag:$0xE], $0x2000, $0x38;
	[tilespmem:$0x1B400] =	vst v63  }
0x52: {  	_ =	swait.ge [sflag:s12], $0x2000  }
0x53: {  	[sflag:s12] =	ssyncset.done $0x0  }
0x54: {  	s24 =	rddreg [dreg:$0x13];
	[sflag:s12] =	ssyncadd.s32 $0xFFFFE000  }
0x55: {  	[spmem:s24] =	stream.linear.scatter [tilespmem:s15], [sflag:$0xE], $0x2000, $0x38;
	[tilespmem:$0x1B400] =	vst v63  }
0x56: {  	_ =	swait.ge [sflag:s12], $0x2000  }
0x57: {  	[sflag:s12] =	ssyncset.done $0x0  }
0x58: {  	s23 =	rddreg [dreg:$0x14];
	[sflag:s12] =	ssyncadd.s32 $0xFFFFE000  }
0x59: {  	[spmem:s23] =	stream.linear.scatter [tilespmem:s15], [sflag:$0xE], $0x2000, $0x38;
	[tilespmem:$0x1B400] =	vst v63  }
0x5a: {  	_ =	swait.ge [sflag:s12], $0x2000  }
0x5b: {  	[sflag:s12] =	ssyncset.done $0x0  }
0x5c: {  	s24 =	rddreg [dreg:$0x15];
	[sflag:s12] =	ssyncadd.s32 $0xFFFFE000  }
0x5d: {  	[spmem:s24] =	stream.linear.scatter [tilespmem:s15], [sflag:$0xE], $0x2000, $0x38;
	[tilespmem:$0x1B400] =	vst v63  }
0x5e: {  	_ =	swait.ge [sflag:s12], $0x2000  }
0x5f: {  	[sflag:s12] =	ssyncset.done $0x0  }
0x60: {  	[sflag:s12] =	ssyncadd.s32 $0xFFFFE000  }
0x61: {  	[spmem:s18] =	stream.linear.scatter [tilespmem:s15], [sflag:$0xE], $0x2000, $0x38;
	[tilespmem:$0x1B400] =	vst v63  }
0x62: {  	_ =	swait.ge [sflag:s12], $0x2000  }
0x63: {  	[sflag:s12] =	ssyncset.done $0x0  }
0x64: {  	s23 =	rddreg [dreg:$0x18];
	[sflag:s12] =	ssyncadd.s32 $0xFFFFE000  }
0x65: {  	[spmem:s23] =	stream.linear.scatter [tilespmem:s15], [sflag:$0xE], $0x2000, $0x38;
	[tilespmem:$0x1B400] =	vst v63  }
0x66: {  	_ =	swait.ge [sflag:s12], $0x2000  }
0x67: {  	[sflag:s12] =	ssyncset.done $0x0  }
0x68: {  	s24 =	rddreg [dreg:$0x19];
	[sflag:s12] =	ssyncadd.s32 $0xFFFFE000  }
0x69: {  	[spmem:s24] =	stream.linear.scatter [tilespmem:s15], [sflag:$0xE], $0x2000, $0x38;
	[tilespmem:$0x1B400] =	vst v63  }
0x6a: {  	_ =	swait.ge [sflag:s12], $0x2000  }
0x6b: {  	[sflag:s12] =	ssyncset.done $0x0  }
0x6c: {  	[sflag:s12] =	ssyncadd.s32 $0xFFFFE000  }
0x6d: {  	[bflag:$0x0] =	sbarrier.arrive $0xFFFF  }
0x6e: {  	s6 =	simm.s32 $0x0;
	s18 =	rddreg [dreg:$0x1a]  }
0x6f: {  	[tilespmem:s6], [sflag:$0x1] =	stream.linear.gather [hbm4b:s18+s6], $0x28, $0x38;
	[tilespmem:$0x1B400] =	vst v63  }
0x70: {  	s24 =	simm.s32 $0x200;
	s23 =	rddreg [dreg:$0x1b]  }
0x71: {  	[tilespmem:s24], [sflag:$0x1] =	stream.linear.gather [hbm4b:s23+s6], $0x28, $0x38;
	[tilespmem:$0x1B400] =	vst v63  }
0x72: {  	s18 =	rddreg [dreg:$0x1c]  }
0x73: {  	[tilespmem:s30], [sflag:$0x2] =	stream.linear.gather [hbm4b:s18+s6], $0x28, $0x38;
	[tilespmem:$0x1B400] =	vst v63  }
0x74: {  	s23 =	rddreg [dreg:$0x1d];
	s24 =	simm.s32 $0x280  }
0x75: {  	[tilespmem:s24], [sflag:$0x2] =	stream.linear.gather [hbm4b:s23+s6], $0x28, $0x38;
	[tilespmem:$0x1B400] =	vst v63  }
0x76: {  	s23 =	rddreg [dreg:$0x1e]  }
0x77: {  	[tilespmem:s31], [sflag:$0x5] =	stream.linear.gather [hbm4b:s23+s6], $0x1400, $0x38;
	[tilespmem:$0x1B400] =	vst v63  }
0x78: {  	s24 =	rddreg [dreg:$0x1f]  }
0x79: {  	[tilespmem:s11], [sflag:$0x6] =	stream.linear.gather [hbm4b:s24+s6], $0x1400, $0x38;
	[tilespmem:$0x1B400] =	vst v63  }
0x7a: {  	_ =	swait.ge [sflag:s1], $0x1400  }
0x7b: {  	[sflag:s1] =	ssyncset.done $0x0  }
0x7c: {  	[sflag:s1] =	ssyncadd.s32 $0xFFFFEC00  }
0x7d: {  	_ =	swait.ge [sflag:s4], $0x28  }
0x7e: {  	[sflag:s4] =	ssyncset.done $0x0  }
0x7f: {  	[sflag:s4] =	ssyncadd.s32 $0xFFFFFFD8  }
0x80: {  	_ =	swait.ge [sflag:s4], $0x28  }
0x81: {  	[sflag:s4] =	ssyncset.done $0x0  }
0x82: {  	[sflag:s4] =	ssyncadd.s32 $0xFFFFFFD8  }
0x83: {  	[tilespmem:s31], [sflag:$0x9] =	stream.indirect.gather.add.f32 [hbm:s2], $0x80, s6, s5, $0xb8;
	[tilespmem:$0x1B400] =	vst v63  }
.LBB2_4:
0x84: {  	s15 =	sld [smem:$0x7FB]  }
0x85: {  	s18 =	smul.u32 $0xA0, s6;
	_ =	sdelay $0x1  }
0x86: {  	s15 =	sadd.s32 s18, s15  }
0x87: {  	s23 =	sshrl.u32 s15, $0x3  }
0x88: {  	s31 =	simm.s32 $0x100;
	s24 =	sadd.s32 s16, s23  }
0x89: {  	[tilespmem:s31], [sflag:$0x3] =	stream.linear.gather [hbm4b:s24+s3], $0x28, $0x38;
	[tilespmem:$0x1B400] =	vst v63  }
0x8a: {  	s15 =	sshll.u32 s15, $0x4;
	s23 =	sadd.s32 s0, s23;
	s31 =	simm.s32 $0x300  }
0x8b: {  	[tilespmem:s31], [sflag:$0x3] =	stream.linear.gather [hbm4b:s23+s3], $0x28, $0x38;
	[tilespmem:$0x1B400] =	vst v63  }
0x8c: {  	s15 =	sadd.s32 s17, s15  }
0x8d: {  	[tilespmem:s19], [sflag:$0x7] =	stream.linear.gather [hbm4b:s15+s3], $0x1400, $0x38;
	[tilespmem:$0x1B400] =	vst v63  }
0x8e: {  	_ =	swait.ge [sflag:s20], $0x1400  }
0x8f: {  	[sflag:s20] =	ssyncset.done $0x0  }
0x90: {  	[sflag:s20] =	ssyncadd.s32 $0xFFFFEC00  }
0x91: {  	_ =	swait.ge [sflag:s21], $0x28  }
0x92: {  	[sflag:s21] =	ssyncset.done $0x0  }
0x93: {  	[sflag:s21] =	ssyncadd.s32 $0xFFFFFFD8  }
0x94: {  	_ =	swait.ge [sflag:s21], $0x28  }
0x95: {  	[sflag:s21] =	ssyncset.done $0x0  }
0x96: {  	[sflag:s21] =	ssyncadd.s32 $0xFFFFFFD8  }
0x97: {  	[tilespmem:s11], [sflag:$0xA] =	stream.indirect.gather.add.f32 [hbm:s2], $0x80, s30, s5, $0xb8;
	[tilespmem:$0x1B400] =	vst v63  }
0x98: {  	_ =	swait.ge [sflag:s22], $0x1400  }
0x99: {  	[sflag:s22] =	ssyncset.done $0x0  }
0x9a: {  	s23 =	simm.s32 $0x600;
	[sflag:s22] =	ssyncadd.s32 $0xFFFFEC00  }
0x9b: {  	v1 =	vld [tilespmem:s23+$0xFFFFFE10]  }
0x9c: {  	v2 =	vld [tilespmem:s23+$0xFFFFFE20]  }
0x9d: {  	v7 =	vld [tilespmem:s23+$0x1F0]  }
0x9e: {  	v3 =	vld [tilespmem:s23+$0xFFFFFE30]  }
0x9f: {  	v9 =	vld [tilespmem:s23+$0xFFFFFE90]  }
0xa0: {  	v10 =	vld [tilespmem:s23+$0xFFFFFEA0]  }
0xa1: {  	v4 =	vld [tilespmem:s23+$0xFFFFFE40];
	v1 =	vmax.f32 v1, $0.0e+00  }
0xa2: {  	v5 =	vld [tilespmem:s23+$0xFFFFFE50];
	v7 =	vmax.f32 v7, $0.0e+00;
	[tilespmem:s23+$0xFFFFFE10] =	vst v1  }
0xa3: {  	v11 =	vld [tilespmem:s23+$0xFFFFFEB0];
	v2 =	vmax.f32 v2, $0.0e+00;
	[tilespmem:s23+$0x1F0] =	vst v7  }
0xa4: {  	v9 =	vmax.f32 v9, $0.0e+00;
	v1 =	vld [tilespmem:s23+$0xFFFFFE70];
	[tilespmem:s23+$0xFFFFFE20] =	vst v2  }
0xa5: {  	v10 =	vmax.f32 v10, $0.0e+00;
	v7 =	vld [tilespmem:s23+$0xFFFFFEC0];
	[tilespmem:s23+$0xFFFFFE90] =	vst v9  }
0xa6: {  	v8 =	vld [tilespmem:s23+$0xFFFFFE80];
	v2 =	vmax.f32 v3, $0.0e+00;
	[tilespmem:s23+$0xFFFFFEA0] =	vst v10  }
0xa7: {  	[tilespmem:s23+$0xFFFFFE30] =	vst v2;
	v2 =	vmax.f32 v4, $0.0e+00;
	v4 =	vld [tilespmem:s23+$0xFFFFFF00]  }
0xa8: {  	v56 =	vmax.f32 v11, $0.0e+00;
	[tilespmem:s23+$0xFFFFFE40] =	vst v2;
	v2 =	vmax.f32 v5, $0.0e+00;
	v5 =	vld [tilespmem:s23+$0xFFFFFF10]  }
0xa9: {  	[tilespmem:s23+$0xFFFFFEB0] =	vst v56;
	v1 =	vmax.f32 v1, $0.0e+00  }
0xaa: {  	v6 =	vld [tilespmem:s23+$0xFFFFFE60];
	v7 =	vmax.f32 v7, $0.0e+00;
	[tilespmem:s23+$0xFFFFFE70] =	vst v1  }
0xab: {  	v3 =	vld [tilespmem:s23+$0xFFFFFED0];
	v1 =	vmax.f32 v8, $0.0e+00;
	[tilespmem:s23+$0xFFFFFEC0] =	vst v7  }
0xac: {  	v7 =	vld [tilespmem:s23+$0xFFFFFF90];
	[tilespmem:s23+$0xFFFFFE80] =	vst v1;
	v1 =	vmax.f32 v4, $0.0e+00  }
0xad: {  	v5 =	vmax.f32 v5, $0.0e+00;
	[tilespmem:s23+$0xFFFFFF00] =	vst v1;
	v1 =	vld [tilespmem:s23+$0xFFFFFEE0]  }
0xae: {  	[tilespmem:s23+$0xFFFFFF10] =	vst v5;
	v5 =	vld [tilespmem:s23+$0xFFFFFEF0]  }
0xaf: {  	[tilespmem:s23+$0xFFFFFE50] =	vst v2;
	v2 =	vmax.f32 v6, $0.0e+00;
	v6 =	vld [tilespmem:s23+$0xFFFFFF20]  }
0xb0: {  	[tilespmem:s23+$0xFFFFFE60] =	vst v2;
	v2 =	vld [tilespmem:s23+$0xFFFFFF30];
	v3 =	vmax.f32 v3, $0.0e+00  }
0xb1: {  	v8 =	vld [tilespmem:s23+$0xFFFFFF40];
	[tilespmem:s23+$0xFFFFFED0] =	vst v3;
	v7 =	vmax.f32 v7, $0.0e+00  }
0xb2: {  	v4 =	vld [tilespmem:s23+$0xFFFFFF50];
	[tilespmem:s23+$0xFFFFFF90] =	vst v7;
	v1 =	vmax.f32 v1, $0.0e+00  }
0xb3: {  	v55 =	vld [tilespmem:s23+$0xFFFFFF60];
	[tilespmem:s23+$0xFFFFFEE0] =	vst v1;
	v1 =	vmax.f32 v5, $0.0e+00  }
0xb4: {  	v57 =	vld [tilespmem:s23+$0xFFFFFF70];
	[tilespmem:s23+$0xFFFFFEF0] =	vst v1;
	v1 =	vmax.f32 v6, $0.0e+00  }
0xb5: {  	v58 =	vld [tilespmem:s23+$0xFFFFFF80];
	[tilespmem:s23+$0xFFFFFF20] =	vst v1;
	v1 =	vmax.f32 v2, $0.0e+00  }
0xb6: {  	[tilespmem:s23+$0xFFFFFF30] =	vst v1;
	v1 =	vmax.f32 v8, $0.0e+00;
	v8 =	vld [tilespmem:s23+$0x0]  }
0xb7: {  	[tilespmem:s23+$0xFFFFFF40] =	vst v1;
	v1 =	vmax.f32 v4, $0.0e+00;
	v4 =	vld [tilespmem:s23+$0x10]  }
0xb8: {  	v3 =	vld [tilespmem:s23+$0xFFFFFFA0];
	[tilespmem:s23+$0xFFFFFF50] =	vst v1;
	v1 =	vmax.f32 v55, $0.0e+00  }
0xb9: {  	v5 =	vld [tilespmem:s23+$0xFFFFFFB0];
	[tilespmem:s23+$0xFFFFFF60] =	vst v1;
	v1 =	vmax.f32 v57, $0.0e+00  }
0xba: {  	v6 =	vld [tilespmem:s23+$0xFFFFFFC0];
	[tilespmem:s23+$0xFFFFFF70] =	vst v1;
	v1 =	vmax.f32 v58, $0.0e+00  }
0xbb: {  	v2 =	vld [tilespmem:s23+$0xFFFFFFD0];
	[tilespmem:s23+$0xFFFFFF80] =	vst v1;
	v1 =	vmax.f32 v8, $0.0e+00  }
0xbc: {  	[tilespmem:s23+$0x0] =	vst v1;
	v1 =	vld [tilespmem:s23+$0xFFFFFFE0];
	v4 =	vmax.f32 v4, $0.0e+00  }
0xbd: {  	v3 =	vmax.f32 v3, $0.0e+00;
	[tilespmem:s23+$0x10] =	vst v4;
	v4 =	vld [tilespmem:s23+$0xFFFFFFF0]  }
0xbe: {  	v59 =	vld [tilespmem:s23+$0x20];
	[tilespmem:s23+$0xFFFFFFA0] =	vst v3;
	v3 =	vmax.f32 v5, $0.0e+00  }
0xbf: {  	[tilespmem:s23+$0xFFFFFFB0] =	vst v3;
	v3 =	vmax.f32 v6, $0.0e+00;
	v6 =	vld [tilespmem:s23+$0x80]  }
0xc0: {  	v60 =	vld [tilespmem:s23+$0x30];
	[tilespmem:s23+$0xFFFFFFC0] =	vst v3;
	v2 =	vmax.f32 v2, $0.0e+00  }
0xc1: {  	v3 =	vld [tilespmem:s23+$0x90];
	[tilespmem:s23+$0xFFFFFFD0] =	vst v2;
	v1 =	vmax.f32 v1, $0.0e+00  }
0xc2: {  	v61 =	vld [tilespmem:s23+$0x40];
	[tilespmem:s23+$0xFFFFFFE0] =	vst v1;
	v1 =	vmax.f32 v4, $0.0e+00  }
0xc3: {  	v8 =	vld [tilespmem:s23+$0x50];
	[tilespmem:s23+$0xFFFFFFF0] =	vst v1;
	v1 =	vmax.f32 v59, $0.0e+00  }
0xc4: {  	v7 =	vld [tilespmem:s23+$0x60];
	[tilespmem:s23+$0x20] =	vst v1;
	v1 =	vmax.f32 v6, $0.0e+00  }
0xc5: {  	v5 =	vld [tilespmem:s23+$0x70];
	[tilespmem:s23+$0x80] =	vst v1;
	v1 =	vmax.f32 v60, $0.0e+00  }
0xc6: {  	v2 =	vld [tilespmem:s23+$0xA0];
	[tilespmem:s23+$0x30] =	vst v1;
	v1 =	vmax.f32 v3, $0.0e+00  }
0xc7: {  	v4 =	vld [tilespmem:s23+$0xB0];
	[tilespmem:s23+$0x90] =	vst v1;
	v1 =	vmax.f32 v61, $0.0e+00  }
0xc8: {  	v62 =	vld [tilespmem:s23+$0xC0];
	[tilespmem:s23+$0x40] =	vst v1;
	v1 =	vmax.f32 v8, $0.0e+00  }
0xc9: {  	[tilespmem:s23+$0x50] =	vst v1;
	v1 =	vmax.f32 v7, $0.0e+00;
	v7 =	vld [tilespmem:s23+$0x100]  }
0xca: {  	v6 =	vld [tilespmem:s23+$0xD0];
	[tilespmem:s23+$0x60] =	vst v1;
	v1 =	vmax.f32 v5, $0.0e+00  }
0xcb: {  	v5 =	vld [tilespmem:s23+$0x110];
	[tilespmem:s23+$0x70] =	vst v1;
	v1 =	vmax.f32 v2, $0.0e+00  }
0xcc: {  	v3 =	vld [tilespmem:s23+$0xE0];
	[tilespmem:s23+$0xA0] =	vst v1;
	v1 =	vmax.f32 v4, $0.0e+00  }
0xcd: {  	v8 =	vld [tilespmem:s23+$0xF0];
	[tilespmem:s23+$0xB0] =	vst v1;
	v1 =	vmax.f32 v62, $0.0e+00  }
0xce: {  	v2 =	vld [tilespmem:s23+$0x120];
	[tilespmem:s23+$0xC0] =	vst v1;
	v1 =	vmax.f32 v7, $0.0e+00  }
0xcf: {  	v7 =	vld [tilespmem:s23+$0x150];
	[tilespmem:s23+$0x100] =	vst v1;
	v1 =	vmax.f32 v6, $0.0e+00  }
0xd0: {  	v4 =	vld [tilespmem:s23+$0x130];
	[tilespmem:s23+$0xD0] =	vst v1;
	v1 =	vmax.f32 v5, $0.0e+00  }
0xd1: {  	v63 =	vld [tilespmem:s23+$0x140];
	[tilespmem:s23+$0x110] =	vst v1;
	v1 =	vmax.f32 v3, $0.0e+00  }
0xd2: {  	v6 =	vld [tilespmem:s23+$0x170];
	[tilespmem:s23+$0xE0] =	vst v1;
	v1 =	vmax.f32 v8, $0.0e+00  }
0xd3: {  	v5 =	vld [tilespmem:s23+$0x160];
	[tilespmem:s23+$0xF0] =	vst v1;
	v1 =	vmax.f32 v2, $0.0e+00  }
0xd4: {  	v3 =	vld [tilespmem:s23+$0x180];
	v2 =	vmax.f32 v7, $0.0e+00;
	[tilespmem:s23+$0x120] =	vst v1  }
0xd5: {  	v1 =	vmax.f32 v4, $0.0e+00;
	v4 =	vld [tilespmem:s23+$0x190];
	[tilespmem:s23+$0x150] =	vst v2  }
0xd6: {  	v8 =	vld [tilespmem:s23+$0x1A0];
	[tilespmem:s23+$0x130] =	vst v1;
	v1 =	vmax.f32 v63, $0.0e+00  }
0xd7: {  	v6 =	vmax.f32 v6, $0.0e+00;
	[tilespmem:s23+$0x140] =	vst v1;
	v1 =	vld [tilespmem:s23+$0x1B0]  }
0xd8: {  	v2 =	vld [tilespmem:s23+$0x1C0];
	v5 =	vmax.f32 v5, $0.0e+00;
	[tilespmem:s23+$0x170] =	vst v6  }
0xd9: {  	[tilespmem:s23+$0x160] =	vst v5;
	v5 =	vmax.f32 v3, $0.0e+00;
	v3 =	vld [tilespmem:s23+$0x1D0]  }
0xda: {  	[tilespmem:s23+$0x180] =	vst v5;
	v6 =	vmax.f32 v4, $0.0e+00;
	v4 =	vld [tilespmem:s23+$0x1E0]  }
0xdb: {  	s24 =	simm.s32 $0x0;
	s15 =	simm.s32 $0xA00;
	v5 =	vld [tilespmem:s23+$0xFFFFFE00];
	[tilespmem:s23+$0x190] =	vst v6;
	v6 =	vmax.f32 v8, $0.0e+00  }
.LBB2_5:
0xdc: {  	v7 =	vld [tilespmem:s15+$0x1F0];
	s24 =	sadd.s32 $0x8, s24;
	[tilespmem:s23+$0x1A0] =	vst v6;
	v1 =	vmax.f32 v1, $0.0e+00  }
0xdd: {  	v6 =	vld [tilespmem:s15+$0xFFFFFE10];
	p0 =	slt.u32 s24, $0x20;
	[tilespmem:s23+$0x1B0] =	vst v1;
	v1 =	vmax.f32 v2, $0.0e+00  }
0xde: {  	v2 =	vld [tilespmem:s15+$0xFFFFFE20];
	[tilespmem:s23+$0x1C0] =	vst v1;
	v1 =	vmax.f32 v3, $0.0e+00  }
0xdf: {  	v3 =	vld [tilespmem:s15+$0xFFFFFE30];
	[tilespmem:s23+$0x1D0] =	vst v1;
	v1 =	vmax.f32 v4, $0.0e+00  }
0xe0: {  	v4 =	vld [tilespmem:s15+$0xFFFFFE40];
	v5 =	vmax.f32 v5, $0.0e+00;
	[tilespmem:s23+$0x1E0] =	vst v1  }
0xe1: {  	v1 =	vld [tilespmem:s15+$0xFFFFFE50];
	v7 =	vmax.f32 v7, $0.0e+00;
	[tilespmem:s23+$0xFFFFFE00] =	vst v5;
	s23 =	smov.u32 s15  }
0xe2: {  	v5 =	vmax.f32 v6, $0.0e+00;
	v6 =	vld [tilespmem:s15+$0xFFFFFE60];
	[tilespmem:s15+$0x1F0] =	vst v7  }
0xe3: {  	[tilespmem:s15+$0xFFFFFE10] =	vst v5;
	v2 =	vmax.f32 v2, $0.0e+00;
	v5 =	vld [tilespmem:s15+$0xFFFFFE70]  }
0xe4: {  	[tilespmem:s15+$0xFFFFFE20] =	vst v2;
	v2 =	vmax.f32 v3, $0.0e+00;
	v3 =	vld [tilespmem:s15+$0xFFFFFE80]  }
0xe5: {  	[tilespmem:s15+$0xFFFFFE30] =	vst v2;
	v2 =	vmax.f32 v4, $0.0e+00;
	v4 =	vld [tilespmem:s15+$0xFFFFFE90]  }
0xe6: {  	[tilespmem:s15+$0xFFFFFE40] =	vst v2;
	v1 =	vmax.f32 v1, $0.0e+00;
	v2 =	vld [tilespmem:s15+$0xFFFFFEA0]  }
0xe7: {  	[tilespmem:s15+$0xFFFFFE50] =	vst v1;
	v1 =	vmax.f32 v6, $0.0e+00;
	v6 =	vld [tilespmem:s15+$0xFFFFFEB0]  }
0xe8: {  	[tilespmem:s15+$0xFFFFFE60] =	vst v1;
	v1 =	vmax.f32 v5, $0.0e+00;
	v5 =	vld [tilespmem:s15+$0xFFFFFEC0]  }
0xe9: {  	[tilespmem:s15+$0xFFFFFE70] =	vst v1;
	v1 =	vmax.f32 v3, $0.0e+00;
	v3 =	vld [tilespmem:s15+$0xFFFFFED0]  }
0xea: {  	[tilespmem:s15+$0xFFFFFE80] =	vst v1;
	v1 =	vmax.f32 v4, $0.0e+00;
	v4 =	vld [tilespmem:s15+$0xFFFFFEE0]  }
0xeb: {  	[tilespmem:s15+$0xFFFFFE90] =	vst v1;
	v1 =	vmax.f32 v2, $0.0e+00;
	v2 =	vld [tilespmem:s15+$0xFFFFFEF0]  }
0xec: {  	[tilespmem:s15+$0xFFFFFEA0] =	vst v1;
	v1 =	vmax.f32 v6, $0.0e+00;
	v6 =	vld [tilespmem:s15+$0xFFFFFF00]  }
0xed: {  	[tilespmem:s15+$0xFFFFFEB0] =	vst v1;
	v1 =	vmax.f32 v5, $0.0e+00;
	v5 =	vld [tilespmem:s15+$0xFFFFFF10]  }
0xee: {  	[tilespmem:s15+$0xFFFFFEC0] =	vst v1;
	v1 =	vmax.f32 v3, $0.0e+00;
	v3 =	vld [tilespmem:s15+$0xFFFFFF20]  }
0xef: {  	[tilespmem:s15+$0xFFFFFED0] =	vst v1;
	v1 =	vmax.f32 v4, $0.0e+00;
	v4 =	vld [tilespmem:s15+$0xFFFFFF30]  }
0xf0: {  	[tilespmem:s15+$0xFFFFFEE0] =	vst v1;
	v1 =	vmax.f32 v2, $0.0e+00;
	v2 =	vld [tilespmem:s15+$0xFFFFFF40]  }
0xf1: {  	[tilespmem:s15+$0xFFFFFEF0] =	vst v1;
	v1 =	vmax.f32 v6, $0.0e+00;
	v6 =	vld [tilespmem:s15+$0xFFFFFF50]  }
0xf2: {  	[tilespmem:s15+$0xFFFFFF00] =	vst v1;
	v1 =	vmax.f32 v5, $0.0e+00;
	v5 =	vld [tilespmem:s15+$0xFFFFFF60]  }
0xf3: {  	[tilespmem:s15+$0xFFFFFF10] =	vst v1;
	v1 =	vmax.f32 v3, $0.0e+00;
	v3 =	vld [tilespmem:s15+$0xFFFFFF70]  }
0xf4: {  	[tilespmem:s15+$0xFFFFFF20] =	vst v1;
	v1 =	vmax.f32 v4, $0.0e+00;
	v4 =	vld [tilespmem:s15+$0xFFFFFF80]  }
0xf5: {  	[tilespmem:s15+$0xFFFFFF30] =	vst v1;
	v1 =	vmax.f32 v2, $0.0e+00;
	v2 =	vld [tilespmem:s15+$0xFFFFFF90]  }
0xf6: {  	[tilespmem:s15+$0xFFFFFF40] =	vst v1;
	v1 =	vmax.f32 v6, $0.0e+00;
	v6 =	vld [tilespmem:s15+$0xFFFFFFA0]  }
0xf7: {  	[tilespmem:s15+$0xFFFFFF50] =	vst v1;
	v1 =	vmax.f32 v5, $0.0e+00;
	v5 =	vld [tilespmem:s15+$0xFFFFFFB0]  }
0xf8: {  	[tilespmem:s15+$0xFFFFFF60] =	vst v1;
	v1 =	vmax.f32 v3, $0.0e+00;
	v3 =	vld [tilespmem:s15+$0xFFFFFFC0]  }
0xf9: {  	[tilespmem:s15+$0xFFFFFF70] =	vst v1;
	v1 =	vmax.f32 v4, $0.0e+00;
	v4 =	vld [tilespmem:s15+$0xFFFFFFD0]  }
0xfa: {  	[tilespmem:s15+$0xFFFFFF80] =	vst v1;
	v1 =	vmax.f32 v2, $0.0e+00;
	v2 =	vld [tilespmem:s15+$0xFFFFFFE0]  }
0xfb: {  	[tilespmem:s15+$0xFFFFFF90] =	vst v1;
	v1 =	vmax.f32 v6, $0.0e+00;
	v6 =	vld [tilespmem:s15+$0xFFFFFFF0]  }
0xfc: {  	[tilespmem:s15+$0xFFFFFFA0] =	vst v1;
	v1 =	vmax.f32 v5, $0.0e+00;
	v5 =	vld [tilespmem:s15+$0x0]  }
0xfd: {  	[tilespmem:s15+$0xFFFFFFB0] =	vst v1;
	v1 =	vmax.f32 v3, $0.0e+00;
	v3 =	vld [tilespmem:s15+$0x10]  }
0xfe: {  	[tilespmem:s15+$0xFFFFFFC0] =	vst v1;
	v1 =	vmax.f32 v4, $0.0e+00;
	v4 =	vld [tilespmem:s15+$0x20]  }
0xff: {  	[tilespmem:s15+$0xFFFFFFD0] =	vst v1;
	v1 =	vmax.f32 v2, $0.0e+00;
	v2 =	vld [tilespmem:s15+$0x30]  }
0x100: {  	[tilespmem:s15+$0xFFFFFFE0] =	vst v1;
	v1 =	vmax.f32 v6, $0.0e+00;
	v6 =	vld [tilespmem:s15+$0x40]  }
0x101: {  	[tilespmem:s15+$0xFFFFFFF0] =	vst v1;
	v1 =	vmax.f32 v5, $0.0e+00;
	v5 =	vld [tilespmem:s15+$0x50]  }
0x102: {  	[tilespmem:s15+$0x0] =	vst v1;
	v1 =	vmax.f32 v3, $0.0e+00;
	v3 =	vld [tilespmem:s15+$0x60]  }
0x103: {  	[tilespmem:s15+$0x10] =	vst v1;
	v1 =	vmax.f32 v4, $0.0e+00;
	v4 =	vld [tilespmem:s15+$0x70]  }
0x104: {  	[tilespmem:s15+$0x20] =	vst v1;
	v1 =	vmax.f32 v2, $0.0e+00;
	v2 =	vld [tilespmem:s15+$0x80]  }
0x105: {  	[tilespmem:s15+$0x30] =	vst v1;
	v1 =	vmax.f32 v6, $0.0e+00;
	v6 =	vld [tilespmem:s15+$0x90]  }
0x106: {  	[tilespmem:s15+$0x40] =	vst v1;
	v1 =	vmax.f32 v5, $0.0e+00;
	v5 =	vld [tilespmem:s15+$0xA0]  }
0x107: {  	[tilespmem:s15+$0x50] =	vst v1;
	v1 =	vmax.f32 v3, $0.0e+00;
	v3 =	vld [tilespmem:s15+$0xB0]  }
0x108: {  	[tilespmem:s15+$0x60] =	vst v1;
	v1 =	vmax.f32 v4, $0.0e+00;
	v4 =	vld [tilespmem:s15+$0xC0]  }
0x109: {  	[tilespmem:s15+$0x70] =	vst v1;
	v1 =	vmax.f32 v2, $0.0e+00;
	v2 =	vld [tilespmem:s15+$0xD0]  }
0x10a: {  	[tilespmem:s15+$0x80] =	vst v1;
	v1 =	vmax.f32 v6, $0.0e+00;
	v6 =	vld [tilespmem:s15+$0xE0]  }
0x10b: {  	[tilespmem:s15+$0x90] =	vst v1;
	v1 =	vmax.f32 v5, $0.0e+00;
	v5 =	vld [tilespmem:s15+$0xF0]  }
0x10c: {  	[tilespmem:s15+$0xA0] =	vst v1;
	v1 =	vmax.f32 v3, $0.0e+00;
	v3 =	vld [tilespmem:s15+$0x100]  }
0x10d: {  	[tilespmem:s15+$0xB0] =	vst v1;
	v1 =	vmax.f32 v4, $0.0e+00;
	v4 =	vld [tilespmem:s15+$0x110]  }
0x10e: {  	[tilespmem:s15+$0xC0] =	vst v1;
	v1 =	vmax.f32 v2, $0.0e+00;
	v2 =	vld [tilespmem:s15+$0x120]  }
0x10f: {  	[tilespmem:s15+$0xD0] =	vst v1;
	v1 =	vmax.f32 v6, $0.0e+00;
	v6 =	vld [tilespmem:s15+$0x130]  }
0x110: {  	[tilespmem:s15+$0xE0] =	vst v1;
	v1 =	vmax.f32 v5, $0.0e+00;
	v5 =	vld [tilespmem:s15+$0x140]  }
0x111: {  	[tilespmem:s15+$0xF0] =	vst v1;
	v1 =	vmax.f32 v3, $0.0e+00;
	v3 =	vld [tilespmem:s15+$0x150]  }
0x112: {  	[tilespmem:s15+$0x100] =	vst v1;
	v1 =	vmax.f32 v4, $0.0e+00;
	v4 =	vld [tilespmem:s15+$0x160]  }
0x113: {  	[tilespmem:s15+$0x110] =	vst v1;
	v1 =	vmax.f32 v2, $0.0e+00;
	v2 =	vld [tilespmem:s15+$0x170]  }
0x114: {  	[tilespmem:s15+$0x120] =	vst v1;
	v1 =	vmax.f32 v6, $0.0e+00;
	v6 =	vld [tilespmem:s15+$0x180]  }
0x115: {  	[tilespmem:s15+$0x130] =	vst v1;
	v1 =	vmax.f32 v5, $0.0e+00;
	v5 =	vld [tilespmem:s15+$0x190]  }
0x116: {  	[tilespmem:s15+$0x140] =	vst v1;
	v1 =	vmax.f32 v3, $0.0e+00;
	v7 =	vld [tilespmem:s15+$0x1A0]  }
.Ltmp1:
0x117: {  	[tilespmem:s15+$0x150] =	vst v1;
	v3 =	vmax.f32 v4, $0.0e+00;
	v1 =	vld [tilespmem:s15+$0x1B0];
	(pc) =	sbr.rel @p0 .LBB2_5-.Ltmp1, $4  }
0x118: {  	[tilespmem:s15+$0x160] =	vst v3;
	v3 =	vmax.f32 v2, $0.0e+00;
	v2 =	vld [tilespmem:s15+$0x1C0]  }
0x119: {  	[tilespmem:s15+$0x170] =	vst v3;
	v4 =	vmax.f32 v6, $0.0e+00;
	v3 =	vld [tilespmem:s15+$0x1D0]  }
0x11a: {  	[tilespmem:s15+$0x180] =	vst v4;
	v6 =	vmax.f32 v5, $0.0e+00;
	v4 =	vld [tilespmem:s15+$0x1E0]  }
0x11b: {  	s15 =	sadd.s32 $0x400, s15;
	v5 =	vld [tilespmem:s23+$0xFFFFFE00];
	[tilespmem:s23+$0x190] =	vst v6;
	v6 =	vmax.f32 v7, $0.0e+00  }
0x11c: {  	[tilespmem:s23+$0x1A0] =	vst v6;
	v1 =	vmax.f32 v1, $0.0e+00  }
0x11d: {  	[tilespmem:s23+$0x1B0] =	vst v1;
	v1 =	vmax.f32 v2, $0.0e+00  }
0x11e: {  	[tilespmem:s23+$0x1C0] =	vst v1;
	v1 =	vmax.f32 v3, $0.0e+00  }
0x11f: {  	[tilespmem:s23+$0x1D0] =	vst v1;
	v1 =	vmax.f32 v4, $0.0e+00  }
0x120: {  	p0 =	sne.s32 s6, $0x0;
	v2 =	vmax.f32 v5, $0.0e+00;
	[tilespmem:s23+$0x1E0] =	vst v1  }
0x121: {  	s15 =	simm.s32 @p0 $0xD;
	[tilespmem:s23+$0xFFFFFE00] =	vst v2  }
0x122: {  	_ =	swait.ge @p0 [sflag:s15], $0x1400  }
0x123: {  	s24 =	simm.s32 @p0 $0x400;
	s30 =	simm.s32 @!p0 $0x400;
	[sflag:s15] =	ssyncset.done @p0 $0x0  }
0x124: {  	s23 =	simm.s32 @p0 $0x200;
	[sflag:s15] =	ssyncadd.s32 @p0 $0xFFFFEC00;
	s15 =	simm.s32 @p0 $0x28  }
0x125: {  	[spmem:s13] =	stream.indirect.scatter.add.f32 @p0 [tilespmem:s24], [sflag:$0xD], $0x80, s23, s15, $0xb8;
	[tilespmem:$0x1B400] =	vst v63  }
0x126: {  	s15 =	sadd.s32 @p0 $0x78, s18;
	s23 =	simm.s32 @!p0 $0x28;
	s24 =	simm.s32 @!p0 $0x200  }
0x127: {  	[spmem:s13] =	stream.indirect.scatter.add.f32 @!p0 [tilespmem:s30], [sflag:$0xD], $0x80, s24, s23, $0xb8;
	[tilespmem:$0x1B400] =	vst v63  }
0x128: {  	s15 =	simm.s32 @!p0 $0x78;
	s24 =	rddreg [dreg:$0x16]  }
0x129: {  	s15 =	sadd.s32 s24, s15  }
0x12a: {  	s23 =	sshrl.u32 s15, $0x3  }
0x12b: {  	s30 =	simm.s32 $0x180;
	s24 =	sadd.s32 s16, s23  }
0x12c: {  	[tilespmem:s30], [sflag:$0x4] =	stream.linear.gather [hbm4b:s24+s3], $0x28, $0x38;
	[tilespmem:$0x1B400] =	vst v63  }
0x12d: {  	s15 =	sshll.u32 s15, $0x4;
	s23 =	sadd.s32 s0, s23;
	s30 =	simm.s32 $0x380  }
0x12e: {  	[tilespmem:s30], [sflag:$0x4] =	stream.linear.gather [hbm4b:s23+s3], $0x28, $0x38;
	[tilespmem:$0x1B400] =	vst v63  }
0x12f: {  	s15 =	sadd.s32 s17, s15  }
0x130: {  	[tilespmem:s26], [sflag:$0x8] =	stream.linear.gather [hbm4b:s15+s3], $0x1400, $0x38;
	[tilespmem:$0x1B400] =	vst v63  }
0x131: {  	_ =	swait.ge [sflag:s28], $0x1400  }
0x132: {  	[sflag:s28] =	ssyncset.done $0x0  }
0x133: {  	[sflag:s28] =	ssyncadd.s32 $0xFFFFEC00  }
0x134: {  	_ =	swait.ge [sflag:s29], $0x28  }
0x135: {  	[sflag:s29] =	ssyncset.done $0x0  }
0x136: {  	[sflag:s29] =	ssyncadd.s32 $0xFFFFFFD8  }
0x137: {  	_ =	swait.ge [sflag:s29], $0x28  }
0x138: {  	[sflag:s29] =	ssyncset.done $0x0  }
0x139: {  	s30 =	simm.s32 $0x100;
	[sflag:s29] =	ssyncadd.s32 $0xFFFFFFD8  }
0x13a: {  	[tilespmem:s19], [sflag:$0xB] =	stream.indirect.gather.add.f32 [hbm:s2], $0x80, s30, s5, $0xb8;
	[tilespmem:$0x1B400] =	vst v63  }
0x13b: {  	_ =	swait.ge [sflag:s10], $0x1400  }
0x13c: {  	[sflag:s10] =	ssyncset.done $0x0  }
0x13d: {  	s23 =	simm.s32 $0x1A00;
	[sflag:s10] =	ssyncadd.s32 $0xFFFFEC00  }
0x13e: {  	v1 =	vld [tilespmem:s23+$0xFFFFFE10]  }
0x13f: {  	v2 =	vld [tilespmem:s23+$0xFFFFFE20]  }
0x140: {  	v7 =	vld [tilespmem:s23+$0x1F0]  }
0x141: {  	v3 =	vld [tilespmem:s23+$0xFFFFFE30]  }
0x142: {  	v9 =	vld [tilespmem:s23+$0xFFFFFE90]  }
0x143: {  	v10 =	vld [tilespmem:s23+$0xFFFFFEA0]  }
0x144: {  	v4 =	vld [tilespmem:s23+$0xFFFFFE40];
	v1 =	vmax.f32 v1, $0.0e+00  }
0x145: {  	v5 =	vld [tilespmem:s23+$0xFFFFFE50];
	v7 =	vmax.f32 v7, $0.0e+00;
	[tilespmem:s23+$0xFFFFFE10] =	vst v1  }
0x146: {  	v11 =	vld [tilespmem:s23+$0xFFFFFEB0];
	v2 =	vmax.f32 v2, $0.0e+00;
	[tilespmem:s23+$0x1F0] =	vst v7  }
0x147: {  	v9 =	vmax.f32 v9, $0.0e+00;
	v1 =	vld [tilespmem:s23+$0xFFFFFE70];
	[tilespmem:s23+$0xFFFFFE20] =	vst v2  }
0x148: {  	v10 =	vmax.f32 v10, $0.0e+00;
	v7 =	vld [tilespmem:s23+$0xFFFFFEC0];
	[tilespmem:s23+$0xFFFFFE90] =	vst v9  }
0x149: {  	v8 =	vld [tilespmem:s23+$0xFFFFFE80];
	v2 =	vmax.f32 v3, $0.0e+00;
	[tilespmem:s23+$0xFFFFFEA0] =	vst v10  }
0x14a: {  	[tilespmem:s23+$0xFFFFFE30] =	vst v2;
	v2 =	vmax.f32 v4, $0.0e+00;
	v4 =	vld [tilespmem:s23+$0xFFFFFF00]  }
0x14b: {  	v56 =	vmax.f32 v11, $0.0e+00;
	[tilespmem:s23+$0xFFFFFE40] =	vst v2;
	v2 =	vmax.f32 v5, $0.0e+00;
	v5 =	vld [tilespmem:s23+$0xFFFFFF10]  }
0x14c: {  	[tilespmem:s23+$0xFFFFFEB0] =	vst v56;
	v1 =	vmax.f32 v1, $0.0e+00  }
0x14d: {  	v6 =	vld [tilespmem:s23+$0xFFFFFE60];
	v7 =	vmax.f32 v7, $0.0e+00;
	[tilespmem:s23+$0xFFFFFE70] =	vst v1  }
0x14e: {  	v3 =	vld [tilespmem:s23+$0xFFFFFED0];
	v1 =	vmax.f32 v8, $0.0e+00;
	[tilespmem:s23+$0xFFFFFEC0] =	vst v7  }
0x14f: {  	v7 =	vld [tilespmem:s23+$0xFFFFFF90];
	[tilespmem:s23+$0xFFFFFE80] =	vst v1;
	v1 =	vmax.f32 v4, $0.0e+00  }
0x150: {  	v5 =	vmax.f32 v5, $0.0e+00;
	[tilespmem:s23+$0xFFFFFF00] =	vst v1;
	v1 =	vld [tilespmem:s23+$0xFFFFFEE0]  }
0x151: {  	[tilespmem:s23+$0xFFFFFF10] =	vst v5;
	v5 =	vld [tilespmem:s23+$0xFFFFFEF0]  }
0x152: {  	[tilespmem:s23+$0xFFFFFE50] =	vst v2;
	v2 =	vmax.f32 v6, $0.0e+00;
	v6 =	vld [tilespmem:s23+$0xFFFFFF20]  }
0x153: {  	[tilespmem:s23+$0xFFFFFE60] =	vst v2;
	v2 =	vld [tilespmem:s23+$0xFFFFFF30];
	v3 =	vmax.f32 v3, $0.0e+00  }
0x154: {  	v8 =	vld [tilespmem:s23+$0xFFFFFF40];
	[tilespmem:s23+$0xFFFFFED0] =	vst v3;
	v7 =	vmax.f32 v7, $0.0e+00  }
0x155: {  	v4 =	vld [tilespmem:s23+$0xFFFFFF50];
	[tilespmem:s23+$0xFFFFFF90] =	vst v7;
	v1 =	vmax.f32 v1, $0.0e+00  }
0x156: {  	v55 =	vld [tilespmem:s23+$0xFFFFFF60];
	[tilespmem:s23+$0xFFFFFEE0] =	vst v1;
	v1 =	vmax.f32 v5, $0.0e+00  }
0x157: {  	v57 =	vld [tilespmem:s23+$0xFFFFFF70];
	[tilespmem:s23+$0xFFFFFEF0] =	vst v1;
	v1 =	vmax.f32 v6, $0.0e+00  }
0x158: {  	v58 =	vld [tilespmem:s23+$0xFFFFFF80];
	[tilespmem:s23+$0xFFFFFF20] =	vst v1;
	v1 =	vmax.f32 v2, $0.0e+00  }
0x159: {  	[tilespmem:s23+$0xFFFFFF30] =	vst v1;
	v1 =	vmax.f32 v8, $0.0e+00;
	v8 =	vld [tilespmem:s23+$0x0]  }
0x15a: {  	[tilespmem:s23+$0xFFFFFF40] =	vst v1;
	v1 =	vmax.f32 v4, $0.0e+00;
	v4 =	vld [tilespmem:s23+$0x10]  }
0x15b: {  	v3 =	vld [tilespmem:s23+$0xFFFFFFA0];
	[tilespmem:s23+$0xFFFFFF50] =	vst v1;
	v1 =	vmax.f32 v55, $0.0e+00  }
0x15c: {  	v5 =	vld [tilespmem:s23+$0xFFFFFFB0];
	[tilespmem:s23+$0xFFFFFF60] =	vst v1;
	v1 =	vmax.f32 v57, $0.0e+00  }
0x15d: {  	v6 =	vld [tilespmem:s23+$0xFFFFFFC0];
	[tilespmem:s23+$0xFFFFFF70] =	vst v1;
	v1 =	vmax.f32 v58, $0.0e+00  }
0x15e: {  	v2 =	vld [tilespmem:s23+$0xFFFFFFD0];
	[tilespmem:s23+$0xFFFFFF80] =	vst v1;
	v1 =	vmax.f32 v8, $0.0e+00  }
0x15f: {  	[tilespmem:s23+$0x0] =	vst v1;
	v1 =	vld [tilespmem:s23+$0xFFFFFFE0];
	v4 =	vmax.f32 v4, $0.0e+00  }
0x160: {  	v3 =	vmax.f32 v3, $0.0e+00;
	[tilespmem:s23+$0x10] =	vst v4;
	v4 =	vld [tilespmem:s23+$0xFFFFFFF0]  }
0x161: {  	v59 =	vld [tilespmem:s23+$0x20];
	[tilespmem:s23+$0xFFFFFFA0] =	vst v3;
	v3 =	vmax.f32 v5, $0.0e+00  }
0x162: {  	[tilespmem:s23+$0xFFFFFFB0] =	vst v3;
	v3 =	vmax.f32 v6, $0.0e+00;
	v6 =	vld [tilespmem:s23+$0x80]  }
0x163: {  	v60 =	vld [tilespmem:s23+$0x30];
	[tilespmem:s23+$0xFFFFFFC0] =	vst v3;
	v2 =	vmax.f32 v2, $0.0e+00  }
0x164: {  	v3 =	vld [tilespmem:s23+$0x90];
	[tilespmem:s23+$0xFFFFFFD0] =	vst v2;
	v1 =	vmax.f32 v1, $0.0e+00  }
0x165: {  	v61 =	vld [tilespmem:s23+$0x40];
	[tilespmem:s23+$0xFFFFFFE0] =	vst v1;
	v1 =	vmax.f32 v4, $0.0e+00  }
0x166: {  	v8 =	vld [tilespmem:s23+$0x50];
	[tilespmem:s23+$0xFFFFFFF0] =	vst v1;
	v1 =	vmax.f32 v59, $0.0e+00  }
0x167: {  	v7 =	vld [tilespmem:s23+$0x60];
	[tilespmem:s23+$0x20] =	vst v1;
	v1 =	vmax.f32 v6, $0.0e+00  }
0x168: {  	v5 =	vld [tilespmem:s23+$0x70];
	[tilespmem:s23+$0x80] =	vst v1;
	v1 =	vmax.f32 v60, $0.0e+00  }
0x169: {  	v2 =	vld [tilespmem:s23+$0xA0];
	[tilespmem:s23+$0x30] =	vst v1;
	v1 =	vmax.f32 v3, $0.0e+00  }
0x16a: {  	v4 =	vld [tilespmem:s23+$0xB0];
	[tilespmem:s23+$0x90] =	vst v1;
	v1 =	vmax.f32 v61, $0.0e+00  }
0x16b: {  	v62 =	vld [tilespmem:s23+$0xC0];
	[tilespmem:s23+$0x40] =	vst v1;
	v1 =	vmax.f32 v8, $0.0e+00  }
0x16c: {  	[tilespmem:s23+$0x50] =	vst v1;
	v1 =	vmax.f32 v7, $0.0e+00;
	v7 =	vld [tilespmem:s23+$0x100]  }
0x16d: {  	v6 =	vld [tilespmem:s23+$0xD0];
	[tilespmem:s23+$0x60] =	vst v1;
	v1 =	vmax.f32 v5, $0.0e+00  }
0x16e: {  	v5 =	vld [tilespmem:s23+$0x110];
	[tilespmem:s23+$0x70] =	vst v1;
	v1 =	vmax.f32 v2, $0.0e+00  }
0x16f: {  	v3 =	vld [tilespmem:s23+$0xE0];
	[tilespmem:s23+$0xA0] =	vst v1;
	v1 =	vmax.f32 v4, $0.0e+00  }
0x170: {  	v8 =	vld [tilespmem:s23+$0xF0];
	[tilespmem:s23+$0xB0] =	vst v1;
	v1 =	vmax.f32 v62, $0.0e+00  }
0x171: {  	v2 =	vld [tilespmem:s23+$0x120];
	[tilespmem:s23+$0xC0] =	vst v1;
	v1 =	vmax.f32 v7, $0.0e+00  }
0x172: {  	v7 =	vld [tilespmem:s23+$0x150];
	[tilespmem:s23+$0x100] =	vst v1;
	v1 =	vmax.f32 v6, $0.0e+00  }
0x173: {  	v4 =	vld [tilespmem:s23+$0x130];
	[tilespmem:s23+$0xD0] =	vst v1;
	v1 =	vmax.f32 v5, $0.0e+00  }
0x174: {  	v63 =	vld [tilespmem:s23+$0x140];
	[tilespmem:s23+$0x110] =	vst v1;
	v1 =	vmax.f32 v3, $0.0e+00  }
0x175: {  	v6 =	vld [tilespmem:s23+$0x170];
	[tilespmem:s23+$0xE0] =	vst v1;
	v1 =	vmax.f32 v8, $0.0e+00  }
0x176: {  	v5 =	vld [tilespmem:s23+$0x160];
	[tilespmem:s23+$0xF0] =	vst v1;
	v1 =	vmax.f32 v2, $0.0e+00  }
0x177: {  	v3 =	vld [tilespmem:s23+$0x180];
	v2 =	vmax.f32 v7, $0.0e+00;
	[tilespmem:s23+$0x120] =	vst v1  }
0x178: {  	v1 =	vmax.f32 v4, $0.0e+00;
	v4 =	vld [tilespmem:s23+$0x190];
	[tilespmem:s23+$0x150] =	vst v2  }
0x179: {  	v8 =	vld [tilespmem:s23+$0x1A0];
	[tilespmem:s23+$0x130] =	vst v1;
	v1 =	vmax.f32 v63, $0.0e+00  }
0x17a: {  	v6 =	vmax.f32 v6, $0.0e+00;
	[tilespmem:s23+$0x140] =	vst v1;
	v1 =	vld [tilespmem:s23+$0x1B0]  }
0x17b: {  	v2 =	vld [tilespmem:s23+$0x1C0];
	v5 =	vmax.f32 v5, $0.0e+00;
	[tilespmem:s23+$0x170] =	vst v6  }
0x17c: {  	[tilespmem:s23+$0x160] =	vst v5;
	v5 =	vmax.f32 v3, $0.0e+00;
	v3 =	vld [tilespmem:s23+$0x1D0]  }
0x17d: {  	[tilespmem:s23+$0x180] =	vst v5;
	v6 =	vmax.f32 v4, $0.0e+00;
	v4 =	vld [tilespmem:s23+$0x1E0]  }
0x17e: {  	s31 =	simm.s32 $0x400;
	s24 =	simm.s32 $0x0;
	s15 =	simm.s32 $0x1E00;
	v5 =	vld [tilespmem:s23+$0xFFFFFE00];
	[tilespmem:s23+$0x190] =	vst v6;
	v6 =	vmax.f32 v8, $0.0e+00  }
.LBB2_7:
0x17f: {  	v7 =	vld [tilespmem:s15+$0x1F0];
	s24 =	sadd.s32 $0x8, s24;
	[tilespmem:s23+$0x1A0] =	vst v6;
	v1 =	vmax.f32 v1, $0.0e+00  }
0x180: {  	v6 =	vld [tilespmem:s15+$0xFFFFFE10];
	p0 =	slt.u32 s24, $0x20;
	[tilespmem:s23+$0x1B0] =	vst v1;
	v1 =	vmax.f32 v2, $0.0e+00  }
0x181: {  	v2 =	vld [tilespmem:s15+$0xFFFFFE20];
	[tilespmem:s23+$0x1C0] =	vst v1;
	v1 =	vmax.f32 v3, $0.0e+00  }
0x182: {  	v3 =	vld [tilespmem:s15+$0xFFFFFE30];
	[tilespmem:s23+$0x1D0] =	vst v1;
	v1 =	vmax.f32 v4, $0.0e+00  }
0x183: {  	v4 =	vld [tilespmem:s15+$0xFFFFFE40];
	v5 =	vmax.f32 v5, $0.0e+00;
	[tilespmem:s23+$0x1E0] =	vst v1  }
0x184: {  	v1 =	vld [tilespmem:s15+$0xFFFFFE50];
	v7 =	vmax.f32 v7, $0.0e+00;
	[tilespmem:s23+$0xFFFFFE00] =	vst v5;
	s23 =	smov.u32 s15  }
0x185: {  	v5 =	vmax.f32 v6, $0.0e+00;
	v6 =	vld [tilespmem:s15+$0xFFFFFE60];
	[tilespmem:s15+$0x1F0] =	vst v7  }
0x186: {  	[tilespmem:s15+$0xFFFFFE10] =	vst v5;
	v2 =	vmax.f32 v2, $0.0e+00;
	v5 =	vld [tilespmem:s15+$0xFFFFFE70]  }
0x187: {  	[tilespmem:s15+$0xFFFFFE20] =	vst v2;
	v2 =	vmax.f32 v3, $0.0e+00;
	v3 =	vld [tilespmem:s15+$0xFFFFFE80]  }
0x188: {  	[tilespmem:s15+$0xFFFFFE30] =	vst v2;
	v2 =	vmax.f32 v4, $0.0e+00;
	v4 =	vld [tilespmem:s15+$0xFFFFFE90]  }
0x189: {  	[tilespmem:s15+$0xFFFFFE40] =	vst v2;
	v1 =	vmax.f32 v1, $0.0e+00;
	v2 =	vld [tilespmem:s15+$0xFFFFFEA0]  }
0x18a: {  	[tilespmem:s15+$0xFFFFFE50] =	vst v1;
	v1 =	vmax.f32 v6, $0.0e+00;
	v6 =	vld [tilespmem:s15+$0xFFFFFEB0]  }
0x18b: {  	[tilespmem:s15+$0xFFFFFE60] =	vst v1;
	v1 =	vmax.f32 v5, $0.0e+00;
	v5 =	vld [tilespmem:s15+$0xFFFFFEC0]  }
0x18c: {  	[tilespmem:s15+$0xFFFFFE70] =	vst v1;
	v1 =	vmax.f32 v3, $0.0e+00;
	v3 =	vld [tilespmem:s15+$0xFFFFFED0]  }
0x18d: {  	[tilespmem:s15+$0xFFFFFE80] =	vst v1;
	v1 =	vmax.f32 v4, $0.0e+00;
	v4 =	vld [tilespmem:s15+$0xFFFFFEE0]  }
0x18e: {  	[tilespmem:s15+$0xFFFFFE90] =	vst v1;
	v1 =	vmax.f32 v2, $0.0e+00;
	v2 =	vld [tilespmem:s15+$0xFFFFFEF0]  }
0x18f: {  	[tilespmem:s15+$0xFFFFFEA0] =	vst v1;
	v1 =	vmax.f32 v6, $0.0e+00;
	v6 =	vld [tilespmem:s15+$0xFFFFFF00]  }
0x190: {  	[tilespmem:s15+$0xFFFFFEB0] =	vst v1;
	v1 =	vmax.f32 v5, $0.0e+00;
	v5 =	vld [tilespmem:s15+$0xFFFFFF10]  }
0x191: {  	[tilespmem:s15+$0xFFFFFEC0] =	vst v1;
	v1 =	vmax.f32 v3, $0.0e+00;
	v3 =	vld [tilespmem:s15+$0xFFFFFF20]  }
0x192: {  	[tilespmem:s15+$0xFFFFFED0] =	vst v1;
	v1 =	vmax.f32 v4, $0.0e+00;
	v4 =	vld [tilespmem:s15+$0xFFFFFF30]  }
0x193: {  	[tilespmem:s15+$0xFFFFFEE0] =	vst v1;
	v1 =	vmax.f32 v2, $0.0e+00;
	v2 =	vld [tilespmem:s15+$0xFFFFFF40]  }
0x194: {  	[tilespmem:s15+$0xFFFFFEF0] =	vst v1;
	v1 =	vmax.f32 v6, $0.0e+00;
	v6 =	vld [tilespmem:s15+$0xFFFFFF50]  }
0x195: {  	[tilespmem:s15+$0xFFFFFF00] =	vst v1;
	v1 =	vmax.f32 v5, $0.0e+00;
	v5 =	vld [tilespmem:s15+$0xFFFFFF60]  }
0x196: {  	[tilespmem:s15+$0xFFFFFF10] =	vst v1;
	v1 =	vmax.f32 v3, $0.0e+00;
	v3 =	vld [tilespmem:s15+$0xFFFFFF70]  }
0x197: {  	[tilespmem:s15+$0xFFFFFF20] =	vst v1;
	v1 =	vmax.f32 v4, $0.0e+00;
	v4 =	vld [tilespmem:s15+$0xFFFFFF80]  }
0x198: {  	[tilespmem:s15+$0xFFFFFF30] =	vst v1;
	v1 =	vmax.f32 v2, $0.0e+00;
	v2 =	vld [tilespmem:s15+$0xFFFFFF90]  }
0x199: {  	[tilespmem:s15+$0xFFFFFF40] =	vst v1;
	v1 =	vmax.f32 v6, $0.0e+00;
	v6 =	vld [tilespmem:s15+$0xFFFFFFA0]  }
0x19a: {  	[tilespmem:s15+$0xFFFFFF50] =	vst v1;
	v1 =	vmax.f32 v5, $0.0e+00;
	v5 =	vld [tilespmem:s15+$0xFFFFFFB0]  }
0x19b: {  	[tilespmem:s15+$0xFFFFFF60] =	vst v1;
	v1 =	vmax.f32 v3, $0.0e+00;
	v3 =	vld [tilespmem:s15+$0xFFFFFFC0]  }
0x19c: {  	[tilespmem:s15+$0xFFFFFF70] =	vst v1;
	v1 =	vmax.f32 v4, $0.0e+00;
	v4 =	vld [tilespmem:s15+$0xFFFFFFD0]  }
0x19d: {  	[tilespmem:s15+$0xFFFFFF80] =	vst v1;
	v1 =	vmax.f32 v2, $0.0e+00;
	v2 =	vld [tilespmem:s15+$0xFFFFFFE0]  }
0x19e: {  	[tilespmem:s15+$0xFFFFFF90] =	vst v1;
	v1 =	vmax.f32 v6, $0.0e+00;
	v6 =	vld [tilespmem:s15+$0xFFFFFFF0]  }
0x19f: {  	[tilespmem:s15+$0xFFFFFFA0] =	vst v1;
	v1 =	vmax.f32 v5, $0.0e+00;
	v5 =	vld [tilespmem:s15+$0x0]  }
0x1a0: {  	[tilespmem:s15+$0xFFFFFFB0] =	vst v1;
	v1 =	vmax.f32 v3, $0.0e+00;
	v3 =	vld [tilespmem:s15+$0x10]  }
0x1a1: {  	[tilespmem:s15+$0xFFFFFFC0] =	vst v1;
	v1 =	vmax.f32 v4, $0.0e+00;
	v4 =	vld [tilespmem:s15+$0x20]  }
0x1a2: {  	[tilespmem:s15+$0xFFFFFFD0] =	vst v1;
	v1 =	vmax.f32 v2, $0.0e+00;
	v2 =	vld [tilespmem:s15+$0x30]  }
0x1a3: {  	[tilespmem:s15+$0xFFFFFFE0] =	vst v1;
	v1 =	vmax.f32 v6, $0.0e+00;
	v6 =	vld [tilespmem:s15+$0x40]  }
0x1a4: {  	[tilespmem:s15+$0xFFFFFFF0] =	vst v1;
	v1 =	vmax.f32 v5, $0.0e+00;
	v5 =	vld [tilespmem:s15+$0x50]  }
0x1a5: {  	[tilespmem:s15+$0x0] =	vst v1;
	v1 =	vmax.f32 v3, $0.0e+00;
	v3 =	vld [tilespmem:s15+$0x60]  }
0x1a6: {  	[tilespmem:s15+$0x10] =	vst v1;
	v1 =	vmax.f32 v4, $0.0e+00;
	v4 =	vld [tilespmem:s15+$0x70]  }
0x1a7: {  	[tilespmem:s15+$0x20] =	vst v1;
	v1 =	vmax.f32 v2, $0.0e+00;
	v2 =	vld [tilespmem:s15+$0x80]  }
0x1a8: {  	[tilespmem:s15+$0x30] =	vst v1;
	v1 =	vmax.f32 v6, $0.0e+00;
	v6 =	vld [tilespmem:s15+$0x90]  }
0x1a9: {  	[tilespmem:s15+$0x40] =	vst v1;
	v1 =	vmax.f32 v5, $0.0e+00;
	v5 =	vld [tilespmem:s15+$0xA0]  }
0x1aa: {  	[tilespmem:s15+$0x50] =	vst v1;
	v1 =	vmax.f32 v3, $0.0e+00;
	v3 =	vld [tilespmem:s15+$0xB0]  }
0x1ab: {  	[tilespmem:s15+$0x60] =	vst v1;
	v1 =	vmax.f32 v4, $0.0e+00;
	v4 =	vld [tilespmem:s15+$0xC0]  }
0x1ac: {  	[tilespmem:s15+$0x70] =	vst v1;
	v1 =	vmax.f32 v2, $0.0e+00;
	v2 =	vld [tilespmem:s15+$0xD0]  }
0x1ad: {  	[tilespmem:s15+$0x80] =	vst v1;
	v1 =	vmax.f32 v6, $0.0e+00;
	v6 =	vld [tilespmem:s15+$0xE0]  }
0x1ae: {  	[tilespmem:s15+$0x90] =	vst v1;
	v1 =	vmax.f32 v5, $0.0e+00;
	v5 =	vld [tilespmem:s15+$0xF0]  }
0x1af: {  	[tilespmem:s15+$0xA0] =	vst v1;
	v1 =	vmax.f32 v3, $0.0e+00;
	v3 =	vld [tilespmem:s15+$0x100]  }
0x1b0: {  	[tilespmem:s15+$0xB0] =	vst v1;
	v1 =	vmax.f32 v4, $0.0e+00;
	v4 =	vld [tilespmem:s15+$0x110]  }
0x1b1: {  	[tilespmem:s15+$0xC0] =	vst v1;
	v1 =	vmax.f32 v2, $0.0e+00;
	v2 =	vld [tilespmem:s15+$0x120]  }
0x1b2: {  	[tilespmem:s15+$0xD0] =	vst v1;
	v1 =	vmax.f32 v6, $0.0e+00;
	v6 =	vld [tilespmem:s15+$0x130]  }
0x1b3: {  	[tilespmem:s15+$0xE0] =	vst v1;
	v1 =	vmax.f32 v5, $0.0e+00;
	v5 =	vld [tilespmem:s15+$0x140]  }
0x1b4: {  	[tilespmem:s15+$0xF0] =	vst v1;
	v1 =	vmax.f32 v3, $0.0e+00;
	v3 =	vld [tilespmem:s15+$0x150]  }
0x1b5: {  	[tilespmem:s15+$0x100] =	vst v1;
	v1 =	vmax.f32 v4, $0.0e+00;
	v4 =	vld [tilespmem:s15+$0x160]  }
0x1b6: {  	[tilespmem:s15+$0x110] =	vst v1;
	v1 =	vmax.f32 v2, $0.0e+00;
	v2 =	vld [tilespmem:s15+$0x170]  }
0x1b7: {  	[tilespmem:s15+$0x120] =	vst v1;
	v1 =	vmax.f32 v6, $0.0e+00;
	v6 =	vld [tilespmem:s15+$0x180]  }
0x1b8: {  	[tilespmem:s15+$0x130] =	vst v1;
	v1 =	vmax.f32 v5, $0.0e+00;
	v5 =	vld [tilespmem:s15+$0x190]  }
0x1b9: {  	[tilespmem:s15+$0x140] =	vst v1;
	v1 =	vmax.f32 v3, $0.0e+00;
	v7 =	vld [tilespmem:s15+$0x1A0]  }
.Ltmp2:
0x1ba: {  	[tilespmem:s15+$0x150] =	vst v1;
	v3 =	vmax.f32 v4, $0.0e+00;
	v1 =	vld [tilespmem:s15+$0x1B0];
	(pc) =	sbr.rel @p0 .LBB2_7-.Ltmp2, $4  }
0x1bb: {  	[tilespmem:s15+$0x160] =	vst v3;
	v3 =	vmax.f32 v2, $0.0e+00;
	v2 =	vld [tilespmem:s15+$0x1C0]  }
0x1bc: {  	[tilespmem:s15+$0x170] =	vst v3;
	v4 =	vmax.f32 v6, $0.0e+00;
	v3 =	vld [tilespmem:s15+$0x1D0]  }
0x1bd: {  	[tilespmem:s15+$0x180] =	vst v4;
	v6 =	vmax.f32 v5, $0.0e+00;
	v4 =	vld [tilespmem:s15+$0x1E0]  }
0x1be: {  	s15 =	sadd.s32 $0x400, s15;
	v5 =	vld [tilespmem:s23+$0xFFFFFE00];
	[tilespmem:s23+$0x190] =	vst v6;
	v6 =	vmax.f32 v7, $0.0e+00  }
0x1bf: {  	[tilespmem:s23+$0x1A0] =	vst v6;
	v1 =	vmax.f32 v1, $0.0e+00  }
0x1c0: {  	[tilespmem:s23+$0x1B0] =	vst v1;
	v1 =	vmax.f32 v2, $0.0e+00  }
0x1c1: {  	[tilespmem:s23+$0x1C0] =	vst v1;
	v1 =	vmax.f32 v3, $0.0e+00  }
0x1c2: {  	[tilespmem:s23+$0x1D0] =	vst v1;
	v1 =	vmax.f32 v4, $0.0e+00  }
0x1c3: {  	v2 =	vmax.f32 v5, $0.0e+00;
	[tilespmem:s23+$0x1E0] =	vst v1  }
0x1c4: {  	[tilespmem:s23+$0xFFFFFE00] =	vst v2  }
0x1c5: {  	_ =	swait.ge [sflag:s14], $0x1400  }
0x1c6: {  	[sflag:s14] =	ssyncset.done $0x0;
	s23 =	sld [smem:$0x7FC]  }
0x1c7: {  	s15 =	simm.s32 $0x280;
	[sflag:s14] =	ssyncadd.s32 $0xFFFFEC00  }
0x1c8: {  	[spmem:s13] =	stream.indirect.scatter.add.f32 [tilespmem:s11], [sflag:$0xD], $0x80, s15, s5, $0xb8;
	[tilespmem:$0x1B400] =	vst v63  }
0x1c9: {  	s15 =	sadd.s32 s18, s23  }
0x1ca: {  	s23 =	sshrl.u32 s15, $0x3  }
0x1cb: {  	s24 =	sadd.s32 s16, s23  }
0x1cc: {  	[tilespmem:s3], [sflag:$0x1] =	stream.linear.gather [hbm4b:s24+s3], $0x28, $0x38;
	[tilespmem:$0x1B400] =	vst v63  }
0x1cd: {  	s15 =	sshll.u32 s15, $0x4;
	s23 =	sadd.s32 s0, s23;
	s24 =	simm.s32 $0x200  }
0x1ce: {  	[tilespmem:s24], [sflag:$0x1] =	stream.linear.gather [hbm4b:s23+s3], $0x28, $0x38;
	[tilespmem:$0x1B400] =	vst v63  }
0x1cf: {  	s15 =	sadd.s32 s17, s15  }
0x1d0: {  	[tilespmem:s31], [sflag:$0x5] =	stream.linear.gather [hbm4b:s15+s3], $0x1400, $0x38;
	[tilespmem:$0x1B400] =	vst v63  }
0x1d1: {  	_ =	swait.ge [sflag:s25], $0x1400  }
0x1d2: {  	[sflag:s25] =	ssyncset.done $0x0  }
0x1d3: {  	[sflag:s25] =	ssyncadd.s32 $0xFFFFEC00  }
0x1d4: {  	_ =	swait.ge [sflag:s7], $0x28  }
0x1d5: {  	[sflag:s7] =	ssyncset.done $0x0  }
0x1d6: {  	[sflag:s7] =	ssyncadd.s32 $0xFFFFFFD8  }
0x1d7: {  	_ =	swait.ge [sflag:s7], $0x28  }
0x1d8: {  	[sflag:s7] =	ssyncset.done $0x0  }
0x1d9: {  	s24 =	simm.s32 $0x180;
	[sflag:s7] =	ssyncadd.s32 $0xFFFFFFD8  }
0x1da: {  	[tilespmem:s26], [sflag:$0xC] =	stream.indirect.gather.add.f32 [hbm:s2], $0x80, s24, s5, $0xb8;
	[tilespmem:$0x1B400] =	vst v63  }
0x1db: {  	_ =	swait.ge [sflag:s8], $0x1400  }
0x1dc: {  	[sflag:s8] =	ssyncset.done $0x0  }
0x1dd: {  	s23 =	simm.s32 $0x2E00;
	[sflag:s8] =	ssyncadd.s32 $0xFFFFEC00  }
0x1de: {  	v1 =	vld [tilespmem:s23+$0xFFFFFE10]  }
0x1df: {  	v2 =	vld [tilespmem:s23+$0xFFFFFE20]  }
0x1e0: {  	v7 =	vld [tilespmem:s23+$0x1F0]  }
0x1e1: {  	v3 =	vld [tilespmem:s23+$0xFFFFFE30]  }
0x1e2: {  	v9 =	vld [tilespmem:s23+$0xFFFFFE90]  }
0x1e3: {  	v10 =	vld [tilespmem:s23+$0xFFFFFEA0]  }
0x1e4: {  	v4 =	vld [tilespmem:s23+$0xFFFFFE40];
	v1 =	vmax.f32 v1, $0.0e+00  }
0x1e5: {  	v5 =	vld [tilespmem:s23+$0xFFFFFE50];
	v7 =	vmax.f32 v7, $0.0e+00;
	[tilespmem:s23+$0xFFFFFE10] =	vst v1  }
0x1e6: {  	v11 =	vld [tilespmem:s23+$0xFFFFFEB0];
	v2 =	vmax.f32 v2, $0.0e+00;
	[tilespmem:s23+$0x1F0] =	vst v7  }
0x1e7: {  	v9 =	vmax.f32 v9, $0.0e+00;
	v1 =	vld [tilespmem:s23+$0xFFFFFE70];
	[tilespmem:s23+$0xFFFFFE20] =	vst v2  }
0x1e8: {  	v10 =	vmax.f32 v10, $0.0e+00;
	v7 =	vld [tilespmem:s23+$0xFFFFFEC0];
	[tilespmem:s23+$0xFFFFFE90] =	vst v9  }
0x1e9: {  	v8 =	vld [tilespmem:s23+$0xFFFFFE80];
	v2 =	vmax.f32 v3, $0.0e+00;
	[tilespmem:s23+$0xFFFFFEA0] =	vst v10  }
0x1ea: {  	[tilespmem:s23+$0xFFFFFE30] =	vst v2;
	v2 =	vmax.f32 v4, $0.0e+00;
	v4 =	vld [tilespmem:s23+$0xFFFFFF00]  }
0x1eb: {  	v56 =	vmax.f32 v11, $0.0e+00;
	[tilespmem:s23+$0xFFFFFE40] =	vst v2;
	v2 =	vmax.f32 v5, $0.0e+00;
	v5 =	vld [tilespmem:s23+$0xFFFFFF10]  }
0x1ec: {  	[tilespmem:s23+$0xFFFFFEB0] =	vst v56;
	v1 =	vmax.f32 v1, $0.0e+00  }
0x1ed: {  	v6 =	vld [tilespmem:s23+$0xFFFFFE60];
	v7 =	vmax.f32 v7, $0.0e+00;
	[tilespmem:s23+$0xFFFFFE70] =	vst v1  }
0x1ee: {  	v3 =	vld [tilespmem:s23+$0xFFFFFED0];
	v1 =	vmax.f32 v8, $0.0e+00;
	[tilespmem:s23+$0xFFFFFEC0] =	vst v7  }
0x1ef: {  	v7 =	vld [tilespmem:s23+$0xFFFFFF90];
	[tilespmem:s23+$0xFFFFFE80] =	vst v1;
	v1 =	vmax.f32 v4, $0.0e+00  }
0x1f0: {  	v5 =	vmax.f32 v5, $0.0e+00;
	[tilespmem:s23+$0xFFFFFF00] =	vst v1;
	v1 =	vld [tilespmem:s23+$0xFFFFFEE0]  }
0x1f1: {  	[tilespmem:s23+$0xFFFFFF10] =	vst v5;
	v5 =	vld [tilespmem:s23+$0xFFFFFEF0]  }
0x1f2: {  	[tilespmem:s23+$0xFFFFFE50] =	vst v2;
	v2 =	vmax.f32 v6, $0.0e+00;
	v6 =	vld [tilespmem:s23+$0xFFFFFF20]  }
0x1f3: {  	[tilespmem:s23+$0xFFFFFE60] =	vst v2;
	v2 =	vld [tilespmem:s23+$0xFFFFFF30];
	v3 =	vmax.f32 v3, $0.0e+00  }
0x1f4: {  	v8 =	vld [tilespmem:s23+$0xFFFFFF40];
	[tilespmem:s23+$0xFFFFFED0] =	vst v3;
	v7 =	vmax.f32 v7, $0.0e+00  }
0x1f5: {  	v4 =	vld [tilespmem:s23+$0xFFFFFF50];
	[tilespmem:s23+$0xFFFFFF90] =	vst v7;
	v1 =	vmax.f32 v1, $0.0e+00  }
0x1f6: {  	v55 =	vld [tilespmem:s23+$0xFFFFFF60];
	[tilespmem:s23+$0xFFFFFEE0] =	vst v1;
	v1 =	vmax.f32 v5, $0.0e+00  }
0x1f7: {  	v57 =	vld [tilespmem:s23+$0xFFFFFF70];
	[tilespmem:s23+$0xFFFFFEF0] =	vst v1;
	v1 =	vmax.f32 v6, $0.0e+00  }
0x1f8: {  	v58 =	vld [tilespmem:s23+$0xFFFFFF80];
	[tilespmem:s23+$0xFFFFFF20] =	vst v1;
	v1 =	vmax.f32 v2, $0.0e+00  }
0x1f9: {  	[tilespmem:s23+$0xFFFFFF30] =	vst v1;
	v1 =	vmax.f32 v8, $0.0e+00;
	v8 =	vld [tilespmem:s23+$0x0]  }
0x1fa: {  	[tilespmem:s23+$0xFFFFFF40] =	vst v1;
	v1 =	vmax.f32 v4, $0.0e+00;
	v4 =	vld [tilespmem:s23+$0x10]  }
0x1fb: {  	v3 =	vld [tilespmem:s23+$0xFFFFFFA0];
	[tilespmem:s23+$0xFFFFFF50] =	vst v1;
	v1 =	vmax.f32 v55, $0.0e+00  }
0x1fc: {  	v5 =	vld [tilespmem:s23+$0xFFFFFFB0];
	[tilespmem:s23+$0xFFFFFF60] =	vst v1;
	v1 =	vmax.f32 v57, $0.0e+00  }
0x1fd: {  	v6 =	vld [tilespmem:s23+$0xFFFFFFC0];
	[tilespmem:s23+$0xFFFFFF70] =	vst v1;
	v1 =	vmax.f32 v58, $0.0e+00  }
0x1fe: {  	v2 =	vld [tilespmem:s23+$0xFFFFFFD0];
	[tilespmem:s23+$0xFFFFFF80] =	vst v1;
	v1 =	vmax.f32 v8, $0.0e+00  }
0x1ff: {  	[tilespmem:s23+$0x0] =	vst v1;
	v1 =	vld [tilespmem:s23+$0xFFFFFFE0];
	v4 =	vmax.f32 v4, $0.0e+00  }
0x200: {  	v3 =	vmax.f32 v3, $0.0e+00;
	[tilespmem:s23+$0x10] =	vst v4;
	v4 =	vld [tilespmem:s23+$0xFFFFFFF0]  }
0x201: {  	v59 =	vld [tilespmem:s23+$0x20];
	[tilespmem:s23+$0xFFFFFFA0] =	vst v3;
	v3 =	vmax.f32 v5, $0.0e+00  }
0x202: {  	[tilespmem:s23+$0xFFFFFFB0] =	vst v3;
	v3 =	vmax.f32 v6, $0.0e+00;
	v6 =	vld [tilespmem:s23+$0x80]  }
0x203: {  	v60 =	vld [tilespmem:s23+$0x30];
	[tilespmem:s23+$0xFFFFFFC0] =	vst v3;
	v2 =	vmax.f32 v2, $0.0e+00  }
0x204: {  	v3 =	vld [tilespmem:s23+$0x90];
	[tilespmem:s23+$0xFFFFFFD0] =	vst v2;
	v1 =	vmax.f32 v1, $0.0e+00  }
0x205: {  	v61 =	vld [tilespmem:s23+$0x40];
	[tilespmem:s23+$0xFFFFFFE0] =	vst v1;
	v1 =	vmax.f32 v4, $0.0e+00  }
0x206: {  	v8 =	vld [tilespmem:s23+$0x50];
	[tilespmem:s23+$0xFFFFFFF0] =	vst v1;
	v1 =	vmax.f32 v59, $0.0e+00  }
0x207: {  	v7 =	vld [tilespmem:s23+$0x60];
	[tilespmem:s23+$0x20] =	vst v1;
	v1 =	vmax.f32 v6, $0.0e+00  }
0x208: {  	v5 =	vld [tilespmem:s23+$0x70];
	[tilespmem:s23+$0x80] =	vst v1;
	v1 =	vmax.f32 v60, $0.0e+00  }
0x209: {  	v2 =	vld [tilespmem:s23+$0xA0];
	[tilespmem:s23+$0x30] =	vst v1;
	v1 =	vmax.f32 v3, $0.0e+00  }
0x20a: {  	v4 =	vld [tilespmem:s23+$0xB0];
	[tilespmem:s23+$0x90] =	vst v1;
	v1 =	vmax.f32 v61, $0.0e+00  }
0x20b: {  	v62 =	vld [tilespmem:s23+$0xC0];
	[tilespmem:s23+$0x40] =	vst v1;
	v1 =	vmax.f32 v8, $0.0e+00  }
0x20c: {  	[tilespmem:s23+$0x50] =	vst v1;
	v1 =	vmax.f32 v7, $0.0e+00;
	v7 =	vld [tilespmem:s23+$0x100]  }
0x20d: {  	v6 =	vld [tilespmem:s23+$0xD0];
	[tilespmem:s23+$0x60] =	vst v1;
	v1 =	vmax.f32 v5, $0.0e+00  }
0x20e: {  	v5 =	vld [tilespmem:s23+$0x110];
	[tilespmem:s23+$0x70] =	vst v1;
	v1 =	vmax.f32 v2, $0.0e+00  }
0x20f: {  	v3 =	vld [tilespmem:s23+$0xE0];
	[tilespmem:s23+$0xA0] =	vst v1;
	v1 =	vmax.f32 v4, $0.0e+00  }
0x210: {  	v8 =	vld [tilespmem:s23+$0xF0];
	[tilespmem:s23+$0xB0] =	vst v1;
	v1 =	vmax.f32 v62, $0.0e+00  }
0x211: {  	v2 =	vld [tilespmem:s23+$0x120];
	[tilespmem:s23+$0xC0] =	vst v1;
	v1 =	vmax.f32 v7, $0.0e+00  }
0x212: {  	v7 =	vld [tilespmem:s23+$0x150];
	[tilespmem:s23+$0x100] =	vst v1;
	v1 =	vmax.f32 v6, $0.0e+00  }
0x213: {  	v4 =	vld [tilespmem:s23+$0x130];
	[tilespmem:s23+$0xD0] =	vst v1;
	v1 =	vmax.f32 v5, $0.0e+00  }
0x214: {  	v63 =	vld [tilespmem:s23+$0x140];
	[tilespmem:s23+$0x110] =	vst v1;
	v1 =	vmax.f32 v3, $0.0e+00  }
0x215: {  	v6 =	vld [tilespmem:s23+$0x170];
	[tilespmem:s23+$0xE0] =	vst v1;
	v1 =	vmax.f32 v8, $0.0e+00  }
0x216: {  	v5 =	vld [tilespmem:s23+$0x160];
	[tilespmem:s23+$0xF0] =	vst v1;
	v1 =	vmax.f32 v2, $0.0e+00  }
0x217: {  	v3 =	vld [tilespmem:s23+$0x180];
	v2 =	vmax.f32 v7, $0.0e+00;
	[tilespmem:s23+$0x120] =	vst v1  }
0x218: {  	v1 =	vmax.f32 v4, $0.0e+00;
	v4 =	vld [tilespmem:s23+$0x190];
	[tilespmem:s23+$0x150] =	vst v2  }
0x219: {  	v8 =	vld [tilespmem:s23+$0x1A0];
	[tilespmem:s23+$0x130] =	vst v1;
	v1 =	vmax.f32 v63, $0.0e+00  }
0x21a: {  	v6 =	vmax.f32 v6, $0.0e+00;
	[tilespmem:s23+$0x140] =	vst v1;
	v1 =	vld [tilespmem:s23+$0x1B0]  }
0x21b: {  	v2 =	vld [tilespmem:s23+$0x1C0];
	v5 =	vmax.f32 v5, $0.0e+00;
	[tilespmem:s23+$0x170] =	vst v6  }
0x21c: {  	[tilespmem:s23+$0x160] =	vst v5;
	v5 =	vmax.f32 v3, $0.0e+00;
	v3 =	vld [tilespmem:s23+$0x1D0]  }
0x21d: {  	[tilespmem:s23+$0x180] =	vst v5;
	v6 =	vmax.f32 v4, $0.0e+00;
	v4 =	vld [tilespmem:s23+$0x1E0]  }
0x21e: {  	s30 =	simm.s32 $0x80;
	s15 =	simm.s32 $0x3200;
	s24 =	simm.s32 $0x0;
	v5 =	vld [tilespmem:s23+$0xFFFFFE00];
	[tilespmem:s23+$0x190] =	vst v6;
	v6 =	vmax.f32 v8, $0.0e+00  }
.LBB2_9:
0x21f: {  	v7 =	vld [tilespmem:s15+$0x1F0];
	s24 =	sadd.s32 $0x8, s24;
	[tilespmem:s23+$0x1A0] =	vst v6;
	v1 =	vmax.f32 v1, $0.0e+00  }
0x220: {  	v6 =	vld [tilespmem:s15+$0xFFFFFE10];
	p0 =	slt.u32 s24, $0x20;
	[tilespmem:s23+$0x1B0] =	vst v1;
	v1 =	vmax.f32 v2, $0.0e+00  }
0x221: {  	v2 =	vld [tilespmem:s15+$0xFFFFFE20];
	[tilespmem:s23+$0x1C0] =	vst v1;
	v1 =	vmax.f32 v3, $0.0e+00  }
0x222: {  	v3 =	vld [tilespmem:s15+$0xFFFFFE30];
	[tilespmem:s23+$0x1D0] =	vst v1;
	v1 =	vmax.f32 v4, $0.0e+00  }
0x223: {  	v4 =	vld [tilespmem:s15+$0xFFFFFE40];
	v5 =	vmax.f32 v5, $0.0e+00;
	[tilespmem:s23+$0x1E0] =	vst v1  }
0x224: {  	v1 =	vld [tilespmem:s15+$0xFFFFFE50];
	v7 =	vmax.f32 v7, $0.0e+00;
	[tilespmem:s23+$0xFFFFFE00] =	vst v5;
	s23 =	smov.u32 s15  }
0x225: {  	v5 =	vmax.f32 v6, $0.0e+00;
	v6 =	vld [tilespmem:s15+$0xFFFFFE60];
	[tilespmem:s15+$0x1F0] =	vst v7  }
0x226: {  	[tilespmem:s15+$0xFFFFFE10] =	vst v5;
	v2 =	vmax.f32 v2, $0.0e+00;
	v5 =	vld [tilespmem:s15+$0xFFFFFE70]  }
0x227: {  	[tilespmem:s15+$0xFFFFFE20] =	vst v2;
	v2 =	vmax.f32 v3, $0.0e+00;
	v3 =	vld [tilespmem:s15+$0xFFFFFE80]  }
0x228: {  	[tilespmem:s15+$0xFFFFFE30] =	vst v2;
	v2 =	vmax.f32 v4, $0.0e+00;
	v4 =	vld [tilespmem:s15+$0xFFFFFE90]  }
0x229: {  	[tilespmem:s15+$0xFFFFFE40] =	vst v2;
	v1 =	vmax.f32 v1, $0.0e+00;
	v2 =	vld [tilespmem:s15+$0xFFFFFEA0]  }
0x22a: {  	[tilespmem:s15+$0xFFFFFE50] =	vst v1;
	v1 =	vmax.f32 v6, $0.0e+00;
	v6 =	vld [tilespmem:s15+$0xFFFFFEB0]  }
0x22b: {  	[tilespmem:s15+$0xFFFFFE60] =	vst v1;
	v1 =	vmax.f32 v5, $0.0e+00;
	v5 =	vld [tilespmem:s15+$0xFFFFFEC0]  }
0x22c: {  	[tilespmem:s15+$0xFFFFFE70] =	vst v1;
	v1 =	vmax.f32 v3, $0.0e+00;
	v3 =	vld [tilespmem:s15+$0xFFFFFED0]  }
0x22d: {  	[tilespmem:s15+$0xFFFFFE80] =	vst v1;
	v1 =	vmax.f32 v4, $0.0e+00;
	v4 =	vld [tilespmem:s15+$0xFFFFFEE0]  }
0x22e: {  	[tilespmem:s15+$0xFFFFFE90] =	vst v1;
	v1 =	vmax.f32 v2, $0.0e+00;
	v2 =	vld [tilespmem:s15+$0xFFFFFEF0]  }
0x22f: {  	[tilespmem:s15+$0xFFFFFEA0] =	vst v1;
	v1 =	vmax.f32 v6, $0.0e+00;
	v6 =	vld [tilespmem:s15+$0xFFFFFF00]  }
0x230: {  	[tilespmem:s15+$0xFFFFFEB0] =	vst v1;
	v1 =	vmax.f32 v5, $0.0e+00;
	v5 =	vld [tilespmem:s15+$0xFFFFFF10]  }
0x231: {  	[tilespmem:s15+$0xFFFFFEC0] =	vst v1;
	v1 =	vmax.f32 v3, $0.0e+00;
	v3 =	vld [tilespmem:s15+$0xFFFFFF20]  }
0x232: {  	[tilespmem:s15+$0xFFFFFED0] =	vst v1;
	v1 =	vmax.f32 v4, $0.0e+00;
	v4 =	vld [tilespmem:s15+$0xFFFFFF30]  }
0x233: {  	[tilespmem:s15+$0xFFFFFEE0] =	vst v1;
	v1 =	vmax.f32 v2, $0.0e+00;
	v2 =	vld [tilespmem:s15+$0xFFFFFF40]  }
0x234: {  	[tilespmem:s15+$0xFFFFFEF0] =	vst v1;
	v1 =	vmax.f32 v6, $0.0e+00;
	v6 =	vld [tilespmem:s15+$0xFFFFFF50]  }
0x235: {  	[tilespmem:s15+$0xFFFFFF00] =	vst v1;
	v1 =	vmax.f32 v5, $0.0e+00;
	v5 =	vld [tilespmem:s15+$0xFFFFFF60]  }
0x236: {  	[tilespmem:s15+$0xFFFFFF10] =	vst v1;
	v1 =	vmax.f32 v3, $0.0e+00;
	v3 =	vld [tilespmem:s15+$0xFFFFFF70]  }
0x237: {  	[tilespmem:s15+$0xFFFFFF20] =	vst v1;
	v1 =	vmax.f32 v4, $0.0e+00;
	v4 =	vld [tilespmem:s15+$0xFFFFFF80]  }
0x238: {  	[tilespmem:s15+$0xFFFFFF30] =	vst v1;
	v1 =	vmax.f32 v2, $0.0e+00;
	v2 =	vld [tilespmem:s15+$0xFFFFFF90]  }
0x239: {  	[tilespmem:s15+$0xFFFFFF40] =	vst v1;
	v1 =	vmax.f32 v6, $0.0e+00;
	v6 =	vld [tilespmem:s15+$0xFFFFFFA0]  }
0x23a: {  	[tilespmem:s15+$0xFFFFFF50] =	vst v1;
	v1 =	vmax.f32 v5, $0.0e+00;
	v5 =	vld [tilespmem:s15+$0xFFFFFFB0]  }
0x23b: {  	[tilespmem:s15+$0xFFFFFF60] =	vst v1;
	v1 =	vmax.f32 v3, $0.0e+00;
	v3 =	vld [tilespmem:s15+$0xFFFFFFC0]  }
0x23c: {  	[tilespmem:s15+$0xFFFFFF70] =	vst v1;
	v1 =	vmax.f32 v4, $0.0e+00;
	v4 =	vld [tilespmem:s15+$0xFFFFFFD0]  }
0x23d: {  	[tilespmem:s15+$0xFFFFFF80] =	vst v1;
	v1 =	vmax.f32 v2, $0.0e+00;
	v2 =	vld [tilespmem:s15+$0xFFFFFFE0]  }
0x23e: {  	[tilespmem:s15+$0xFFFFFF90] =	vst v1;
	v1 =	vmax.f32 v6, $0.0e+00;
	v6 =	vld [tilespmem:s15+$0xFFFFFFF0]  }
0x23f: {  	[tilespmem:s15+$0xFFFFFFA0] =	vst v1;
	v1 =	vmax.f32 v5, $0.0e+00;
	v5 =	vld [tilespmem:s15+$0x0]  }
0x240: {  	[tilespmem:s15+$0xFFFFFFB0] =	vst v1;
	v1 =	vmax.f32 v3, $0.0e+00;
	v3 =	vld [tilespmem:s15+$0x10]  }
0x241: {  	[tilespmem:s15+$0xFFFFFFC0] =	vst v1;
	v1 =	vmax.f32 v4, $0.0e+00;
	v4 =	vld [tilespmem:s15+$0x20]  }
0x242: {  	[tilespmem:s15+$0xFFFFFFD0] =	vst v1;
	v1 =	vmax.f32 v2, $0.0e+00;
	v2 =	vld [tilespmem:s15+$0x30]  }
0x243: {  	[tilespmem:s15+$0xFFFFFFE0] =	vst v1;
	v1 =	vmax.f32 v6, $0.0e+00;
	v6 =	vld [tilespmem:s15+$0x40]  }
0x244: {  	[tilespmem:s15+$0xFFFFFFF0] =	vst v1;
	v1 =	vmax.f32 v5, $0.0e+00;
	v5 =	vld [tilespmem:s15+$0x50]  }
0x245: {  	[tilespmem:s15+$0x0] =	vst v1;
	v1 =	vmax.f32 v3, $0.0e+00;
	v3 =	vld [tilespmem:s15+$0x60]  }
0x246: {  	[tilespmem:s15+$0x10] =	vst v1;
	v1 =	vmax.f32 v4, $0.0e+00;
	v4 =	vld [tilespmem:s15+$0x70]  }
0x247: {  	[tilespmem:s15+$0x20] =	vst v1;
	v1 =	vmax.f32 v2, $0.0e+00;
	v2 =	vld [tilespmem:s15+$0x80]  }
0x248: {  	[tilespmem:s15+$0x30] =	vst v1;
	v1 =	vmax.f32 v6, $0.0e+00;
	v6 =	vld [tilespmem:s15+$0x90]  }
0x249: {  	[tilespmem:s15+$0x40] =	vst v1;
	v1 =	vmax.f32 v5, $0.0e+00;
	v5 =	vld [tilespmem:s15+$0xA0]  }
0x24a: {  	[tilespmem:s15+$0x50] =	vst v1;
	v1 =	vmax.f32 v3, $0.0e+00;
	v3 =	vld [tilespmem:s15+$0xB0]  }
0x24b: {  	[tilespmem:s15+$0x60] =	vst v1;
	v1 =	vmax.f32 v4, $0.0e+00;
	v4 =	vld [tilespmem:s15+$0xC0]  }
0x24c: {  	[tilespmem:s15+$0x70] =	vst v1;
	v1 =	vmax.f32 v2, $0.0e+00;
	v2 =	vld [tilespmem:s15+$0xD0]  }
0x24d: {  	[tilespmem:s15+$0x80] =	vst v1;
	v1 =	vmax.f32 v6, $0.0e+00;
	v6 =	vld [tilespmem:s15+$0xE0]  }
0x24e: {  	[tilespmem:s15+$0x90] =	vst v1;
	v1 =	vmax.f32 v5, $0.0e+00;
	v5 =	vld [tilespmem:s15+$0xF0]  }
0x24f: {  	[tilespmem:s15+$0xA0] =	vst v1;
	v1 =	vmax.f32 v3, $0.0e+00;
	v3 =	vld [tilespmem:s15+$0x100]  }
0x250: {  	[tilespmem:s15+$0xB0] =	vst v1;
	v1 =	vmax.f32 v4, $0.0e+00;
	v4 =	vld [tilespmem:s15+$0x110]  }
0x251: {  	[tilespmem:s15+$0xC0] =	vst v1;
	v1 =	vmax.f32 v2, $0.0e+00;
	v2 =	vld [tilespmem:s15+$0x120]  }
0x252: {  	[tilespmem:s15+$0xD0] =	vst v1;
	v1 =	vmax.f32 v6, $0.0e+00;
	v6 =	vld [tilespmem:s15+$0x130]  }
0x253: {  	[tilespmem:s15+$0xE0] =	vst v1;
	v1 =	vmax.f32 v5, $0.0e+00;
	v5 =	vld [tilespmem:s15+$0x140]  }
0x254: {  	[tilespmem:s15+$0xF0] =	vst v1;
	v1 =	vmax.f32 v3, $0.0e+00;
	v3 =	vld [tilespmem:s15+$0x150]  }
0x255: {  	[tilespmem:s15+$0x100] =	vst v1;
	v1 =	vmax.f32 v4, $0.0e+00;
	v4 =	vld [tilespmem:s15+$0x160]  }
0x256: {  	[tilespmem:s15+$0x110] =	vst v1;
	v1 =	vmax.f32 v2, $0.0e+00;
	v2 =	vld [tilespmem:s15+$0x170]  }
0x257: {  	[tilespmem:s15+$0x120] =	vst v1;
	v1 =	vmax.f32 v6, $0.0e+00;
	v6 =	vld [tilespmem:s15+$0x180]  }
0x258: {  	[tilespmem:s15+$0x130] =	vst v1;
	v1 =	vmax.f32 v5, $0.0e+00;
	v5 =	vld [tilespmem:s15+$0x190]  }
0x259: {  	[tilespmem:s15+$0x140] =	vst v1;
	v1 =	vmax.f32 v3, $0.0e+00;
	v7 =	vld [tilespmem:s15+$0x1A0]  }
.Ltmp3:
0x25a: {  	[tilespmem:s15+$0x150] =	vst v1;
	v3 =	vmax.f32 v4, $0.0e+00;
	v1 =	vld [tilespmem:s15+$0x1B0];
	(pc) =	sbr.rel @p0 .LBB2_9-.Ltmp3, $4  }
0x25b: {  	[tilespmem:s15+$0x160] =	vst v3;
	v3 =	vmax.f32 v2, $0.0e+00;
	v2 =	vld [tilespmem:s15+$0x1C0]  }
0x25c: {  	[tilespmem:s15+$0x170] =	vst v3;
	v4 =	vmax.f32 v6, $0.0e+00;
	v3 =	vld [tilespmem:s15+$0x1D0]  }
0x25d: {  	[tilespmem:s15+$0x180] =	vst v4;
	v6 =	vmax.f32 v5, $0.0e+00;
	v4 =	vld [tilespmem:s15+$0x1E0]  }
0x25e: {  	s15 =	sadd.s32 $0x400, s15;
	v5 =	vld [tilespmem:s23+$0xFFFFFE00];
	[tilespmem:s23+$0x190] =	vst v6;
	v6 =	vmax.f32 v7, $0.0e+00  }
0x25f: {  	[tilespmem:s23+$0x1A0] =	vst v6;
	v1 =	vmax.f32 v1, $0.0e+00  }
0x260: {  	[tilespmem:s23+$0x1B0] =	vst v1;
	v1 =	vmax.f32 v2, $0.0e+00  }
0x261: {  	[tilespmem:s23+$0x1C0] =	vst v1;
	v1 =	vmax.f32 v3, $0.0e+00  }
0x262: {  	[tilespmem:s23+$0x1D0] =	vst v1;
	v1 =	vmax.f32 v4, $0.0e+00  }
0x263: {  	v2 =	vmax.f32 v5, $0.0e+00;
	[tilespmem:s23+$0x1E0] =	vst v1  }
0x264: {  	[tilespmem:s23+$0xFFFFFE00] =	vst v2  }
0x265: {  	_ =	swait.ge [sflag:s14], $0x1400  }
0x266: {  	[sflag:s14] =	ssyncset.done $0x0;
	s23 =	sld [smem:$0x7FD]  }
0x267: {  	s15 =	simm.s32 $0x300;
	[sflag:s14] =	ssyncadd.s32 $0xFFFFEC00  }
0x268: {  	[spmem:s13] =	stream.indirect.scatter.add.f32 [tilespmem:s19], [sflag:$0xD], $0x80, s15, s5, $0xb8;
	[tilespmem:$0x1B400] =	vst v63  }
0x269: {  	s15 =	sadd.s32 s18, s23  }
0x26a: {  	s18 =	sshrl.u32 s15, $0x3  }
0x26b: {  	s24 =	sadd.s32 s16, s18  }
0x26c: {  	[tilespmem:s30], [sflag:$0x2] =	stream.linear.gather [hbm4b:s24+s3], $0x28, $0x38;
	[tilespmem:$0x1B400] =	vst v63  }
0x26d: {  	s15 =	sshll.u32 s15, $0x4;
	s18 =	sadd.s32 s0, s18;
	s24 =	simm.s32 $0x280  }
0x26e: {  	[tilespmem:s24], [sflag:$0x2] =	stream.linear.gather [hbm4b:s18+s3], $0x28, $0x38;
	[tilespmem:$0x1B400] =	vst v63  }
0x26f: {  	s15 =	sadd.s32 s17, s15  }
0x270: {  	[tilespmem:s11], [sflag:$0x6] =	stream.linear.gather [hbm4b:s15+s3], $0x1400, $0x38;
	[tilespmem:$0x1B400] =	vst v63  }
0x271: {  	_ =	swait.ge [sflag:s1], $0x1400  }
0x272: {  	[sflag:s1] =	ssyncset.done $0x0  }
0x273: {  	[sflag:s1] =	ssyncadd.s32 $0xFFFFEC00  }
0x274: {  	_ =	swait.ge [sflag:s4], $0x28  }
0x275: {  	[sflag:s4] =	ssyncset.done $0x0  }
0x276: {  	[sflag:s4] =	ssyncadd.s32 $0xFFFFFFD8  }
0x277: {  	_ =	swait.ge [sflag:s4], $0x28  }
0x278: {  	[sflag:s4] =	ssyncset.done $0x0  }
0x279: {  	[sflag:s4] =	ssyncadd.s32 $0xFFFFFFD8  }
0x27a: {  	[tilespmem:s31], [sflag:$0x9] =	stream.indirect.gather.add.f32 [hbm:s2], $0x80, s3, s5, $0xb8;
	[tilespmem:$0x1B400] =	vst v63  }
0x27b: {  	_ =	swait.ge [sflag:s9], $0x1400  }
0x27c: {  	[sflag:s9] =	ssyncset.done $0x0  }
0x27d: {  	s18 =	simm.s32 $0x4200;
	[sflag:s9] =	ssyncadd.s32 $0xFFFFEC00  }
0x27e: {  	v1 =	vld [tilespmem:s18+$0xFFFFFE10]  }
0x27f: {  	v2 =	vld [tilespmem:s18+$0xFFFFFE20]  }
0x280: {  	v7 =	vld [tilespmem:s18+$0x1F0]  }
0x281: {  	v3 =	vld [tilespmem:s18+$0xFFFFFE30]  }
0x282: {  	v9 =	vld [tilespmem:s18+$0xFFFFFE90]  }
0x283: {  	v10 =	vld [tilespmem:s18+$0xFFFFFEA0]  }
0x284: {  	v4 =	vld [tilespmem:s18+$0xFFFFFE40];
	v1 =	vmax.f32 v1, $0.0e+00  }
0x285: {  	v5 =	vld [tilespmem:s18+$0xFFFFFE50];
	v7 =	vmax.f32 v7, $0.0e+00;
	[tilespmem:s18+$0xFFFFFE10] =	vst v1  }
0x286: {  	v11 =	vld [tilespmem:s18+$0xFFFFFEB0];
	v2 =	vmax.f32 v2, $0.0e+00;
	[tilespmem:s18+$0x1F0] =	vst v7  }
0x287: {  	v9 =	vmax.f32 v9, $0.0e+00;
	v1 =	vld [tilespmem:s18+$0xFFFFFE70];
	[tilespmem:s18+$0xFFFFFE20] =	vst v2  }
0x288: {  	v10 =	vmax.f32 v10, $0.0e+00;
	v7 =	vld [tilespmem:s18+$0xFFFFFEC0];
	[tilespmem:s18+$0xFFFFFE90] =	vst v9  }
0x289: {  	v8 =	vld [tilespmem:s18+$0xFFFFFE80];
	v2 =	vmax.f32 v3, $0.0e+00;
	[tilespmem:s18+$0xFFFFFEA0] =	vst v10  }
0x28a: {  	[tilespmem:s18+$0xFFFFFE30] =	vst v2;
	v2 =	vmax.f32 v4, $0.0e+00;
	v4 =	vld [tilespmem:s18+$0xFFFFFF00]  }
0x28b: {  	v56 =	vmax.f32 v11, $0.0e+00;
	[tilespmem:s18+$0xFFFFFE40] =	vst v2;
	v2 =	vmax.f32 v5, $0.0e+00;
	v5 =	vld [tilespmem:s18+$0xFFFFFF10]  }
0x28c: {  	[tilespmem:s18+$0xFFFFFEB0] =	vst v56;
	v1 =	vmax.f32 v1, $0.0e+00  }
0x28d: {  	v6 =	vld [tilespmem:s18+$0xFFFFFE60];
	v7 =	vmax.f32 v7, $0.0e+00;
	[tilespmem:s18+$0xFFFFFE70] =	vst v1  }
0x28e: {  	v3 =	vld [tilespmem:s18+$0xFFFFFED0];
	v1 =	vmax.f32 v8, $0.0e+00;
	[tilespmem:s18+$0xFFFFFEC0] =	vst v7  }
0x28f: {  	v7 =	vld [tilespmem:s18+$0xFFFFFF90];
	[tilespmem:s18+$0xFFFFFE80] =	vst v1;
	v1 =	vmax.f32 v4, $0.0e+00  }
0x290: {  	v5 =	vmax.f32 v5, $0.0e+00;
	[tilespmem:s18+$0xFFFFFF00] =	vst v1;
	v1 =	vld [tilespmem:s18+$0xFFFFFEE0]  }
0x291: {  	[tilespmem:s18+$0xFFFFFF10] =	vst v5;
	v5 =	vld [tilespmem:s18+$0xFFFFFEF0]  }
0x292: {  	[tilespmem:s18+$0xFFFFFE50] =	vst v2;
	v2 =	vmax.f32 v6, $0.0e+00;
	v6 =	vld [tilespmem:s18+$0xFFFFFF20]  }
0x293: {  	[tilespmem:s18+$0xFFFFFE60] =	vst v2;
	v2 =	vld [tilespmem:s18+$0xFFFFFF30];
	v3 =	vmax.f32 v3, $0.0e+00  }
0x294: {  	v8 =	vld [tilespmem:s18+$0xFFFFFF40];
	[tilespmem:s18+$0xFFFFFED0] =	vst v3;
	v7 =	vmax.f32 v7, $0.0e+00  }
0x295: {  	v4 =	vld [tilespmem:s18+$0xFFFFFF50];
	[tilespmem:s18+$0xFFFFFF90] =	vst v7;
	v1 =	vmax.f32 v1, $0.0e+00  }
0x296: {  	v55 =	vld [tilespmem:s18+$0xFFFFFF60];
	[tilespmem:s18+$0xFFFFFEE0] =	vst v1;
	v1 =	vmax.f32 v5, $0.0e+00  }
0x297: {  	v57 =	vld [tilespmem:s18+$0xFFFFFF70];
	[tilespmem:s18+$0xFFFFFEF0] =	vst v1;
	v1 =	vmax.f32 v6, $0.0e+00  }
0x298: {  	v58 =	vld [tilespmem:s18+$0xFFFFFF80];
	[tilespmem:s18+$0xFFFFFF20] =	vst v1;
	v1 =	vmax.f32 v2, $0.0e+00  }
0x299: {  	[tilespmem:s18+$0xFFFFFF30] =	vst v1;
	v1 =	vmax.f32 v8, $0.0e+00;
	v8 =	vld [tilespmem:s18+$0x0]  }
0x29a: {  	[tilespmem:s18+$0xFFFFFF40] =	vst v1;
	v1 =	vmax.f32 v4, $0.0e+00;
	v4 =	vld [tilespmem:s18+$0x10]  }
0x29b: {  	v3 =	vld [tilespmem:s18+$0xFFFFFFA0];
	[tilespmem:s18+$0xFFFFFF50] =	vst v1;
	v1 =	vmax.f32 v55, $0.0e+00  }
0x29c: {  	v5 =	vld [tilespmem:s18+$0xFFFFFFB0];
	[tilespmem:s18+$0xFFFFFF60] =	vst v1;
	v1 =	vmax.f32 v57, $0.0e+00  }
0x29d: {  	v6 =	vld [tilespmem:s18+$0xFFFFFFC0];
	[tilespmem:s18+$0xFFFFFF70] =	vst v1;
	v1 =	vmax.f32 v58, $0.0e+00  }
0x29e: {  	v2 =	vld [tilespmem:s18+$0xFFFFFFD0];
	[tilespmem:s18+$0xFFFFFF80] =	vst v1;
	v1 =	vmax.f32 v8, $0.0e+00  }
0x29f: {  	[tilespmem:s18+$0x0] =	vst v1;
	v1 =	vld [tilespmem:s18+$0xFFFFFFE0];
	v4 =	vmax.f32 v4, $0.0e+00  }
0x2a0: {  	v3 =	vmax.f32 v3, $0.0e+00;
	[tilespmem:s18+$0x10] =	vst v4;
	v4 =	vld [tilespmem:s18+$0xFFFFFFF0]  }
0x2a1: {  	v59 =	vld [tilespmem:s18+$0x20];
	[tilespmem:s18+$0xFFFFFFA0] =	vst v3;
	v3 =	vmax.f32 v5, $0.0e+00  }
0x2a2: {  	[tilespmem:s18+$0xFFFFFFB0] =	vst v3;
	v3 =	vmax.f32 v6, $0.0e+00;
	v6 =	vld [tilespmem:s18+$0x80]  }
0x2a3: {  	v60 =	vld [tilespmem:s18+$0x30];
	[tilespmem:s18+$0xFFFFFFC0] =	vst v3;
	v2 =	vmax.f32 v2, $0.0e+00  }
0x2a4: {  	v3 =	vld [tilespmem:s18+$0x90];
	[tilespmem:s18+$0xFFFFFFD0] =	vst v2;
	v1 =	vmax.f32 v1, $0.0e+00  }
0x2a5: {  	v61 =	vld [tilespmem:s18+$0x40];
	[tilespmem:s18+$0xFFFFFFE0] =	vst v1;
	v1 =	vmax.f32 v4, $0.0e+00  }
0x2a6: {  	v8 =	vld [tilespmem:s18+$0x50];
	[tilespmem:s18+$0xFFFFFFF0] =	vst v1;
	v1 =	vmax.f32 v59, $0.0e+00  }
0x2a7: {  	v7 =	vld [tilespmem:s18+$0x60];
	[tilespmem:s18+$0x20] =	vst v1;
	v1 =	vmax.f32 v6, $0.0e+00  }
0x2a8: {  	v5 =	vld [tilespmem:s18+$0x70];
	[tilespmem:s18+$0x80] =	vst v1;
	v1 =	vmax.f32 v60, $0.0e+00  }
0x2a9: {  	v2 =	vld [tilespmem:s18+$0xA0];
	[tilespmem:s18+$0x30] =	vst v1;
	v1 =	vmax.f32 v3, $0.0e+00  }
0x2aa: {  	v4 =	vld [tilespmem:s18+$0xB0];
	[tilespmem:s18+$0x90] =	vst v1;
	v1 =	vmax.f32 v61, $0.0e+00  }
0x2ab: {  	v62 =	vld [tilespmem:s18+$0xC0];
	[tilespmem:s18+$0x40] =	vst v1;
	v1 =	vmax.f32 v8, $0.0e+00  }
0x2ac: {  	[tilespmem:s18+$0x50] =	vst v1;
	v1 =	vmax.f32 v7, $0.0e+00;
	v7 =	vld [tilespmem:s18+$0x100]  }
0x2ad: {  	v6 =	vld [tilespmem:s18+$0xD0];
	[tilespmem:s18+$0x60] =	vst v1;
	v1 =	vmax.f32 v5, $0.0e+00  }
0x2ae: {  	v5 =	vld [tilespmem:s18+$0x110];
	[tilespmem:s18+$0x70] =	vst v1;
	v1 =	vmax.f32 v2, $0.0e+00  }
0x2af: {  	v3 =	vld [tilespmem:s18+$0xE0];
	[tilespmem:s18+$0xA0] =	vst v1;
	v1 =	vmax.f32 v4, $0.0e+00  }
0x2b0: {  	v8 =	vld [tilespmem:s18+$0xF0];
	[tilespmem:s18+$0xB0] =	vst v1;
	v1 =	vmax.f32 v62, $0.0e+00  }
0x2b1: {  	v2 =	vld [tilespmem:s18+$0x120];
	[tilespmem:s18+$0xC0] =	vst v1;
	v1 =	vmax.f32 v7, $0.0e+00  }
0x2b2: {  	v7 =	vld [tilespmem:s18+$0x150];
	[tilespmem:s18+$0x100] =	vst v1;
	v1 =	vmax.f32 v6, $0.0e+00  }
0x2b3: {  	v4 =	vld [tilespmem:s18+$0x130];
	[tilespmem:s18+$0xD0] =	vst v1;
	v1 =	vmax.f32 v5, $0.0e+00  }
0x2b4: {  	v63 =	vld [tilespmem:s18+$0x140];
	[tilespmem:s18+$0x110] =	vst v1;
	v1 =	vmax.f32 v3, $0.0e+00  }
0x2b5: {  	v6 =	vld [tilespmem:s18+$0x170];
	[tilespmem:s18+$0xE0] =	vst v1;
	v1 =	vmax.f32 v8, $0.0e+00  }
0x2b6: {  	v5 =	vld [tilespmem:s18+$0x160];
	[tilespmem:s18+$0xF0] =	vst v1;
	v1 =	vmax.f32 v2, $0.0e+00  }
0x2b7: {  	v3 =	vld [tilespmem:s18+$0x180];
	v2 =	vmax.f32 v7, $0.0e+00;
	[tilespmem:s18+$0x120] =	vst v1  }
0x2b8: {  	v1 =	vmax.f32 v4, $0.0e+00;
	v4 =	vld [tilespmem:s18+$0x190];
	[tilespmem:s18+$0x150] =	vst v2  }
0x2b9: {  	v8 =	vld [tilespmem:s18+$0x1A0];
	[tilespmem:s18+$0x130] =	vst v1;
	v1 =	vmax.f32 v63, $0.0e+00  }
0x2ba: {  	v6 =	vmax.f32 v6, $0.0e+00;
	[tilespmem:s18+$0x140] =	vst v1;
	v1 =	vld [tilespmem:s18+$0x1B0]  }
0x2bb: {  	v2 =	vld [tilespmem:s18+$0x1C0];
	v5 =	vmax.f32 v5, $0.0e+00;
	[tilespmem:s18+$0x170] =	vst v6  }
0x2bc: {  	[tilespmem:s18+$0x160] =	vst v5;
	v5 =	vmax.f32 v3, $0.0e+00;
	v3 =	vld [tilespmem:s18+$0x1D0]  }
0x2bd: {  	[tilespmem:s18+$0x180] =	vst v5;
	v6 =	vmax.f32 v4, $0.0e+00;
	v4 =	vld [tilespmem:s18+$0x1E0]  }
0x2be: {  	s23 =	simm.s32 $0x0;
	s15 =	simm.s32 $0x4600;
	v5 =	vld [tilespmem:s18+$0xFFFFFE00];
	[tilespmem:s18+$0x190] =	vst v6;
	v6 =	vmax.f32 v8, $0.0e+00  }
.LBB2_11:
0x2bf: {  	v7 =	vld [tilespmem:s15+$0x1F0];
	s23 =	sadd.s32 $0x8, s23;
	[tilespmem:s18+$0x1A0] =	vst v6;
	v1 =	vmax.f32 v1, $0.0e+00  }
0x2c0: {  	v6 =	vld [tilespmem:s15+$0xFFFFFE10];
	p0 =	slt.u32 s23, $0x20;
	[tilespmem:s18+$0x1B0] =	vst v1;
	v1 =	vmax.f32 v2, $0.0e+00  }
0x2c1: {  	v2 =	vld [tilespmem:s15+$0xFFFFFE20];
	[tilespmem:s18+$0x1C0] =	vst v1;
	v1 =	vmax.f32 v3, $0.0e+00  }
0x2c2: {  	v3 =	vld [tilespmem:s15+$0xFFFFFE30];
	[tilespmem:s18+$0x1D0] =	vst v1;
	v1 =	vmax.f32 v4, $0.0e+00  }
0x2c3: {  	v4 =	vld [tilespmem:s15+$0xFFFFFE40];
	v5 =	vmax.f32 v5, $0.0e+00;
	[tilespmem:s18+$0x1E0] =	vst v1  }
0x2c4: {  	v1 =	vld [tilespmem:s15+$0xFFFFFE50];
	v7 =	vmax.f32 v7, $0.0e+00;
	[tilespmem:s18+$0xFFFFFE00] =	vst v5;
	s18 =	smov.u32 s15  }
0x2c5: {  	v5 =	vmax.f32 v6, $0.0e+00;
	v6 =	vld [tilespmem:s15+$0xFFFFFE60];
	[tilespmem:s15+$0x1F0] =	vst v7  }
0x2c6: {  	[tilespmem:s15+$0xFFFFFE10] =	vst v5;
	v2 =	vmax.f32 v2, $0.0e+00;
	v5 =	vld [tilespmem:s15+$0xFFFFFE70]  }
0x2c7: {  	[tilespmem:s15+$0xFFFFFE20] =	vst v2;
	v2 =	vmax.f32 v3, $0.0e+00;
	v3 =	vld [tilespmem:s15+$0xFFFFFE80]  }
0x2c8: {  	[tilespmem:s15+$0xFFFFFE30] =	vst v2;
	v2 =	vmax.f32 v4, $0.0e+00;
	v4 =	vld [tilespmem:s15+$0xFFFFFE90]  }
0x2c9: {  	[tilespmem:s15+$0xFFFFFE40] =	vst v2;
	v1 =	vmax.f32 v1, $0.0e+00;
	v2 =	vld [tilespmem:s15+$0xFFFFFEA0]  }
0x2ca: {  	[tilespmem:s15+$0xFFFFFE50] =	vst v1;
	v1 =	vmax.f32 v6, $0.0e+00;
	v6 =	vld [tilespmem:s15+$0xFFFFFEB0]  }
0x2cb: {  	[tilespmem:s15+$0xFFFFFE60] =	vst v1;
	v1 =	vmax.f32 v5, $0.0e+00;
	v5 =	vld [tilespmem:s15+$0xFFFFFEC0]  }
0x2cc: {  	[tilespmem:s15+$0xFFFFFE70] =	vst v1;
	v1 =	vmax.f32 v3, $0.0e+00;
	v3 =	vld [tilespmem:s15+$0xFFFFFED0]  }
0x2cd: {  	[tilespmem:s15+$0xFFFFFE80] =	vst v1;
	v1 =	vmax.f32 v4, $0.0e+00;
	v4 =	vld [tilespmem:s15+$0xFFFFFEE0]  }
0x2ce: {  	[tilespmem:s15+$0xFFFFFE90] =	vst v1;
	v1 =	vmax.f32 v2, $0.0e+00;
	v2 =	vld [tilespmem:s15+$0xFFFFFEF0]  }
0x2cf: {  	[tilespmem:s15+$0xFFFFFEA0] =	vst v1;
	v1 =	vmax.f32 v6, $0.0e+00;
	v6 =	vld [tilespmem:s15+$0xFFFFFF00]  }
0x2d0: {  	[tilespmem:s15+$0xFFFFFEB0] =	vst v1;
	v1 =	vmax.f32 v5, $0.0e+00;
	v5 =	vld [tilespmem:s15+$0xFFFFFF10]  }
0x2d1: {  	[tilespmem:s15+$0xFFFFFEC0] =	vst v1;
	v1 =	vmax.f32 v3, $0.0e+00;
	v3 =	vld [tilespmem:s15+$0xFFFFFF20]  }
0x2d2: {  	[tilespmem:s15+$0xFFFFFED0] =	vst v1;
	v1 =	vmax.f32 v4, $0.0e+00;
	v4 =	vld [tilespmem:s15+$0xFFFFFF30]  }
0x2d3: {  	[tilespmem:s15+$0xFFFFFEE0] =	vst v1;
	v1 =	vmax.f32 v2, $0.0e+00;
	v2 =	vld [tilespmem:s15+$0xFFFFFF40]  }
0x2d4: {  	[tilespmem:s15+$0xFFFFFEF0] =	vst v1;
	v1 =	vmax.f32 v6, $0.0e+00;
	v6 =	vld [tilespmem:s15+$0xFFFFFF50]  }
0x2d5: {  	[tilespmem:s15+$0xFFFFFF00] =	vst v1;
	v1 =	vmax.f32 v5, $0.0e+00;
	v5 =	vld [tilespmem:s15+$0xFFFFFF60]  }
0x2d6: {  	[tilespmem:s15+$0xFFFFFF10] =	vst v1;
	v1 =	vmax.f32 v3, $0.0e+00;
	v3 =	vld [tilespmem:s15+$0xFFFFFF70]  }
0x2d7: {  	[tilespmem:s15+$0xFFFFFF20] =	vst v1;
	v1 =	vmax.f32 v4, $0.0e+00;
	v4 =	vld [tilespmem:s15+$0xFFFFFF80]  }
0x2d8: {  	[tilespmem:s15+$0xFFFFFF30] =	vst v1;
	v1 =	vmax.f32 v2, $0.0e+00;
	v2 =	vld [tilespmem:s15+$0xFFFFFF90]  }
0x2d9: {  	[tilespmem:s15+$0xFFFFFF40] =	vst v1;
	v1 =	vmax.f32 v6, $0.0e+00;
	v6 =	vld [tilespmem:s15+$0xFFFFFFA0]  }
0x2da: {  	[tilespmem:s15+$0xFFFFFF50] =	vst v1;
	v1 =	vmax.f32 v5, $0.0e+00;
	v5 =	vld [tilespmem:s15+$0xFFFFFFB0]  }
0x2db: {  	[tilespmem:s15+$0xFFFFFF60] =	vst v1;
	v1 =	vmax.f32 v3, $0.0e+00;
	v3 =	vld [tilespmem:s15+$0xFFFFFFC0]  }
0x2dc: {  	[tilespmem:s15+$0xFFFFFF70] =	vst v1;
	v1 =	vmax.f32 v4, $0.0e+00;
	v4 =	vld [tilespmem:s15+$0xFFFFFFD0]  }
0x2dd: {  	[tilespmem:s15+$0xFFFFFF80] =	vst v1;
	v1 =	vmax.f32 v2, $0.0e+00;
	v2 =	vld [tilespmem:s15+$0xFFFFFFE0]  }
0x2de: {  	[tilespmem:s15+$0xFFFFFF90] =	vst v1;
	v1 =	vmax.f32 v6, $0.0e+00;
	v6 =	vld [tilespmem:s15+$0xFFFFFFF0]  }
0x2df: {  	[tilespmem:s15+$0xFFFFFFA0] =	vst v1;
	v1 =	vmax.f32 v5, $0.0e+00;
	v5 =	vld [tilespmem:s15+$0x0]  }
0x2e0: {  	[tilespmem:s15+$0xFFFFFFB0] =	vst v1;
	v1 =	vmax.f32 v3, $0.0e+00;
	v3 =	vld [tilespmem:s15+$0x10]  }
0x2e1: {  	[tilespmem:s15+$0xFFFFFFC0] =	vst v1;
	v1 =	vmax.f32 v4, $0.0e+00;
	v4 =	vld [tilespmem:s15+$0x20]  }
0x2e2: {  	[tilespmem:s15+$0xFFFFFFD0] =	vst v1;
	v1 =	vmax.f32 v2, $0.0e+00;
	v2 =	vld [tilespmem:s15+$0x30]  }
0x2e3: {  	[tilespmem:s15+$0xFFFFFFE0] =	vst v1;
	v1 =	vmax.f32 v6, $0.0e+00;
	v6 =	vld [tilespmem:s15+$0x40]  }
0x2e4: {  	[tilespmem:s15+$0xFFFFFFF0] =	vst v1;
	v1 =	vmax.f32 v5, $0.0e+00;
	v5 =	vld [tilespmem:s15+$0x50]  }
0x2e5: {  	[tilespmem:s15+$0x0] =	vst v1;
	v1 =	vmax.f32 v3, $0.0e+00;
	v3 =	vld [tilespmem:s15+$0x60]  }
0x2e6: {  	[tilespmem:s15+$0x10] =	vst v1;
	v1 =	vmax.f32 v4, $0.0e+00;
	v4 =	vld [tilespmem:s15+$0x70]  }
0x2e7: {  	[tilespmem:s15+$0x20] =	vst v1;
	v1 =	vmax.f32 v2, $0.0e+00;
	v2 =	vld [tilespmem:s15+$0x80]  }
0x2e8: {  	[tilespmem:s15+$0x30] =	vst v1;
	v1 =	vmax.f32 v6, $0.0e+00;
	v6 =	vld [tilespmem:s15+$0x90]  }
0x2e9: {  	[tilespmem:s15+$0x40] =	vst v1;
	v1 =	vmax.f32 v5, $0.0e+00;
	v5 =	vld [tilespmem:s15+$0xA0]  }
0x2ea: {  	[tilespmem:s15+$0x50] =	vst v1;
	v1 =	vmax.f32 v3, $0.0e+00;
	v3 =	vld [tilespmem:s15+$0xB0]  }
0x2eb: {  	[tilespmem:s15+$0x60] =	vst v1;
	v1 =	vmax.f32 v4, $0.0e+00;
	v4 =	vld [tilespmem:s15+$0xC0]  }
0x2ec: {  	[tilespmem:s15+$0x70] =	vst v1;
	v1 =	vmax.f32 v2, $0.0e+00;
	v2 =	vld [tilespmem:s15+$0xD0]  }
0x2ed: {  	[tilespmem:s15+$0x80] =	vst v1;
	v1 =	vmax.f32 v6, $0.0e+00;
	v6 =	vld [tilespmem:s15+$0xE0]  }
0x2ee: {  	[tilespmem:s15+$0x90] =	vst v1;
	v1 =	vmax.f32 v5, $0.0e+00;
	v5 =	vld [tilespmem:s15+$0xF0]  }
0x2ef: {  	[tilespmem:s15+$0xA0] =	vst v1;
	v1 =	vmax.f32 v3, $0.0e+00;
	v3 =	vld [tilespmem:s15+$0x100]  }
0x2f0: {  	[tilespmem:s15+$0xB0] =	vst v1;
	v1 =	vmax.f32 v4, $0.0e+00;
	v4 =	vld [tilespmem:s15+$0x110]  }
0x2f1: {  	[tilespmem:s15+$0xC0] =	vst v1;
	v1 =	vmax.f32 v2, $0.0e+00;
	v2 =	vld [tilespmem:s15+$0x120]  }
0x2f2: {  	[tilespmem:s15+$0xD0] =	vst v1;
	v1 =	vmax.f32 v6, $0.0e+00;
	v6 =	vld [tilespmem:s15+$0x130]  }
0x2f3: {  	[tilespmem:s15+$0xE0] =	vst v1;
	v1 =	vmax.f32 v5, $0.0e+00;
	v5 =	vld [tilespmem:s15+$0x140]  }
0x2f4: {  	[tilespmem:s15+$0xF0] =	vst v1;
	v1 =	vmax.f32 v3, $0.0e+00;
	v3 =	vld [tilespmem:s15+$0x150]  }
0x2f5: {  	[tilespmem:s15+$0x100] =	vst v1;
	v1 =	vmax.f32 v4, $0.0e+00;
	v4 =	vld [tilespmem:s15+$0x160]  }
0x2f6: {  	[tilespmem:s15+$0x110] =	vst v1;
	v1 =	vmax.f32 v2, $0.0e+00;
	v2 =	vld [tilespmem:s15+$0x170]  }
0x2f7: {  	[tilespmem:s15+$0x120] =	vst v1;
	v1 =	vmax.f32 v6, $0.0e+00;
	v6 =	vld [tilespmem:s15+$0x180]  }
0x2f8: {  	[tilespmem:s15+$0x130] =	vst v1;
	v1 =	vmax.f32 v5, $0.0e+00;
	v5 =	vld [tilespmem:s15+$0x190]  }
0x2f9: {  	[tilespmem:s15+$0x140] =	vst v1;
	v1 =	vmax.f32 v3, $0.0e+00;
	v7 =	vld [tilespmem:s15+$0x1A0]  }
.Ltmp4:
0x2fa: {  	[tilespmem:s15+$0x150] =	vst v1;
	v3 =	vmax.f32 v4, $0.0e+00;
	v1 =	vld [tilespmem:s15+$0x1B0];
	(pc) =	sbr.rel @p0 .LBB2_11-.Ltmp4, $4  }
0x2fb: {  	[tilespmem:s15+$0x160] =	vst v3;
	v3 =	vmax.f32 v2, $0.0e+00;
	v2 =	vld [tilespmem:s15+$0x1C0]  }
0x2fc: {  	[tilespmem:s15+$0x170] =	vst v3;
	v4 =	vmax.f32 v6, $0.0e+00;
	v3 =	vld [tilespmem:s15+$0x1D0]  }
0x2fd: {  	[tilespmem:s15+$0x180] =	vst v4;
	v6 =	vmax.f32 v5, $0.0e+00;
	v4 =	vld [tilespmem:s15+$0x1E0]  }
0x2fe: {  	s15 =	sadd.s32 $0x400, s15;
	v5 =	vld [tilespmem:s18+$0xFFFFFE00];
	[tilespmem:s18+$0x190] =	vst v6;
	v6 =	vmax.f32 v7, $0.0e+00  }
0x2ff: {  	[tilespmem:s18+$0x1A0] =	vst v6;
	v1 =	vmax.f32 v1, $0.0e+00  }
0x300: {  	[tilespmem:s18+$0x1B0] =	vst v1;
	v1 =	vmax.f32 v2, $0.0e+00  }
0x301: {  	[tilespmem:s18+$0x1C0] =	vst v1;
	v1 =	vmax.f32 v3, $0.0e+00  }
0x302: {  	s6 =	sadd.s32 $0x1, s6;
	[tilespmem:s18+$0x1D0] =	vst v1;
	v1 =	vmax.f32 v4, $0.0e+00  }
0x303: {  	p0 =	sne.s32 s6, $0x3E;
	v2 =	vmax.f32 v5, $0.0e+00;
	[tilespmem:s18+$0x1E0] =	vst v1  }
.Ltmp5:
0x304: {  	[tilespmem:s18+$0xFFFFFE00] =	vst v2;
	(pc) =	sbr.rel @p0 .LBB2_4-.Ltmp5, $4  }
0x305: {  	_ =	swait.ge [sflag:s14], $0x1400  }
0x306: {  	[sflag:s14] =	ssyncset.done $0x0  }
0x307: {  	s15 =	simm.s32 $0x380;
	[sflag:s14] =	ssyncadd.s32 $0xFFFFEC00  }
0x308: {  	[spmem:s13] =	stream.indirect.scatter.add.f32 [tilespmem:s26], [sflag:$0xD], $0x80, s15, s5, $0xb8;
	[tilespmem:$0x1B400] =	vst v63  }
0x309: {  	_ =	swait.ge [sflag:s20], $0x1400  }
0x30a: {  	[sflag:s20] =	ssyncset.done $0x0  }
0x30b: {  	[sflag:s20] =	ssyncadd.s32 $0xFFFFEC00  }
0x30c: {  	_ =	swait.ge [sflag:s21], $0x28  }
0x30d: {  	[sflag:s21] =	ssyncset.done $0x0  }
0x30e: {  	[sflag:s21] =	ssyncadd.s32 $0xFFFFFFD8  }
0x30f: {  	_ =	swait.ge [sflag:s21], $0x28  }
0x310: {  	[sflag:s21] =	ssyncset.done $0x0  }
0x311: {  	[sflag:s21] =	ssyncadd.s32 $0xFFFFFFD8  }
0x312: {  	[tilespmem:s11], [sflag:$0xA] =	stream.indirect.gather.add.f32 [hbm:s2], $0x80, s30, s5, $0xb8;
	[tilespmem:$0x1B400] =	vst v63  }
0x313: {  	_ =	swait.ge [sflag:s22], $0x1400  }
0x314: {  	[sflag:s22] =	ssyncset.done $0x0  }
0x315: {  	s6 =	simm.s32 $0x600;
	[sflag:s22] =	ssyncadd.s32 $0xFFFFEC00  }
0x316: {  	v1 =	vld [tilespmem:s6+$0xFFFFFE10]  }
0x317: {  	v2 =	vld [tilespmem:s6+$0xFFFFFE20]  }
0x318: {  	v7 =	vld [tilespmem:s6+$0x1F0]  }
0x319: {  	v3 =	vld [tilespmem:s6+$0xFFFFFE30]  }
0x31a: {  	v9 =	vld [tilespmem:s6+$0xFFFFFE90]  }
0x31b: {  	v10 =	vld [tilespmem:s6+$0xFFFFFEA0]  }
0x31c: {  	v4 =	vld [tilespmem:s6+$0xFFFFFE40];
	v1 =	vmax.f32 v1, $0.0e+00  }
0x31d: {  	v5 =	vld [tilespmem:s6+$0xFFFFFE50];
	v7 =	vmax.f32 v7, $0.0e+00;
	[tilespmem:s6+$0xFFFFFE10] =	vst v1  }
0x31e: {  	v11 =	vld [tilespmem:s6+$0xFFFFFEB0];
	v2 =	vmax.f32 v2, $0.0e+00;
	[tilespmem:s6+$0x1F0] =	vst v7  }
0x31f: {  	v9 =	vmax.f32 v9, $0.0e+00;
	v1 =	vld [tilespmem:s6+$0xFFFFFE70];
	[tilespmem:s6+$0xFFFFFE20] =	vst v2  }
0x320: {  	v10 =	vmax.f32 v10, $0.0e+00;
	v7 =	vld [tilespmem:s6+$0xFFFFFEC0];
	[tilespmem:s6+$0xFFFFFE90] =	vst v9  }
0x321: {  	v8 =	vld [tilespmem:s6+$0xFFFFFE80];
	v2 =	vmax.f32 v3, $0.0e+00;
	[tilespmem:s6+$0xFFFFFEA0] =	vst v10  }
0x322: {  	[tilespmem:s6+$0xFFFFFE30] =	vst v2;
	v2 =	vmax.f32 v4, $0.0e+00;
	v4 =	vld [tilespmem:s6+$0xFFFFFF00]  }
0x323: {  	v56 =	vmax.f32 v11, $0.0e+00;
	[tilespmem:s6+$0xFFFFFE40] =	vst v2;
	v2 =	vmax.f32 v5, $0.0e+00;
	v5 =	vld [tilespmem:s6+$0xFFFFFF10]  }
0x324: {  	[tilespmem:s6+$0xFFFFFEB0] =	vst v56;
	v1 =	vmax.f32 v1, $0.0e+00  }
0x325: {  	v6 =	vld [tilespmem:s6+$0xFFFFFE60];
	v7 =	vmax.f32 v7, $0.0e+00;
	[tilespmem:s6+$0xFFFFFE70] =	vst v1  }
0x326: {  	v3 =	vld [tilespmem:s6+$0xFFFFFED0];
	v1 =	vmax.f32 v8, $0.0e+00;
	[tilespmem:s6+$0xFFFFFEC0] =	vst v7  }
0x327: {  	v7 =	vld [tilespmem:s6+$0xFFFFFF90];
	[tilespmem:s6+$0xFFFFFE80] =	vst v1;
	v1 =	vmax.f32 v4, $0.0e+00  }
0x328: {  	v5 =	vmax.f32 v5, $0.0e+00;
	[tilespmem:s6+$0xFFFFFF00] =	vst v1;
	v1 =	vld [tilespmem:s6+$0xFFFFFEE0]  }
0x329: {  	[tilespmem:s6+$0xFFFFFF10] =	vst v5;
	v5 =	vld [tilespmem:s6+$0xFFFFFEF0]  }
0x32a: {  	[tilespmem:s6+$0xFFFFFE50] =	vst v2;
	v2 =	vmax.f32 v6, $0.0e+00;
	v6 =	vld [tilespmem:s6+$0xFFFFFF20]  }
0x32b: {  	[tilespmem:s6+$0xFFFFFE60] =	vst v2;
	v2 =	vld [tilespmem:s6+$0xFFFFFF30];
	v3 =	vmax.f32 v3, $0.0e+00  }
0x32c: {  	v8 =	vld [tilespmem:s6+$0xFFFFFF40];
	[tilespmem:s6+$0xFFFFFED0] =	vst v3;
	v7 =	vmax.f32 v7, $0.0e+00  }
0x32d: {  	v4 =	vld [tilespmem:s6+$0xFFFFFF50];
	[tilespmem:s6+$0xFFFFFF90] =	vst v7;
	v1 =	vmax.f32 v1, $0.0e+00  }
0x32e: {  	v55 =	vld [tilespmem:s6+$0xFFFFFF60];
	[tilespmem:s6+$0xFFFFFEE0] =	vst v1;
	v1 =	vmax.f32 v5, $0.0e+00  }
0x32f: {  	v57 =	vld [tilespmem:s6+$0xFFFFFF70];
	[tilespmem:s6+$0xFFFFFEF0] =	vst v1;
	v1 =	vmax.f32 v6, $0.0e+00  }
0x330: {  	v58 =	vld [tilespmem:s6+$0xFFFFFF80];
	[tilespmem:s6+$0xFFFFFF20] =	vst v1;
	v1 =	vmax.f32 v2, $0.0e+00  }
0x331: {  	[tilespmem:s6+$0xFFFFFF30] =	vst v1;
	v1 =	vmax.f32 v8, $0.0e+00;
	v8 =	vld [tilespmem:s6+$0x0]  }
0x332: {  	[tilespmem:s6+$0xFFFFFF40] =	vst v1;
	v1 =	vmax.f32 v4, $0.0e+00;
	v4 =	vld [tilespmem:s6+$0x10]  }
0x333: {  	v3 =	vld [tilespmem:s6+$0xFFFFFFA0];
	[tilespmem:s6+$0xFFFFFF50] =	vst v1;
	v1 =	vmax.f32 v55, $0.0e+00  }
0x334: {  	v5 =	vld [tilespmem:s6+$0xFFFFFFB0];
	[tilespmem:s6+$0xFFFFFF60] =	vst v1;
	v1 =	vmax.f32 v57, $0.0e+00  }
0x335: {  	v6 =	vld [tilespmem:s6+$0xFFFFFFC0];
	[tilespmem:s6+$0xFFFFFF70] =	vst v1;
	v1 =	vmax.f32 v58, $0.0e+00  }
0x336: {  	v2 =	vld [tilespmem:s6+$0xFFFFFFD0];
	[tilespmem:s6+$0xFFFFFF80] =	vst v1;
	v1 =	vmax.f32 v8, $0.0e+00  }
0x337: {  	[tilespmem:s6+$0x0] =	vst v1;
	v1 =	vld [tilespmem:s6+$0xFFFFFFE0];
	v4 =	vmax.f32 v4, $0.0e+00  }
0x338: {  	v3 =	vmax.f32 v3, $0.0e+00;
	[tilespmem:s6+$0x10] =	vst v4;
	v4 =	vld [tilespmem:s6+$0xFFFFFFF0]  }
0x339: {  	v59 =	vld [tilespmem:s6+$0x20];
	[tilespmem:s6+$0xFFFFFFA0] =	vst v3;
	v3 =	vmax.f32 v5, $0.0e+00  }
0x33a: {  	[tilespmem:s6+$0xFFFFFFB0] =	vst v3;
	v3 =	vmax.f32 v6, $0.0e+00;
	v6 =	vld [tilespmem:s6+$0x80]  }
0x33b: {  	v60 =	vld [tilespmem:s6+$0x30];
	[tilespmem:s6+$0xFFFFFFC0] =	vst v3;
	v2 =	vmax.f32 v2, $0.0e+00  }
0x33c: {  	v3 =	vld [tilespmem:s6+$0x90];
	[tilespmem:s6+$0xFFFFFFD0] =	vst v2;
	v1 =	vmax.f32 v1, $0.0e+00  }
0x33d: {  	v61 =	vld [tilespmem:s6+$0x40];
	[tilespmem:s6+$0xFFFFFFE0] =	vst v1;
	v1 =	vmax.f32 v4, $0.0e+00  }
0x33e: {  	v8 =	vld [tilespmem:s6+$0x50];
	[tilespmem:s6+$0xFFFFFFF0] =	vst v1;
	v1 =	vmax.f32 v59, $0.0e+00  }
0x33f: {  	v7 =	vld [tilespmem:s6+$0x60];
	[tilespmem:s6+$0x20] =	vst v1;
	v1 =	vmax.f32 v6, $0.0e+00  }
0x340: {  	v5 =	vld [tilespmem:s6+$0x70];
	[tilespmem:s6+$0x80] =	vst v1;
	v1 =	vmax.f32 v60, $0.0e+00  }
0x341: {  	v2 =	vld [tilespmem:s6+$0xA0];
	[tilespmem:s6+$0x30] =	vst v1;
	v1 =	vmax.f32 v3, $0.0e+00  }
0x342: {  	v4 =	vld [tilespmem:s6+$0xB0];
	[tilespmem:s6+$0x90] =	vst v1;
	v1 =	vmax.f32 v61, $0.0e+00  }
0x343: {  	v62 =	vld [tilespmem:s6+$0xC0];
	[tilespmem:s6+$0x40] =	vst v1;
	v1 =	vmax.f32 v8, $0.0e+00  }
0x344: {  	[tilespmem:s6+$0x50] =	vst v1;
	v1 =	vmax.f32 v7, $0.0e+00;
	v7 =	vld [tilespmem:s6+$0x100]  }
0x345: {  	v6 =	vld [tilespmem:s6+$0xD0];
	[tilespmem:s6+$0x60] =	vst v1;
	v1 =	vmax.f32 v5, $0.0e+00  }
0x346: {  	v5 =	vld [tilespmem:s6+$0x110];
	[tilespmem:s6+$0x70] =	vst v1;
	v1 =	vmax.f32 v2, $0.0e+00  }
0x347: {  	v3 =	vld [tilespmem:s6+$0xE0];
	[tilespmem:s6+$0xA0] =	vst v1;
	v1 =	vmax.f32 v4, $0.0e+00  }
0x348: {  	v8 =	vld [tilespmem:s6+$0xF0];
	[tilespmem:s6+$0xB0] =	vst v1;
	v1 =	vmax.f32 v62, $0.0e+00  }
0x349: {  	v2 =	vld [tilespmem:s6+$0x120];
	[tilespmem:s6+$0xC0] =	vst v1;
	v1 =	vmax.f32 v7, $0.0e+00  }
0x34a: {  	v7 =	vld [tilespmem:s6+$0x150];
	[tilespmem:s6+$0x100] =	vst v1;
	v1 =	vmax.f32 v6, $0.0e+00  }
0x34b: {  	v4 =	vld [tilespmem:s6+$0x130];
	[tilespmem:s6+$0xD0] =	vst v1;
	v1 =	vmax.f32 v5, $0.0e+00  }
0x34c: {  	v63 =	vld [tilespmem:s6+$0x140];
	[tilespmem:s6+$0x110] =	vst v1;
	v1 =	vmax.f32 v3, $0.0e+00  }
0x34d: {  	v6 =	vld [tilespmem:s6+$0x170];
	[tilespmem:s6+$0xE0] =	vst v1;
	v1 =	vmax.f32 v8, $0.0e+00  }
0x34e: {  	v5 =	vld [tilespmem:s6+$0x160];
	[tilespmem:s6+$0xF0] =	vst v1;
	v1 =	vmax.f32 v2, $0.0e+00  }
0x34f: {  	v3 =	vld [tilespmem:s6+$0x180];
	v2 =	vmax.f32 v7, $0.0e+00;
	[tilespmem:s6+$0x120] =	vst v1  }
0x350: {  	v1 =	vmax.f32 v4, $0.0e+00;
	v4 =	vld [tilespmem:s6+$0x190];
	[tilespmem:s6+$0x150] =	vst v2  }
0x351: {  	v8 =	vld [tilespmem:s6+$0x1A0];
	[tilespmem:s6+$0x130] =	vst v1;
	v1 =	vmax.f32 v63, $0.0e+00  }
0x352: {  	v6 =	vmax.f32 v6, $0.0e+00;
	[tilespmem:s6+$0x140] =	vst v1;
	v1 =	vld [tilespmem:s6+$0x1B0]  }
0x353: {  	v2 =	vld [tilespmem:s6+$0x1C0];
	v5 =	vmax.f32 v5, $0.0e+00;
	[tilespmem:s6+$0x170] =	vst v6  }
0x354: {  	[tilespmem:s6+$0x160] =	vst v5;
	v5 =	vmax.f32 v3, $0.0e+00;
	v3 =	vld [tilespmem:s6+$0x1D0]  }
0x355: {  	[tilespmem:s6+$0x180] =	vst v5;
	v6 =	vmax.f32 v4, $0.0e+00;
	v4 =	vld [tilespmem:s6+$0x1E0]  }
0x356: {  	s18 =	simm.s32 $0x0;
	s15 =	simm.s32 $0xA00;
	v5 =	vld [tilespmem:s6+$0xFFFFFE00];
	[tilespmem:s6+$0x190] =	vst v6;
	v6 =	vmax.f32 v8, $0.0e+00  }
.LBB2_14:
0x357: {  	v7 =	vld [tilespmem:s15+$0x1F0];
	s18 =	sadd.s32 $0x8, s18;
	[tilespmem:s6+$0x1A0] =	vst v6;
	v1 =	vmax.f32 v1, $0.0e+00  }
0x358: {  	v6 =	vld [tilespmem:s15+$0xFFFFFE10];
	p0 =	slt.u32 s18, $0x20;
	[tilespmem:s6+$0x1B0] =	vst v1;
	v1 =	vmax.f32 v2, $0.0e+00  }
0x359: {  	v2 =	vld [tilespmem:s15+$0xFFFFFE20];
	[tilespmem:s6+$0x1C0] =	vst v1;
	v1 =	vmax.f32 v3, $0.0e+00  }
0x35a: {  	v3 =	vld [tilespmem:s15+$0xFFFFFE30];
	[tilespmem:s6+$0x1D0] =	vst v1;
	v1 =	vmax.f32 v4, $0.0e+00  }
0x35b: {  	v4 =	vld [tilespmem:s15+$0xFFFFFE40];
	v5 =	vmax.f32 v5, $0.0e+00;
	[tilespmem:s6+$0x1E0] =	vst v1  }
0x35c: {  	v1 =	vld [tilespmem:s15+$0xFFFFFE50];
	v7 =	vmax.f32 v7, $0.0e+00;
	[tilespmem:s6+$0xFFFFFE00] =	vst v5;
	s6 =	smov.u32 s15  }
0x35d: {  	v5 =	vmax.f32 v6, $0.0e+00;
	v6 =	vld [tilespmem:s15+$0xFFFFFE60];
	[tilespmem:s15+$0x1F0] =	vst v7  }
0x35e: {  	[tilespmem:s15+$0xFFFFFE10] =	vst v5;
	v2 =	vmax.f32 v2, $0.0e+00;
	v5 =	vld [tilespmem:s15+$0xFFFFFE70]  }
0x35f: {  	[tilespmem:s15+$0xFFFFFE20] =	vst v2;
	v2 =	vmax.f32 v3, $0.0e+00;
	v3 =	vld [tilespmem:s15+$0xFFFFFE80]  }
0x360: {  	[tilespmem:s15+$0xFFFFFE30] =	vst v2;
	v2 =	vmax.f32 v4, $0.0e+00;
	v4 =	vld [tilespmem:s15+$0xFFFFFE90]  }
0x361: {  	[tilespmem:s15+$0xFFFFFE40] =	vst v2;
	v1 =	vmax.f32 v1, $0.0e+00;
	v2 =	vld [tilespmem:s15+$0xFFFFFEA0]  }
0x362: {  	[tilespmem:s15+$0xFFFFFE50] =	vst v1;
	v1 =	vmax.f32 v6, $0.0e+00;
	v6 =	vld [tilespmem:s15+$0xFFFFFEB0]  }
0x363: {  	[tilespmem:s15+$0xFFFFFE60] =	vst v1;
	v1 =	vmax.f32 v5, $0.0e+00;
	v5 =	vld [tilespmem:s15+$0xFFFFFEC0]  }
0x364: {  	[tilespmem:s15+$0xFFFFFE70] =	vst v1;
	v1 =	vmax.f32 v3, $0.0e+00;
	v3 =	vld [tilespmem:s15+$0xFFFFFED0]  }
0x365: {  	[tilespmem:s15+$0xFFFFFE80] =	vst v1;
	v1 =	vmax.f32 v4, $0.0e+00;
	v4 =	vld [tilespmem:s15+$0xFFFFFEE0]  }
0x366: {  	[tilespmem:s15+$0xFFFFFE90] =	vst v1;
	v1 =	vmax.f32 v2, $0.0e+00;
	v2 =	vld [tilespmem:s15+$0xFFFFFEF0]  }
0x367: {  	[tilespmem:s15+$0xFFFFFEA0] =	vst v1;
	v1 =	vmax.f32 v6, $0.0e+00;
	v6 =	vld [tilespmem:s15+$0xFFFFFF00]  }
0x368: {  	[tilespmem:s15+$0xFFFFFEB0] =	vst v1;
	v1 =	vmax.f32 v5, $0.0e+00;
	v5 =	vld [tilespmem:s15+$0xFFFFFF10]  }
0x369: {  	[tilespmem:s15+$0xFFFFFEC0] =	vst v1;
	v1 =	vmax.f32 v3, $0.0e+00;
	v3 =	vld [tilespmem:s15+$0xFFFFFF20]  }
0x36a: {  	[tilespmem:s15+$0xFFFFFED0] =	vst v1;
	v1 =	vmax.f32 v4, $0.0e+00;
	v4 =	vld [tilespmem:s15+$0xFFFFFF30]  }
0x36b: {  	[tilespmem:s15+$0xFFFFFEE0] =	vst v1;
	v1 =	vmax.f32 v2, $0.0e+00;
	v2 =	vld [tilespmem:s15+$0xFFFFFF40]  }
0x36c: {  	[tilespmem:s15+$0xFFFFFEF0] =	vst v1;
	v1 =	vmax.f32 v6, $0.0e+00;
	v6 =	vld [tilespmem:s15+$0xFFFFFF50]  }
0x36d: {  	[tilespmem:s15+$0xFFFFFF00] =	vst v1;
	v1 =	vmax.f32 v5, $0.0e+00;
	v5 =	vld [tilespmem:s15+$0xFFFFFF60]  }
0x36e: {  	[tilespmem:s15+$0xFFFFFF10] =	vst v1;
	v1 =	vmax.f32 v3, $0.0e+00;
	v3 =	vld [tilespmem:s15+$0xFFFFFF70]  }
0x36f: {  	[tilespmem:s15+$0xFFFFFF20] =	vst v1;
	v1 =	vmax.f32 v4, $0.0e+00;
	v4 =	vld [tilespmem:s15+$0xFFFFFF80]  }
0x370: {  	[tilespmem:s15+$0xFFFFFF30] =	vst v1;
	v1 =	vmax.f32 v2, $0.0e+00;
	v2 =	vld [tilespmem:s15+$0xFFFFFF90]  }
0x371: {  	[tilespmem:s15+$0xFFFFFF40] =	vst v1;
	v1 =	vmax.f32 v6, $0.0e+00;
	v6 =	vld [tilespmem:s15+$0xFFFFFFA0]  }
0x372: {  	[tilespmem:s15+$0xFFFFFF50] =	vst v1;
	v1 =	vmax.f32 v5, $0.0e+00;
	v5 =	vld [tilespmem:s15+$0xFFFFFFB0]  }
0x373: {  	[tilespmem:s15+$0xFFFFFF60] =	vst v1;
	v1 =	vmax.f32 v3, $0.0e+00;
	v3 =	vld [tilespmem:s15+$0xFFFFFFC0]  }
0x374: {  	[tilespmem:s15+$0xFFFFFF70] =	vst v1;
	v1 =	vmax.f32 v4, $0.0e+00;
	v4 =	vld [tilespmem:s15+$0xFFFFFFD0]  }
0x375: {  	[tilespmem:s15+$0xFFFFFF80] =	vst v1;
	v1 =	vmax.f32 v2, $0.0e+00;
	v2 =	vld [tilespmem:s15+$0xFFFFFFE0]  }
0x376: {  	[tilespmem:s15+$0xFFFFFF90] =	vst v1;
	v1 =	vmax.f32 v6, $0.0e+00;
	v6 =	vld [tilespmem:s15+$0xFFFFFFF0]  }
0x377: {  	[tilespmem:s15+$0xFFFFFFA0] =	vst v1;
	v1 =	vmax.f32 v5, $0.0e+00;
	v5 =	vld [tilespmem:s15+$0x0]  }
0x378: {  	[tilespmem:s15+$0xFFFFFFB0] =	vst v1;
	v1 =	vmax.f32 v3, $0.0e+00;
	v3 =	vld [tilespmem:s15+$0x10]  }
0x379: {  	[tilespmem:s15+$0xFFFFFFC0] =	vst v1;
	v1 =	vmax.f32 v4, $0.0e+00;
	v4 =	vld [tilespmem:s15+$0x20]  }
0x37a: {  	[tilespmem:s15+$0xFFFFFFD0] =	vst v1;
	v1 =	vmax.f32 v2, $0.0e+00;
	v2 =	vld [tilespmem:s15+$0x30]  }
0x37b: {  	[tilespmem:s15+$0xFFFFFFE0] =	vst v1;
	v1 =	vmax.f32 v6, $0.0e+00;
	v6 =	vld [tilespmem:s15+$0x40]  }
0x37c: {  	[tilespmem:s15+$0xFFFFFFF0] =	vst v1;
	v1 =	vmax.f32 v5, $0.0e+00;
	v5 =	vld [tilespmem:s15+$0x50]  }
0x37d: {  	[tilespmem:s15+$0x0] =	vst v1;
	v1 =	vmax.f32 v3, $0.0e+00;
	v3 =	vld [tilespmem:s15+$0x60]  }
0x37e: {  	[tilespmem:s15+$0x10] =	vst v1;
	v1 =	vmax.f32 v4, $0.0e+00;
	v4 =	vld [tilespmem:s15+$0x70]  }
0x37f: {  	[tilespmem:s15+$0x20] =	vst v1;
	v1 =	vmax.f32 v2, $0.0e+00;
	v2 =	vld [tilespmem:s15+$0x80]  }
0x380: {  	[tilespmem:s15+$0x30] =	vst v1;
	v1 =	vmax.f32 v6, $0.0e+00;
	v6 =	vld [tilespmem:s15+$0x90]  }
0x381: {  	[tilespmem:s15+$0x40] =	vst v1;
	v1 =	vmax.f32 v5, $0.0e+00;
	v5 =	vld [tilespmem:s15+$0xA0]  }
0x382: {  	[tilespmem:s15+$0x50] =	vst v1;
	v1 =	vmax.f32 v3, $0.0e+00;
	v3 =	vld [tilespmem:s15+$0xB0]  }
0x383: {  	[tilespmem:s15+$0x60] =	vst v1;
	v1 =	vmax.f32 v4, $0.0e+00;
	v4 =	vld [tilespmem:s15+$0xC0]  }
0x384: {  	[tilespmem:s15+$0x70] =	vst v1;
	v1 =	vmax.f32 v2, $0.0e+00;
	v2 =	vld [tilespmem:s15+$0xD0]  }
0x385: {  	[tilespmem:s15+$0x80] =	vst v1;
	v1 =	vmax.f32 v6, $0.0e+00;
	v6 =	vld [tilespmem:s15+$0xE0]  }
0x386: {  	[tilespmem:s15+$0x90] =	vst v1;
	v1 =	vmax.f32 v5, $0.0e+00;
	v5 =	vld [tilespmem:s15+$0xF0]  }
0x387: {  	[tilespmem:s15+$0xA0] =	vst v1;
	v1 =	vmax.f32 v3, $0.0e+00;
	v3 =	vld [tilespmem:s15+$0x100]  }
0x388: {  	[tilespmem:s15+$0xB0] =	vst v1;
	v1 =	vmax.f32 v4, $0.0e+00;
	v4 =	vld [tilespmem:s15+$0x110]  }
0x389: {  	[tilespmem:s15+$0xC0] =	vst v1;
	v1 =	vmax.f32 v2, $0.0e+00;
	v2 =	vld [tilespmem:s15+$0x120]  }
0x38a: {  	[tilespmem:s15+$0xD0] =	vst v1;
	v1 =	vmax.f32 v6, $0.0e+00;
	v6 =	vld [tilespmem:s15+$0x130]  }
0x38b: {  	[tilespmem:s15+$0xE0] =	vst v1;
	v1 =	vmax.f32 v5, $0.0e+00;
	v5 =	vld [tilespmem:s15+$0x140]  }
0x38c: {  	[tilespmem:s15+$0xF0] =	vst v1;
	v1 =	vmax.f32 v3, $0.0e+00;
	v3 =	vld [tilespmem:s15+$0x150]  }
0x38d: {  	[tilespmem:s15+$0x100] =	vst v1;
	v1 =	vmax.f32 v4, $0.0e+00;
	v4 =	vld [tilespmem:s15+$0x160]  }
0x38e: {  	[tilespmem:s15+$0x110] =	vst v1;
	v1 =	vmax.f32 v2, $0.0e+00;
	v2 =	vld [tilespmem:s15+$0x170]  }
0x38f: {  	[tilespmem:s15+$0x120] =	vst v1;
	v1 =	vmax.f32 v6, $0.0e+00;
	v6 =	vld [tilespmem:s15+$0x180]  }
0x390: {  	[tilespmem:s15+$0x130] =	vst v1;
	v1 =	vmax.f32 v5, $0.0e+00;
	v5 =	vld [tilespmem:s15+$0x190]  }
0x391: {  	[tilespmem:s15+$0x140] =	vst v1;
	v1 =	vmax.f32 v3, $0.0e+00;
	v7 =	vld [tilespmem:s15+$0x1A0]  }
.Ltmp6:
0x392: {  	[tilespmem:s15+$0x150] =	vst v1;
	v3 =	vmax.f32 v4, $0.0e+00;
	v1 =	vld [tilespmem:s15+$0x1B0];
	(pc) =	sbr.rel @p0 .LBB2_14-.Ltmp6, $4  }
0x393: {  	[tilespmem:s15+$0x160] =	vst v3;
	v3 =	vmax.f32 v2, $0.0e+00;
	v2 =	vld [tilespmem:s15+$0x1C0]  }
0x394: {  	[tilespmem:s15+$0x170] =	vst v3;
	v4 =	vmax.f32 v6, $0.0e+00;
	v3 =	vld [tilespmem:s15+$0x1D0]  }
0x395: {  	[tilespmem:s15+$0x180] =	vst v4;
	v6 =	vmax.f32 v5, $0.0e+00;
	v4 =	vld [tilespmem:s15+$0x1E0]  }
0x396: {  	s15 =	sadd.s32 $0x400, s15;
	v5 =	vld [tilespmem:s6+$0xFFFFFE00];
	[tilespmem:s6+$0x190] =	vst v6;
	v6 =	vmax.f32 v7, $0.0e+00  }
0x397: {  	[tilespmem:s6+$0x1A0] =	vst v6;
	v1 =	vmax.f32 v1, $0.0e+00  }
0x398: {  	[tilespmem:s6+$0x1B0] =	vst v1;
	v1 =	vmax.f32 v2, $0.0e+00  }
0x399: {  	[tilespmem:s6+$0x1C0] =	vst v1;
	v1 =	vmax.f32 v3, $0.0e+00  }
0x39a: {  	[tilespmem:s6+$0x1D0] =	vst v1;
	v1 =	vmax.f32 v4, $0.0e+00  }
0x39b: {  	v2 =	vmax.f32 v5, $0.0e+00;
	[tilespmem:s6+$0x1E0] =	vst v1  }
0x39c: {  	[tilespmem:s6+$0xFFFFFE00] =	vst v2  }
0x39d: {  	_ =	swait.ge [sflag:s14], $0x1400  }
0x39e: {  	[sflag:s14] =	ssyncset.done $0x0  }
0x39f: {  	s24 =	simm.s32 $0x200;
	[sflag:s14] =	ssyncadd.s32 $0xFFFFEC00  }
0x3a0: {  	[spmem:s13] =	stream.indirect.scatter.add.f32 [tilespmem:s31], [sflag:$0xD], $0x80, s24, s5, $0xb8;
	[tilespmem:$0x1B400] =	vst v63  }
0x3a1: {  	_ =	swait.ge [sflag:s10], $0x1400  }
0x3a2: {  	[sflag:s10] =	ssyncset.done $0x0  }
0x3a3: {  	s6 =	simm.s32 $0x1A00;
	[sflag:s10] =	ssyncadd.s32 $0xFFFFEC00  }
0x3a4: {  	v1 =	vld [tilespmem:s6+$0xFFFFFE10]  }
0x3a5: {  	v2 =	vld [tilespmem:s6+$0xFFFFFE20]  }
0x3a6: {  	v7 =	vld [tilespmem:s6+$0x1F0]  }
0x3a7: {  	v3 =	vld [tilespmem:s6+$0xFFFFFE30]  }
0x3a8: {  	v9 =	vld [tilespmem:s6+$0xFFFFFE90]  }
0x3a9: {  	v10 =	vld [tilespmem:s6+$0xFFFFFEA0]  }
0x3aa: {  	v4 =	vld [tilespmem:s6+$0xFFFFFE40];
	v1 =	vmax.f32 v1, $0.0e+00  }
0x3ab: {  	v5 =	vld [tilespmem:s6+$0xFFFFFE50];
	v7 =	vmax.f32 v7, $0.0e+00;
	[tilespmem:s6+$0xFFFFFE10] =	vst v1  }
0x3ac: {  	v11 =	vld [tilespmem:s6+$0xFFFFFEB0];
	v2 =	vmax.f32 v2, $0.0e+00;
	[tilespmem:s6+$0x1F0] =	vst v7  }
0x3ad: {  	v9 =	vmax.f32 v9, $0.0e+00;
	v1 =	vld [tilespmem:s6+$0xFFFFFE70];
	[tilespmem:s6+$0xFFFFFE20] =	vst v2  }
0x3ae: {  	v10 =	vmax.f32 v10, $0.0e+00;
	v7 =	vld [tilespmem:s6+$0xFFFFFEC0];
	[tilespmem:s6+$0xFFFFFE90] =	vst v9  }
0x3af: {  	v8 =	vld [tilespmem:s6+$0xFFFFFE80];
	v2 =	vmax.f32 v3, $0.0e+00;
	[tilespmem:s6+$0xFFFFFEA0] =	vst v10  }
0x3b0: {  	[tilespmem:s6+$0xFFFFFE30] =	vst v2;
	v2 =	vmax.f32 v4, $0.0e+00;
	v4 =	vld [tilespmem:s6+$0xFFFFFF00]  }
0x3b1: {  	v56 =	vmax.f32 v11, $0.0e+00;
	[tilespmem:s6+$0xFFFFFE40] =	vst v2;
	v2 =	vmax.f32 v5, $0.0e+00;
	v5 =	vld [tilespmem:s6+$0xFFFFFF10]  }
0x3b2: {  	[tilespmem:s6+$0xFFFFFEB0] =	vst v56;
	v1 =	vmax.f32 v1, $0.0e+00  }
0x3b3: {  	v6 =	vld [tilespmem:s6+$0xFFFFFE60];
	v7 =	vmax.f32 v7, $0.0e+00;
	[tilespmem:s6+$0xFFFFFE70] =	vst v1  }
0x3b4: {  	v3 =	vld [tilespmem:s6+$0xFFFFFED0];
	v1 =	vmax.f32 v8, $0.0e+00;
	[tilespmem:s6+$0xFFFFFEC0] =	vst v7  }
0x3b5: {  	v7 =	vld [tilespmem:s6+$0xFFFFFF90];
	[tilespmem:s6+$0xFFFFFE80] =	vst v1;
	v1 =	vmax.f32 v4, $0.0e+00  }
0x3b6: {  	v5 =	vmax.f32 v5, $0.0e+00;
	[tilespmem:s6+$0xFFFFFF00] =	vst v1;
	v1 =	vld [tilespmem:s6+$0xFFFFFEE0]  }
0x3b7: {  	[tilespmem:s6+$0xFFFFFF10] =	vst v5;
	v5 =	vld [tilespmem:s6+$0xFFFFFEF0]  }
0x3b8: {  	[tilespmem:s6+$0xFFFFFE50] =	vst v2;
	v2 =	vmax.f32 v6, $0.0e+00;
	v6 =	vld [tilespmem:s6+$0xFFFFFF20]  }
0x3b9: {  	[tilespmem:s6+$0xFFFFFE60] =	vst v2;
	v2 =	vld [tilespmem:s6+$0xFFFFFF30];
	v3 =	vmax.f32 v3, $0.0e+00  }
0x3ba: {  	v8 =	vld [tilespmem:s6+$0xFFFFFF40];
	[tilespmem:s6+$0xFFFFFED0] =	vst v3;
	v7 =	vmax.f32 v7, $0.0e+00  }
0x3bb: {  	v4 =	vld [tilespmem:s6+$0xFFFFFF50];
	[tilespmem:s6+$0xFFFFFF90] =	vst v7;
	v1 =	vmax.f32 v1, $0.0e+00  }
0x3bc: {  	v55 =	vld [tilespmem:s6+$0xFFFFFF60];
	[tilespmem:s6+$0xFFFFFEE0] =	vst v1;
	v1 =	vmax.f32 v5, $0.0e+00  }
0x3bd: {  	v57 =	vld [tilespmem:s6+$0xFFFFFF70];
	[tilespmem:s6+$0xFFFFFEF0] =	vst v1;
	v1 =	vmax.f32 v6, $0.0e+00  }
0x3be: {  	v58 =	vld [tilespmem:s6+$0xFFFFFF80];
	[tilespmem:s6+$0xFFFFFF20] =	vst v1;
	v1 =	vmax.f32 v2, $0.0e+00  }
0x3bf: {  	[tilespmem:s6+$0xFFFFFF30] =	vst v1;
	v1 =	vmax.f32 v8, $0.0e+00;
	v8 =	vld [tilespmem:s6+$0x0]  }
0x3c0: {  	[tilespmem:s6+$0xFFFFFF40] =	vst v1;
	v1 =	vmax.f32 v4, $0.0e+00;
	v4 =	vld [tilespmem:s6+$0x10]  }
0x3c1: {  	v3 =	vld [tilespmem:s6+$0xFFFFFFA0];
	[tilespmem:s6+$0xFFFFFF50] =	vst v1;
	v1 =	vmax.f32 v55, $0.0e+00  }
0x3c2: {  	v5 =	vld [tilespmem:s6+$0xFFFFFFB0];
	[tilespmem:s6+$0xFFFFFF60] =	vst v1;
	v1 =	vmax.f32 v57, $0.0e+00  }
0x3c3: {  	v6 =	vld [tilespmem:s6+$0xFFFFFFC0];
	[tilespmem:s6+$0xFFFFFF70] =	vst v1;
	v1 =	vmax.f32 v58, $0.0e+00  }
0x3c4: {  	v2 =	vld [tilespmem:s6+$0xFFFFFFD0];
	[tilespmem:s6+$0xFFFFFF80] =	vst v1;
	v1 =	vmax.f32 v8, $0.0e+00  }
0x3c5: {  	[tilespmem:s6+$0x0] =	vst v1;
	v1 =	vld [tilespmem:s6+$0xFFFFFFE0];
	v4 =	vmax.f32 v4, $0.0e+00  }
0x3c6: {  	v3 =	vmax.f32 v3, $0.0e+00;
	[tilespmem:s6+$0x10] =	vst v4;
	v4 =	vld [tilespmem:s6+$0xFFFFFFF0]  }
0x3c7: {  	v59 =	vld [tilespmem:s6+$0x20];
	[tilespmem:s6+$0xFFFFFFA0] =	vst v3;
	v3 =	vmax.f32 v5, $0.0e+00  }
0x3c8: {  	[tilespmem:s6+$0xFFFFFFB0] =	vst v3;
	v3 =	vmax.f32 v6, $0.0e+00;
	v6 =	vld [tilespmem:s6+$0x80]  }
0x3c9: {  	v60 =	vld [tilespmem:s6+$0x30];
	[tilespmem:s6+$0xFFFFFFC0] =	vst v3;
	v2 =	vmax.f32 v2, $0.0e+00  }
0x3ca: {  	v3 =	vld [tilespmem:s6+$0x90];
	[tilespmem:s6+$0xFFFFFFD0] =	vst v2;
	v1 =	vmax.f32 v1, $0.0e+00  }
0x3cb: {  	v61 =	vld [tilespmem:s6+$0x40];
	[tilespmem:s6+$0xFFFFFFE0] =	vst v1;
	v1 =	vmax.f32 v4, $0.0e+00  }
0x3cc: {  	v8 =	vld [tilespmem:s6+$0x50];
	[tilespmem:s6+$0xFFFFFFF0] =	vst v1;
	v1 =	vmax.f32 v59, $0.0e+00  }
0x3cd: {  	v7 =	vld [tilespmem:s6+$0x60];
	[tilespmem:s6+$0x20] =	vst v1;
	v1 =	vmax.f32 v6, $0.0e+00  }
0x3ce: {  	v5 =	vld [tilespmem:s6+$0x70];
	[tilespmem:s6+$0x80] =	vst v1;
	v1 =	vmax.f32 v60, $0.0e+00  }
0x3cf: {  	v2 =	vld [tilespmem:s6+$0xA0];
	[tilespmem:s6+$0x30] =	vst v1;
	v1 =	vmax.f32 v3, $0.0e+00  }
0x3d0: {  	v4 =	vld [tilespmem:s6+$0xB0];
	[tilespmem:s6+$0x90] =	vst v1;
	v1 =	vmax.f32 v61, $0.0e+00  }
0x3d1: {  	v62 =	vld [tilespmem:s6+$0xC0];
	[tilespmem:s6+$0x40] =	vst v1;
	v1 =	vmax.f32 v8, $0.0e+00  }
0x3d2: {  	[tilespmem:s6+$0x50] =	vst v1;
	v1 =	vmax.f32 v7, $0.0e+00;
	v7 =	vld [tilespmem:s6+$0x100]  }
0x3d3: {  	v6 =	vld [tilespmem:s6+$0xD0];
	[tilespmem:s6+$0x60] =	vst v1;
	v1 =	vmax.f32 v5, $0.0e+00  }
0x3d4: {  	v5 =	vld [tilespmem:s6+$0x110];
	[tilespmem:s6+$0x70] =	vst v1;
	v1 =	vmax.f32 v2, $0.0e+00  }
0x3d5: {  	v3 =	vld [tilespmem:s6+$0xE0];
	[tilespmem:s6+$0xA0] =	vst v1;
	v1 =	vmax.f32 v4, $0.0e+00  }
0x3d6: {  	v8 =	vld [tilespmem:s6+$0xF0];
	[tilespmem:s6+$0xB0] =	vst v1;
	v1 =	vmax.f32 v62, $0.0e+00  }
0x3d7: {  	v2 =	vld [tilespmem:s6+$0x120];
	[tilespmem:s6+$0xC0] =	vst v1;
	v1 =	vmax.f32 v7, $0.0e+00  }
0x3d8: {  	v7 =	vld [tilespmem:s6+$0x150];
	[tilespmem:s6+$0x100] =	vst v1;
	v1 =	vmax.f32 v6, $0.0e+00  }
0x3d9: {  	v4 =	vld [tilespmem:s6+$0x130];
	[tilespmem:s6+$0xD0] =	vst v1;
	v1 =	vmax.f32 v5, $0.0e+00  }
0x3da: {  	v6 =	vld [tilespmem:s6+$0x170];
	[tilespmem:s6+$0x110] =	vst v1;
	v1 =	vmax.f32 v3, $0.0e+00  }
0x3db: {  	v63 =	vld [tilespmem:s6+$0x140];
	[tilespmem:s6+$0xE0] =	vst v1;
	v1 =	vmax.f32 v8, $0.0e+00  }
0x3dc: {  	v5 =	vld [tilespmem:s6+$0x160];
	[tilespmem:s6+$0xF0] =	vst v1;
	v1 =	vmax.f32 v2, $0.0e+00  }
0x3dd: {  	v3 =	vld [tilespmem:s6+$0x180];
	v2 =	vmax.f32 v7, $0.0e+00;
	[tilespmem:s6+$0x120] =	vst v1  }
0x3de: {  	v1 =	vmax.f32 v4, $0.0e+00;
	v4 =	vld [tilespmem:s6+$0x190];
	[tilespmem:s6+$0x150] =	vst v2  }
0x3df: {  	v6 =	vmax.f32 v6, $0.0e+00;
	[tilespmem:s6+$0x130] =	vst v1  }
0x3e0: {  	v1 =	vmax.f32 v63, $0.0e+00;
	[tilespmem:s6+$0x170] =	vst v6  }
0x3e1: {  	v8 =	vld [tilespmem:s6+$0x1A0];
	v5 =	vmax.f32 v5, $0.0e+00;
	[tilespmem:s6+$0x140] =	vst v1  }
0x3e2: {  	v1 =	vld [tilespmem:s6+$0x1B0];
	[tilespmem:s6+$0x160] =	vst v5;
	v5 =	vmax.f32 v3, $0.0e+00  }
0x3e3: {  	v2 =	vld [tilespmem:s6+$0x1C0];
	[tilespmem:s6+$0x180] =	vst v5;
	v6 =	vmax.f32 v4, $0.0e+00  }
0x3e4: {  	v3 =	vld [tilespmem:s6+$0x1D0];
	[tilespmem:s6+$0x190] =	vst v6  }
0x3e5: {  	v4 =	vld [tilespmem:s6+$0x1E0];
	s23 =	rddreg [dreg:$0xf]  }
0x3e6: {  	s18 =	simm.s32 $0x0;
	s15 =	simm.s32 $0x1E00;
	v5 =	vld [tilespmem:s6+$0xFFFFFE00];
	v6 =	vmax.f32 v8, $0.0e+00;
	s24 =	rddreg [dreg:$0x10]  }
.LBB2_16:
0x3e7: {  	v7 =	vld [tilespmem:s15+$0x1F0];
	s18 =	sadd.s32 $0x8, s18;
	[tilespmem:s6+$0x1A0] =	vst v6;
	v1 =	vmax.f32 v1, $0.0e+00  }
0x3e8: {  	v6 =	vld [tilespmem:s15+$0xFFFFFE10];
	p0 =	slt.u32 s18, $0x20;
	[tilespmem:s6+$0x1B0] =	vst v1;
	v1 =	vmax.f32 v2, $0.0e+00  }
0x3e9: {  	v2 =	vld [tilespmem:s15+$0xFFFFFE20];
	[tilespmem:s6+$0x1C0] =	vst v1;
	v1 =	vmax.f32 v3, $0.0e+00  }
0x3ea: {  	v3 =	vld [tilespmem:s15+$0xFFFFFE30];
	[tilespmem:s6+$0x1D0] =	vst v1;
	v1 =	vmax.f32 v4, $0.0e+00  }
0x3eb: {  	v4 =	vld [tilespmem:s15+$0xFFFFFE40];
	v5 =	vmax.f32 v5, $0.0e+00;
	[tilespmem:s6+$0x1E0] =	vst v1  }
0x3ec: {  	v1 =	vld [tilespmem:s15+$0xFFFFFE50];
	v7 =	vmax.f32 v7, $0.0e+00;
	[tilespmem:s6+$0xFFFFFE00] =	vst v5;
	s6 =	smov.u32 s15  }
0x3ed: {  	v5 =	vmax.f32 v6, $0.0e+00;
	v6 =	vld [tilespmem:s15+$0xFFFFFE60];
	[tilespmem:s15+$0x1F0] =	vst v7  }
0x3ee: {  	[tilespmem:s15+$0xFFFFFE10] =	vst v5;
	v2 =	vmax.f32 v2, $0.0e+00;
	v5 =	vld [tilespmem:s15+$0xFFFFFE70]  }
0x3ef: {  	[tilespmem:s15+$0xFFFFFE20] =	vst v2;
	v2 =	vmax.f32 v3, $0.0e+00;
	v3 =	vld [tilespmem:s15+$0xFFFFFE80]  }
0x3f0: {  	[tilespmem:s15+$0xFFFFFE30] =	vst v2;
	v2 =	vmax.f32 v4, $0.0e+00;
	v4 =	vld [tilespmem:s15+$0xFFFFFE90]  }
0x3f1: {  	[tilespmem:s15+$0xFFFFFE40] =	vst v2;
	v1 =	vmax.f32 v1, $0.0e+00;
	v2 =	vld [tilespmem:s15+$0xFFFFFEA0]  }
0x3f2: {  	[tilespmem:s15+$0xFFFFFE50] =	vst v1;
	v1 =	vmax.f32 v6, $0.0e+00;
	v6 =	vld [tilespmem:s15+$0xFFFFFEB0]  }
0x3f3: {  	[tilespmem:s15+$0xFFFFFE60] =	vst v1;
	v1 =	vmax.f32 v5, $0.0e+00;
	v5 =	vld [tilespmem:s15+$0xFFFFFEC0]  }
0x3f4: {  	[tilespmem:s15+$0xFFFFFE70] =	vst v1;
	v1 =	vmax.f32 v3, $0.0e+00;
	v3 =	vld [tilespmem:s15+$0xFFFFFED0]  }
0x3f5: {  	[tilespmem:s15+$0xFFFFFE80] =	vst v1;
	v1 =	vmax.f32 v4, $0.0e+00;
	v4 =	vld [tilespmem:s15+$0xFFFFFEE0]  }
0x3f6: {  	[tilespmem:s15+$0xFFFFFE90] =	vst v1;
	v1 =	vmax.f32 v2, $0.0e+00;
	v2 =	vld [tilespmem:s15+$0xFFFFFEF0]  }
0x3f7: {  	[tilespmem:s15+$0xFFFFFEA0] =	vst v1;
	v1 =	vmax.f32 v6, $0.0e+00;
	v6 =	vld [tilespmem:s15+$0xFFFFFF00]  }
0x3f8: {  	[tilespmem:s15+$0xFFFFFEB0] =	vst v1;
	v1 =	vmax.f32 v5, $0.0e+00;
	v5 =	vld [tilespmem:s15+$0xFFFFFF10]  }
0x3f9: {  	[tilespmem:s15+$0xFFFFFEC0] =	vst v1;
	v1 =	vmax.f32 v3, $0.0e+00;
	v3 =	vld [tilespmem:s15+$0xFFFFFF20]  }
0x3fa: {  	[tilespmem:s15+$0xFFFFFED0] =	vst v1;
	v1 =	vmax.f32 v4, $0.0e+00;
	v4 =	vld [tilespmem:s15+$0xFFFFFF30]  }
0x3fb: {  	[tilespmem:s15+$0xFFFFFEE0] =	vst v1;
	v1 =	vmax.f32 v2, $0.0e+00;
	v2 =	vld [tilespmem:s15+$0xFFFFFF40]  }
0x3fc: {  	[tilespmem:s15+$0xFFFFFEF0] =	vst v1;
	v1 =	vmax.f32 v6, $0.0e+00;
	v6 =	vld [tilespmem:s15+$0xFFFFFF50]  }
0x3fd: {  	[tilespmem:s15+$0xFFFFFF00] =	vst v1;
	v1 =	vmax.f32 v5, $0.0e+00;
	v5 =	vld [tilespmem:s15+$0xFFFFFF60]  }
0x3fe: {  	[tilespmem:s15+$0xFFFFFF10] =	vst v1;
	v1 =	vmax.f32 v3, $0.0e+00;
	v3 =	vld [tilespmem:s15+$0xFFFFFF70]  }
0x3ff: {  	[tilespmem:s15+$0xFFFFFF20] =	vst v1;
	v1 =	vmax.f32 v4, $0.0e+00;
	v4 =	vld [tilespmem:s15+$0xFFFFFF80]  }
0x400: {  	[tilespmem:s15+$0xFFFFFF30] =	vst v1;
	v1 =	vmax.f32 v2, $0.0e+00;
	v2 =	vld [tilespmem:s15+$0xFFFFFF90]  }
0x401: {  	[tilespmem:s15+$0xFFFFFF40] =	vst v1;
	v1 =	vmax.f32 v6, $0.0e+00;
	v6 =	vld [tilespmem:s15+$0xFFFFFFA0]  }
0x402: {  	[tilespmem:s15+$0xFFFFFF50] =	vst v1;
	v1 =	vmax.f32 v5, $0.0e+00;
	v5 =	vld [tilespmem:s15+$0xFFFFFFB0]  }
0x403: {  	[tilespmem:s15+$0xFFFFFF60] =	vst v1;
	v1 =	vmax.f32 v3, $0.0e+00;
	v3 =	vld [tilespmem:s15+$0xFFFFFFC0]  }
0x404: {  	[tilespmem:s15+$0xFFFFFF70] =	vst v1;
	v1 =	vmax.f32 v4, $0.0e+00;
	v4 =	vld [tilespmem:s15+$0xFFFFFFD0]  }
0x405: {  	[tilespmem:s15+$0xFFFFFF80] =	vst v1;
	v1 =	vmax.f32 v2, $0.0e+00;
	v2 =	vld [tilespmem:s15+$0xFFFFFFE0]  }
0x406: {  	[tilespmem:s15+$0xFFFFFF90] =	vst v1;
	v1 =	vmax.f32 v6, $0.0e+00;
	v6 =	vld [tilespmem:s15+$0xFFFFFFF0]  }
0x407: {  	[tilespmem:s15+$0xFFFFFFA0] =	vst v1;
	v1 =	vmax.f32 v5, $0.0e+00;
	v5 =	vld [tilespmem:s15+$0x0]  }
0x408: {  	[tilespmem:s15+$0xFFFFFFB0] =	vst v1;
	v1 =	vmax.f32 v3, $0.0e+00;
	v3 =	vld [tilespmem:s15+$0x10]  }
0x409: {  	[tilespmem:s15+$0xFFFFFFC0] =	vst v1;
	v1 =	vmax.f32 v4, $0.0e+00;
	v4 =	vld [tilespmem:s15+$0x20]  }
0x40a: {  	[tilespmem:s15+$0xFFFFFFD0] =	vst v1;
	v1 =	vmax.f32 v2, $0.0e+00;
	v2 =	vld [tilespmem:s15+$0x30]  }
0x40b: {  	[tilespmem:s15+$0xFFFFFFE0] =	vst v1;
	v1 =	vmax.f32 v6, $0.0e+00;
	v6 =	vld [tilespmem:s15+$0x40]  }
0x40c: {  	[tilespmem:s15+$0xFFFFFFF0] =	vst v1;
	v1 =	vmax.f32 v5, $0.0e+00;
	v5 =	vld [tilespmem:s15+$0x50]  }
0x40d: {  	[tilespmem:s15+$0x0] =	vst v1;
	v1 =	vmax.f32 v3, $0.0e+00;
	v3 =	vld [tilespmem:s15+$0x60]  }
0x40e: {  	[tilespmem:s15+$0x10] =	vst v1;
	v1 =	vmax.f32 v4, $0.0e+00;
	v4 =	vld [tilespmem:s15+$0x70]  }
0x40f: {  	[tilespmem:s15+$0x20] =	vst v1;
	v1 =	vmax.f32 v2, $0.0e+00;
	v2 =	vld [tilespmem:s15+$0x80]  }
0x410: {  	[tilespmem:s15+$0x30] =	vst v1;
	v1 =	vmax.f32 v6, $0.0e+00;
	v6 =	vld [tilespmem:s15+$0x90]  }
0x411: {  	[tilespmem:s15+$0x40] =	vst v1;
	v1 =	vmax.f32 v5, $0.0e+00;
	v5 =	vld [tilespmem:s15+$0xA0]  }
0x412: {  	[tilespmem:s15+$0x50] =	vst v1;
	v1 =	vmax.f32 v3, $0.0e+00;
	v3 =	vld [tilespmem:s15+$0xB0]  }
0x413: {  	[tilespmem:s15+$0x60] =	vst v1;
	v1 =	vmax.f32 v4, $0.0e+00;
	v4 =	vld [tilespmem:s15+$0xC0]  }
0x414: {  	[tilespmem:s15+$0x70] =	vst v1;
	v1 =	vmax.f32 v2, $0.0e+00;
	v2 =	vld [tilespmem:s15+$0xD0]  }
0x415: {  	[tilespmem:s15+$0x80] =	vst v1;
	v1 =	vmax.f32 v6, $0.0e+00;
	v6 =	vld [tilespmem:s15+$0xE0]  }
0x416: {  	[tilespmem:s15+$0x90] =	vst v1;
	v1 =	vmax.f32 v5, $0.0e+00;
	v5 =	vld [tilespmem:s15+$0xF0]  }
0x417: {  	[tilespmem:s15+$0xA0] =	vst v1;
	v1 =	vmax.f32 v3, $0.0e+00;
	v3 =	vld [tilespmem:s15+$0x100]  }
0x418: {  	[tilespmem:s15+$0xB0] =	vst v1;
	v1 =	vmax.f32 v4, $0.0e+00;
	v4 =	vld [tilespmem:s15+$0x110]  }
0x419: {  	[tilespmem:s15+$0xC0] =	vst v1;
	v1 =	vmax.f32 v2, $0.0e+00;
	v2 =	vld [tilespmem:s15+$0x120]  }
0x41a: {  	[tilespmem:s15+$0xD0] =	vst v1;
	v1 =	vmax.f32 v6, $0.0e+00;
	v6 =	vld [tilespmem:s15+$0x130]  }
0x41b: {  	[tilespmem:s15+$0xE0] =	vst v1;
	v1 =	vmax.f32 v5, $0.0e+00;
	v5 =	vld [tilespmem:s15+$0x140]  }
0x41c: {  	[tilespmem:s15+$0xF0] =	vst v1;
	v1 =	vmax.f32 v3, $0.0e+00;
	v3 =	vld [tilespmem:s15+$0x150]  }
0x41d: {  	[tilespmem:s15+$0x100] =	vst v1;
	v1 =	vmax.f32 v4, $0.0e+00;
	v4 =	vld [tilespmem:s15+$0x160]  }
0x41e: {  	[tilespmem:s15+$0x110] =	vst v1;
	v1 =	vmax.f32 v2, $0.0e+00;
	v2 =	vld [tilespmem:s15+$0x170]  }
0x41f: {  	[tilespmem:s15+$0x120] =	vst v1;
	v1 =	vmax.f32 v6, $0.0e+00;
	v6 =	vld [tilespmem:s15+$0x180]  }
0x420: {  	[tilespmem:s15+$0x130] =	vst v1;
	v1 =	vmax.f32 v5, $0.0e+00;
	v5 =	vld [tilespmem:s15+$0x190]  }
0x421: {  	[tilespmem:s15+$0x140] =	vst v1;
	v1 =	vmax.f32 v3, $0.0e+00;
	v7 =	vld [tilespmem:s15+$0x1A0]  }
.Ltmp7:
0x422: {  	[tilespmem:s15+$0x150] =	vst v1;
	v3 =	vmax.f32 v4, $0.0e+00;
	v1 =	vld [tilespmem:s15+$0x1B0];
	(pc) =	sbr.rel @p0 .LBB2_16-.Ltmp7, $4  }
0x423: {  	[tilespmem:s15+$0x160] =	vst v3;
	v3 =	vmax.f32 v2, $0.0e+00;
	v2 =	vld [tilespmem:s15+$0x1C0]  }
0x424: {  	[tilespmem:s15+$0x170] =	vst v3;
	v4 =	vmax.f32 v6, $0.0e+00;
	v3 =	vld [tilespmem:s15+$0x1D0]  }
0x425: {  	[tilespmem:s15+$0x180] =	vst v4;
	v6 =	vmax.f32 v5, $0.0e+00;
	v4 =	vld [tilespmem:s15+$0x1E0]  }
0x426: {  	s15 =	sadd.s32 $0x400, s15;
	v5 =	vld [tilespmem:s6+$0xFFFFFE00];
	[tilespmem:s6+$0x190] =	vst v6;
	v6 =	vmax.f32 v7, $0.0e+00  }
0x427: {  	[tilespmem:s6+$0x1A0] =	vst v6;
	v1 =	vmax.f32 v1, $0.0e+00  }
0x428: {  	[tilespmem:s6+$0x1B0] =	vst v1;
	v1 =	vmax.f32 v2, $0.0e+00  }
0x429: {  	[tilespmem:s6+$0x1C0] =	vst v1;
	v1 =	vmax.f32 v3, $0.0e+00  }
0x42a: {  	[tilespmem:s6+$0x1D0] =	vst v1;
	v1 =	vmax.f32 v4, $0.0e+00  }
0x42b: {  	v2 =	vmax.f32 v5, $0.0e+00;
	[tilespmem:s6+$0x1E0] =	vst v1  }
0x42c: {  	[tilespmem:s6+$0xFFFFFE00] =	vst v2  }
0x42d: {  	_ =	swait.ge [sflag:s14], $0x1400  }
0x42e: {  	[sflag:s14] =	ssyncset.done $0x0  }
0x42f: {  	s15 =	simm.s32 $0x280;
	[sflag:s14] =	ssyncadd.s32 $0xFFFFEC00  }
0x430: {  	[spmem:s13] =	stream.indirect.scatter.add.f32 [tilespmem:s11], [sflag:$0xD], $0x80, s15, s5, $0xb8;
	[tilespmem:$0x1B400] =	vst v63  }
0x431: {  	_ =	swait.ge [sflag:s14], $0x1400  }
0x432: {  	[sflag:s14] =	ssyncset.done $0x0  }
0x433: {  	[sflag:s14] =	ssyncadd.s32 $0xFFFFEC00  }
0x434: {  	s15 =	simm.s32 $0x5400;
	[bflag:$0x0] =	sbarrier.arrive $0xFFFF  }
0x435: {  	[tilespmem:s15], [sflag:$0xE] =	stream.linear.gather [spmem:s23], $0x2000, $0x38;
	[tilespmem:$0x1B400] =	vst v63  }
0x436: {  	_ =	swait.ge [sflag:s12], $0x2000  }
0x437: {  	[sflag:s12] =	ssyncset.done $0x0  }
0x438: {  	s18 =	rddreg [dreg:$0x5];
	[sflag:s12] =	ssyncadd.s32 $0xFFFFE000  }
0x439: {  	[hbm4b:s18+s3] =	stream.linear.scatter [tilespmem:s15], [sflag:$0xE], $0x2000, $0x38;
	[tilespmem:$0x1B400] =	vst v63  }
0x43a: {  	_ =	swait.ge [sflag:s12], $0x2000  }
0x43b: {  	[sflag:s12] =	ssyncset.done $0x0  }
0x43c: {  	[sflag:s12] =	ssyncadd.s32 $0xFFFFE000  }
0x43d: {  	[tilespmem:s15], [sflag:$0xE] =	stream.linear.gather [spmem:s24], $0x2000, $0x38;
	[tilespmem:$0x1B400] =	vst v63  }
0x43e: {  	_ =	swait.ge [sflag:s12], $0x2000  }
0x43f: {  	[sflag:s12] =	ssyncset.done $0x0  }
0x440: {  	s18 =	rddreg [dreg:$0x6];
	[sflag:s12] =	ssyncadd.s32 $0xFFFFE000  }
0x441: {  	[hbm4b:s18+s3] =	stream.linear.scatter [tilespmem:s15], [sflag:$0xE], $0x2000, $0x38;
	[tilespmem:$0x1B400] =	vst v63  }
0x442: {  	_ =	swait.ge [sflag:s12], $0x2000  }
0x443: {  	[sflag:s12] =	ssyncset.done $0x0  }
0x444: {  	s18 =	rddreg [dreg:$0x11];
	[sflag:s12] =	ssyncadd.s32 $0xFFFFE000  }
0x445: {  	[tilespmem:s15], [sflag:$0xE] =	stream.linear.gather [spmem:s18], $0x2000, $0x38;
	[tilespmem:$0x1B400] =	vst v63  }
0x446: {  	_ =	swait.ge [sflag:s12], $0x2000  }
0x447: {  	[sflag:s12] =	ssyncset.done $0x0  }
0x448: {  	s18 =	rddreg [dreg:$0x7];
	[sflag:s12] =	ssyncadd.s32 $0xFFFFE000  }
0x449: {  	[hbm4b:s18+s3] =	stream.linear.scatter [tilespmem:s15], [sflag:$0xE], $0x2000, $0x38;
	[tilespmem:$0x1B400] =	vst v63  }
0x44a: {  	_ =	swait.ge [sflag:s12], $0x2000  }
0x44b: {  	[sflag:s12] =	ssyncset.done $0x0  }
0x44c: {  	s18 =	rddreg [dreg:$0x12];
	[sflag:s12] =	ssyncadd.s32 $0xFFFFE000  }
0x44d: {  	[tilespmem:s15], [sflag:$0xE] =	stream.linear.gather [spmem:s18], $0x2000, $0x38;
	[tilespmem:$0x1B400] =	vst v63  }
0x44e: {  	_ =	swait.ge [sflag:s12], $0x2000  }
0x44f: {  	[sflag:s12] =	ssyncset.done $0x0  }
0x450: {  	s18 =	rddreg [dreg:$0x8];
	[sflag:s12] =	ssyncadd.s32 $0xFFFFE000  }
0x451: {  	[hbm4b:s18+s3] =	stream.linear.scatter [tilespmem:s15], [sflag:$0xE], $0x2000, $0x38;
	[tilespmem:$0x1B400] =	vst v63  }
0x452: {  	_ =	swait.ge [sflag:s12], $0x2000  }
0x453: {  	[sflag:s12] =	ssyncset.done $0x0  }
0x454: {  	s18 =	rddreg [dreg:$0x13];
	[sflag:s12] =	ssyncadd.s32 $0xFFFFE000  }
0x455: {  	[tilespmem:s15], [sflag:$0xE] =	stream.linear.gather [spmem:s18], $0x2000, $0x38;
	[tilespmem:$0x1B400] =	vst v63  }
0x456: {  	_ =	swait.ge [sflag:s12], $0x2000  }
0x457: {  	[sflag:s12] =	ssyncset.done $0x0  }
0x458: {  	s18 =	rddreg [dreg:$0x9];
	[sflag:s12] =	ssyncadd.s32 $0xFFFFE000  }
0x459: {  	[hbm4b:s18+s3] =	stream.linear.scatter [tilespmem:s15], [sflag:$0xE], $0x2000, $0x38;
	[tilespmem:$0x1B400] =	vst v63  }
0x45a: {  	_ =	swait.ge [sflag:s12], $0x2000  }
0x45b: {  	[sflag:s12] =	ssyncset.done $0x0  }
0x45c: {  	s18 =	rddreg [dreg:$0x14];
	[sflag:s12] =	ssyncadd.s32 $0xFFFFE000  }
0x45d: {  	[tilespmem:s15], [sflag:$0xE] =	stream.linear.gather [spmem:s18], $0x2000, $0x38;
	[tilespmem:$0x1B400] =	vst v63  }
0x45e: {  	_ =	swait.ge [sflag:s12], $0x2000  }
0x45f: {  	[sflag:s12] =	ssyncset.done $0x0  }
0x460: {  	s18 =	rddreg [dreg:$0xa];
	[sflag:s12] =	ssyncadd.s32 $0xFFFFE000  }
0x461: {  	[hbm4b:s18+s3] =	stream.linear.scatter [tilespmem:s15], [sflag:$0xE], $0x2000, $0x38;
	[tilespmem:$0x1B400] =	vst v63  }
0x462: {  	_ =	swait.ge [sflag:s12], $0x2000  }
0x463: {  	[sflag:s12] =	ssyncset.done $0x0  }
0x464: {  	s18 =	rddreg [dreg:$0x15];
	[sflag:s12] =	ssyncadd.s32 $0xFFFFE000  }
0x465: {  	[tilespmem:s15], [sflag:$0xE] =	stream.linear.gather [spmem:s18], $0x2000, $0x38;
	[tilespmem:$0x1B400] =	vst v63  }
0x466: {  	_ =	swait.ge [sflag:s12], $0x2000  }
0x467: {  	[sflag:s12] =	ssyncset.done $0x0  }
0x468: {  	s18 =	rddreg [dreg:$0xb];
	[sflag:s12] =	ssyncadd.s32 $0xFFFFE000  }
0x469: {  	[hbm4b:s18+s3] =	stream.linear.scatter [tilespmem:s15], [sflag:$0xE], $0x2000, $0x38;
	[tilespmem:$0x1B400] =	vst v63  }
0x46a: {  	_ =	swait.ge [sflag:s12], $0x2000  }
0x46b: {  	[sflag:s12] =	ssyncset.done $0x0  }
0x46c: {  	s18 =	rddreg [dreg:$0x17];
	[sflag:s12] =	ssyncadd.s32 $0xFFFFE000  }
0x46d: {  	[tilespmem:s15], [sflag:$0xE] =	stream.linear.gather [spmem:s18], $0x2000, $0x38;
	[tilespmem:$0x1B400] =	vst v63  }
0x46e: {  	_ =	swait.ge [sflag:s12], $0x2000  }
0x46f: {  	[sflag:s12] =	ssyncset.done $0x0  }
0x470: {  	s6 =	rddreg [dreg:$0xc];
	[sflag:s12] =	ssyncadd.s32 $0xFFFFE000  }
0x471: {  	[hbm4b:s6+s3] =	stream.linear.scatter [tilespmem:s15], [sflag:$0xE], $0x2000, $0x38;
	[tilespmem:$0x1B400] =	vst v63  }
0x472: {  	_ =	swait.ge [sflag:s12], $0x2000  }
0x473: {  	[sflag:s12] =	ssyncset.done $0x0  }
0x474: {  	s6 =	rddreg [dreg:$0x18];
	[sflag:s12] =	ssyncadd.s32 $0xFFFFE000  }
0x475: {  	[tilespmem:s15], [sflag:$0xE] =	stream.linear.gather [spmem:s6], $0x2000, $0x38;
	[tilespmem:$0x1B400] =	vst v63  }
0x476: {  	_ =	swait.ge [sflag:s12], $0x2000  }
0x477: {  	[sflag:s12] =	ssyncset.done $0x0  }
0x478: {  	s6 =	rddreg [dreg:$0xd];
	[sflag:s12] =	ssyncadd.s32 $0xFFFFE000  }
0x479: {  	[hbm4b:s6+s3] =	stream.linear.scatter [tilespmem:s15], [sflag:$0xE], $0x2000, $0x38;
	[tilespmem:$0x1B400] =	vst v63  }
0x47a: {  	_ =	swait.ge [sflag:s12], $0x2000  }
0x47b: {  	[sflag:s12] =	ssyncset.done $0x0  }
0x47c: {  	s6 =	rddreg [dreg:$0x19];
	[sflag:s12] =	ssyncadd.s32 $0xFFFFE000  }
0x47d: {  	[tilespmem:s15], [sflag:$0xE] =	stream.linear.gather [spmem:s6], $0x2000, $0x38;
	[tilespmem:$0x1B400] =	vst v63  }
0x47e: {  	_ =	swait.ge [sflag:s12], $0x2000  }
0x47f: {  	[sflag:s12] =	ssyncset.done $0x0  }
0x480: {  	s6 =	rddreg [dreg:$0xe];
	[sflag:s12] =	ssyncadd.s32 $0xFFFFE000  }
0x481: {  	[hbm4b:s6+s3] =	stream.linear.scatter [tilespmem:s15], [sflag:$0xE], $0x2000, $0x38;
	[tilespmem:$0x1B400] =	vst v63  }
0x482: {  	_ =	swait.ge [sflag:s12], $0x2000  }
0x483: {  	s6 =	sld [smem:$0x7F9];
	_ =	sdelay $0x2  }
0x484: {  	s15 =	sadd.s32 $0x1, s6;
	s6 =	sld [smem:$0x7FA];
	_ =	sdelay $0x2  }
0x485: {  	p0 =	sne.s32 s15, s6  }
.Ltmp8:
0x486: {  	_ = 	snop;
	(pc) =	sbr.rel @p0 .LBB2_1-.Ltmp8, $3  }
0x487: {  	_ =	sdelay $0x1  }
0x488: {  	[sflag:s12] =	ssyncset.done $0x0  }
0x489: {  	[sflag:s12] =	ssyncadd.s32 $0xFFFFE000  }
0x48a: {  	_ =	sfence.sel $0x180000  }
0x48b: {  	[bflag:$0x0] =	sbarrier.arrive $0xFFFF  }
0x48c: {  	_ =	strace $0x90000047  }
0x48d: {  	s0 =	stileid.u32;
	[bflag:$0x2] =	sbarrier.arrive $0xFFFF  }
0x48e: {  	p0 =	sne.s32 s0, $0x0;
	s0 =	rddreg [dreg:$0x4]  }
0x48f: {  	s0 =	sadd.s32 @!p0 $0x100000, s0  }
0x490: {  	[sflag:s0] =	ssyncadd.tile.s32 @!p0 $0x1;
	_ =	shalt  }
.Lfunc_end2:
_tile_overlayer_lowered:
.L_overlay_start_2:
0x491: {  	(tag) =	ssettag $0x2  }
0x492: {  	s0 =	rddreg [dreg:$0x0];
	s2 =	stileid.u32  }
0x493: {  	s1 =	rddreg [dreg:$0x1];
	p0 =	sne.s32 s2, $0x0  }
0x494: {  	s3 =	rddreg [dreg:$0x2];
	[bflag:$0x3] =	sbarrier.arrive $0xFFFF;
	s2 =	simm.s32 @!p0 $0x1C0E  }
0x495: {  	[timem:s3], [sflag:s2] =	dma.local @!p0 [hbm:s0], s1  }
0x496: {  	s0 =	simm.s32 @!p0 $0xE  }
0x497: {  	_ =	swait.ge @!p0 [sflag:s0], s1  }
0x498: {  	s1 =	ssub.s32 @!p0 $0x0, s1;
	[sflag:s0] =	ssyncset.done @!p0 $0x0  }
0x499: {  	[sflag:s0] =	ssyncadd.s32 @!p0 s1  }
0x49a: {  	[bflag:$0x3] =	sbarrier.arrive $0xFFFF  }
0x49b: {  	_ =	shalt  }

</sc_bundles>
